<compile_context>
chip_gen: v7x
topology: tpu7x:2x2x1
jax: 0.10.2.dev20260603
libtpu: 0.0.44.dev20260713+nightly
codegen_flags: <defaults>
</compile_context>

<pallas_src>
import functools

import jax
import jax.numpy as jnp
from jax import lax
from jax.experimental import pallas as pl
from jax.experimental.pallas import tpu as pltpu
from jax.experimental.pallas import tpu_sc as plsc

B, A, K, H, W = 64, 3, 8, 128, 128
C = A * K
HW = H * W
NT = 512
BS = 32
NTILE = 32
CPT = HW // NTILE


def _scatter_targets_sc(targets_flat):
    mesh = plsc.VectorSubcoreMesh(core_axis_name="c", subcore_axis_name="s")

    @functools.partial(
        pl.kernel,
        out_type=jax.ShapeDtypeStruct((5 * HW,), jnp.float32),
        mesh=mesh,
        compiler_params=pltpu.CompilerParams(needs_layout_passes=False),
        scratch_types=[
            pltpu.VMEM((5 * CPT,), jnp.float32),
            pltpu.VMEM((NT * 6,), jnp.float32),
        ],
    )
    def k(tt_hbm, out_hbm, vbuf, tv):
        wid = lax.axis_index("s") * 2 + lax.axis_index("c")
        lo = wid * CPT
        pltpu.sync_copy(tt_hbm, tv)
        z16 = jnp.zeros((16,), jnp.float32)
        for i in range(5 * CPT // 16):
            vbuf[pl.ds(i * 16, 16)] = z16
        ones = jnp.ones((16,), jnp.float32)
        lane6 = lax.iota(jnp.int32, 16) * 6
        for t in range(NT // 16):
            base = lane6 + (t * 96)
            gx = plsc.load_gather(tv, [base + 2])
            gy = plsc.load_gather(tv, [base + 3])
            gw = plsc.load_gather(tv, [base + 4])
            gh = plsc.load_gather(tv, [base + 5])
            cell = ((gy * 128.0).astype(jnp.int32) * 128
                    + (gx * 128.0).astype(jnp.int32))
            m = (cell >= lo) & (cell < lo + CPT)
            loc = jnp.where(m, cell - lo, 0)
            plsc.store_scatter(vbuf, [loc], ones, mask=m)
            plsc.store_scatter(vbuf, [loc + CPT], gx, mask=m)
            plsc.store_scatter(vbuf, [loc + 2 * CPT], gy, mask=m)
            plsc.store_scatter(vbuf, [loc + 3 * CPT], gw, mask=m)
            plsc.store_scatter(vbuf, [loc + 4 * CPT], gh, mask=m)
        for r in range(5):
            pltpu.sync_copy(vbuf.at[pl.ds(r * CPT, CPT)],
                            out_hbm.at[pl.ds(r * HW + lo, CPT)])

    return k(targets_flat)


def _sigmoid(x):
    return 1.0 / (1.0 + jnp.exp(-x))


def _conf_body(c0_ref, c1_ref, c2_ref, o_ref):
    i = pl.program_id(0)

    @pl.when(i == 0)
    def _():
        o_ref[0, 0] = 0.0

    acc = jnp.float32(0.0)
    for r in (c0_ref, c1_ref, c2_ref):
        s = _sigmoid(r[...])
        acc += jnp.sum(s * s)
    o_ref[0, 0] += acc


def _conf_sum(preds):
    def spec(a):
        return pl.BlockSpec((1, BS, 1, H, W),
                            lambda i, a=a: (0, i, 8 * a + 4, 0, 0))

    return pl.pallas_call(
        _conf_body,
        grid=(B // BS,),
        in_specs=[spec(0), spec(1), spec(2)],
        out_specs=pl.BlockSpec((1, 1), lambda i: (0, 0),
                               memory_space=pltpu.SMEM),
        out_shape=jax.ShapeDtypeStruct((1, 1), jnp.float32),
    )(preds, preds, preds)


def _corr_body(s_ref, p_ref, t_ref, o_ref):
    m = t_ref[0]
    tbx = t_ref[1]
    tby = t_ref[2]
    tbw = t_ref[3]
    tbh = t_ref[4]
    conf_c = jnp.float32(0.0)
    box_s = jnp.float32(0.0)
    cls_s = jnp.float32(0.0)
    for a in range(A):
        sx = _sigmoid(p_ref[0, 0, 8 * a + 0])
        sy = _sigmoid(p_ref[0, 0, 8 * a + 1])
        ew = jnp.exp(p_ref[0, 0, 8 * a + 2])
        eh = jnp.exp(p_ref[0, 0, 8 * a + 3])
        sc = _sigmoid(p_ref[0, 0, 8 * a + 4])
        s5 = _sigmoid(p_ref[0, 0, 8 * a + 5])
        s6 = _sigmoid(p_ref[0, 0, 8 * a + 6])
        s7 = _sigmoid(p_ref[0, 0, 8 * a + 7])
        conf_c += jnp.sum(m * (1.0 - 2.0 * sc))
        box_s += jnp.sum(m * ((sx - tbx) ** 2 + (sy - tby) ** 2
                              + (ew - tbw) ** 2 + (eh - tbh) ** 2))
        cls_s += jnp.sum(m * ((s5 - 1.0) ** 2 + s6 * s6 + s7 * s7))
    n_sel = 3.0 * jnp.sum(m)
    loss_conf = (s_ref[0, 0] + conf_c) / jnp.float32(B * A * H * W)
    loss_box = box_s / (n_sel * 4.0)
    loss_cls = cls_s / (n_sel * 3.0)
    o_ref[0, 0] = 5.0 * loss_box + loss_conf + loss_cls


def _batch0_correction(s_all, preds, tbuf):
    return pl.pallas_call(
        _corr_body,
        grid=(1,),
        in_specs=[
            pl.BlockSpec(memory_space=pltpu.SMEM),
            pl.BlockSpec((1, 1, C, H, W), lambda i: (0, 0, 0, 0, 0)),
            pl.BlockSpec((5, H, W), lambda i: (0, 0, 0)),
        ],
        out_specs=pl.BlockSpec((1, 1), lambda i: (0, 0),
                               memory_space=pltpu.SMEM),
        out_shape=jax.ShapeDtypeStruct((1, 1), jnp.float32),
    )(s_all, preds, tbuf)


def kernel(predictions, targets):
    targets_flat = targets.reshape(NT * 6)
    tbuf = _scatter_targets_sc(targets_flat).reshape(5, H, W)
    s_all = _conf_sum(predictions)
    return _batch0_correction(s_all, predictions, tbuf)[0, 0]

# --- scband reference (transcript-rebuilt; emitter-appended) ---
"""Pipeline reference for scband-detection-loss-31069793419473 (READ-ONLY COPY).

The authoritative reference and input builder live on the scoring server;
editing this copy changes nothing except your own understanding.
"""

import jax, jax.numpy as jnp
import numpy as np

B, C, H, W = 64, 24, 128, 128
N_T = 512

def setup_inputs(seed: int = 0) -> dict:
    key = jax.random.key(seed)
    k1, k2 = jax.random.split(key)
    predictions = jax.random.normal(k1, (1, B, C, H, W), dtype=jnp.float32)
    targets = jax.random.uniform(k2, (N_T, 6), dtype=jnp.float32)
    return {"predictions": predictions, "targets": targets}

def reference(predictions, targets):
    # predictions is a stacked list-of-scales tensor; only scale 0 is used
    pred = predictions[0]
    Bb, Cc, Hh, Ww = pred.shape
    pred = pred.reshape(Bb, 3, 8, Hh, Ww).transpose(0, 1, 3, 4, 2)
    pred_xy = jax.nn.sigmoid(pred[..., 0:2])
    pred_wh = jnp.exp(pred[..., 2:4])
    pred_conf = jax.nn.sigmoid(pred[..., 4])
    pred_cls = jax.nn.sigmoid(pred[..., 5:])

    b_idx = targets[:, 0].astype(jnp.int32)
    c_idx = targets[:, 1].astype(jnp.int32)
    gx = targets[:, 2]
    gy = targets[:, 3]
    gw = targets[:, 4]
    gh = targets[:, 5]
    grid_x = (gx * Ww).astype(jnp.int32)
    grid_y = (gy * Hh).astype(jnp.int32)
    valid = (grid_x < Ww) & (grid_y < Hh)
    # route invalid targets to an out-of-bounds batch index and drop them
    b_s = jnp.where(valid, b_idx, Bb)
    a3 = jnp.arange(3)

    obj_mask = jnp.zeros((Bb, 3, Hh, Ww), dtype=bool)
    obj_mask = obj_mask.at[b_s[:, None], a3[None, :], grid_y[:, None], grid_x[:, None]].set(True, mode='drop')

    box = jnp.stack([gx, gy, gw, gh], axis=-1)
    target_box = jnp.zeros((Bb, 3, Hh, Ww, 4), dtype=jnp.float32)
    target_box = target_box.at[b_s[:, None], a3[None, :], grid_y[:, None], grid_x[:, None]].set(box[:, None, :], mode='drop')

    cls_valid = valid & (c_idx < 3)
    b_c = jnp.where(cls_valid, b_idx, Bb)
    target_cls = jnp.zeros((Bb, 3, Hh, Ww, 3), dtype=jnp.float32)
    target_cls = target_cls.at[b_c[:, None], a3[None, :], grid_y[:, None], grid_x[:, None], c_idx[:, None]].set(1.0, mode='drop')

    pred_box = jnp.concatenate([pred_xy, pred_wh], axis=-1)
    m = obj_mask.astype(jnp.float32)
    n_sel = jnp.sum(m)
    # MSELoss over boolean-masked selections == masked sum / (n_selected * last_dim)
    loss_box = jnp.sum(m[..., None] * (pred_box - target_box) ** 2) / (n_sel * 4.0)
    loss_conf = jnp.mean((pred_conf - m) ** 2)
    loss_cls = jnp.sum(m[..., None] * (pred_cls - target_cls) ** 2) / (n_sel * 3.0)
    return 5.0 * loss_box + 1.0 * loss_conf + 1.0 * loss_cls

if __name__ == "__main__":
    import jax
    _d = setup_inputs()
    print(jax.jit(kernel)(*tuple(_d.values())))

</pallas_src>

<mosaic_0001>
#map = affine_map<(d0, d1) -> (0)>
module attributes {stable_mosaic.version = 14 : i64} {
  func.func @k(%arg0: i32, %arg1: i32, %arg2: memref<3072xf32, #tpu.memory_space<hbm>>, %arg3: memref<81920xf32, #tpu.memory_space<hbm>>, %arg4: memref<2560xf32, #tpu.memory_space<vmem>>, %arg5: memref<3072xf32, #tpu.memory_space<vmem>>) attributes {dimension_semantics = [#tpu.dimension_semantics<core_parallel>, #tpu.dimension_semantics<subcore_parallel>], iteration_bounds = array<i64: 2, 16>, scalar_prefetch = 0 : i64, scratch_operands = 2 : i64, tpu.core_type = #tpu.core_type<sc_vector_subcore>, window_params = [{transform_indices = #map}, {transform_indices = #map}]} {
    %mul3A = arith.constant 2 : i32
    %mul3A_0 = arith.muli %arg1, %mul3A : i32
    %add3A = arith.addi %mul3A_0, %arg0 : i32
    %mul3A_1 = arith.constant 512 : i32
    %mul3A_2 = arith.muli %add3A, %mul3A_1 : i32
    "tpu.region"() ({
      %run_scoped3A = tpu.sem_alloc : memref<!tpu.dma_semaphore, #tpu.memory_space<semaphore_mem>>
      tpu.enqueue_dma source(%arg2 : memref<3072xf32, #tpu.memory_space<hbm>>) target(%arg5 : memref<3072xf32, #tpu.memory_space<vmem>>) target_semaphore(%run_scoped3A : memref<!tpu.dma_semaphore, #tpu.memory_space<semaphore_mem>>)
      tpu.wait_dma2 semaphore(%run_scoped3A : memref<!tpu.dma_semaphore, #tpu.memory_space<semaphore_mem>>) src(%arg2 : memref<3072xf32, #tpu.memory_space<hbm>>) dst(%arg5 : memref<3072xf32, #tpu.memory_space<vmem>>)
      tpu.yield
    }) : () -> ()
    %broadcast_in_dim3A = arith.constant 0.000000e+00 : f32
    %broadcast_in_dim3A_3 = vector.broadcast %broadcast_in_dim3A : f32 to vector<16xf32>
    %swap3A = arith.constant 0 : index
    %swap3A_4 = tpu.vector_load %arg4[%swap3A] {strides = array<i32>} : memref<2560xf32, #tpu.memory_space<vmem>>, vector<16xf32>,
    tpu.vector_store %arg4[%swap3A], %broadcast_in_dim3A_3 {strides = array<i32>} : memref<2560xf32, #tpu.memory_space<vmem>>, vector<16xf32>,
    %swap3A_5 = arith.constant 16 : index
    %swap3A_6 = tpu.vector_load %arg4[%swap3A_5] {strides = array<i32>} : memref<2560xf32, #tpu.memory_space<vmem>>, vector<16xf32>,
    tpu.vector_store %arg4[%swap3A_5], %broadcast_in_dim3A_3 {strides = array<i32>} : memref<2560xf32, #tpu.memory_space<vmem>>, vector<16xf32>,
    %swap3A_7 = arith.constant 32 : index
    %swap3A_8 = tpu.vector_load %arg4[%swap3A_7] {strides = array<i32>} : memref<2560xf32, #tpu.memory_space<vmem>>, vector<16xf32>,
    tpu.vector_store %arg4[%swap3A_7], %broadcast_in_dim3A_3 {strides = array<i32>} : memref<2560xf32, #tpu.memory_space<vmem>>, vector<16xf32>,
    %swap3A_9 = arith.constant 48 : index
    %swap3A_10 = tpu.vector_load %arg4[%swap3A_9] {strides = array<i32>} : memref<2560xf32, #tpu.memory_space<vmem>>, vector<16xf32>,
    tpu.vector_store %arg4[%swap3A_9], %broadcast_in_dim3A_3 {strides = array<i32>} : memref<2560xf32, #tpu.memory_space<vmem>>, vector<16xf32>,
    %swap3A_11 = arith.constant 64 : index
    %swap3A_12 = tpu.vector_load %arg4[%swap3A_11] {strides = array<i32>} : memref<2560xf32, #tpu.memory_space<vmem>>, vector<16xf32>,
    tpu.vector_store %arg4[%swap3A_11], %broadcast_in_dim3A_3 {strides = array<i32>} : memref<2560xf32, #tpu.memory_space<vmem>>, vector<16xf32>,
    %swap3A_13 = arith.constant 80 : index
    %swap3A_14 = tpu.vector_load %arg4[%swap3A_13] {strides = array<i32>} : memref<2560xf32, #tpu.memory_space<vmem>>, vector<16xf32>,
    tpu.vector_store %arg4[%swap3A_13], %broadcast_in_dim3A_3 {strides = array<i32>} : memref<2560xf32, #tpu.memory_space<vmem>>, vector<16xf32>,
    %swap3A_15 = arith.constant 96 : index
    %swap3A_16 = tpu.vector_load %arg4[%swap3A_15] {strides = array<i32>} : memref<2560xf32, #tpu.memory_space<vmem>>, vector<16xf32>,
    tpu.vector_store %arg4[%swap3A_15], %broadcast_in_dim3A_3 {strides = array<i32>} : memref<2560xf32, #tpu.memory_space<vmem>>, vector<16xf32>,
    %swap3A_17 = arith.constant 112 : index
    %swap3A_18 = tpu.vector_load %arg4[%swap3A_17] {strides = array<i32>} : memref<2560xf32, #tpu.memory_space<vmem>>, vector<16xf32>,
    tpu.vector_store %arg4[%swap3A_17], %broadcast_in_dim3A_3 {strides = array<i32>} : memref<2560xf32, #tpu.memory_space<vmem>>, vector<16xf32>,
    %swap3A_19 = arith.constant 128 : index
    %swap3A_20 = tpu.vector_load %arg4[%swap3A_19] {strides = array<i32>} : memref<2560xf32, #tpu.memory_space<vmem>>, vector<16xf32>,
    tpu.vector_store %arg4[%swap3A_19], %broadcast_in_dim3A_3 {strides = array<i32>} : memref<2560xf32, #tpu.memory_space<vmem>>, vector<16xf32>,
    %swap3A_21 = arith.constant 144 : index
    %swap3A_22 = tpu.vector_load %arg4[%swap3A_21] {strides = array<i32>} : memref<2560xf32, #tpu.memory_space<vmem>>, vector<16xf32>,
    tpu.vector_store %arg4[%swap3A_21], %broadcast_in_dim3A_3 {strides = array<i32>} : memref<2560xf32, #tpu.memory_space<vmem>>, vector<16xf32>,
    %swap3A_23 = arith.constant 160 : index
    %swap3A_24 = tpu.vector_load %arg4[%swap3A_23] {strides = array<i32>} : memref<2560xf32, #tpu.memory_space<vmem>>, vector<16xf32>,
    tpu.vector_store %arg4[%swap3A_23], %broadcast_in_dim3A_3 {strides = array<i32>} : memref<2560xf32, #tpu.memory_space<vmem>>, vector<16xf32>,
    %swap3A_25 = arith.constant 176 : index
    %swap3A_26 = tpu.vector_load %arg4[%swap3A_25] {strides = array<i32>} : memref<2560xf32, #tpu.memory_space<vmem>>, vector<16xf32>,
    tpu.vector_store %arg4[%swap3A_25], %broadcast_in_dim3A_3 {strides = array<i32>} : memref<2560xf32, #tpu.memory_space<vmem>>, vector<16xf32>,
    %swap3A_27 = arith.constant 192 : index
    %swap3A_28 = tpu.vector_load %arg4[%swap3A_27] {strides = array<i32>} : memref<2560xf32, #tpu.memory_space<vmem>>, vector<16xf32>,
    tpu.vector_store %arg4[%swap3A_27], %broadcast_in_dim3A_3 {strides = array<i32>} : memref<2560xf32, #tpu.memory_space<vmem>>, vector<16xf32>,
    %swap3A_29 = arith.constant 208 : index
    %swap3A_30 = tpu.vector_load %arg4[%swap3A_29] {strides = array<i32>} : memref<2560xf32, #tpu.memory_space<vmem>>, vector<16xf32>,
    tpu.vector_store %arg4[%swap3A_29], %broadcast_in_dim3A_3 {strides = array<i32>} : memref<2560xf32, #tpu.memory_space<vmem>>, vector<16xf32>,
    %swap3A_31 = arith.constant 224 : index
    %swap3A_32 = tpu.vector_load %arg4[%swap3A_31] {strides = array<i32>} : memref<2560xf32, #tpu.memory_space<vmem>>, vector<16xf32>,
    tpu.vector_store %arg4[%swap3A_31], %broadcast_in_dim3A_3 {strides = array<i32>} : memref<2560xf32, #tpu.memory_space<vmem>>, vector<16xf32>,
    %swap3A_33 = arith.constant 240 : index
    %swap3A_34 = tpu.vector_load %arg4[%swap3A_33] {strides = array<i32>} : memref<2560xf32, #tpu.memory_space<vmem>>, vector<16xf32>,
    tpu.vector_store %arg4[%swap3A_33], %broadcast_in_dim3A_3 {strides = array<i32>} : memref<2560xf32, #tpu.memory_space<vmem>>, vector<16xf32>,
    %swap3A_35 = arith.constant 256 : index
    %swap3A_36 = tpu.vector_load %arg4[%swap3A_35] {strides = array<i32>} : memref<2560xf32, #tpu.memory_space<vmem>>, vector<16xf32>,
    tpu.vector_store %arg4[%swap3A_35], %broadcast_in_dim3A_3 {strides = array<i32>} : memref<2560xf32, #tpu.memory_space<vmem>>, vector<16xf32>,
    %swap3A_37 = arith.constant 272 : index
    %swap3A_38 = tpu.vector_load %arg4[%swap3A_37] {strides = array<i32>} : memref<2560xf32, #tpu.memory_space<vmem>>, vector<16xf32>,
    tpu.vector_store %arg4[%swap3A_37], %broadcast_in_dim3A_3 {strides = array<i32>} : memref<2560xf32, #tpu.memory_space<vmem>>, vector<16xf32>,
    %swap3A_39 = arith.constant 288 : index
    %swap3A_40 = tpu.vector_load %arg4[%swap3A_39] {strides = array<i32>} : memref<2560xf32, #tpu.memory_space<vmem>>, vector<16xf32>,
    tpu.vector_store %arg4[%swap3A_39], %broadcast_in_dim3A_3 {strides = array<i32>} : memref<2560xf32, #tpu.memory_space<vmem>>, vector<16xf32>,
    %swap3A_41 = arith.constant 304 : index
    %swap3A_42 = tpu.vector_load %arg4[%swap3A_41] {strides = array<i32>} : memref<2560xf32, #tpu.memory_space<vmem>>, vector<16xf32>,
    tpu.vector_store %arg4[%swap3A_41], %broadcast_in_dim3A_3 {strides = array<i32>} : memref<2560xf32, #tpu.memory_space<vmem>>, vector<16xf32>,
    %swap3A_43 = arith.constant 320 : index
    %swap3A_44 = tpu.vector_load %arg4[%swap3A_43] {strides = array<i32>} : memref<2560xf32, #tpu.memory_space<vmem>>, vector<16xf32>,
    tpu.vector_store %arg4[%swap3A_43], %broadcast_in_dim3A_3 {strides = array<i32>} : memref<2560xf32, #tpu.memory_space<vmem>>, vector<16xf32>,
    %swap3A_45 = arith.constant 336 : index
    %swap3A_46 = tpu.vector_load %arg4[%swap3A_45] {strides = array<i32>} : memref<2560xf32, #tpu.memory_space<vmem>>, vector<16xf32>,
    tpu.vector_store %arg4[%swap3A_45], %broadcast_in_dim3A_3 {strides = array<i32>} : memref<2560xf32, #tpu.memory_space<vmem>>, vector<16xf32>,
    %swap3A_47 = arith.constant 352 : index
    %swap3A_48 = tpu.vector_load %arg4[%swap3A_47] {strides = array<i32>} : memref<2560xf32, #tpu.memory_space<vmem>>, vector<16xf32>,
    tpu.vector_store %arg4[%swap3A_47], %broadcast_in_dim3A_3 {strides = array<i32>} : memref<2560xf32, #tpu.memory_space<vmem>>, vector<16xf32>,
    %swap3A_49 = arith.constant 368 : index
    %swap3A_50 = tpu.vector_load %arg4[%swap3A_49] {strides = array<i32>} : memref<2560xf32, #tpu.memory_space<vmem>>, vector<16xf32>,
    tpu.vector_store %arg4[%swap3A_49], %broadcast_in_dim3A_3 {strides = array<i32>} : memref<2560xf32, #tpu.memory_space<vmem>>, vector<16xf32>,
    %swap3A_51 = arith.constant 384 : index
    %swap3A_52 = tpu.vector_load %arg4[%swap3A_51] {strides = array<i32>} : memref<2560xf32, #tpu.memory_space<vmem>>, vector<16xf32>,
    tpu.vector_store %arg4[%swap3A_51], %broadcast_in_dim3A_3 {strides = array<i32>} : memref<2560xf32, #tpu.memory_space<vmem>>, vector<16xf32>,
    %swap3A_53 = arith.constant 400 : index
    %swap3A_54 = tpu.vector_load %arg4[%swap3A_53] {strides = array<i32>} : memref<2560xf32, #tpu.memory_space<vmem>>, vector<16xf32>,
    tpu.vector_store %arg4[%swap3A_53], %broadcast_in_dim3A_3 {strides = array<i32>} : memref<2560xf32, #tpu.memory_space<vmem>>, vector<16xf32>,
    %swap3A_55 = arith.constant 416 : index
    %swap3A_56 = tpu.vector_load %arg4[%swap3A_55] {strides = array<i32>} : memref<2560xf32, #tpu.memory_space<vmem>>, vector<16xf32>,
    tpu.vector_store %arg4[%swap3A_55], %broadcast_in_dim3A_3 {strides = array<i32>} : memref<2560xf32, #tpu.memory_space<vmem>>, vector<16xf32>,
    %swap3A_57 = arith.constant 432 : index
    %swap3A_58 = tpu.vector_load %arg4[%swap3A_57] {strides = array<i32>} : memref<2560xf32, #tpu.memory_space<vmem>>, vector<16xf32>,
    tpu.vector_store %arg4[%swap3A_57], %broadcast_in_dim3A_3 {strides = array<i32>} : memref<2560xf32, #tpu.memory_space<vmem>>, vector<16xf32>,
    %swap3A_59 = arith.constant 448 : index
    %swap3A_60 = tpu.vector_load %arg4[%swap3A_59] {strides = array<i32>} : memref<2560xf32, #tpu.memory_space<vmem>>, vector<16xf32>,
    tpu.vector_store %arg4[%swap3A_59], %broadcast_in_dim3A_3 {strides = array<i32>} : memref<2560xf32, #tpu.memory_space<vmem>>, vector<16xf32>,
    %swap3A_61 = arith.constant 464 : index
    %swap3A_62 = tpu.vector_load %arg4[%swap3A_61] {strides = array<i32>} : memref<2560xf32, #tpu.memory_space<vmem>>, vector<16xf32>,
    tpu.vector_store %arg4[%swap3A_61], %broadcast_in_dim3A_3 {strides = array<i32>} : memref<2560xf32, #tpu.memory_space<vmem>>, vector<16xf32>,
    %swap3A_63 = arith.constant 480 : index
    %swap3A_64 = tpu.vector_load %arg4[%swap3A_63] {strides = array<i32>} : memref<2560xf32, #tpu.memory_space<vmem>>, vector<16xf32>,
    tpu.vector_store %arg4[%swap3A_63], %broadcast_in_dim3A_3 {strides = array<i32>} : memref<2560xf32, #tpu.memory_space<vmem>>, vector<16xf32>,
    %swap3A_65 = arith.constant 496 : index
    %swap3A_66 = tpu.vector_load %arg4[%swap3A_65] {strides = array<i32>} : memref<2560xf32, #tpu.memory_space<vmem>>, vector<16xf32>,
    tpu.vector_store %arg4[%swap3A_65], %broadcast_in_dim3A_3 {strides = array<i32>} : memref<2560xf32, #tpu.memory_space<vmem>>, vector<16xf32>,
    %swap3A_67 = arith.constant 512 : index
    %swap3A_68 = tpu.vector_load %arg4[%swap3A_67] {strides = array<i32>} : memref<2560xf32, #tpu.memory_space<vmem>>, vector<16xf32>,
    tpu.vector_store %arg4[%swap3A_67], %broadcast_in_dim3A_3 {strides = array<i32>} : memref<2560xf32, #tpu.memory_space<vmem>>, vector<16xf32>,
    %swap3A_69 = arith.constant 528 : index
    %swap3A_70 = tpu.vector_load %arg4[%swap3A_69] {strides = array<i32>} : memref<2560xf32, #tpu.memory_space<vmem>>, vector<16xf32>,
    tpu.vector_store %arg4[%swap3A_69], %broadcast_in_dim3A_3 {strides = array<i32>} : memref<2560xf32, #tpu.memory_space<vmem>>, vector<16xf32>,
    %swap3A_71 = arith.constant 544 : index
    %swap3A_72 = tpu.vector_load %arg4[%swap3A_71] {strides = array<i32>} : memref<2560xf32, #tpu.memory_space<vmem>>, vector<16xf32>,
    tpu.vector_store %arg4[%swap3A_71], %broadcast_in_dim3A_3 {strides = array<i32>} : memref<2560xf32, #tpu.memory_space<vmem>>, vector<16xf32>,
    %swap3A_73 = arith.constant 560 : index
    %swap3A_74 = tpu.vector_load %arg4[%swap3A_73] {strides = array<i32>} : memref<2560xf32, #tpu.memory_space<vmem>>, vector<16xf32>,
    tpu.vector_store %arg4[%swap3A_73], %broadcast_in_dim3A_3 {strides = array<i32>} : memref<2560xf32, #tpu.memory_space<vmem>>, vector<16xf32>,
    %swap3A_75 = arith.constant 576 : index
    %swap3A_76 = tpu.vector_load %arg4[%swap3A_75] {strides = array<i32>} : memref<2560xf32, #tpu.memory_space<vmem>>, vector<16xf32>,
    tpu.vector_store %arg4[%swap3A_75], %broadcast_in_dim3A_3 {strides = array<i32>} : memref<2560xf32, #tpu.memory_space<vmem>>, vector<16xf32>,
    %swap3A_77 = arith.constant 592 : index
    %swap3A_78 = tpu.vector_load %arg4[%swap3A_77] {strides = array<i32>} : memref<2560xf32, #tpu.memory_space<vmem>>, vector<16xf32>,
    tpu.vector_store %arg4[%swap3A_77], %broadcast_in_dim3A_3 {strides = array<i32>} : memref<2560xf32, #tpu.memory_space<vmem>>, vector<16xf32>,
    %swap3A_79 = arith.constant 608 : index
    %swap3A_80 = tpu.vector_load %arg4[%swap3A_79] {strides = array<i32>} : memref<2560xf32, #tpu.memory_space<vmem>>, vector<16xf32>,
    tpu.vector_store %arg4[%swap3A_79], %broadcast_in_dim3A_3 {strides = array<i32>} : memref<2560xf32, #tpu.memory_space<vmem>>, vector<16xf32>,
    %swap3A_81 = arith.constant 624 : index
    %swap3A_82 = tpu.vector_load %arg4[%swap3A_81] {strides = array<i32>} : memref<2560xf32, #tpu.memory_space<vmem>>, vector<16xf32>,
    tpu.vector_store %arg4[%swap3A_81], %broadcast_in_dim3A_3 {strides = array<i32>} : memref<2560xf32, #tpu.memory_space<vmem>>, vector<16xf32>,
    %swap3A_83 = arith.constant 640 : index
    %swap3A_84 = tpu.vector_load %arg4[%swap3A_83] {strides = array<i32>} : memref<2560xf32, #tpu.memory_space<vmem>>, vector<16xf32>,
    tpu.vector_store %arg4[%swap3A_83], %broadcast_in_dim3A_3 {strides = array<i32>} : memref<2560xf32, #tpu.memory_space<vmem>>, vector<16xf32>,
    %swap3A_85 = arith.constant 656 : index
    %swap3A_86 = tpu.vector_load %arg4[%swap3A_85] {strides = array<i32>} : memref<2560xf32, #tpu.memory_space<vmem>>, vector<16xf32>,
    tpu.vector_store %arg4[%swap3A_85], %broadcast_in_dim3A_3 {strides = array<i32>} : memref<2560xf32, #tpu.memory_space<vmem>>, vector<16xf32>,
    %swap3A_87 = arith.constant 672 : index
    %swap3A_88 = tpu.vector_load %arg4[%swap3A_87] {strides = array<i32>} : memref<2560xf32, #tpu.memory_space<vmem>>, vector<16xf32>,
    tpu.vector_store %arg4[%swap3A_87], %broadcast_in_dim3A_3 {strides = array<i32>} : memref<2560xf32, #tpu.memory_space<vmem>>, vector<16xf32>,
    %swap3A_89 = arith.constant 688 : index
    %swap3A_90 = tpu.vector_load %arg4[%swap3A_89] {strides = array<i32>} : memref<2560xf32, #tpu.memory_space<vmem>>, vector<16xf32>,
    tpu.vector_store %arg4[%swap3A_89], %broadcast_in_dim3A_3 {strides = array<i32>} : memref<2560xf32, #tpu.memory_space<vmem>>, vector<16xf32>,
    %swap3A_91 = arith.constant 704 : index
    %swap3A_92 = tpu.vector_load %arg4[%swap3A_91] {strides = array<i32>} : memref<2560xf32, #tpu.memory_space<vmem>>, vector<16xf32>,
    tpu.vector_store %arg4[%swap3A_91], %broadcast_in_dim3A_3 {strides = array<i32>} : memref<2560xf32, #tpu.memory_space<vmem>>, vector<16xf32>,
    %swap3A_93 = arith.constant 720 : index
    %swap3A_94 = tpu.vector_load %arg4[%swap3A_93] {strides = array<i32>} : memref<2560xf32, #tpu.memory_space<vmem>>, vector<16xf32>,
    tpu.vector_store %arg4[%swap3A_93], %broadcast_in_dim3A_3 {strides = array<i32>} : memref<2560xf32, #tpu.memory_space<vmem>>, vector<16xf32>,
    %swap3A_95 = arith.constant 736 : index
    %swap3A_96 = tpu.vector_load %arg4[%swap3A_95] {strides = array<i32>} : memref<2560xf32, #tpu.memory_space<vmem>>, vector<16xf32>,
    tpu.vector_store %arg4[%swap3A_95], %broadcast_in_dim3A_3 {strides = array<i32>} : memref<2560xf32, #tpu.memory_space<vmem>>, vector<16xf32>,
    %swap3A_97 = arith.constant 752 : index
    %swap3A_98 = tpu.vector_load %arg4[%swap3A_97] {strides = array<i32>} : memref<2560xf32, #tpu.memory_space<vmem>>, vector<16xf32>,
    tpu.vector_store %arg4[%swap3A_97], %broadcast_in_dim3A_3 {strides = array<i32>} : memref<2560xf32, #tpu.memory_space<vmem>>, vector<16xf32>,
    %swap3A_99 = arith.constant 768 : index
    %swap3A_100 = tpu.vector_load %arg4[%swap3A_99] {strides = array<i32>} : memref<2560xf32, #tpu.memory_space<vmem>>, vector<16xf32>,
    tpu.vector_store %arg4[%swap3A_99], %broadcast_in_dim3A_3 {strides = array<i32>} : memref<2560xf32, #tpu.memory_space<vmem>>, vector<16xf32>,
    %swap3A_101 = arith.constant 784 : index
    %swap3A_102 = tpu.vector_load %arg4[%swap3A_101] {strides = array<i32>} : memref<2560xf32, #tpu.memory_space<vmem>>, vector<16xf32>,
    tpu.vector_store %arg4[%swap3A_101], %broadcast_in_dim3A_3 {strides = array<i32>} : memref<2560xf32, #tpu.memory_space<vmem>>, vector<16xf32>,
    %swap3A_103 = arith.constant 800 : index
    %swap3A_104 = tpu.vector_load %arg4[%swap3A_103] {strides = array<i32>} : memref<2560xf32, #tpu.memory_space<vmem>>, vector<16xf32>,
    tpu.vector_store %arg4[%swap3A_103], %broadcast_in_dim3A_3 {strides = array<i32>} : memref<2560xf32, #tpu.memory_space<vmem>>, vector<16xf32>,
    %swap3A_105 = arith.constant 816 : index
    %swap3A_106 = tpu.vector_load %arg4[%swap3A_105] {strides = array<i32>} : memref<2560xf32, #tpu.memory_space<vmem>>, vector<16xf32>,
    tpu.vector_store %arg4[%swap3A_105], %broadcast_in_dim3A_3 {strides = array<i32>} : memref<2560xf32, #tpu.memory_space<vmem>>, vector<16xf32>,
    %swap3A_107 = arith.constant 832 : index
    %swap3A_108 = tpu.vector_load %arg4[%swap3A_107] {strides = array<i32>} : memref<2560xf32, #tpu.memory_space<vmem>>, vector<16xf32>,
    tpu.vector_store %arg4[%swap3A_107], %broadcast_in_dim3A_3 {strides = array<i32>} : memref<2560xf32, #tpu.memory_space<vmem>>, vector<16xf32>,
    %swap3A_109 = arith.constant 848 : index
    %swap3A_110 = tpu.vector_load %arg4[%swap3A_109] {strides = array<i32>} : memref<2560xf32, #tpu.memory_space<vmem>>, vector<16xf32>,
    tpu.vector_store %arg4[%swap3A_109], %broadcast_in_dim3A_3 {strides = array<i32>} : memref<2560xf32, #tpu.memory_space<vmem>>, vector<16xf32>,
    %swap3A_111 = arith.constant 864 : index
    %swap3A_112 = tpu.vector_load %arg4[%swap3A_111] {strides = array<i32>} : memref<2560xf32, #tpu.memory_space<vmem>>, vector<16xf32>,
    tpu.vector_store %arg4[%swap3A_111], %broadcast_in_dim3A_3 {strides = array<i32>} : memref<2560xf32, #tpu.memory_space<vmem>>, vector<16xf32>,
    %swap3A_113 = arith.constant 880 : index
    %swap3A_114 = tpu.vector_load %arg4[%swap3A_113] {strides = array<i32>} : memref<2560xf32, #tpu.memory_space<vmem>>, vector<16xf32>,
    tpu.vector_store %arg4[%swap3A_113], %broadcast_in_dim3A_3 {strides = array<i32>} : memref<2560xf32, #tpu.memory_space<vmem>>, vector<16xf32>,
    %swap3A_115 = arith.constant 896 : index
    %swap3A_116 = tpu.vector_load %arg4[%swap3A_115] {strides = array<i32>} : memref<2560xf32, #tpu.memory_space<vmem>>, vector<16xf32>,
    tpu.vector_store %arg4[%swap3A_115], %broadcast_in_dim3A_3 {strides = array<i32>} : memref<2560xf32, #tpu.memory_space<vmem>>, vector<16xf32>,
    %swap3A_117 = arith.constant 912 : index
    %swap3A_118 = tpu.vector_load %arg4[%swap3A_117] {strides = array<i32>} : memref<2560xf32, #tpu.memory_space<vmem>>, vector<16xf32>,
    tpu.vector_store %arg4[%swap3A_117], %broadcast_in_dim3A_3 {strides = array<i32>} : memref<2560xf32, #tpu.memory_space<vmem>>, vector<16xf32>,
    %swap3A_119 = arith.constant 928 : index
    %swap3A_120 = tpu.vector_load %arg4[%swap3A_119] {strides = array<i32>} : memref<2560xf32, #tpu.memory_space<vmem>>, vector<16xf32>,
    tpu.vector_store %arg4[%swap3A_119], %broadcast_in_dim3A_3 {strides = array<i32>} : memref<2560xf32, #tpu.memory_space<vmem>>, vector<16xf32>,
    %swap3A_121 = arith.constant 944 : index
    %swap3A_122 = tpu.vector_load %arg4[%swap3A_121] {strides = array<i32>} : memref<2560xf32, #tpu.memory_space<vmem>>, vector<16xf32>,
    tpu.vector_store %arg4[%swap3A_121], %broadcast_in_dim3A_3 {strides = array<i32>} : memref<2560xf32, #tpu.memory_space<vmem>>, vector<16xf32>,
    %swap3A_123 = arith.constant 960 : index
    %swap3A_124 = tpu.vector_load %arg4[%swap3A_123] {strides = array<i32>} : memref<2560xf32, #tpu.memory_space<vmem>>, vector<16xf32>,
    tpu.vector_store %arg4[%swap3A_123], %broadcast_in_dim3A_3 {strides = array<i32>} : memref<2560xf32, #tpu.memory_space<vmem>>, vector<16xf32>,
    %swap3A_125 = arith.constant 976 : index
    %swap3A_126 = tpu.vector_load %arg4[%swap3A_125] {strides = array<i32>} : memref<2560xf32, #tpu.memory_space<vmem>>, vector<16xf32>,
    tpu.vector_store %arg4[%swap3A_125], %broadcast_in_dim3A_3 {strides = array<i32>} : memref<2560xf32, #tpu.memory_space<vmem>>, vector<16xf32>,
    %swap3A_127 = arith.constant 992 : index
    %swap3A_128 = tpu.vector_load %arg4[%swap3A_127] {strides = array<i32>} : memref<2560xf32, #tpu.memory_space<vmem>>, vector<16xf32>,
    tpu.vector_store %arg4[%swap3A_127], %broadcast_in_dim3A_3 {strides = array<i32>} : memref<2560xf32, #tpu.memory_space<vmem>>, vector<16xf32>,
    %swap3A_129 = arith.constant 1008 : index
    %swap3A_130 = tpu.vector_load %arg4[%swap3A_129] {strides = array<i32>} : memref<2560xf32, #tpu.memory_space<vmem>>, vector<16xf32>,
    tpu.vector_store %arg4[%swap3A_129], %broadcast_in_dim3A_3 {strides = array<i32>} : memref<2560xf32, #tpu.memory_space<vmem>>, vector<16xf32>,
    %swap3A_131 = arith.constant 1024 : index
    %swap3A_132 = tpu.vector_load %arg4[%swap3A_131] {strides = array<i32>} : memref<2560xf32, #tpu.memory_space<vmem>>, vector<16xf32>,
    tpu.vector_store %arg4[%swap3A_131], %broadcast_in_dim3A_3 {strides = array<i32>} : memref<2560xf32, #tpu.memory_space<vmem>>, vector<16xf32>,
    %swap3A_133 = arith.constant 1040 : index
    %swap3A_134 = tpu.vector_load %arg4[%swap3A_133] {strides = array<i32>} : memref<2560xf32, #tpu.memory_space<vmem>>, vector<16xf32>,
    tpu.vector_store %arg4[%swap3A_133], %broadcast_in_dim3A_3 {strides = array<i32>} : memref<2560xf32, #tpu.memory_space<vmem>>, vector<16xf32>,
    %swap3A_135 = arith.constant 1056 : index
    %swap3A_136 = tpu.vector_load %arg4[%swap3A_135] {strides = array<i32>} : memref<2560xf32, #tpu.memory_space<vmem>>, vector<16xf32>,
    tpu.vector_store %arg4[%swap3A_135], %broadcast_in_dim3A_3 {strides = array<i32>} : memref<2560xf32, #tpu.memory_space<vmem>>, vector<16xf32>,
    %swap3A_137 = arith.constant 1072 : index
    %swap3A_138 = tpu.vector_load %arg4[%swap3A_137] {strides = array<i32>} : memref<2560xf32, #tpu.memory_space<vmem>>, vector<16xf32>,
    tpu.vector_store %arg4[%swap3A_137], %broadcast_in_dim3A_3 {strides = array<i32>} : memref<2560xf32, #tpu.memory_space<vmem>>, vector<16xf32>,
    %swap3A_139 = arith.constant 1088 : index
    %swap3A_140 = tpu.vector_load %arg4[%swap3A_139] {strides = array<i32>} : memref<2560xf32, #tpu.memory_space<vmem>>, vector<16xf32>,
    tpu.vector_store %arg4[%swap3A_139], %broadcast_in_dim3A_3 {strides = array<i32>} : memref<2560xf32, #tpu.memory_space<vmem>>, vector<16xf32>,
    %swap3A_141 = arith.constant 1104 : index
    %swap3A_142 = tpu.vector_load %arg4[%swap3A_141] {strides = array<i32>} : memref<2560xf32, #tpu.memory_space<vmem>>, vector<16xf32>,
    tpu.vector_store %arg4[%swap3A_141], %broadcast_in_dim3A_3 {strides = array<i32>} : memref<2560xf32, #tpu.memory_space<vmem>>, vector<16xf32>,
    %swap3A_143 = arith.constant 1120 : index
    %swap3A_144 = tpu.vector_load %arg4[%swap3A_143] {strides = array<i32>} : memref<2560xf32, #tpu.memory_space<vmem>>, vector<16xf32>,
    tpu.vector_store %arg4[%swap3A_143], %broadcast_in_dim3A_3 {strides = array<i32>} : memref<2560xf32, #tpu.memory_space<vmem>>, vector<16xf32>,
    %swap3A_145 = arith.constant 1136 : index
    %swap3A_146 = tpu.vector_load %arg4[%swap3A_145] {strides = array<i32>} : memref<2560xf32, #tpu.memory_space<vmem>>, vector<16xf32>,
    tpu.vector_store %arg4[%swap3A_145], %broadcast_in_dim3A_3 {strides = array<i32>} : memref<2560xf32, #tpu.memory_space<vmem>>, vector<16xf32>,
    %swap3A_147 = arith.constant 1152 : index
    %swap3A_148 = tpu.vector_load %arg4[%swap3A_147] {strides = array<i32>} : memref<2560xf32, #tpu.memory_space<vmem>>, vector<16xf32>,
    tpu.vector_store %arg4[%swap3A_147], %broadcast_in_dim3A_3 {strides = array<i32>} : memref<2560xf32, #tpu.memory_space<vmem>>, vector<16xf32>,
    %swap3A_149 = arith.constant 1168 : index
    %swap3A_150 = tpu.vector_load %arg4[%swap3A_149] {strides = array<i32>} : memref<2560xf32, #tpu.memory_space<vmem>>, vector<16xf32>,
    tpu.vector_store %arg4[%swap3A_149], %broadcast_in_dim3A_3 {strides = array<i32>} : memref<2560xf32, #tpu.memory_space<vmem>>, vector<16xf32>,
    %swap3A_151 = arith.constant 1184 : index
    %swap3A_152 = tpu.vector_load %arg4[%swap3A_151] {strides = array<i32>} : memref<2560xf32, #tpu.memory_space<vmem>>, vector<16xf32>,
    tpu.vector_store %arg4[%swap3A_151], %broadcast_in_dim3A_3 {strides = array<i32>} : memref<2560xf32, #tpu.memory_space<vmem>>, vector<16xf32>,
    %swap3A_153 = arith.constant 1200 : index
    %swap3A_154 = tpu.vector_load %arg4[%swap3A_153] {strides = array<i32>} : memref<2560xf32, #tpu.memory_space<vmem>>, vector<16xf32>,
    tpu.vector_store %arg4[%swap3A_153], %broadcast_in_dim3A_3 {strides = array<i32>} : memref<2560xf32, #tpu.memory_space<vmem>>, vector<16xf32>,
    %swap3A_155 = arith.constant 1216 : index
    %swap3A_156 = tpu.vector_load %arg4[%swap3A_155] {strides = array<i32>} : memref<2560xf32, #tpu.memory_space<vmem>>, vector<16xf32>,
    tpu.vector_store %arg4[%swap3A_155], %broadcast_in_dim3A_3 {strides = array<i32>} : memref<2560xf32, #tpu.memory_space<vmem>>, vector<16xf32>,
    %swap3A_157 = arith.constant 1232 : index
    %swap3A_158 = tpu.vector_load %arg4[%swap3A_157] {strides = array<i32>} : memref<2560xf32, #tpu.memory_space<vmem>>, vector<16xf32>,
    tpu.vector_store %arg4[%swap3A_157], %broadcast_in_dim3A_3 {strides = array<i32>} : memref<2560xf32, #tpu.memory_space<vmem>>, vector<16xf32>,
    %swap3A_159 = arith.constant 1248 : index
    %swap3A_160 = tpu.vector_load %arg4[%swap3A_159] {strides = array<i32>} : memref<2560xf32, #tpu.memory_space<vmem>>, vector<16xf32>,
    tpu.vector_store %arg4[%swap3A_159], %broadcast_in_dim3A_3 {strides = array<i32>} : memref<2560xf32, #tpu.memory_space<vmem>>, vector<16xf32>,
    %swap3A_161 = arith.constant 1264 : index
    %swap3A_162 = tpu.vector_load %arg4[%swap3A_161] {strides = array<i32>} : memref<2560xf32, #tpu.memory_space<vmem>>, vector<16xf32>,
    tpu.vector_store %arg4[%swap3A_161], %broadcast_in_dim3A_3 {strides = array<i32>} : memref<2560xf32, #tpu.memory_space<vmem>>, vector<16xf32>,
    %swap3A_163 = arith.constant 1280 : index
    %swap3A_164 = tpu.vector_load %arg4[%swap3A_163] {strides = array<i32>} : memref<2560xf32, #tpu.memory_space<vmem>>, vector<16xf32>,
    tpu.vector_store %arg4[%swap3A_163], %broadcast_in_dim3A_3 {strides = array<i32>} : memref<2560xf32, #tpu.memory_space<vmem>>, vector<16xf32>,
    %swap3A_165 = arith.constant 1296 : index
    %swap3A_166 = tpu.vector_load %arg4[%swap3A_165] {strides = array<i32>} : memref<2560xf32, #tpu.memory_space<vmem>>, vector<16xf32>,
    tpu.vector_store %arg4[%swap3A_165], %broadcast_in_dim3A_3 {strides = array<i32>} : memref<2560xf32, #tpu.memory_space<vmem>>, vector<16xf32>,
    %swap3A_167 = arith.constant 1312 : index
    %swap3A_168 = tpu.vector_load %arg4[%swap3A_167] {strides = array<i32>} : memref<2560xf32, #tpu.memory_space<vmem>>, vector<16xf32>,
    tpu.vector_store %arg4[%swap3A_167], %broadcast_in_dim3A_3 {strides = array<i32>} : memref<2560xf32, #tpu.memory_space<vmem>>, vector<16xf32>,
    %swap3A_169 = arith.constant 1328 : index
    %swap3A_170 = tpu.vector_load %arg4[%swap3A_169] {strides = array<i32>} : memref<2560xf32, #tpu.memory_space<vmem>>, vector<16xf32>,
    tpu.vector_store %arg4[%swap3A_169], %broadcast_in_dim3A_3 {strides = array<i32>} : memref<2560xf32, #tpu.memory_space<vmem>>, vector<16xf32>,
    %swap3A_171 = arith.constant 1344 : index
    %swap3A_172 = tpu.vector_load %arg4[%swap3A_171] {strides = array<i32>} : memref<2560xf32, #tpu.memory_space<vmem>>, vector<16xf32>,
    tpu.vector_store %arg4[%swap3A_171], %broadcast_in_dim3A_3 {strides = array<i32>} : memref<2560xf32, #tpu.memory_space<vmem>>, vector<16xf32>,
    %swap3A_173 = arith.constant 1360 : index
    %swap3A_174 = tpu.vector_load %arg4[%swap3A_173] {strides = array<i32>} : memref<2560xf32, #tpu.memory_space<vmem>>, vector<16xf32>,
    tpu.vector_store %arg4[%swap3A_173], %broadcast_in_dim3A_3 {strides = array<i32>} : memref<2560xf32, #tpu.memory_space<vmem>>, vector<16xf32>,
    %swap3A_175 = arith.constant 1376 : index
    %swap3A_176 = tpu.vector_load %arg4[%swap3A_175] {strides = array<i32>} : memref<2560xf32, #tpu.memory_space<vmem>>, vector<16xf32>,
    tpu.vector_store %arg4[%swap3A_175], %broadcast_in_dim3A_3 {strides = array<i32>} : memref<2560xf32, #tpu.memory_space<vmem>>, vector<16xf32>,
    %swap3A_177 = arith.constant 1392 : index
    %swap3A_178 = tpu.vector_load %arg4[%swap3A_177] {strides = array<i32>} : memref<2560xf32, #tpu.memory_space<vmem>>, vector<16xf32>,
    tpu.vector_store %arg4[%swap3A_177], %broadcast_in_dim3A_3 {strides = array<i32>} : memref<2560xf32, #tpu.memory_space<vmem>>, vector<16xf32>,
    %swap3A_179 = arith.constant 1408 : index
    %swap3A_180 = tpu.vector_load %arg4[%swap3A_179] {strides = array<i32>} : memref<2560xf32, #tpu.memory_space<vmem>>, vector<16xf32>,
    tpu.vector_store %arg4[%swap3A_179], %broadcast_in_dim3A_3 {strides = array<i32>} : memref<2560xf32, #tpu.memory_space<vmem>>, vector<16xf32>,
    %swap3A_181 = arith.constant 1424 : index
    %swap3A_182 = tpu.vector_load %arg4[%swap3A_181] {strides = array<i32>} : memref<2560xf32, #tpu.memory_space<vmem>>, vector<16xf32>,
    tpu.vector_store %arg4[%swap3A_181], %broadcast_in_dim3A_3 {strides = array<i32>} : memref<2560xf32, #tpu.memory_space<vmem>>, vector<16xf32>,
    %swap3A_183 = arith.constant 1440 : index
    %swap3A_184 = tpu.vector_load %arg4[%swap3A_183] {strides = array<i32>} : memref<2560xf32, #tpu.memory_space<vmem>>, vector<16xf32>,
    tpu.vector_store %arg4[%swap3A_183], %broadcast_in_dim3A_3 {strides = array<i32>} : memref<2560xf32, #tpu.memory_space<vmem>>, vector<16xf32>,
    %swap3A_185 = arith.constant 1456 : index
    %swap3A_186 = tpu.vector_load %arg4[%swap3A_185] {strides = array<i32>} : memref<2560xf32, #tpu.memory_space<vmem>>, vector<16xf32>,
    tpu.vector_store %arg4[%swap3A_185], %broadcast_in_dim3A_3 {strides = array<i32>} : memref<2560xf32, #tpu.memory_space<vmem>>, vector<16xf32>,
    %swap3A_187 = arith.constant 1472 : index
    %swap3A_188 = tpu.vector_load %arg4[%swap3A_187] {strides = array<i32>} : memref<2560xf32, #tpu.memory_space<vmem>>, vector<16xf32>,
    tpu.vector_store %arg4[%swap3A_187], %broadcast_in_dim3A_3 {strides = array<i32>} : memref<2560xf32, #tpu.memory_space<vmem>>, vector<16xf32>,
    %swap3A_189 = arith.constant 1488 : index
    %swap3A_190 = tpu.vector_load %arg4[%swap3A_189] {strides = array<i32>} : memref<2560xf32, #tpu.memory_space<vmem>>, vector<16xf32>,
    tpu.vector_store %arg4[%swap3A_189], %broadcast_in_dim3A_3 {strides = array<i32>} : memref<2560xf32, #tpu.memory_space<vmem>>, vector<16xf32>,
    %swap3A_191 = arith.constant 1504 : index
    %swap3A_192 = tpu.vector_load %arg4[%swap3A_191] {strides = array<i32>} : memref<2560xf32, #tpu.memory_space<vmem>>, vector<16xf32>,
    tpu.vector_store %arg4[%swap3A_191], %broadcast_in_dim3A_3 {strides = array<i32>} : memref<2560xf32, #tpu.memory_space<vmem>>, vector<16xf32>,
    %swap3A_193 = arith.constant 1520 : index
    %swap3A_194 = tpu.vector_load %arg4[%swap3A_193] {strides = array<i32>} : memref<2560xf32, #tpu.memory_space<vmem>>, vector<16xf32>,
    tpu.vector_store %arg4[%swap3A_193], %broadcast_in_dim3A_3 {strides = array<i32>} : memref<2560xf32, #tpu.memory_space<vmem>>, vector<16xf32>,
    %swap3A_195 = arith.constant 1536 : index
    %swap3A_196 = tpu.vector_load %arg4[%swap3A_195] {strides = array<i32>} : memref<2560xf32, #tpu.memory_space<vmem>>, vector<16xf32>,
    tpu.vector_store %arg4[%swap3A_195], %broadcast_in_dim3A_3 {strides = array<i32>} : memref<2560xf32, #tpu.memory_space<vmem>>, vector<16xf32>,
    %swap3A_197 = arith.constant 1552 : index
    %swap3A_198 = tpu.vector_load %arg4[%swap3A_197] {strides = array<i32>} : memref<2560xf32, #tpu.memory_space<vmem>>, vector<16xf32>,
    tpu.vector_store %arg4[%swap3A_197], %broadcast_in_dim3A_3 {strides = array<i32>} : memref<2560xf32, #tpu.memory_space<vmem>>, vector<16xf32>,
    %swap3A_199 = arith.constant 1568 : index
    %swap3A_200 = tpu.vector_load %arg4[%swap3A_199] {strides = array<i32>} : memref<2560xf32, #tpu.memory_space<vmem>>, vector<16xf32>,
    tpu.vector_store %arg4[%swap3A_199], %broadcast_in_dim3A_3 {strides = array<i32>} : memref<2560xf32, #tpu.memory_space<vmem>>, vector<16xf32>,
    %swap3A_201 = arith.constant 1584 : index
    %swap3A_202 = tpu.vector_load %arg4[%swap3A_201] {strides = array<i32>} : memref<2560xf32, #tpu.memory_space<vmem>>, vector<16xf32>,
    tpu.vector_store %arg4[%swap3A_201], %broadcast_in_dim3A_3 {strides = array<i32>} : memref<2560xf32, #tpu.memory_space<vmem>>, vector<16xf32>,
    %swap3A_203 = arith.constant 1600 : index
    %swap3A_204 = tpu.vector_load %arg4[%swap3A_203] {strides = array<i32>} : memref<2560xf32, #tpu.memory_space<vmem>>, vector<16xf32>,
    tpu.vector_store %arg4[%swap3A_203], %broadcast_in_dim3A_3 {strides = array<i32>} : memref<2560xf32, #tpu.memory_space<vmem>>, vector<16xf32>,
    %swap3A_205 = arith.constant 1616 : index
    %swap3A_206 = tpu.vector_load %arg4[%swap3A_205] {strides = array<i32>} : memref<2560xf32, #tpu.memory_space<vmem>>, vector<16xf32>,
    tpu.vector_store %arg4[%swap3A_205], %broadcast_in_dim3A_3 {strides = array<i32>} : memref<2560xf32, #tpu.memory_space<vmem>>, vector<16xf32>,
    %swap3A_207 = arith.constant 1632 : index
    %swap3A_208 = tpu.vector_load %arg4[%swap3A_207] {strides = array<i32>} : memref<2560xf32, #tpu.memory_space<vmem>>, vector<16xf32>,
    tpu.vector_store %arg4[%swap3A_207], %broadcast_in_dim3A_3 {strides = array<i32>} : memref<2560xf32, #tpu.memory_space<vmem>>, vector<16xf32>,
    %swap3A_209 = arith.constant 1648 : index
    %swap3A_210 = tpu.vector_load %arg4[%swap3A_209] {strides = array<i32>} : memref<2560xf32, #tpu.memory_space<vmem>>, vector<16xf32>,
    tpu.vector_store %arg4[%swap3A_209], %broadcast_in_dim3A_3 {strides = array<i32>} : memref<2560xf32, #tpu.memory_space<vmem>>, vector<16xf32>,
    %swap3A_211 = arith.constant 1664 : index
    %swap3A_212 = tpu.vector_load %arg4[%swap3A_211] {strides = array<i32>} : memref<2560xf32, #tpu.memory_space<vmem>>, vector<16xf32>,
    tpu.vector_store %arg4[%swap3A_211], %broadcast_in_dim3A_3 {strides = array<i32>} : memref<2560xf32, #tpu.memory_space<vmem>>, vector<16xf32>,
    %swap3A_213 = arith.constant 1680 : index
    %swap3A_214 = tpu.vector_load %arg4[%swap3A_213] {strides = array<i32>} : memref<2560xf32, #tpu.memory_space<vmem>>, vector<16xf32>,
    tpu.vector_store %arg4[%swap3A_213], %broadcast_in_dim3A_3 {strides = array<i32>} : memref<2560xf32, #tpu.memory_space<vmem>>, vector<16xf32>,
    %swap3A_215 = arith.constant 1696 : index
    %swap3A_216 = tpu.vector_load %arg4[%swap3A_215] {strides = array<i32>} : memref<2560xf32, #tpu.memory_space<vmem>>, vector<16xf32>,
    tpu.vector_store %arg4[%swap3A_215], %broadcast_in_dim3A_3 {strides = array<i32>} : memref<2560xf32, #tpu.memory_space<vmem>>, vector<16xf32>,
    %swap3A_217 = arith.constant 1712 : index
    %swap3A_218 = tpu.vector_load %arg4[%swap3A_217] {strides = array<i32>} : memref<2560xf32, #tpu.memory_space<vmem>>, vector<16xf32>,
    tpu.vector_store %arg4[%swap3A_217], %broadcast_in_dim3A_3 {strides = array<i32>} : memref<2560xf32, #tpu.memory_space<vmem>>, vector<16xf32>,
    %swap3A_219 = arith.constant 1728 : index
    %swap3A_220 = tpu.vector_load %arg4[%swap3A_219] {strides = array<i32>} : memref<2560xf32, #tpu.memory_space<vmem>>, vector<16xf32>,
    tpu.vector_store %arg4[%swap3A_219], %broadcast_in_dim3A_3 {strides = array<i32>} : memref<2560xf32, #tpu.memory_space<vmem>>, vector<16xf32>,
    %swap3A_221 = arith.constant 1744 : index
    %swap3A_222 = tpu.vector_load %arg4[%swap3A_221] {strides = array<i32>} : memref<2560xf32, #tpu.memory_space<vmem>>, vector<16xf32>,
    tpu.vector_store %arg4[%swap3A_221], %broadcast_in_dim3A_3 {strides = array<i32>} : memref<2560xf32, #tpu.memory_space<vmem>>, vector<16xf32>,
    %swap3A_223 = arith.constant 1760 : index
    %swap3A_224 = tpu.vector_load %arg4[%swap3A_223] {strides = array<i32>} : memref<2560xf32, #tpu.memory_space<vmem>>, vector<16xf32>,
    tpu.vector_store %arg4[%swap3A_223], %broadcast_in_dim3A_3 {strides = array<i32>} : memref<2560xf32, #tpu.memory_space<vmem>>, vector<16xf32>,
    %swap3A_225 = arith.constant 1776 : index
    %swap3A_226 = tpu.vector_load %arg4[%swap3A_225] {strides = array<i32>} : memref<2560xf32, #tpu.memory_space<vmem>>, vector<16xf32>,
    tpu.vector_store %arg4[%swap3A_225], %broadcast_in_dim3A_3 {strides = array<i32>} : memref<2560xf32, #tpu.memory_space<vmem>>, vector<16xf32>,
    %swap3A_227 = arith.constant 1792 : index
    %swap3A_228 = tpu.vector_load %arg4[%swap3A_227] {strides = array<i32>} : memref<2560xf32, #tpu.memory_space<vmem>>, vector<16xf32>,
    tpu.vector_store %arg4[%swap3A_227], %broadcast_in_dim3A_3 {strides = array<i32>} : memref<2560xf32, #tpu.memory_space<vmem>>, vector<16xf32>,
    %swap3A_229 = arith.constant 1808 : index
    %swap3A_230 = tpu.vector_load %arg4[%swap3A_229] {strides = array<i32>} : memref<2560xf32, #tpu.memory_space<vmem>>, vector<16xf32>,
    tpu.vector_store %arg4[%swap3A_229], %broadcast_in_dim3A_3 {strides = array<i32>} : memref<2560xf32, #tpu.memory_space<vmem>>, vector<16xf32>,
    %swap3A_231 = arith.constant 1824 : index
    %swap3A_232 = tpu.vector_load %arg4[%swap3A_231] {strides = array<i32>} : memref<2560xf32, #tpu.memory_space<vmem>>, vector<16xf32>,
    tpu.vector_store %arg4[%swap3A_231], %broadcast_in_dim3A_3 {strides = array<i32>} : memref<2560xf32, #tpu.memory_space<vmem>>, vector<16xf32>,
    %swap3A_233 = arith.constant 1840 : index
    %swap3A_234 = tpu.vector_load %arg4[%swap3A_233] {strides = array<i32>} : memref<2560xf32, #tpu.memory_space<vmem>>, vector<16xf32>,
    tpu.vector_store %arg4[%swap3A_233], %broadcast_in_dim3A_3 {strides = array<i32>} : memref<2560xf32, #tpu.memory_space<vmem>>, vector<16xf32>,
    %swap3A_235 = arith.constant 1856 : index
    %swap3A_236 = tpu.vector_load %arg4[%swap3A_235] {strides = array<i32>} : memref<2560xf32, #tpu.memory_space<vmem>>, vector<16xf32>,
    tpu.vector_store %arg4[%swap3A_235], %broadcast_in_dim3A_3 {strides = array<i32>} : memref<2560xf32, #tpu.memory_space<vmem>>, vector<16xf32>,
    %swap3A_237 = arith.constant 1872 : index
    %swap3A_238 = tpu.vector_load %arg4[%swap3A_237] {strides = array<i32>} : memref<2560xf32, #tpu.memory_space<vmem>>, vector<16xf32>,
    tpu.vector_store %arg4[%swap3A_237], %broadcast_in_dim3A_3 {strides = array<i32>} : memref<2560xf32, #tpu.memory_space<vmem>>, vector<16xf32>,
    %swap3A_239 = arith.constant 1888 : index
    %swap3A_240 = tpu.vector_load %arg4[%swap3A_239] {strides = array<i32>} : memref<2560xf32, #tpu.memory_space<vmem>>, vector<16xf32>,
    tpu.vector_store %arg4[%swap3A_239], %broadcast_in_dim3A_3 {strides = array<i32>} : memref<2560xf32, #tpu.memory_space<vmem>>, vector<16xf32>,
    %swap3A_241 = arith.constant 1904 : index
    %swap3A_242 = tpu.vector_load %arg4[%swap3A_241] {strides = array<i32>} : memref<2560xf32, #tpu.memory_space<vmem>>, vector<16xf32>,
    tpu.vector_store %arg4[%swap3A_241], %broadcast_in_dim3A_3 {strides = array<i32>} : memref<2560xf32, #tpu.memory_space<vmem>>, vector<16xf32>,
    %swap3A_243 = arith.constant 1920 : index
    %swap3A_244 = tpu.vector_load %arg4[%swap3A_243] {strides = array<i32>} : memref<2560xf32, #tpu.memory_space<vmem>>, vector<16xf32>,
    tpu.vector_store %arg4[%swap3A_243], %broadcast_in_dim3A_3 {strides = array<i32>} : memref<2560xf32, #tpu.memory_space<vmem>>, vector<16xf32>,
    %swap3A_245 = arith.constant 1936 : index
    %swap3A_246 = tpu.vector_load %arg4[%swap3A_245] {strides = array<i32>} : memref<2560xf32, #tpu.memory_space<vmem>>, vector<16xf32>,
    tpu.vector_store %arg4[%swap3A_245], %broadcast_in_dim3A_3 {strides = array<i32>} : memref<2560xf32, #tpu.memory_space<vmem>>, vector<16xf32>,
    %swap3A_247 = arith.constant 1952 : index
    %swap3A_248 = tpu.vector_load %arg4[%swap3A_247] {strides = array<i32>} : memref<2560xf32, #tpu.memory_space<vmem>>, vector<16xf32>,
    tpu.vector_store %arg4[%swap3A_247], %broadcast_in_dim3A_3 {strides = array<i32>} : memref<2560xf32, #tpu.memory_space<vmem>>, vector<16xf32>,
    %swap3A_249 = arith.constant 1968 : index
    %swap3A_250 = tpu.vector_load %arg4[%swap3A_249] {strides = array<i32>} : memref<2560xf32, #tpu.memory_space<vmem>>, vector<16xf32>,
    tpu.vector_store %arg4[%swap3A_249], %broadcast_in_dim3A_3 {strides = array<i32>} : memref<2560xf32, #tpu.memory_space<vmem>>, vector<16xf32>,
    %swap3A_251 = arith.constant 1984 : index
    %swap3A_252 = tpu.vector_load %arg4[%swap3A_251] {strides = array<i32>} : memref<2560xf32, #tpu.memory_space<vmem>>, vector<16xf32>,
    tpu.vector_store %arg4[%swap3A_251], %broadcast_in_dim3A_3 {strides = array<i32>} : memref<2560xf32, #tpu.memory_space<vmem>>, vector<16xf32>,
    %swap3A_253 = arith.constant 2000 : index
    %swap3A_254 = tpu.vector_load %arg4[%swap3A_253] {strides = array<i32>} : memref<2560xf32, #tpu.memory_space<vmem>>, vector<16xf32>,
    tpu.vector_store %arg4[%swap3A_253], %broadcast_in_dim3A_3 {strides = array<i32>} : memref<2560xf32, #tpu.memory_space<vmem>>, vector<16xf32>,
    %swap3A_255 = arith.constant 2016 : index
    %swap3A_256 = tpu.vector_load %arg4[%swap3A_255] {strides = array<i32>} : memref<2560xf32, #tpu.memory_space<vmem>>, vector<16xf32>,
    tpu.vector_store %arg4[%swap3A_255], %broadcast_in_dim3A_3 {strides = array<i32>} : memref<2560xf32, #tpu.memory_space<vmem>>, vector<16xf32>,
    %swap3A_257 = arith.constant 2032 : index
    %swap3A_258 = tpu.vector_load %arg4[%swap3A_257] {strides = array<i32>} : memref<2560xf32, #tpu.memory_space<vmem>>, vector<16xf32>,
    tpu.vector_store %arg4[%swap3A_257], %broadcast_in_dim3A_3 {strides = array<i32>} : memref<2560xf32, #tpu.memory_space<vmem>>, vector<16xf32>,
    %swap3A_259 = arith.constant 2048 : index
    %swap3A_260 = tpu.vector_load %arg4[%swap3A_259] {strides = array<i32>} : memref<2560xf32, #tpu.memory_space<vmem>>, vector<16xf32>,
    tpu.vector_store %arg4[%swap3A_259], %broadcast_in_dim3A_3 {strides = array<i32>} : memref<2560xf32, #tpu.memory_space<vmem>>, vector<16xf32>,
    %swap3A_261 = arith.constant 2064 : index
    %swap3A_262 = tpu.vector_load %arg4[%swap3A_261] {strides = array<i32>} : memref<2560xf32, #tpu.memory_space<vmem>>, vector<16xf32>,
    tpu.vector_store %arg4[%swap3A_261], %broadcast_in_dim3A_3 {strides = array<i32>} : memref<2560xf32, #tpu.memory_space<vmem>>, vector<16xf32>,
    %swap3A_263 = arith.constant 2080 : index
    %swap3A_264 = tpu.vector_load %arg4[%swap3A_263] {strides = array<i32>} : memref<2560xf32, #tpu.memory_space<vmem>>, vector<16xf32>,
    tpu.vector_store %arg4[%swap3A_263], %broadcast_in_dim3A_3 {strides = array<i32>} : memref<2560xf32, #tpu.memory_space<vmem>>, vector<16xf32>,
    %swap3A_265 = arith.constant 2096 : index
    %swap3A_266 = tpu.vector_load %arg4[%swap3A_265] {strides = array<i32>} : memref<2560xf32, #tpu.memory_space<vmem>>, vector<16xf32>,
    tpu.vector_store %arg4[%swap3A_265], %broadcast_in_dim3A_3 {strides = array<i32>} : memref<2560xf32, #tpu.memory_space<vmem>>, vector<16xf32>,
    %swap3A_267 = arith.constant 2112 : index
    %swap3A_268 = tpu.vector_load %arg4[%swap3A_267] {strides = array<i32>} : memref<2560xf32, #tpu.memory_space<vmem>>, vector<16xf32>,
    tpu.vector_store %arg4[%swap3A_267], %broadcast_in_dim3A_3 {strides = array<i32>} : memref<2560xf32, #tpu.memory_space<vmem>>, vector<16xf32>,
    %swap3A_269 = arith.constant 2128 : index
    %swap3A_270 = tpu.vector_load %arg4[%swap3A_269] {strides = array<i32>} : memref<2560xf32, #tpu.memory_space<vmem>>, vector<16xf32>,
    tpu.vector_store %arg4[%swap3A_269], %broadcast_in_dim3A_3 {strides = array<i32>} : memref<2560xf32, #tpu.memory_space<vmem>>, vector<16xf32>,
    %swap3A_271 = arith.constant 2144 : index
    %swap3A_272 = tpu.vector_load %arg4[%swap3A_271] {strides = array<i32>} : memref<2560xf32, #tpu.memory_space<vmem>>, vector<16xf32>,
    tpu.vector_store %arg4[%swap3A_271], %broadcast_in_dim3A_3 {strides = array<i32>} : memref<2560xf32, #tpu.memory_space<vmem>>, vector<16xf32>,
    %swap3A_273 = arith.constant 2160 : index
    %swap3A_274 = tpu.vector_load %arg4[%swap3A_273] {strides = array<i32>} : memref<2560xf32, #tpu.memory_space<vmem>>, vector<16xf32>,
    tpu.vector_store %arg4[%swap3A_273], %broadcast_in_dim3A_3 {strides = array<i32>} : memref<2560xf32, #tpu.memory_space<vmem>>, vector<16xf32>,
    %swap3A_275 = arith.constant 2176 : index
    %swap3A_276 = tpu.vector_load %arg4[%swap3A_275] {strides = array<i32>} : memref<2560xf32, #tpu.memory_space<vmem>>, vector<16xf32>,
    tpu.vector_store %arg4[%swap3A_275], %broadcast_in_dim3A_3 {strides = array<i32>} : memref<2560xf32, #tpu.memory_space<vmem>>, vector<16xf32>,
    %swap3A_277 = arith.constant 2192 : index
    %swap3A_278 = tpu.vector_load %arg4[%swap3A_277] {strides = array<i32>} : memref<2560xf32, #tpu.memory_space<vmem>>, vector<16xf32>,
    tpu.vector_store %arg4[%swap3A_277], %broadcast_in_dim3A_3 {strides = array<i32>} : memref<2560xf32, #tpu.memory_space<vmem>>, vector<16xf32>,
    %swap3A_279 = arith.constant 2208 : index
    %swap3A_280 = tpu.vector_load %arg4[%swap3A_279] {strides = array<i32>} : memref<2560xf32, #tpu.memory_space<vmem>>, vector<16xf32>,
    tpu.vector_store %arg4[%swap3A_279], %broadcast_in_dim3A_3 {strides = array<i32>} : memref<2560xf32, #tpu.memory_space<vmem>>, vector<16xf32>,
    %swap3A_281 = arith.constant 2224 : index
    %swap3A_282 = tpu.vector_load %arg4[%swap3A_281] {strides = array<i32>} : memref<2560xf32, #tpu.memory_space<vmem>>, vector<16xf32>,
    tpu.vector_store %arg4[%swap3A_281], %broadcast_in_dim3A_3 {strides = array<i32>} : memref<2560xf32, #tpu.memory_space<vmem>>, vector<16xf32>,
    %swap3A_283 = arith.constant 2240 : index
    %swap3A_284 = tpu.vector_load %arg4[%swap3A_283] {strides = array<i32>} : memref<2560xf32, #tpu.memory_space<vmem>>, vector<16xf32>,
    tpu.vector_store %arg4[%swap3A_283], %broadcast_in_dim3A_3 {strides = array<i32>} : memref<2560xf32, #tpu.memory_space<vmem>>, vector<16xf32>,
    %swap3A_285 = arith.constant 2256 : index
    %swap3A_286 = tpu.vector_load %arg4[%swap3A_285] {strides = array<i32>} : memref<2560xf32, #tpu.memory_space<vmem>>, vector<16xf32>,
    tpu.vector_store %arg4[%swap3A_285], %broadcast_in_dim3A_3 {strides = array<i32>} : memref<2560xf32, #tpu.memory_space<vmem>>, vector<16xf32>,
    %swap3A_287 = arith.constant 2272 : index
    %swap3A_288 = tpu.vector_load %arg4[%swap3A_287] {strides = array<i32>} : memref<2560xf32, #tpu.memory_space<vmem>>, vector<16xf32>,
    tpu.vector_store %arg4[%swap3A_287], %broadcast_in_dim3A_3 {strides = array<i32>} : memref<2560xf32, #tpu.memory_space<vmem>>, vector<16xf32>,
    %swap3A_289 = arith.constant 2288 : index
    %swap3A_290 = tpu.vector_load %arg4[%swap3A_289] {strides = array<i32>} : memref<2560xf32, #tpu.memory_space<vmem>>, vector<16xf32>,
    tpu.vector_store %arg4[%swap3A_289], %broadcast_in_dim3A_3 {strides = array<i32>} : memref<2560xf32, #tpu.memory_space<vmem>>, vector<16xf32>,
    %swap3A_291 = arith.constant 2304 : index
    %swap3A_292 = tpu.vector_load %arg4[%swap3A_291] {strides = array<i32>} : memref<2560xf32, #tpu.memory_space<vmem>>, vector<16xf32>,
    tpu.vector_store %arg4[%swap3A_291], %broadcast_in_dim3A_3 {strides = array<i32>} : memref<2560xf32, #tpu.memory_space<vmem>>, vector<16xf32>,
    %swap3A_293 = arith.constant 2320 : index
    %swap3A_294 = tpu.vector_load %arg4[%swap3A_293] {strides = array<i32>} : memref<2560xf32, #tpu.memory_space<vmem>>, vector<16xf32>,
    tpu.vector_store %arg4[%swap3A_293], %broadcast_in_dim3A_3 {strides = array<i32>} : memref<2560xf32, #tpu.memory_space<vmem>>, vector<16xf32>,
    %swap3A_295 = arith.constant 2336 : index
    %swap3A_296 = tpu.vector_load %arg4[%swap3A_295] {strides = array<i32>} : memref<2560xf32, #tpu.memory_space<vmem>>, vector<16xf32>,
    tpu.vector_store %arg4[%swap3A_295], %broadcast_in_dim3A_3 {strides = array<i32>} : memref<2560xf32, #tpu.memory_space<vmem>>, vector<16xf32>,
    %swap3A_297 = arith.constant 2352 : index
    %swap3A_298 = tpu.vector_load %arg4[%swap3A_297] {strides = array<i32>} : memref<2560xf32, #tpu.memory_space<vmem>>, vector<16xf32>,
    tpu.vector_store %arg4[%swap3A_297], %broadcast_in_dim3A_3 {strides = array<i32>} : memref<2560xf32, #tpu.memory_space<vmem>>, vector<16xf32>,
    %swap3A_299 = arith.constant 2368 : index
    %swap3A_300 = tpu.vector_load %arg4[%swap3A_299] {strides = array<i32>} : memref<2560xf32, #tpu.memory_space<vmem>>, vector<16xf32>,
    tpu.vector_store %arg4[%swap3A_299], %broadcast_in_dim3A_3 {strides = array<i32>} : memref<2560xf32, #tpu.memory_space<vmem>>, vector<16xf32>,
    %swap3A_301 = arith.constant 2384 : index
    %swap3A_302 = tpu.vector_load %arg4[%swap3A_301] {strides = array<i32>} : memref<2560xf32, #tpu.memory_space<vmem>>, vector<16xf32>,
    tpu.vector_store %arg4[%swap3A_301], %broadcast_in_dim3A_3 {strides = array<i32>} : memref<2560xf32, #tpu.memory_space<vmem>>, vector<16xf32>,
    %swap3A_303 = arith.constant 2400 : index
    %swap3A_304 = tpu.vector_load %arg4[%swap3A_303] {strides = array<i32>} : memref<2560xf32, #tpu.memory_space<vmem>>, vector<16xf32>,
    tpu.vector_store %arg4[%swap3A_303], %broadcast_in_dim3A_3 {strides = array<i32>} : memref<2560xf32, #tpu.memory_space<vmem>>, vector<16xf32>,
    %swap3A_305 = arith.constant 2416 : index
    %swap3A_306 = tpu.vector_load %arg4[%swap3A_305] {strides = array<i32>} : memref<2560xf32, #tpu.memory_space<vmem>>, vector<16xf32>,
    tpu.vector_store %arg4[%swap3A_305], %broadcast_in_dim3A_3 {strides = array<i32>} : memref<2560xf32, #tpu.memory_space<vmem>>, vector<16xf32>,
    %swap3A_307 = arith.constant 2432 : index
    %swap3A_308 = tpu.vector_load %arg4[%swap3A_307] {strides = array<i32>} : memref<2560xf32, #tpu.memory_space<vmem>>, vector<16xf32>,
    tpu.vector_store %arg4[%swap3A_307], %broadcast_in_dim3A_3 {strides = array<i32>} : memref<2560xf32, #tpu.memory_space<vmem>>, vector<16xf32>,
    %swap3A_309 = arith.constant 2448 : index
    %swap3A_310 = tpu.vector_load %arg4[%swap3A_309] {strides = array<i32>} : memref<2560xf32, #tpu.memory_space<vmem>>, vector<16xf32>,
    tpu.vector_store %arg4[%swap3A_309], %broadcast_in_dim3A_3 {strides = array<i32>} : memref<2560xf32, #tpu.memory_space<vmem>>, vector<16xf32>,
    %swap3A_311 = arith.constant 2464 : index
    %swap3A_312 = tpu.vector_load %arg4[%swap3A_311] {strides = array<i32>} : memref<2560xf32, #tpu.memory_space<vmem>>, vector<16xf32>,
    tpu.vector_store %arg4[%swap3A_311], %broadcast_in_dim3A_3 {strides = array<i32>} : memref<2560xf32, #tpu.memory_space<vmem>>, vector<16xf32>,
    %swap3A_313 = arith.constant 2480 : index
    %swap3A_314 = tpu.vector_load %arg4[%swap3A_313] {strides = array<i32>} : memref<2560xf32, #tpu.memory_space<vmem>>, vector<16xf32>,
    tpu.vector_store %arg4[%swap3A_313], %broadcast_in_dim3A_3 {strides = array<i32>} : memref<2560xf32, #tpu.memory_space<vmem>>, vector<16xf32>,
    %swap3A_315 = arith.constant 2496 : index
    %swap3A_316 = tpu.vector_load %arg4[%swap3A_315] {strides = array<i32>} : memref<2560xf32, #tpu.memory_space<vmem>>, vector<16xf32>,
    tpu.vector_store %arg4[%swap3A_315], %broadcast_in_dim3A_3 {strides = array<i32>} : memref<2560xf32, #tpu.memory_space<vmem>>, vector<16xf32>,
    %swap3A_317 = arith.constant 2512 : index
    %swap3A_318 = tpu.vector_load %arg4[%swap3A_317] {strides = array<i32>} : memref<2560xf32, #tpu.memory_space<vmem>>, vector<16xf32>,
    tpu.vector_store %arg4[%swap3A_317], %broadcast_in_dim3A_3 {strides = array<i32>} : memref<2560xf32, #tpu.memory_space<vmem>>, vector<16xf32>,
    %swap3A_319 = arith.constant 2528 : index
    %swap3A_320 = tpu.vector_load %arg4[%swap3A_319] {strides = array<i32>} : memref<2560xf32, #tpu.memory_space<vmem>>, vector<16xf32>,
    tpu.vector_store %arg4[%swap3A_319], %broadcast_in_dim3A_3 {strides = array<i32>} : memref<2560xf32, #tpu.memory_space<vmem>>, vector<16xf32>,
    %swap3A_321 = arith.constant 2544 : index
    %swap3A_322 = tpu.vector_load %arg4[%swap3A_321] {strides = array<i32>} : memref<2560xf32, #tpu.memory_space<vmem>>, vector<16xf32>,
    tpu.vector_store %arg4[%swap3A_321], %broadcast_in_dim3A_3 {strides = array<i32>} : memref<2560xf32, #tpu.memory_space<vmem>>, vector<16xf32>,
    %broadcast_in_dim3A_323 = arith.constant 1.000000e+00 : f32
    %broadcast_in_dim3A_324 = vector.broadcast %broadcast_in_dim3A_323 : f32 to vector<16xf32>
    %iota3A = tpu.iota {dimensions = array<i32: 0>} : vector<16xi32>
    %mul3A_325 = arith.constant 6 : i32
    %mul3A_326 = vector.broadcast %mul3A_325 : i32 to vector<16xi32>
    %mul3A_327 = arith.muli %iota3A, %mul3A_326 : vector<16xi32>
    %add3A_328 = arith.constant 0 : i32
    %add3A_329 = vector.broadcast %add3A_328 : i32 to vector<16xi32>
    %add3A_330 = arith.addi %mul3A_327, %add3A_329 : vector<16xi32>
    %add3A_331 = arith.constant 2 : i32
    %add3A_332 = vector.broadcast %add3A_331 : i32 to vector<16xi32>
    %add3A_333 = arith.addi %add3A_330, %add3A_332 : vector<16xi32>
    %gather3A = tpu.vector_load_idx %arg5[%add3A_333] : memref<3072xf32, #tpu.memory_space<vmem>>[vector<16xi32>], vector<16xf32>,
    %add3A_334 = arith.constant 3 : i32
    %add3A_335 = vector.broadcast %add3A_334 : i32 to vector<16xi32>
    %add3A_336 = arith.addi %add3A_330, %add3A_335 : vector<16xi32>
    %gather3A_337 = tpu.vector_load_idx %arg5[%add3A_336] : memref<3072xf32, #tpu.memory_space<vmem>>[vector<16xi32>], vector<16xf32>,
    %add3A_338 = arith.constant 4 : i32
    %add3A_339 = vector.broadcast %add3A_338 : i32 to vector<16xi32>
    %add3A_340 = arith.addi %add3A_330, %add3A_339 : vector<16xi32>
    %gather3A_341 = tpu.vector_load_idx %arg5[%add3A_340] : memref<3072xf32, #tpu.memory_space<vmem>>[vector<16xi32>], vector<16xf32>,
    %add3A_342 = arith.constant 5 : i32
    %add3A_343 = vector.broadcast %add3A_342 : i32 to vector<16xi32>
    %add3A_344 = arith.addi %add3A_330, %add3A_343 : vector<16xi32>
    %gather3A_345 = tpu.vector_load_idx %arg5[%add3A_344] : memref<3072xf32, #tpu.memory_space<vmem>>[vector<16xi32>], vector<16xf32>,
    %mul3A_346 = arith.constant 1.280000e+02 : f32
    %mul3A_347 = vector.broadcast %mul3A_346 : f32 to vector<16xf32>
    %mul3A_348 = arith.mulf %gather3A_337, %mul3A_347 : vector<16xf32>
    %convert_element_type3A = arith.fptosi %mul3A_348 : vector<16xf32> to vector<16xi32>
    %mul3A_349 = arith.constant 128 : i32
    %mul3A_350 = vector.broadcast %mul3A_349 : i32 to vector<16xi32>
    %mul3A_351 = arith.muli %convert_element_type3A, %mul3A_350 : vector<16xi32>
    %mul3A_352 = arith.constant 1.280000e+02 : f32
    %mul3A_353 = vector.broadcast %mul3A_352 : f32 to vector<16xf32>
    %mul3A_354 = arith.mulf %gather3A, %mul3A_353 : vector<16xf32>
    %convert_element_type3A_355 = arith.fptosi %mul3A_354 : vector<16xf32> to vector<16xi32>
    %add3A_356 = arith.addi %mul3A_351, %convert_element_type3A_355 : vector<16xi32>
    %ge3A = vector.broadcast %mul3A_2 : i32 to vector<16xi32>
    %ge3A_357 = arith.cmpi sge, %add3A_356, %ge3A : vector<16xi32>
    %add3A_358 = arith.constant 512 : i32
    %add3A_359 = arith.addi %mul3A_2, %add3A_358 : i32
    %lt3A = vector.broadcast %add3A_359 : i32 to vector<16xi32>
    %lt3A_360 = arith.cmpi slt, %add3A_356, %lt3A : vector<16xi32>
    %and3A = arith.andi %ge3A_357, %lt3A_360 : vector<16xi1>
    %sub3A = vector.broadcast %mul3A_2 : i32 to vector<16xi32>
    %sub3A_361 = arith.subi %add3A_356, %sub3A : vector<16xi32>
    %jit3A = arith.constant 0 : i32
    %broadcast_in_dim3A_362 = vector.broadcast %jit3A : i32 to vector<16xi32>
    %select_n3A = arith.select %and3A, %sub3A_361, %broadcast_in_dim3A_362 : vector<16xi1>, vector<16xi32>
    tpu.vector_store_idx %arg4[%select_n3A], %broadcast_in_dim3A_324 masked %and3A : memref<2560xf32, #tpu.memory_space<vmem>>[vector<16xi32>], vector<16xf32>, vector<16xi1>
    %add3A_363 = arith.constant 512 : i32
    %add3A_364 = vector.broadcast %add3A_363 : i32 to vector<16xi32>
    %add3A_365 = arith.addi %select_n3A, %add3A_364 : vector<16xi32>
    tpu.vector_store_idx %arg4[%add3A_365], %gather3A masked %and3A : memref<2560xf32, #tpu.memory_space<vmem>>[vector<16xi32>], vector<16xf32>, vector<16xi1>
    %add3A_366 = arith.constant 1024 : i32
    %add3A_367 = vector.broadcast %add3A_366 : i32 to vector<16xi32>
    %add3A_368 = arith.addi %select_n3A, %add3A_367 : vector<16xi32>
    tpu.vector_store_idx %arg4[%add3A_368], %gather3A_337 masked %and3A : memref<2560xf32, #tpu.memory_space<vmem>>[vector<16xi32>], vector<16xf32>, vector<16xi1>
    %add3A_369 = arith.constant 1536 : i32
    %add3A_370 = vector.broadcast %add3A_369 : i32 to vector<16xi32>
    %add3A_371 = arith.addi %select_n3A, %add3A_370 : vector<16xi32>
    tpu.vector_store_idx %arg4[%add3A_371], %gather3A_341 masked %and3A : memref<2560xf32, #tpu.memory_space<vmem>>[vector<16xi32>], vector<16xf32>, vector<16xi1>
    %add3A_372 = arith.constant 2048 : i32
    %add3A_373 = vector.broadcast %add3A_372 : i32 to vector<16xi32>
    %add3A_374 = arith.addi %select_n3A, %add3A_373 : vector<16xi32>
    tpu.vector_store_idx %arg4[%add3A_374], %gather3A_345 masked %and3A : memref<2560xf32, #tpu.memory_space<vmem>>[vector<16xi32>], vector<16xf32>, vector<16xi1>
    %add3A_375 = arith.constant 96 : i32
    %add3A_376 = vector.broadcast %add3A_375 : i32 to vector<16xi32>
    %add3A_377 = arith.addi %mul3A_327, %add3A_376 : vector<16xi32>
    %add3A_378 = arith.constant 2 : i32
    %add3A_379 = vector.broadcast %add3A_378 : i32 to vector<16xi32>
    %add3A_380 = arith.addi %add3A_377, %add3A_379 : vector<16xi32>
    %gather3A_381 = tpu.vector_load_idx %arg5[%add3A_380] : memref<3072xf32, #tpu.memory_space<vmem>>[vector<16xi32>], vector<16xf32>,
    %add3A_382 = arith.constant 3 : i32
    %add3A_383 = vector.broadcast %add3A_382 : i32 to vector<16xi32>
    %add3A_384 = arith.addi %add3A_377, %add3A_383 : vector<16xi32>
    %gather3A_385 = tpu.vector_load_idx %arg5[%add3A_384] : memref<3072xf32, #tpu.memory_space<vmem>>[vector<16xi32>], vector<16xf32>,
    %add3A_386 = arith.constant 4 : i32
    %add3A_387 = vector.broadcast %add3A_386 : i32 to vector<16xi32>
    %add3A_388 = arith.addi %add3A_377, %add3A_387 : vector<16xi32>
    %gather3A_389 = tpu.vector_load_idx %arg5[%add3A_388] : memref<3072xf32, #tpu.memory_space<vmem>>[vector<16xi32>], vector<16xf32>,
    %add3A_390 = arith.constant 5 : i32
    %add3A_391 = vector.broadcast %add3A_390 : i32 to vector<16xi32>
    %add3A_392 = arith.addi %add3A_377, %add3A_391 : vector<16xi32>
    %gather3A_393 = tpu.vector_load_idx %arg5[%add3A_392] : memref<3072xf32, #tpu.memory_space<vmem>>[vector<16xi32>], vector<16xf32>,
    %mul3A_394 = arith.constant 1.280000e+02 : f32
    %mul3A_395 = vector.broadcast %mul3A_394 : f32 to vector<16xf32>
    %mul3A_396 = arith.mulf %gather3A_385, %mul3A_395 : vector<16xf32>
    %convert_element_type3A_397 = arith.fptosi %mul3A_396 : vector<16xf32> to vector<16xi32>
    %mul3A_398 = arith.constant 128 : i32
    %mul3A_399 = vector.broadcast %mul3A_398 : i32 to vector<16xi32>
    %mul3A_400 = arith.muli %convert_element_type3A_397, %mul3A_399 : vector<16xi32>
    %mul3A_401 = arith.constant 1.280000e+02 : f32
    %mul3A_402 = vector.broadcast %mul3A_401 : f32 to vector<16xf32>
    %mul3A_403 = arith.mulf %gather3A_381, %mul3A_402 : vector<16xf32>
    %convert_element_type3A_404 = arith.fptosi %mul3A_403 : vector<16xf32> to vector<16xi32>
    %add3A_405 = arith.addi %mul3A_400, %convert_element_type3A_404 : vector<16xi32>
    %ge3A_406 = vector.broadcast %mul3A_2 : i32 to vector<16xi32>
    %ge3A_407 = arith.cmpi sge, %add3A_405, %ge3A_406 : vector<16xi32>
    %add3A_408 = arith.constant 512 : i32
    %add3A_409 = arith.addi %mul3A_2, %add3A_408 : i32
    %lt3A_410 = vector.broadcast %add3A_409 : i32 to vector<16xi32>
    %lt3A_411 = arith.cmpi slt, %add3A_405, %lt3A_410 : vector<16xi32>
    %and3A_412 = arith.andi %ge3A_407, %lt3A_411 : vector<16xi1>
    %sub3A_413 = vector.broadcast %mul3A_2 : i32 to vector<16xi32>
    %sub3A_414 = arith.subi %add3A_405, %sub3A_413 : vector<16xi32>
    %jit3A_415 = arith.constant 0 : i32
    %broadcast_in_dim3A_416 = vector.broadcast %jit3A_415 : i32 to vector<16xi32>
    %select_n3A_417 = arith.select %and3A_412, %sub3A_414, %broadcast_in_dim3A_416 : vector<16xi1>, vector<16xi32>
    tpu.vector_store_idx %arg4[%select_n3A_417], %broadcast_in_dim3A_324 masked %and3A_412 : memref<2560xf32, #tpu.memory_space<vmem>>[vector<16xi32>], vector<16xf32>, vector<16xi1>
    %add3A_418 = arith.constant 512 : i32
    %add3A_419 = vector.broadcast %add3A_418 : i32 to vector<16xi32>
    %add3A_420 = arith.addi %select_n3A_417, %add3A_419 : vector<16xi32>
    tpu.vector_store_idx %arg4[%add3A_420], %gather3A_381 masked %and3A_412 : memref<2560xf32, #tpu.memory_space<vmem>>[vector<16xi32>], vector<16xf32>, vector<16xi1>
    %add3A_421 = arith.constant 1024 : i32
    %add3A_422 = vector.broadcast %add3A_421 : i32 to vector<16xi32>
    %add3A_423 = arith.addi %select_n3A_417, %add3A_422 : vector<16xi32>
    tpu.vector_store_idx %arg4[%add3A_423], %gather3A_385 masked %and3A_412 : memref<2560xf32, #tpu.memory_space<vmem>>[vector<16xi32>], vector<16xf32>, vector<16xi1>
    %add3A_424 = arith.constant 1536 : i32
    %add3A_425 = vector.broadcast %add3A_424 : i32 to vector<16xi32>
    %add3A_426 = arith.addi %select_n3A_417, %add3A_425 : vector<16xi32>
    tpu.vector_store_idx %arg4[%add3A_426], %gather3A_389 masked %and3A_412 : memref<2560xf32, #tpu.memory_space<vmem>>[vector<16xi32>], vector<16xf32>, vector<16xi1>
    %add3A_427 = arith.constant 2048 : i32
    %add3A_428 = vector.broadcast %add3A_427 : i32 to vector<16xi32>
    %add3A_429 = arith.addi %select_n3A_417, %add3A_428 : vector<16xi32>
    tpu.vector_store_idx %arg4[%add3A_429], %gather3A_393 masked %and3A_412 : memref<2560xf32, #tpu.memory_space<vmem>>[vector<16xi32>], vector<16xf32>, vector<16xi1>
    %add3A_430 = arith.constant 192 : i32
    %add3A_431 = vector.broadcast %add3A_430 : i32 to vector<16xi32>
    %add3A_432 = arith.addi %mul3A_327, %add3A_431 : vector<16xi32>
    %add3A_433 = arith.constant 2 : i32
    %add3A_434 = vector.broadcast %add3A_433 : i32 to vector<16xi32>
    %add3A_435 = arith.addi %add3A_432, %add3A_434 : vector<16xi32>
    %gather3A_436 = tpu.vector_load_idx %arg5[%add3A_435] : memref<3072xf32, #tpu.memory_space<vmem>>[vector<16xi32>], vector<16xf32>,
    %add3A_437 = arith.constant 3 : i32
    %add3A_438 = vector.broadcast %add3A_437 : i32 to vector<16xi32>
    %add3A_439 = arith.addi %add3A_432, %add3A_438 : vector<16xi32>
    %gather3A_440 = tpu.vector_load_idx %arg5[%add3A_439] : memref<3072xf32, #tpu.memory_space<vmem>>[vector<16xi32>], vector<16xf32>,
    %add3A_441 = arith.constant 4 : i32
    %add3A_442 = vector.broadcast %add3A_441 : i32 to vector<16xi32>
    %add3A_443 = arith.addi %add3A_432, %add3A_442 : vector<16xi32>
    %gather3A_444 = tpu.vector_load_idx %arg5[%add3A_443] : memref<3072xf32, #tpu.memory_space<vmem>>[vector<16xi32>], vector<16xf32>,
    %add3A_445 = arith.constant 5 : i32
    %add3A_446 = vector.broadcast %add3A_445 : i32 to vector<16xi32>
    %add3A_447 = arith.addi %add3A_432, %add3A_446 : vector<16xi32>
    %gather3A_448 = tpu.vector_load_idx %arg5[%add3A_447] : memref<3072xf32, #tpu.memory_space<vmem>>[vector<16xi32>], vector<16xf32>,
    %mul3A_449 = arith.constant 1.280000e+02 : f32
    %mul3A_450 = vector.broadcast %mul3A_449 : f32 to vector<16xf32>
    %mul3A_451 = arith.mulf %gather3A_440, %mul3A_450 : vector<16xf32>
    %convert_element_type3A_452 = arith.fptosi %mul3A_451 : vector<16xf32> to vector<16xi32>
    %mul3A_453 = arith.constant 128 : i32
    %mul3A_454 = vector.broadcast %mul3A_453 : i32 to vector<16xi32>
    %mul3A_455 = arith.muli %convert_element_type3A_452, %mul3A_454 : vector<16xi32>
    %mul3A_456 = arith.constant 1.280000e+02 : f32
    %mul3A_457 = vector.broadcast %mul3A_456 : f32 to vector<16xf32>
    %mul3A_458 = arith.mulf %gather3A_436, %mul3A_457 : vector<16xf32>
    %convert_element_type3A_459 = arith.fptosi %mul3A_458 : vector<16xf32> to vector<16xi32>
    %add3A_460 = arith.addi %mul3A_455, %convert_element_type3A_459 : vector<16xi32>
    %ge3A_461 = vector.broadcast %mul3A_2 : i32 to vector<16xi32>
    %ge3A_462 = arith.cmpi sge, %add3A_460, %ge3A_461 : vector<16xi32>
    %add3A_463 = arith.constant 512 : i32
    %add3A_464 = arith.addi %mul3A_2, %add3A_463 : i32
    %lt3A_465 = vector.broadcast %add3A_464 : i32 to vector<16xi32>
    %lt3A_466 = arith.cmpi slt, %add3A_460, %lt3A_465 : vector<16xi32>
    %and3A_467 = arith.andi %ge3A_462, %lt3A_466 : vector<16xi1>
    %sub3A_468 = vector.broadcast %mul3A_2 : i32 to vector<16xi32>
    %sub3A_469 = arith.subi %add3A_460, %sub3A_468 : vector<16xi32>
    %jit3A_470 = arith.constant 0 : i32
    %broadcast_in_dim3A_471 = vector.broadcast %jit3A_470 : i32 to vector<16xi32>
    %select_n3A_472 = arith.select %and3A_467, %sub3A_469, %broadcast_in_dim3A_471 : vector<16xi1>, vector<16xi32>
    tpu.vector_store_idx %arg4[%select_n3A_472], %broadcast_in_dim3A_324 masked %and3A_467 : memref<2560xf32, #tpu.memory_space<vmem>>[vector<16xi32>], vector<16xf32>, vector<16xi1>
    %add3A_473 = arith.constant 512 : i32
    %add3A_474 = vector.broadcast %add3A_473 : i32 to vector<16xi32>
    %add3A_475 = arith.addi %select_n3A_472, %add3A_474 : vector<16xi32>
    tpu.vector_store_idx %arg4[%add3A_475], %gather3A_436 masked %and3A_467 : memref<2560xf32, #tpu.memory_space<vmem>>[vector<16xi32>], vector<16xf32>, vector<16xi1>
    %add3A_476 = arith.constant 1024 : i32
    %add3A_477 = vector.broadcast %add3A_476 : i32 to vector<16xi32>
    %add3A_478 = arith.addi %select_n3A_472, %add3A_477 : vector<16xi32>
    tpu.vector_store_idx %arg4[%add3A_478], %gather3A_440 masked %and3A_467 : memref<2560xf32, #tpu.memory_space<vmem>>[vector<16xi32>], vector<16xf32>, vector<16xi1>
    %add3A_479 = arith.constant 1536 : i32
    %add3A_480 = vector.broadcast %add3A_479 : i32 to vector<16xi32>
    %add3A_481 = arith.addi %select_n3A_472, %add3A_480 : vector<16xi32>
    tpu.vector_store_idx %arg4[%add3A_481], %gather3A_444 masked %and3A_467 : memref<2560xf32, #tpu.memory_space<vmem>>[vector<16xi32>], vector<16xf32>, vector<16xi1>
    %add3A_482 = arith.constant 2048 : i32
    %add3A_483 = vector.broadcast %add3A_482 : i32 to vector<16xi32>
    %add3A_484 = arith.addi %select_n3A_472, %add3A_483 : vector<16xi32>
    tpu.vector_store_idx %arg4[%add3A_484], %gather3A_448 masked %and3A_467 : memref<2560xf32, #tpu.memory_space<vmem>>[vector<16xi32>], vector<16xf32>, vector<16xi1>
    %add3A_485 = arith.constant 288 : i32
    %add3A_486 = vector.broadcast %add3A_485 : i32 to vector<16xi32>
    %add3A_487 = arith.addi %mul3A_327, %add3A_486 : vector<16xi32>
    %add3A_488 = arith.constant 2 : i32
    %add3A_489 = vector.broadcast %add3A_488 : i32 to vector<16xi32>
    %add3A_490 = arith.addi %add3A_487, %add3A_489 : vector<16xi32>
    %gather3A_491 = tpu.vector_load_idx %arg5[%add3A_490] : memref<3072xf32, #tpu.memory_space<vmem>>[vector<16xi32>], vector<16xf32>,
    %add3A_492 = arith.constant 3 : i32
    %add3A_493 = vector.broadcast %add3A_492 : i32 to vector<16xi32>
    %add3A_494 = arith.addi %add3A_487, %add3A_493 : vector<16xi32>
    %gather3A_495 = tpu.vector_load_idx %arg5[%add3A_494] : memref<3072xf32, #tpu.memory_space<vmem>>[vector<16xi32>], vector<16xf32>,
    %add3A_496 = arith.constant 4 : i32
    %add3A_497 = vector.broadcast %add3A_496 : i32 to vector<16xi32>
    %add3A_498 = arith.addi %add3A_487, %add3A_497 : vector<16xi32>
    %gather3A_499 = tpu.vector_load_idx %arg5[%add3A_498] : memref<3072xf32, #tpu.memory_space<vmem>>[vector<16xi32>], vector<16xf32>,
    %add3A_500 = arith.constant 5 : i32
    %add3A_501 = vector.broadcast %add3A_500 : i32 to vector<16xi32>
    %add3A_502 = arith.addi %add3A_487, %add3A_501 : vector<16xi32>
    %gather3A_503 = tpu.vector_load_idx %arg5[%add3A_502] : memref<3072xf32, #tpu.memory_space<vmem>>[vector<16xi32>], vector<16xf32>,
    %mul3A_504 = arith.constant 1.280000e+02 : f32
    %mul3A_505 = vector.broadcast %mul3A_504 : f32 to vector<16xf32>
    %mul3A_506 = arith.mulf %gather3A_495, %mul3A_505 : vector<16xf32>
    %convert_element_type3A_507 = arith.fptosi %mul3A_506 : vector<16xf32> to vector<16xi32>
    %mul3A_508 = arith.constant 128 : i32
    %mul3A_509 = vector.broadcast %mul3A_508 : i32 to vector<16xi32>
    %mul3A_510 = arith.muli %convert_element_type3A_507, %mul3A_509 : vector<16xi32>
    %mul3A_511 = arith.constant 1.280000e+02 : f32
    %mul3A_512 = vector.broadcast %mul3A_511 : f32 to vector<16xf32>
    %mul3A_513 = arith.mulf %gather3A_491, %mul3A_512 : vector<16xf32>
    %convert_element_type3A_514 = arith.fptosi %mul3A_513 : vector<16xf32> to vector<16xi32>
    %add3A_515 = arith.addi %mul3A_510, %convert_element_type3A_514 : vector<16xi32>
    %ge3A_516 = vector.broadcast %mul3A_2 : i32 to vector<16xi32>
    %ge3A_517 = arith.cmpi sge, %add3A_515, %ge3A_516 : vector<16xi32>
    %add3A_518 = arith.constant 512 : i32
    %add3A_519 = arith.addi %mul3A_2, %add3A_518 : i32
    %lt3A_520 = vector.broadcast %add3A_519 : i32 to vector<16xi32>
    %lt3A_521 = arith.cmpi slt, %add3A_515, %lt3A_520 : vector<16xi32>
    %and3A_522 = arith.andi %ge3A_517, %lt3A_521 : vector<16xi1>
    %sub3A_523 = vector.broadcast %mul3A_2 : i32 to vector<16xi32>
    %sub3A_524 = arith.subi %add3A_515, %sub3A_523 : vector<16xi32>
    %jit3A_525 = arith.constant 0 : i32
    %broadcast_in_dim3A_526 = vector.broadcast %jit3A_525 : i32 to vector<16xi32>
    %select_n3A_527 = arith.select %and3A_522, %sub3A_524, %broadcast_in_dim3A_526 : vector<16xi1>, vector<16xi32>
    tpu.vector_store_idx %arg4[%select_n3A_527], %broadcast_in_dim3A_324 masked %and3A_522 : memref<2560xf32, #tpu.memory_space<vmem>>[vector<16xi32>], vector<16xf32>, vector<16xi1>
    %add3A_528 = arith.constant 512 : i32
    %add3A_529 = vector.broadcast %add3A_528 : i32 to vector<16xi32>
    %add3A_530 = arith.addi %select_n3A_527, %add3A_529 : vector<16xi32>
    tpu.vector_store_idx %arg4[%add3A_530], %gather3A_491 masked %and3A_522 : memref<2560xf32, #tpu.memory_space<vmem>>[vector<16xi32>], vector<16xf32>, vector<16xi1>
    %add3A_531 = arith.constant 1024 : i32
    %add3A_532 = vector.broadcast %add3A_531 : i32 to vector<16xi32>
    %add3A_533 = arith.addi %select_n3A_527, %add3A_532 : vector<16xi32>
    tpu.vector_store_idx %arg4[%add3A_533], %gather3A_495 masked %and3A_522 : memref<2560xf32, #tpu.memory_space<vmem>>[vector<16xi32>], vector<16xf32>, vector<16xi1>
    %add3A_534 = arith.constant 1536 : i32
    %add3A_535 = vector.broadcast %add3A_534 : i32 to vector<16xi32>
    %add3A_536 = arith.addi %select_n3A_527, %add3A_535 : vector<16xi32>
    tpu.vector_store_idx %arg4[%add3A_536], %gather3A_499 masked %and3A_522 : memref<2560xf32, #tpu.memory_space<vmem>>[vector<16xi32>], vector<16xf32>, vector<16xi1>
    %add3A_537 = arith.constant 2048 : i32
    %add3A_538 = vector.broadcast %add3A_537 : i32 to vector<16xi32>
    %add3A_539 = arith.addi %select_n3A_527, %add3A_538 : vector<16xi32>
    tpu.vector_store_idx %arg4[%add3A_539], %gather3A_503 masked %and3A_522 : memref<2560xf32, #tpu.memory_space<vmem>>[vector<16xi32>], vector<16xf32>, vector<16xi1>
    %add3A_540 = arith.constant 384 : i32
    %add3A_541 = vector.broadcast %add3A_540 : i32 to vector<16xi32>
    %add3A_542 = arith.addi %mul3A_327, %add3A_541 : vector<16xi32>
    %add3A_543 = arith.constant 2 : i32
    %add3A_544 = vector.broadcast %add3A_543 : i32 to vector<16xi32>
    %add3A_545 = arith.addi %add3A_542, %add3A_544 : vector<16xi32>
    %gather3A_546 = tpu.vector_load_idx %arg5[%add3A_545] : memref<3072xf32, #tpu.memory_space<vmem>>[vector<16xi32>], vector<16xf32>,
    %add3A_547 = arith.constant 3 : i32
    %add3A_548 = vector.broadcast %add3A_547 : i32 to vector<16xi32>
    %add3A_549 = arith.addi %add3A_542, %add3A_548 : vector<16xi32>
    %gather3A_550 = tpu.vector_load_idx %arg5[%add3A_549] : memref<3072xf32, #tpu.memory_space<vmem>>[vector<16xi32>], vector<16xf32>,
    %add3A_551 = arith.constant 4 : i32
    %add3A_552 = vector.broadcast %add3A_551 : i32 to vector<16xi32>
    %add3A_553 = arith.addi %add3A_542, %add3A_552 : vector<16xi32>
    %gather3A_554 = tpu.vector_load_idx %arg5[%add3A_553] : memref<3072xf32, #tpu.memory_space<vmem>>[vector<16xi32>], vector<16xf32>,
    %add3A_555 = arith.constant 5 : i32
    %add3A_556 = vector.broadcast %add3A_555 : i32 to vector<16xi32>
    %add3A_557 = arith.addi %add3A_542, %add3A_556 : vector<16xi32>
    %gather3A_558 = tpu.vector_load_idx %arg5[%add3A_557] : memref<3072xf32, #tpu.memory_space<vmem>>[vector<16xi32>], vector<16xf32>,
    %mul3A_559 = arith.constant 1.280000e+02 : f32
    %mul3A_560 = vector.broadcast %mul3A_559 : f32 to vector<16xf32>
    %mul3A_561 = arith.mulf %gather3A_550, %mul3A_560 : vector<16xf32>
    %convert_element_type3A_562 = arith.fptosi %mul3A_561 : vector<16xf32> to vector<16xi32>
    %mul3A_563 = arith.constant 128 : i32
    %mul3A_564 = vector.broadcast %mul3A_563 : i32 to vector<16xi32>
    %mul3A_565 = arith.muli %convert_element_type3A_562, %mul3A_564 : vector<16xi32>
    %mul3A_566 = arith.constant 1.280000e+02 : f32
    %mul3A_567 = vector.broadcast %mul3A_566 : f32 to vector<16xf32>
    %mul3A_568 = arith.mulf %gather3A_546, %mul3A_567 : vector<16xf32>
    %convert_element_type3A_569 = arith.fptosi %mul3A_568 : vector<16xf32> to vector<16xi32>
    %add3A_570 = arith.addi %mul3A_565, %convert_element_type3A_569 : vector<16xi32>
    %ge3A_571 = vector.broadcast %mul3A_2 : i32 to vector<16xi32>
    %ge3A_572 = arith.cmpi sge, %add3A_570, %ge3A_571 : vector<16xi32>
    %add3A_573 = arith.constant 512 : i32
    %add3A_574 = arith.addi %mul3A_2, %add3A_573 : i32
    %lt3A_575 = vector.broadcast %add3A_574 : i32 to vector<16xi32>
    %lt3A_576 = arith.cmpi slt, %add3A_570, %lt3A_575 : vector<16xi32>
    %and3A_577 = arith.andi %ge3A_572, %lt3A_576 : vector<16xi1>
    %sub3A_578 = vector.broadcast %mul3A_2 : i32 to vector<16xi32>
    %sub3A_579 = arith.subi %add3A_570, %sub3A_578 : vector<16xi32>
    %jit3A_580 = arith.constant 0 : i32
    %broadcast_in_dim3A_581 = vector.broadcast %jit3A_580 : i32 to vector<16xi32>
    %select_n3A_582 = arith.select %and3A_577, %sub3A_579, %broadcast_in_dim3A_581 : vector<16xi1>, vector<16xi32>
    tpu.vector_store_idx %arg4[%select_n3A_582], %broadcast_in_dim3A_324 masked %and3A_577 : memref<2560xf32, #tpu.memory_space<vmem>>[vector<16xi32>], vector<16xf32>, vector<16xi1>
    %add3A_583 = arith.constant 512 : i32
    %add3A_584 = vector.broadcast %add3A_583 : i32 to vector<16xi32>
    %add3A_585 = arith.addi %select_n3A_582, %add3A_584 : vector<16xi32>
    tpu.vector_store_idx %arg4[%add3A_585], %gather3A_546 masked %and3A_577 : memref<2560xf32, #tpu.memory_space<vmem>>[vector<16xi32>], vector<16xf32>, vector<16xi1>
    %add3A_586 = arith.constant 1024 : i32
    %add3A_587 = vector.broadcast %add3A_586 : i32 to vector<16xi32>
    %add3A_588 = arith.addi %select_n3A_582, %add3A_587 : vector<16xi32>
    tpu.vector_store_idx %arg4[%add3A_588], %gather3A_550 masked %and3A_577 : memref<2560xf32, #tpu.memory_space<vmem>>[vector<16xi32>], vector<16xf32>, vector<16xi1>
    %add3A_589 = arith.constant 1536 : i32
    %add3A_590 = vector.broadcast %add3A_589 : i32 to vector<16xi32>
    %add3A_591 = arith.addi %select_n3A_582, %add3A_590 : vector<16xi32>
    tpu.vector_store_idx %arg4[%add3A_591], %gather3A_554 masked %and3A_577 : memref<2560xf32, #tpu.memory_space<vmem>>[vector<16xi32>], vector<16xf32>, vector<16xi1>
    %add3A_592 = arith.constant 2048 : i32
    %add3A_593 = vector.broadcast %add3A_592 : i32 to vector<16xi32>
    %add3A_594 = arith.addi %select_n3A_582, %add3A_593 : vector<16xi32>
    tpu.vector_store_idx %arg4[%add3A_594], %gather3A_558 masked %and3A_577 : memref<2560xf32, #tpu.memory_space<vmem>>[vector<16xi32>], vector<16xf32>, vector<16xi1>
    %add3A_595 = arith.constant 480 : i32
    %add3A_596 = vector.broadcast %add3A_595 : i32 to vector<16xi32>
    %add3A_597 = arith.addi %mul3A_327, %add3A_596 : vector<16xi32>
    %add3A_598 = arith.constant 2 : i32
    %add3A_599 = vector.broadcast %add3A_598 : i32 to vector<16xi32>
    %add3A_600 = arith.addi %add3A_597, %add3A_599 : vector<16xi32>
    %gather3A_601 = tpu.vector_load_idx %arg5[%add3A_600] : memref<3072xf32, #tpu.memory_space<vmem>>[vector<16xi32>], vector<16xf32>,
    %add3A_602 = arith.constant 3 : i32
    %add3A_603 = vector.broadcast %add3A_602 : i32 to vector<16xi32>
    %add3A_604 = arith.addi %add3A_597, %add3A_603 : vector<16xi32>
    %gather3A_605 = tpu.vector_load_idx %arg5[%add3A_604] : memref<3072xf32, #tpu.memory_space<vmem>>[vector<16xi32>], vector<16xf32>,
    %add3A_606 = arith.constant 4 : i32
    %add3A_607 = vector.broadcast %add3A_606 : i32 to vector<16xi32>
    %add3A_608 = arith.addi %add3A_597, %add3A_607 : vector<16xi32>
    %gather3A_609 = tpu.vector_load_idx %arg5[%add3A_608] : memref<3072xf32, #tpu.memory_space<vmem>>[vector<16xi32>], vector<16xf32>,
    %add3A_610 = arith.constant 5 : i32
    %add3A_611 = vector.broadcast %add3A_610 : i32 to vector<16xi32>
    %add3A_612 = arith.addi %add3A_597, %add3A_611 : vector<16xi32>
    %gather3A_613 = tpu.vector_load_idx %arg5[%add3A_612] : memref<3072xf32, #tpu.memory_space<vmem>>[vector<16xi32>], vector<16xf32>,
    %mul3A_614 = arith.constant 1.280000e+02 : f32
    %mul3A_615 = vector.broadcast %mul3A_614 : f32 to vector<16xf32>
    %mul3A_616 = arith.mulf %gather3A_605, %mul3A_615 : vector<16xf32>
    %convert_element_type3A_617 = arith.fptosi %mul3A_616 : vector<16xf32> to vector<16xi32>
    %mul3A_618 = arith.constant 128 : i32
    %mul3A_619 = vector.broadcast %mul3A_618 : i32 to vector<16xi32>
    %mul3A_620 = arith.muli %convert_element_type3A_617, %mul3A_619 : vector<16xi32>
    %mul3A_621 = arith.constant 1.280000e+02 : f32
    %mul3A_622 = vector.broadcast %mul3A_621 : f32 to vector<16xf32>
    %mul3A_623 = arith.mulf %gather3A_601, %mul3A_622 : vector<16xf32>
    %convert_element_type3A_624 = arith.fptosi %mul3A_623 : vector<16xf32> to vector<16xi32>
    %add3A_625 = arith.addi %mul3A_620, %convert_element_type3A_624 : vector<16xi32>
    %ge3A_626 = vector.broadcast %mul3A_2 : i32 to vector<16xi32>
    %ge3A_627 = arith.cmpi sge, %add3A_625, %ge3A_626 : vector<16xi32>
    %add3A_628 = arith.constant 512 : i32
    %add3A_629 = arith.addi %mul3A_2, %add3A_628 : i32
    %lt3A_630 = vector.broadcast %add3A_629 : i32 to vector<16xi32>
    %lt3A_631 = arith.cmpi slt, %add3A_625, %lt3A_630 : vector<16xi32>
    %and3A_632 = arith.andi %ge3A_627, %lt3A_631 : vector<16xi1>
    %sub3A_633 = vector.broadcast %mul3A_2 : i32 to vector<16xi32>
    %sub3A_634 = arith.subi %add3A_625, %sub3A_633 : vector<16xi32>
    %jit3A_635 = arith.constant 0 : i32
    %broadcast_in_dim3A_636 = vector.broadcast %jit3A_635 : i32 to vector<16xi32>
    %select_n3A_637 = arith.select %and3A_632, %sub3A_634, %broadcast_in_dim3A_636 : vector<16xi1>, vector<16xi32>
    tpu.vector_store_idx %arg4[%select_n3A_637], %broadcast_in_dim3A_324 masked %and3A_632 : memref<2560xf32, #tpu.memory_space<vmem>>[vector<16xi32>], vector<16xf32>, vector<16xi1>
    %add3A_638 = arith.constant 512 : i32
    %add3A_639 = vector.broadcast %add3A_638 : i32 to vector<16xi32>
    %add3A_640 = arith.addi %select_n3A_637, %add3A_639 : vector<16xi32>
    tpu.vector_store_idx %arg4[%add3A_640], %gather3A_601 masked %and3A_632 : memref<2560xf32, #tpu.memory_space<vmem>>[vector<16xi32>], vector<16xf32>, vector<16xi1>
    %add3A_641 = arith.constant 1024 : i32
    %add3A_642 = vector.broadcast %add3A_641 : i32 to vector<16xi32>
    %add3A_643 = arith.addi %select_n3A_637, %add3A_642 : vector<16xi32>
    tpu.vector_store_idx %arg4[%add3A_643], %gather3A_605 masked %and3A_632 : memref<2560xf32, #tpu.memory_space<vmem>>[vector<16xi32>], vector<16xf32>, vector<16xi1>
    %add3A_644 = arith.constant 1536 : i32
    %add3A_645 = vector.broadcast %add3A_644 : i32 to vector<16xi32>
    %add3A_646 = arith.addi %select_n3A_637, %add3A_645 : vector<16xi32>
    tpu.vector_store_idx %arg4[%add3A_646], %gather3A_609 masked %and3A_632 : memref<2560xf32, #tpu.memory_space<vmem>>[vector<16xi32>], vector<16xf32>, vector<16xi1>
    %add3A_647 = arith.constant 2048 : i32
    %add3A_648 = vector.broadcast %add3A_647 : i32 to vector<16xi32>
    %add3A_649 = arith.addi %select_n3A_637, %add3A_648 : vector<16xi32>
    tpu.vector_store_idx %arg4[%add3A_649], %gather3A_613 masked %and3A_632 : memref<2560xf32, #tpu.memory_space<vmem>>[vector<16xi32>], vector<16xf32>, vector<16xi1>
    %add3A_650 = arith.constant 576 : i32
    %add3A_651 = vector.broadcast %add3A_650 : i32 to vector<16xi32>
    %add3A_652 = arith.addi %mul3A_327, %add3A_651 : vector<16xi32>
    %add3A_653 = arith.constant 2 : i32
    %add3A_654 = vector.broadcast %add3A_653 : i32 to vector<16xi32>
    %add3A_655 = arith.addi %add3A_652, %add3A_654 : vector<16xi32>
    %gather3A_656 = tpu.vector_load_idx %arg5[%add3A_655] : memref<3072xf32, #tpu.memory_space<vmem>>[vector<16xi32>], vector<16xf32>,
    %add3A_657 = arith.constant 3 : i32
    %add3A_658 = vector.broadcast %add3A_657 : i32 to vector<16xi32>
    %add3A_659 = arith.addi %add3A_652, %add3A_658 : vector<16xi32>
    %gather3A_660 = tpu.vector_load_idx %arg5[%add3A_659] : memref<3072xf32, #tpu.memory_space<vmem>>[vector<16xi32>], vector<16xf32>,
    %add3A_661 = arith.constant 4 : i32
    %add3A_662 = vector.broadcast %add3A_661 : i32 to vector<16xi32>
    %add3A_663 = arith.addi %add3A_652, %add3A_662 : vector<16xi32>
    %gather3A_664 = tpu.vector_load_idx %arg5[%add3A_663] : memref<3072xf32, #tpu.memory_space<vmem>>[vector<16xi32>], vector<16xf32>,
    %add3A_665 = arith.constant 5 : i32
    %add3A_666 = vector.broadcast %add3A_665 : i32 to vector<16xi32>
    %add3A_667 = arith.addi %add3A_652, %add3A_666 : vector<16xi32>
    %gather3A_668 = tpu.vector_load_idx %arg5[%add3A_667] : memref<3072xf32, #tpu.memory_space<vmem>>[vector<16xi32>], vector<16xf32>,
    %mul3A_669 = arith.constant 1.280000e+02 : f32
    %mul3A_670 = vector.broadcast %mul3A_669 : f32 to vector<16xf32>
    %mul3A_671 = arith.mulf %gather3A_660, %mul3A_670 : vector<16xf32>
    %convert_element_type3A_672 = arith.fptosi %mul3A_671 : vector<16xf32> to vector<16xi32>
    %mul3A_673 = arith.constant 128 : i32
    %mul3A_674 = vector.broadcast %mul3A_673 : i32 to vector<16xi32>
    %mul3A_675 = arith.muli %convert_element_type3A_672, %mul3A_674 : vector<16xi32>
    %mul3A_676 = arith.constant 1.280000e+02 : f32
    %mul3A_677 = vector.broadcast %mul3A_676 : f32 to vector<16xf32>
    %mul3A_678 = arith.mulf %gather3A_656, %mul3A_677 : vector<16xf32>
    %convert_element_type3A_679 = arith.fptosi %mul3A_678 : vector<16xf32> to vector<16xi32>
    %add3A_680 = arith.addi %mul3A_675, %convert_element_type3A_679 : vector<16xi32>
    %ge3A_681 = vector.broadcast %mul3A_2 : i32 to vector<16xi32>
    %ge3A_682 = arith.cmpi sge, %add3A_680, %ge3A_681 : vector<16xi32>
    %add3A_683 = arith.constant 512 : i32
    %add3A_684 = arith.addi %mul3A_2, %add3A_683 : i32
    %lt3A_685 = vector.broadcast %add3A_684 : i32 to vector<16xi32>
    %lt3A_686 = arith.cmpi slt, %add3A_680, %lt3A_685 : vector<16xi32>
    %and3A_687 = arith.andi %ge3A_682, %lt3A_686 : vector<16xi1>
    %sub3A_688 = vector.broadcast %mul3A_2 : i32 to vector<16xi32>
    %sub3A_689 = arith.subi %add3A_680, %sub3A_688 : vector<16xi32>
    %jit3A_690 = arith.constant 0 : i32
    %broadcast_in_dim3A_691 = vector.broadcast %jit3A_690 : i32 to vector<16xi32>
    %select_n3A_692 = arith.select %and3A_687, %sub3A_689, %broadcast_in_dim3A_691 : vector<16xi1>, vector<16xi32>
    tpu.vector_store_idx %arg4[%select_n3A_692], %broadcast_in_dim3A_324 masked %and3A_687 : memref<2560xf32, #tpu.memory_space<vmem>>[vector<16xi32>], vector<16xf32>, vector<16xi1>
    %add3A_693 = arith.constant 512 : i32
    %add3A_694 = vector.broadcast %add3A_693 : i32 to vector<16xi32>
    %add3A_695 = arith.addi %select_n3A_692, %add3A_694 : vector<16xi32>
    tpu.vector_store_idx %arg4[%add3A_695], %gather3A_656 masked %and3A_687 : memref<2560xf32, #tpu.memory_space<vmem>>[vector<16xi32>], vector<16xf32>, vector<16xi1>
    %add3A_696 = arith.constant 1024 : i32
    %add3A_697 = vector.broadcast %add3A_696 : i32 to vector<16xi32>
    %add3A_698 = arith.addi %select_n3A_692, %add3A_697 : vector<16xi32>
    tpu.vector_store_idx %arg4[%add3A_698], %gather3A_660 masked %and3A_687 : memref<2560xf32, #tpu.memory_space<vmem>>[vector<16xi32>], vector<16xf32>, vector<16xi1>
    %add3A_699 = arith.constant 1536 : i32
    %add3A_700 = vector.broadcast %add3A_699 : i32 to vector<16xi32>
    %add3A_701 = arith.addi %select_n3A_692, %add3A_700 : vector<16xi32>
    tpu.vector_store_idx %arg4[%add3A_701], %gather3A_664 masked %and3A_687 : memref<2560xf32, #tpu.memory_space<vmem>>[vector<16xi32>], vector<16xf32>, vector<16xi1>
    %add3A_702 = arith.constant 2048 : i32
    %add3A_703 = vector.broadcast %add3A_702 : i32 to vector<16xi32>
    %add3A_704 = arith.addi %select_n3A_692, %add3A_703 : vector<16xi32>
    tpu.vector_store_idx %arg4[%add3A_704], %gather3A_668 masked %and3A_687 : memref<2560xf32, #tpu.memory_space<vmem>>[vector<16xi32>], vector<16xf32>, vector<16xi1>
    %add3A_705 = arith.constant 672 : i32
    %add3A_706 = vector.broadcast %add3A_705 : i32 to vector<16xi32>
    %add3A_707 = arith.addi %mul3A_327, %add3A_706 : vector<16xi32>
    %add3A_708 = arith.constant 2 : i32
    %add3A_709 = vector.broadcast %add3A_708 : i32 to vector<16xi32>
    %add3A_710 = arith.addi %add3A_707, %add3A_709 : vector<16xi32>
    %gather3A_711 = tpu.vector_load_idx %arg5[%add3A_710] : memref<3072xf32, #tpu.memory_space<vmem>>[vector<16xi32>], vector<16xf32>,
    %add3A_712 = arith.constant 3 : i32
    %add3A_713 = vector.broadcast %add3A_712 : i32 to vector<16xi32>
    %add3A_714 = arith.addi %add3A_707, %add3A_713 : vector<16xi32>
    %gather3A_715 = tpu.vector_load_idx %arg5[%add3A_714] : memref<3072xf32, #tpu.memory_space<vmem>>[vector<16xi32>], vector<16xf32>,
    %add3A_716 = arith.constant 4 : i32
    %add3A_717 = vector.broadcast %add3A_716 : i32 to vector<16xi32>
    %add3A_718 = arith.addi %add3A_707, %add3A_717 : vector<16xi32>
    %gather3A_719 = tpu.vector_load_idx %arg5[%add3A_718] : memref<3072xf32, #tpu.memory_space<vmem>>[vector<16xi32>], vector<16xf32>,
    %add3A_720 = arith.constant 5 : i32
    %add3A_721 = vector.broadcast %add3A_720 : i32 to vector<16xi32>
    %add3A_722 = arith.addi %add3A_707, %add3A_721 : vector<16xi32>
    %gather3A_723 = tpu.vector_load_idx %arg5[%add3A_722] : memref<3072xf32, #tpu.memory_space<vmem>>[vector<16xi32>], vector<16xf32>,
    %mul3A_724 = arith.constant 1.280000e+02 : f32
    %mul3A_725 = vector.broadcast %mul3A_724 : f32 to vector<16xf32>
    %mul3A_726 = arith.mulf %gather3A_715, %mul3A_725 : vector<16xf32>
    %convert_element_type3A_727 = arith.fptosi %mul3A_726 : vector<16xf32> to vector<16xi32>
    %mul3A_728 = arith.constant 128 : i32
    %mul3A_729 = vector.broadcast %mul3A_728 : i32 to vector<16xi32>
    %mul3A_730 = arith.muli %convert_element_type3A_727, %mul3A_729 : vector<16xi32>
    %mul3A_731 = arith.constant 1.280000e+02 : f32
    %mul3A_732 = vector.broadcast %mul3A_731 : f32 to vector<16xf32>
    %mul3A_733 = arith.mulf %gather3A_711, %mul3A_732 : vector<16xf32>
    %convert_element_type3A_734 = arith.fptosi %mul3A_733 : vector<16xf32> to vector<16xi32>
    %add3A_735 = arith.addi %mul3A_730, %convert_element_type3A_734 : vector<16xi32>
    %ge3A_736 = vector.broadcast %mul3A_2 : i32 to vector<16xi32>
    %ge3A_737 = arith.cmpi sge, %add3A_735, %ge3A_736 : vector<16xi32>
    %add3A_738 = arith.constant 512 : i32
    %add3A_739 = arith.addi %mul3A_2, %add3A_738 : i32
    %lt3A_740 = vector.broadcast %add3A_739 : i32 to vector<16xi32>
    %lt3A_741 = arith.cmpi slt, %add3A_735, %lt3A_740 : vector<16xi32>
    %and3A_742 = arith.andi %ge3A_737, %lt3A_741 : vector<16xi1>
    %sub3A_743 = vector.broadcast %mul3A_2 : i32 to vector<16xi32>
    %sub3A_744 = arith.subi %add3A_735, %sub3A_743 : vector<16xi32>
    %jit3A_745 = arith.constant 0 : i32
    %broadcast_in_dim3A_746 = vector.broadcast %jit3A_745 : i32 to vector<16xi32>
    %select_n3A_747 = arith.select %and3A_742, %sub3A_744, %broadcast_in_dim3A_746 : vector<16xi1>, vector<16xi32>
    tpu.vector_store_idx %arg4[%select_n3A_747], %broadcast_in_dim3A_324 masked %and3A_742 : memref<2560xf32, #tpu.memory_space<vmem>>[vector<16xi32>], vector<16xf32>, vector<16xi1>
    %add3A_748 = arith.constant 512 : i32
    %add3A_749 = vector.broadcast %add3A_748 : i32 to vector<16xi32>
    %add3A_750 = arith.addi %select_n3A_747, %add3A_749 : vector<16xi32>
    tpu.vector_store_idx %arg4[%add3A_750], %gather3A_711 masked %and3A_742 : memref<2560xf32, #tpu.memory_space<vmem>>[vector<16xi32>], vector<16xf32>, vector<16xi1>
    %add3A_751 = arith.constant 1024 : i32
    %add3A_752 = vector.broadcast %add3A_751 : i32 to vector<16xi32>
    %add3A_753 = arith.addi %select_n3A_747, %add3A_752 : vector<16xi32>
    tpu.vector_store_idx %arg4[%add3A_753], %gather3A_715 masked %and3A_742 : memref<2560xf32, #tpu.memory_space<vmem>>[vector<16xi32>], vector<16xf32>, vector<16xi1>
    %add3A_754 = arith.constant 1536 : i32
    %add3A_755 = vector.broadcast %add3A_754 : i32 to vector<16xi32>
    %add3A_756 = arith.addi %select_n3A_747, %add3A_755 : vector<16xi32>
    tpu.vector_store_idx %arg4[%add3A_756], %gather3A_719 masked %and3A_742 : memref<2560xf32, #tpu.memory_space<vmem>>[vector<16xi32>], vector<16xf32>, vector<16xi1>
    %add3A_757 = arith.constant 2048 : i32
    %add3A_758 = vector.broadcast %add3A_757 : i32 to vector<16xi32>
    %add3A_759 = arith.addi %select_n3A_747, %add3A_758 : vector<16xi32>
    tpu.vector_store_idx %arg4[%add3A_759], %gather3A_723 masked %and3A_742 : memref<2560xf32, #tpu.memory_space<vmem>>[vector<16xi32>], vector<16xf32>, vector<16xi1>
    %add3A_760 = arith.constant 768 : i32
    %add3A_761 = vector.broadcast %add3A_760 : i32 to vector<16xi32>
    %add3A_762 = arith.addi %mul3A_327, %add3A_761 : vector<16xi32>
    %add3A_763 = arith.constant 2 : i32
    %add3A_764 = vector.broadcast %add3A_763 : i32 to vector<16xi32>
    %add3A_765 = arith.addi %add3A_762, %add3A_764 : vector<16xi32>
    %gather3A_766 = tpu.vector_load_idx %arg5[%add3A_765] : memref<3072xf32, #tpu.memory_space<vmem>>[vector<16xi32>], vector<16xf32>,
    %add3A_767 = arith.constant 3 : i32
    %add3A_768 = vector.broadcast %add3A_767 : i32 to vector<16xi32>
    %add3A_769 = arith.addi %add3A_762, %add3A_768 : vector<16xi32>
    %gather3A_770 = tpu.vector_load_idx %arg5[%add3A_769] : memref<3072xf32, #tpu.memory_space<vmem>>[vector<16xi32>], vector<16xf32>,
    %add3A_771 = arith.constant 4 : i32
    %add3A_772 = vector.broadcast %add3A_771 : i32 to vector<16xi32>
    %add3A_773 = arith.addi %add3A_762, %add3A_772 : vector<16xi32>
    %gather3A_774 = tpu.vector_load_idx %arg5[%add3A_773] : memref<3072xf32, #tpu.memory_space<vmem>>[vector<16xi32>], vector<16xf32>,
    %add3A_775 = arith.constant 5 : i32
    %add3A_776 = vector.broadcast %add3A_775 : i32 to vector<16xi32>
    %add3A_777 = arith.addi %add3A_762, %add3A_776 : vector<16xi32>
    %gather3A_778 = tpu.vector_load_idx %arg5[%add3A_777] : memref<3072xf32, #tpu.memory_space<vmem>>[vector<16xi32>], vector<16xf32>,
    %mul3A_779 = arith.constant 1.280000e+02 : f32
    %mul3A_780 = vector.broadcast %mul3A_779 : f32 to vector<16xf32>
    %mul3A_781 = arith.mulf %gather3A_770, %mul3A_780 : vector<16xf32>
    %convert_element_type3A_782 = arith.fptosi %mul3A_781 : vector<16xf32> to vector<16xi32>
    %mul3A_783 = arith.constant 128 : i32
    %mul3A_784 = vector.broadcast %mul3A_783 : i32 to vector<16xi32>
    %mul3A_785 = arith.muli %convert_element_type3A_782, %mul3A_784 : vector<16xi32>
    %mul3A_786 = arith.constant 1.280000e+02 : f32
    %mul3A_787 = vector.broadcast %mul3A_786 : f32 to vector<16xf32>
    %mul3A_788 = arith.mulf %gather3A_766, %mul3A_787 : vector<16xf32>
    %convert_element_type3A_789 = arith.fptosi %mul3A_788 : vector<16xf32> to vector<16xi32>
    %add3A_790 = arith.addi %mul3A_785, %convert_element_type3A_789 : vector<16xi32>
    %ge3A_791 = vector.broadcast %mul3A_2 : i32 to vector<16xi32>
    %ge3A_792 = arith.cmpi sge, %add3A_790, %ge3A_791 : vector<16xi32>
    %add3A_793 = arith.constant 512 : i32
    %add3A_794 = arith.addi %mul3A_2, %add3A_793 : i32
    %lt3A_795 = vector.broadcast %add3A_794 : i32 to vector<16xi32>
    %lt3A_796 = arith.cmpi slt, %add3A_790, %lt3A_795 : vector<16xi32>
    %and3A_797 = arith.andi %ge3A_792, %lt3A_796 : vector<16xi1>
    %sub3A_798 = vector.broadcast %mul3A_2 : i32 to vector<16xi32>
    %sub3A_799 = arith.subi %add3A_790, %sub3A_798 : vector<16xi32>
    %jit3A_800 = arith.constant 0 : i32
    %broadcast_in_dim3A_801 = vector.broadcast %jit3A_800 : i32 to vector<16xi32>
    %select_n3A_802 = arith.select %and3A_797, %sub3A_799, %broadcast_in_dim3A_801 : vector<16xi1>, vector<16xi32>
    tpu.vector_store_idx %arg4[%select_n3A_802], %broadcast_in_dim3A_324 masked %and3A_797 : memref<2560xf32, #tpu.memory_space<vmem>>[vector<16xi32>], vector<16xf32>, vector<16xi1>
    %add3A_803 = arith.constant 512 : i32
    %add3A_804 = vector.broadcast %add3A_803 : i32 to vector<16xi32>
    %add3A_805 = arith.addi %select_n3A_802, %add3A_804 : vector<16xi32>
    tpu.vector_store_idx %arg4[%add3A_805], %gather3A_766 masked %and3A_797 : memref<2560xf32, #tpu.memory_space<vmem>>[vector<16xi32>], vector<16xf32>, vector<16xi1>
    %add3A_806 = arith.constant 1024 : i32
    %add3A_807 = vector.broadcast %add3A_806 : i32 to vector<16xi32>
    %add3A_808 = arith.addi %select_n3A_802, %add3A_807 : vector<16xi32>
    tpu.vector_store_idx %arg4[%add3A_808], %gather3A_770 masked %and3A_797 : memref<2560xf32, #tpu.memory_space<vmem>>[vector<16xi32>], vector<16xf32>, vector<16xi1>
    %add3A_809 = arith.constant 1536 : i32
    %add3A_810 = vector.broadcast %add3A_809 : i32 to vector<16xi32>
    %add3A_811 = arith.addi %select_n3A_802, %add3A_810 : vector<16xi32>
    tpu.vector_store_idx %arg4[%add3A_811], %gather3A_774 masked %and3A_797 : memref<2560xf32, #tpu.memory_space<vmem>>[vector<16xi32>], vector<16xf32>, vector<16xi1>
    %add3A_812 = arith.constant 2048 : i32
    %add3A_813 = vector.broadcast %add3A_812 : i32 to vector<16xi32>
    %add3A_814 = arith.addi %select_n3A_802, %add3A_813 : vector<16xi32>
    tpu.vector_store_idx %arg4[%add3A_814], %gather3A_778 masked %and3A_797 : memref<2560xf32, #tpu.memory_space<vmem>>[vector<16xi32>], vector<16xf32>, vector<16xi1>
    %add3A_815 = arith.constant 864 : i32
    %add3A_816 = vector.broadcast %add3A_815 : i32 to vector<16xi32>
    %add3A_817 = arith.addi %mul3A_327, %add3A_816 : vector<16xi32>
    %add3A_818 = arith.constant 2 : i32
    %add3A_819 = vector.broadcast %add3A_818 : i32 to vector<16xi32>
    %add3A_820 = arith.addi %add3A_817, %add3A_819 : vector<16xi32>
    %gather3A_821 = tpu.vector_load_idx %arg5[%add3A_820] : memref<3072xf32, #tpu.memory_space<vmem>>[vector<16xi32>], vector<16xf32>,
    %add3A_822 = arith.constant 3 : i32
    %add3A_823 = vector.broadcast %add3A_822 : i32 to vector<16xi32>
    %add3A_824 = arith.addi %add3A_817, %add3A_823 : vector<16xi32>
    %gather3A_825 = tpu.vector_load_idx %arg5[%add3A_824] : memref<3072xf32, #tpu.memory_space<vmem>>[vector<16xi32>], vector<16xf32>,
    %add3A_826 = arith.constant 4 : i32
    %add3A_827 = vector.broadcast %add3A_826 : i32 to vector<16xi32>
    %add3A_828 = arith.addi %add3A_817, %add3A_827 : vector<16xi32>
    %gather3A_829 = tpu.vector_load_idx %arg5[%add3A_828] : memref<3072xf32, #tpu.memory_space<vmem>>[vector<16xi32>], vector<16xf32>,
    %add3A_830 = arith.constant 5 : i32
    %add3A_831 = vector.broadcast %add3A_830 : i32 to vector<16xi32>
    %add3A_832 = arith.addi %add3A_817, %add3A_831 : vector<16xi32>
    %gather3A_833 = tpu.vector_load_idx %arg5[%add3A_832] : memref<3072xf32, #tpu.memory_space<vmem>>[vector<16xi32>], vector<16xf32>,
    %mul3A_834 = arith.constant 1.280000e+02 : f32
    %mul3A_835 = vector.broadcast %mul3A_834 : f32 to vector<16xf32>
    %mul3A_836 = arith.mulf %gather3A_825, %mul3A_835 : vector<16xf32>
    %convert_element_type3A_837 = arith.fptosi %mul3A_836 : vector<16xf32> to vector<16xi32>
    %mul3A_838 = arith.constant 128 : i32
    %mul3A_839 = vector.broadcast %mul3A_838 : i32 to vector<16xi32>
    %mul3A_840 = arith.muli %convert_element_type3A_837, %mul3A_839 : vector<16xi32>
    %mul3A_841 = arith.constant 1.280000e+02 : f32
    %mul3A_842 = vector.broadcast %mul3A_841 : f32 to vector<16xf32>
    %mul3A_843 = arith.mulf %gather3A_821, %mul3A_842 : vector<16xf32>
    %convert_element_type3A_844 = arith.fptosi %mul3A_843 : vector<16xf32> to vector<16xi32>
    %add3A_845 = arith.addi %mul3A_840, %convert_element_type3A_844 : vector<16xi32>
    %ge3A_846 = vector.broadcast %mul3A_2 : i32 to vector<16xi32>
    %ge3A_847 = arith.cmpi sge, %add3A_845, %ge3A_846 : vector<16xi32>
    %add3A_848 = arith.constant 512 : i32
    %add3A_849 = arith.addi %mul3A_2, %add3A_848 : i32
    %lt3A_850 = vector.broadcast %add3A_849 : i32 to vector<16xi32>
    %lt3A_851 = arith.cmpi slt, %add3A_845, %lt3A_850 : vector<16xi32>
    %and3A_852 = arith.andi %ge3A_847, %lt3A_851 : vector<16xi1>
    %sub3A_853 = vector.broadcast %mul3A_2 : i32 to vector<16xi32>
    %sub3A_854 = arith.subi %add3A_845, %sub3A_853 : vector<16xi32>
    %jit3A_855 = arith.constant 0 : i32
    %broadcast_in_dim3A_856 = vector.broadcast %jit3A_855 : i32 to vector<16xi32>
    %select_n3A_857 = arith.select %and3A_852, %sub3A_854, %broadcast_in_dim3A_856 : vector<16xi1>, vector<16xi32>
    tpu.vector_store_idx %arg4[%select_n3A_857], %broadcast_in_dim3A_324 masked %and3A_852 : memref<2560xf32, #tpu.memory_space<vmem>>[vector<16xi32>], vector<16xf32>, vector<16xi1>
    %add3A_858 = arith.constant 512 : i32
    %add3A_859 = vector.broadcast %add3A_858 : i32 to vector<16xi32>
    %add3A_860 = arith.addi %select_n3A_857, %add3A_859 : vector<16xi32>
    tpu.vector_store_idx %arg4[%add3A_860], %gather3A_821 masked %and3A_852 : memref<2560xf32, #tpu.memory_space<vmem>>[vector<16xi32>], vector<16xf32>, vector<16xi1>
    %add3A_861 = arith.constant 1024 : i32
    %add3A_862 = vector.broadcast %add3A_861 : i32 to vector<16xi32>
    %add3A_863 = arith.addi %select_n3A_857, %add3A_862 : vector<16xi32>
    tpu.vector_store_idx %arg4[%add3A_863], %gather3A_825 masked %and3A_852 : memref<2560xf32, #tpu.memory_space<vmem>>[vector<16xi32>], vector<16xf32>, vector<16xi1>
    %add3A_864 = arith.constant 1536 : i32
    %add3A_865 = vector.broadcast %add3A_864 : i32 to vector<16xi32>
    %add3A_866 = arith.addi %select_n3A_857, %add3A_865 : vector<16xi32>
    tpu.vector_store_idx %arg4[%add3A_866], %gather3A_829 masked %and3A_852 : memref<2560xf32, #tpu.memory_space<vmem>>[vector<16xi32>], vector<16xf32>, vector<16xi1>
    %add3A_867 = arith.constant 2048 : i32
    %add3A_868 = vector.broadcast %add3A_867 : i32 to vector<16xi32>
    %add3A_869 = arith.addi %select_n3A_857, %add3A_868 : vector<16xi32>
    tpu.vector_store_idx %arg4[%add3A_869], %gather3A_833 masked %and3A_852 : memref<2560xf32, #tpu.memory_space<vmem>>[vector<16xi32>], vector<16xf32>, vector<16xi1>
    %add3A_870 = arith.constant 960 : i32
    %add3A_871 = vector.broadcast %add3A_870 : i32 to vector<16xi32>
    %add3A_872 = arith.addi %mul3A_327, %add3A_871 : vector<16xi32>
    %add3A_873 = arith.constant 2 : i32
    %add3A_874 = vector.broadcast %add3A_873 : i32 to vector<16xi32>
    %add3A_875 = arith.addi %add3A_872, %add3A_874 : vector<16xi32>
    %gather3A_876 = tpu.vector_load_idx %arg5[%add3A_875] : memref<3072xf32, #tpu.memory_space<vmem>>[vector<16xi32>], vector<16xf32>,
    %add3A_877 = arith.constant 3 : i32
    %add3A_878 = vector.broadcast %add3A_877 : i32 to vector<16xi32>
    %add3A_879 = arith.addi %add3A_872, %add3A_878 : vector<16xi32>
    %gather3A_880 = tpu.vector_load_idx %arg5[%add3A_879] : memref<3072xf32, #tpu.memory_space<vmem>>[vector<16xi32>], vector<16xf32>,
    %add3A_881 = arith.constant 4 : i32
    %add3A_882 = vector.broadcast %add3A_881 : i32 to vector<16xi32>
    %add3A_883 = arith.addi %add3A_872, %add3A_882 : vector<16xi32>
    %gather3A_884 = tpu.vector_load_idx %arg5[%add3A_883] : memref<3072xf32, #tpu.memory_space<vmem>>[vector<16xi32>], vector<16xf32>,
    %add3A_885 = arith.constant 5 : i32
    %add3A_886 = vector.broadcast %add3A_885 : i32 to vector<16xi32>
    %add3A_887 = arith.addi %add3A_872, %add3A_886 : vector<16xi32>
    %gather3A_888 = tpu.vector_load_idx %arg5[%add3A_887] : memref<3072xf32, #tpu.memory_space<vmem>>[vector<16xi32>], vector<16xf32>,
    %mul3A_889 = arith.constant 1.280000e+02 : f32
    %mul3A_890 = vector.broadcast %mul3A_889 : f32 to vector<16xf32>
    %mul3A_891 = arith.mulf %gather3A_880, %mul3A_890 : vector<16xf32>
    %convert_element_type3A_892 = arith.fptosi %mul3A_891 : vector<16xf32> to vector<16xi32>
    %mul3A_893 = arith.constant 128 : i32
    %mul3A_894 = vector.broadcast %mul3A_893 : i32 to vector<16xi32>
    %mul3A_895 = arith.muli %convert_element_type3A_892, %mul3A_894 : vector<16xi32>
    %mul3A_896 = arith.constant 1.280000e+02 : f32
    %mul3A_897 = vector.broadcast %mul3A_896 : f32 to vector<16xf32>
    %mul3A_898 = arith.mulf %gather3A_876, %mul3A_897 : vector<16xf32>
    %convert_element_type3A_899 = arith.fptosi %mul3A_898 : vector<16xf32> to vector<16xi32>
    %add3A_900 = arith.addi %mul3A_895, %convert_element_type3A_899 : vector<16xi32>
    %ge3A_901 = vector.broadcast %mul3A_2 : i32 to vector<16xi32>
    %ge3A_902 = arith.cmpi sge, %add3A_900, %ge3A_901 : vector<16xi32>
    %add3A_903 = arith.constant 512 : i32
    %add3A_904 = arith.addi %mul3A_2, %add3A_903 : i32
    %lt3A_905 = vector.broadcast %add3A_904 : i32 to vector<16xi32>
    %lt3A_906 = arith.cmpi slt, %add3A_900, %lt3A_905 : vector<16xi32>
    %and3A_907 = arith.andi %ge3A_902, %lt3A_906 : vector<16xi1>
    %sub3A_908 = vector.broadcast %mul3A_2 : i32 to vector<16xi32>
    %sub3A_909 = arith.subi %add3A_900, %sub3A_908 : vector<16xi32>
    %jit3A_910 = arith.constant 0 : i32
    %broadcast_in_dim3A_911 = vector.broadcast %jit3A_910 : i32 to vector<16xi32>
    %select_n3A_912 = arith.select %and3A_907, %sub3A_909, %broadcast_in_dim3A_911 : vector<16xi1>, vector<16xi32>
    tpu.vector_store_idx %arg4[%select_n3A_912], %broadcast_in_dim3A_324 masked %and3A_907 : memref<2560xf32, #tpu.memory_space<vmem>>[vector<16xi32>], vector<16xf32>, vector<16xi1>
    %add3A_913 = arith.constant 512 : i32
    %add3A_914 = vector.broadcast %add3A_913 : i32 to vector<16xi32>
    %add3A_915 = arith.addi %select_n3A_912, %add3A_914 : vector<16xi32>
    tpu.vector_store_idx %arg4[%add3A_915], %gather3A_876 masked %and3A_907 : memref<2560xf32, #tpu.memory_space<vmem>>[vector<16xi32>], vector<16xf32>, vector<16xi1>
    %add3A_916 = arith.constant 1024 : i32
    %add3A_917 = vector.broadcast %add3A_916 : i32 to vector<16xi32>
    %add3A_918 = arith.addi %select_n3A_912, %add3A_917 : vector<16xi32>
    tpu.vector_store_idx %arg4[%add3A_918], %gather3A_880 masked %and3A_907 : memref<2560xf32, #tpu.memory_space<vmem>>[vector<16xi32>], vector<16xf32>, vector<16xi1>
    %add3A_919 = arith.constant 1536 : i32
    %add3A_920 = vector.broadcast %add3A_919 : i32 to vector<16xi32>
    %add3A_921 = arith.addi %select_n3A_912, %add3A_920 : vector<16xi32>
    tpu.vector_store_idx %arg4[%add3A_921], %gather3A_884 masked %and3A_907 : memref<2560xf32, #tpu.memory_space<vmem>>[vector<16xi32>], vector<16xf32>, vector<16xi1>
    %add3A_922 = arith.constant 2048 : i32
    %add3A_923 = vector.broadcast %add3A_922 : i32 to vector<16xi32>
    %add3A_924 = arith.addi %select_n3A_912, %add3A_923 : vector<16xi32>
    tpu.vector_store_idx %arg4[%add3A_924], %gather3A_888 masked %and3A_907 : memref<2560xf32, #tpu.memory_space<vmem>>[vector<16xi32>], vector<16xf32>, vector<16xi1>
    %add3A_925 = arith.constant 1056 : i32
    %add3A_926 = vector.broadcast %add3A_925 : i32 to vector<16xi32>
    %add3A_927 = arith.addi %mul3A_327, %add3A_926 : vector<16xi32>
    %add3A_928 = arith.constant 2 : i32
    %add3A_929 = vector.broadcast %add3A_928 : i32 to vector<16xi32>
    %add3A_930 = arith.addi %add3A_927, %add3A_929 : vector<16xi32>
    %gather3A_931 = tpu.vector_load_idx %arg5[%add3A_930] : memref<3072xf32, #tpu.memory_space<vmem>>[vector<16xi32>], vector<16xf32>,
    %add3A_932 = arith.constant 3 : i32
    %add3A_933 = vector.broadcast %add3A_932 : i32 to vector<16xi32>
    %add3A_934 = arith.addi %add3A_927, %add3A_933 : vector<16xi32>
    %gather3A_935 = tpu.vector_load_idx %arg5[%add3A_934] : memref<3072xf32, #tpu.memory_space<vmem>>[vector<16xi32>], vector<16xf32>,
    %add3A_936 = arith.constant 4 : i32
    %add3A_937 = vector.broadcast %add3A_936 : i32 to vector<16xi32>
    %add3A_938 = arith.addi %add3A_927, %add3A_937 : vector<16xi32>
    %gather3A_939 = tpu.vector_load_idx %arg5[%add3A_938] : memref<3072xf32, #tpu.memory_space<vmem>>[vector<16xi32>], vector<16xf32>,
    %add3A_940 = arith.constant 5 : i32
    %add3A_941 = vector.broadcast %add3A_940 : i32 to vector<16xi32>
    %add3A_942 = arith.addi %add3A_927, %add3A_941 : vector<16xi32>
    %gather3A_943 = tpu.vector_load_idx %arg5[%add3A_942] : memref<3072xf32, #tpu.memory_space<vmem>>[vector<16xi32>], vector<16xf32>,
    %mul3A_944 = arith.constant 1.280000e+02 : f32
    %mul3A_945 = vector.broadcast %mul3A_944 : f32 to vector<16xf32>
    %mul3A_946 = arith.mulf %gather3A_935, %mul3A_945 : vector<16xf32>
    %convert_element_type3A_947 = arith.fptosi %mul3A_946 : vector<16xf32> to vector<16xi32>
    %mul3A_948 = arith.constant 128 : i32
    %mul3A_949 = vector.broadcast %mul3A_948 : i32 to vector<16xi32>
    %mul3A_950 = arith.muli %convert_element_type3A_947, %mul3A_949 : vector<16xi32>
    %mul3A_951 = arith.constant 1.280000e+02 : f32
    %mul3A_952 = vector.broadcast %mul3A_951 : f32 to vector<16xf32>
    %mul3A_953 = arith.mulf %gather3A_931, %mul3A_952 : vector<16xf32>
    %convert_element_type3A_954 = arith.fptosi %mul3A_953 : vector<16xf32> to vector<16xi32>
    %add3A_955 = arith.addi %mul3A_950, %convert_element_type3A_954 : vector<16xi32>
    %ge3A_956 = vector.broadcast %mul3A_2 : i32 to vector<16xi32>
    %ge3A_957 = arith.cmpi sge, %add3A_955, %ge3A_956 : vector<16xi32>
    %add3A_958 = arith.constant 512 : i32
    %add3A_959 = arith.addi %mul3A_2, %add3A_958 : i32
    %lt3A_960 = vector.broadcast %add3A_959 : i32 to vector<16xi32>
    %lt3A_961 = arith.cmpi slt, %add3A_955, %lt3A_960 : vector<16xi32>
    %and3A_962 = arith.andi %ge3A_957, %lt3A_961 : vector<16xi1>
    %sub3A_963 = vector.broadcast %mul3A_2 : i32 to vector<16xi32>
    %sub3A_964 = arith.subi %add3A_955, %sub3A_963 : vector<16xi32>
    %jit3A_965 = arith.constant 0 : i32
    %broadcast_in_dim3A_966 = vector.broadcast %jit3A_965 : i32 to vector<16xi32>
    %select_n3A_967 = arith.select %and3A_962, %sub3A_964, %broadcast_in_dim3A_966 : vector<16xi1>, vector<16xi32>
    tpu.vector_store_idx %arg4[%select_n3A_967], %broadcast_in_dim3A_324 masked %and3A_962 : memref<2560xf32, #tpu.memory_space<vmem>>[vector<16xi32>], vector<16xf32>, vector<16xi1>
    %add3A_968 = arith.constant 512 : i32
    %add3A_969 = vector.broadcast %add3A_968 : i32 to vector<16xi32>
    %add3A_970 = arith.addi %select_n3A_967, %add3A_969 : vector<16xi32>
    tpu.vector_store_idx %arg4[%add3A_970], %gather3A_931 masked %and3A_962 : memref<2560xf32, #tpu.memory_space<vmem>>[vector<16xi32>], vector<16xf32>, vector<16xi1>
    %add3A_971 = arith.constant 1024 : i32
    %add3A_972 = vector.broadcast %add3A_971 : i32 to vector<16xi32>
    %add3A_973 = arith.addi %select_n3A_967, %add3A_972 : vector<16xi32>
    tpu.vector_store_idx %arg4[%add3A_973], %gather3A_935 masked %and3A_962 : memref<2560xf32, #tpu.memory_space<vmem>>[vector<16xi32>], vector<16xf32>, vector<16xi1>
    %add3A_974 = arith.constant 1536 : i32
    %add3A_975 = vector.broadcast %add3A_974 : i32 to vector<16xi32>
    %add3A_976 = arith.addi %select_n3A_967, %add3A_975 : vector<16xi32>
    tpu.vector_store_idx %arg4[%add3A_976], %gather3A_939 masked %and3A_962 : memref<2560xf32, #tpu.memory_space<vmem>>[vector<16xi32>], vector<16xf32>, vector<16xi1>
    %add3A_977 = arith.constant 2048 : i32
    %add3A_978 = vector.broadcast %add3A_977 : i32 to vector<16xi32>
    %add3A_979 = arith.addi %select_n3A_967, %add3A_978 : vector<16xi32>
    tpu.vector_store_idx %arg4[%add3A_979], %gather3A_943 masked %and3A_962 : memref<2560xf32, #tpu.memory_space<vmem>>[vector<16xi32>], vector<16xf32>, vector<16xi1>
    %add3A_980 = arith.constant 1152 : i32
    %add3A_981 = vector.broadcast %add3A_980 : i32 to vector<16xi32>
    %add3A_982 = arith.addi %mul3A_327, %add3A_981 : vector<16xi32>
    %add3A_983 = arith.constant 2 : i32
    %add3A_984 = vector.broadcast %add3A_983 : i32 to vector<16xi32>
    %add3A_985 = arith.addi %add3A_982, %add3A_984 : vector<16xi32>
    %gather3A_986 = tpu.vector_load_idx %arg5[%add3A_985] : memref<3072xf32, #tpu.memory_space<vmem>>[vector<16xi32>], vector<16xf32>,
    %add3A_987 = arith.constant 3 : i32
    %add3A_988 = vector.broadcast %add3A_987 : i32 to vector<16xi32>
    %add3A_989 = arith.addi %add3A_982, %add3A_988 : vector<16xi32>
    %gather3A_990 = tpu.vector_load_idx %arg5[%add3A_989] : memref<3072xf32, #tpu.memory_space<vmem>>[vector<16xi32>], vector<16xf32>,
    %add3A_991 = arith.constant 4 : i32
    %add3A_992 = vector.broadcast %add3A_991 : i32 to vector<16xi32>
    %add3A_993 = arith.addi %add3A_982, %add3A_992 : vector<16xi32>
    %gather3A_994 = tpu.vector_load_idx %arg5[%add3A_993] : memref<3072xf32, #tpu.memory_space<vmem>>[vector<16xi32>], vector<16xf32>,
    %add3A_995 = arith.constant 5 : i32
    %add3A_996 = vector.broadcast %add3A_995 : i32 to vector<16xi32>
    %add3A_997 = arith.addi %add3A_982, %add3A_996 : vector<16xi32>
    %gather3A_998 = tpu.vector_load_idx %arg5[%add3A_997] : memref<3072xf32, #tpu.memory_space<vmem>>[vector<16xi32>], vector<16xf32>,
    %mul3A_999 = arith.constant 1.280000e+02 : f32
    %mul3A_1000 = vector.broadcast %mul3A_999 : f32 to vector<16xf32>
    %mul3A_1001 = arith.mulf %gather3A_990, %mul3A_1000 : vector<16xf32>
    %convert_element_type3A_1002 = arith.fptosi %mul3A_1001 : vector<16xf32> to vector<16xi32>
    %mul3A_1003 = arith.constant 128 : i32
    %mul3A_1004 = vector.broadcast %mul3A_1003 : i32 to vector<16xi32>
    %mul3A_1005 = arith.muli %convert_element_type3A_1002, %mul3A_1004 : vector<16xi32>
    %mul3A_1006 = arith.constant 1.280000e+02 : f32
    %mul3A_1007 = vector.broadcast %mul3A_1006 : f32 to vector<16xf32>
    %mul3A_1008 = arith.mulf %gather3A_986, %mul3A_1007 : vector<16xf32>
    %convert_element_type3A_1009 = arith.fptosi %mul3A_1008 : vector<16xf32> to vector<16xi32>
    %add3A_1010 = arith.addi %mul3A_1005, %convert_element_type3A_1009 : vector<16xi32>
    %ge3A_1011 = vector.broadcast %mul3A_2 : i32 to vector<16xi32>
    %ge3A_1012 = arith.cmpi sge, %add3A_1010, %ge3A_1011 : vector<16xi32>
    %add3A_1013 = arith.constant 512 : i32
    %add3A_1014 = arith.addi %mul3A_2, %add3A_1013 : i32
    %lt3A_1015 = vector.broadcast %add3A_1014 : i32 to vector<16xi32>
    %lt3A_1016 = arith.cmpi slt, %add3A_1010, %lt3A_1015 : vector<16xi32>
    %and3A_1017 = arith.andi %ge3A_1012, %lt3A_1016 : vector<16xi1>
    %sub3A_1018 = vector.broadcast %mul3A_2 : i32 to vector<16xi32>
    %sub3A_1019 = arith.subi %add3A_1010, %sub3A_1018 : vector<16xi32>
    %jit3A_1020 = arith.constant 0 : i32
    %broadcast_in_dim3A_1021 = vector.broadcast %jit3A_1020 : i32 to vector<16xi32>
    %select_n3A_1022 = arith.select %and3A_1017, %sub3A_1019, %broadcast_in_dim3A_1021 : vector<16xi1>, vector<16xi32>
    tpu.vector_store_idx %arg4[%select_n3A_1022], %broadcast_in_dim3A_324 masked %and3A_1017 : memref<2560xf32, #tpu.memory_space<vmem>>[vector<16xi32>], vector<16xf32>, vector<16xi1>
    %add3A_1023 = arith.constant 512 : i32
    %add3A_1024 = vector.broadcast %add3A_1023 : i32 to vector<16xi32>
    %add3A_1025 = arith.addi %select_n3A_1022, %add3A_1024 : vector<16xi32>
    tpu.vector_store_idx %arg4[%add3A_1025], %gather3A_986 masked %and3A_1017 : memref<2560xf32, #tpu.memory_space<vmem>>[vector<16xi32>], vector<16xf32>, vector<16xi1>
    %add3A_1026 = arith.constant 1024 : i32
    %add3A_1027 = vector.broadcast %add3A_1026 : i32 to vector<16xi32>
    %add3A_1028 = arith.addi %select_n3A_1022, %add3A_1027 : vector<16xi32>
    tpu.vector_store_idx %arg4[%add3A_1028], %gather3A_990 masked %and3A_1017 : memref<2560xf32, #tpu.memory_space<vmem>>[vector<16xi32>], vector<16xf32>, vector<16xi1>
    %add3A_1029 = arith.constant 1536 : i32
    %add3A_1030 = vector.broadcast %add3A_1029 : i32 to vector<16xi32>
    %add3A_1031 = arith.addi %select_n3A_1022, %add3A_1030 : vector<16xi32>
    tpu.vector_store_idx %arg4[%add3A_1031], %gather3A_994 masked %and3A_1017 : memref<2560xf32, #tpu.memory_space<vmem>>[vector<16xi32>], vector<16xf32>, vector<16xi1>
    %add3A_1032 = arith.constant 2048 : i32
    %add3A_1033 = vector.broadcast %add3A_1032 : i32 to vector<16xi32>
    %add3A_1034 = arith.addi %select_n3A_1022, %add3A_1033 : vector<16xi32>
    tpu.vector_store_idx %arg4[%add3A_1034], %gather3A_998 masked %and3A_1017 : memref<2560xf32, #tpu.memory_space<vmem>>[vector<16xi32>], vector<16xf32>, vector<16xi1>
    %add3A_1035 = arith.constant 1248 : i32
    %add3A_1036 = vector.broadcast %add3A_1035 : i32 to vector<16xi32>
    %add3A_1037 = arith.addi %mul3A_327, %add3A_1036 : vector<16xi32>
    %add3A_1038 = arith.constant 2 : i32
    %add3A_1039 = vector.broadcast %add3A_1038 : i32 to vector<16xi32>
    %add3A_1040 = arith.addi %add3A_1037, %add3A_1039 : vector<16xi32>
    %gather3A_1041 = tpu.vector_load_idx %arg5[%add3A_1040] : memref<3072xf32, #tpu.memory_space<vmem>>[vector<16xi32>], vector<16xf32>,
    %add3A_1042 = arith.constant 3 : i32
    %add3A_1043 = vector.broadcast %add3A_1042 : i32 to vector<16xi32>
    %add3A_1044 = arith.addi %add3A_1037, %add3A_1043 : vector<16xi32>
    %gather3A_1045 = tpu.vector_load_idx %arg5[%add3A_1044] : memref<3072xf32, #tpu.memory_space<vmem>>[vector<16xi32>], vector<16xf32>,
    %add3A_1046 = arith.constant 4 : i32
    %add3A_1047 = vector.broadcast %add3A_1046 : i32 to vector<16xi32>
    %add3A_1048 = arith.addi %add3A_1037, %add3A_1047 : vector<16xi32>
    %gather3A_1049 = tpu.vector_load_idx %arg5[%add3A_1048] : memref<3072xf32, #tpu.memory_space<vmem>>[vector<16xi32>], vector<16xf32>,
    %add3A_1050 = arith.constant 5 : i32
    %add3A_1051 = vector.broadcast %add3A_1050 : i32 to vector<16xi32>
    %add3A_1052 = arith.addi %add3A_1037, %add3A_1051 : vector<16xi32>
    %gather3A_1053 = tpu.vector_load_idx %arg5[%add3A_1052] : memref<3072xf32, #tpu.memory_space<vmem>>[vector<16xi32>], vector<16xf32>,
    %mul3A_1054 = arith.constant 1.280000e+02 : f32
    %mul3A_1055 = vector.broadcast %mul3A_1054 : f32 to vector<16xf32>
    %mul3A_1056 = arith.mulf %gather3A_1045, %mul3A_1055 : vector<16xf32>
    %convert_element_type3A_1057 = arith.fptosi %mul3A_1056 : vector<16xf32> to vector<16xi32>
    %mul3A_1058 = arith.constant 128 : i32
    %mul3A_1059 = vector.broadcast %mul3A_1058 : i32 to vector<16xi32>
    %mul3A_1060 = arith.muli %convert_element_type3A_1057, %mul3A_1059 : vector<16xi32>
    %mul3A_1061 = arith.constant 1.280000e+02 : f32
    %mul3A_1062 = vector.broadcast %mul3A_1061 : f32 to vector<16xf32>
    %mul3A_1063 = arith.mulf %gather3A_1041, %mul3A_1062 : vector<16xf32>
    %convert_element_type3A_1064 = arith.fptosi %mul3A_1063 : vector<16xf32> to vector<16xi32>
    %add3A_1065 = arith.addi %mul3A_1060, %convert_element_type3A_1064 : vector<16xi32>
    %ge3A_1066 = vector.broadcast %mul3A_2 : i32 to vector<16xi32>
    %ge3A_1067 = arith.cmpi sge, %add3A_1065, %ge3A_1066 : vector<16xi32>
    %add3A_1068 = arith.constant 512 : i32
    %add3A_1069 = arith.addi %mul3A_2, %add3A_1068 : i32
    %lt3A_1070 = vector.broadcast %add3A_1069 : i32 to vector<16xi32>
    %lt3A_1071 = arith.cmpi slt, %add3A_1065, %lt3A_1070 : vector<16xi32>
    %and3A_1072 = arith.andi %ge3A_1067, %lt3A_1071 : vector<16xi1>
    %sub3A_1073 = vector.broadcast %mul3A_2 : i32 to vector<16xi32>
    %sub3A_1074 = arith.subi %add3A_1065, %sub3A_1073 : vector<16xi32>
    %jit3A_1075 = arith.constant 0 : i32
    %broadcast_in_dim3A_1076 = vector.broadcast %jit3A_1075 : i32 to vector<16xi32>
    %select_n3A_1077 = arith.select %and3A_1072, %sub3A_1074, %broadcast_in_dim3A_1076 : vector<16xi1>, vector<16xi32>
    tpu.vector_store_idx %arg4[%select_n3A_1077], %broadcast_in_dim3A_324 masked %and3A_1072 : memref<2560xf32, #tpu.memory_space<vmem>>[vector<16xi32>], vector<16xf32>, vector<16xi1>
    %add3A_1078 = arith.constant 512 : i32
    %add3A_1079 = vector.broadcast %add3A_1078 : i32 to vector<16xi32>
    %add3A_1080 = arith.addi %select_n3A_1077, %add3A_1079 : vector<16xi32>
    tpu.vector_store_idx %arg4[%add3A_1080], %gather3A_1041 masked %and3A_1072 : memref<2560xf32, #tpu.memory_space<vmem>>[vector<16xi32>], vector<16xf32>, vector<16xi1>
    %add3A_1081 = arith.constant 1024 : i32
    %add3A_1082 = vector.broadcast %add3A_1081 : i32 to vector<16xi32>
    %add3A_1083 = arith.addi %select_n3A_1077, %add3A_1082 : vector<16xi32>
    tpu.vector_store_idx %arg4[%add3A_1083], %gather3A_1045 masked %and3A_1072 : memref<2560xf32, #tpu.memory_space<vmem>>[vector<16xi32>], vector<16xf32>, vector<16xi1>
    %add3A_1084 = arith.constant 1536 : i32
    %add3A_1085 = vector.broadcast %add3A_1084 : i32 to vector<16xi32>
    %add3A_1086 = arith.addi %select_n3A_1077, %add3A_1085 : vector<16xi32>
    tpu.vector_store_idx %arg4[%add3A_1086], %gather3A_1049 masked %and3A_1072 : memref<2560xf32, #tpu.memory_space<vmem>>[vector<16xi32>], vector<16xf32>, vector<16xi1>
    %add3A_1087 = arith.constant 2048 : i32
    %add3A_1088 = vector.broadcast %add3A_1087 : i32 to vector<16xi32>
    %add3A_1089 = arith.addi %select_n3A_1077, %add3A_1088 : vector<16xi32>
    tpu.vector_store_idx %arg4[%add3A_1089], %gather3A_1053 masked %and3A_1072 : memref<2560xf32, #tpu.memory_space<vmem>>[vector<16xi32>], vector<16xf32>, vector<16xi1>
    %add3A_1090 = arith.constant 1344 : i32
    %add3A_1091 = vector.broadcast %add3A_1090 : i32 to vector<16xi32>
    %add3A_1092 = arith.addi %mul3A_327, %add3A_1091 : vector<16xi32>
    %add3A_1093 = arith.constant 2 : i32
    %add3A_1094 = vector.broadcast %add3A_1093 : i32 to vector<16xi32>
    %add3A_1095 = arith.addi %add3A_1092, %add3A_1094 : vector<16xi32>
    %gather3A_1096 = tpu.vector_load_idx %arg5[%add3A_1095] : memref<3072xf32, #tpu.memory_space<vmem>>[vector<16xi32>], vector<16xf32>,
    %add3A_1097 = arith.constant 3 : i32
    %add3A_1098 = vector.broadcast %add3A_1097 : i32 to vector<16xi32>
    %add3A_1099 = arith.addi %add3A_1092, %add3A_1098 : vector<16xi32>
    %gather3A_1100 = tpu.vector_load_idx %arg5[%add3A_1099] : memref<3072xf32, #tpu.memory_space<vmem>>[vector<16xi32>], vector<16xf32>,
    %add3A_1101 = arith.constant 4 : i32
    %add3A_1102 = vector.broadcast %add3A_1101 : i32 to vector<16xi32>
    %add3A_1103 = arith.addi %add3A_1092, %add3A_1102 : vector<16xi32>
    %gather3A_1104 = tpu.vector_load_idx %arg5[%add3A_1103] : memref<3072xf32, #tpu.memory_space<vmem>>[vector<16xi32>], vector<16xf32>,
    %add3A_1105 = arith.constant 5 : i32
    %add3A_1106 = vector.broadcast %add3A_1105 : i32 to vector<16xi32>
    %add3A_1107 = arith.addi %add3A_1092, %add3A_1106 : vector<16xi32>
    %gather3A_1108 = tpu.vector_load_idx %arg5[%add3A_1107] : memref<3072xf32, #tpu.memory_space<vmem>>[vector<16xi32>], vector<16xf32>,
    %mul3A_1109 = arith.constant 1.280000e+02 : f32
    %mul3A_1110 = vector.broadcast %mul3A_1109 : f32 to vector<16xf32>
    %mul3A_1111 = arith.mulf %gather3A_1100, %mul3A_1110 : vector<16xf32>
    %convert_element_type3A_1112 = arith.fptosi %mul3A_1111 : vector<16xf32> to vector<16xi32>
    %mul3A_1113 = arith.constant 128 : i32
    %mul3A_1114 = vector.broadcast %mul3A_1113 : i32 to vector<16xi32>
    %mul3A_1115 = arith.muli %convert_element_type3A_1112, %mul3A_1114 : vector<16xi32>
    %mul3A_1116 = arith.constant 1.280000e+02 : f32
    %mul3A_1117 = vector.broadcast %mul3A_1116 : f32 to vector<16xf32>
    %mul3A_1118 = arith.mulf %gather3A_1096, %mul3A_1117 : vector<16xf32>
    %convert_element_type3A_1119 = arith.fptosi %mul3A_1118 : vector<16xf32> to vector<16xi32>
    %add3A_1120 = arith.addi %mul3A_1115, %convert_element_type3A_1119 : vector<16xi32>
    %ge3A_1121 = vector.broadcast %mul3A_2 : i32 to vector<16xi32>
    %ge3A_1122 = arith.cmpi sge, %add3A_1120, %ge3A_1121 : vector<16xi32>
    %add3A_1123 = arith.constant 512 : i32
    %add3A_1124 = arith.addi %mul3A_2, %add3A_1123 : i32
    %lt3A_1125 = vector.broadcast %add3A_1124 : i32 to vector<16xi32>
    %lt3A_1126 = arith.cmpi slt, %add3A_1120, %lt3A_1125 : vector<16xi32>
    %and3A_1127 = arith.andi %ge3A_1122, %lt3A_1126 : vector<16xi1>
    %sub3A_1128 = vector.broadcast %mul3A_2 : i32 to vector<16xi32>
    %sub3A_1129 = arith.subi %add3A_1120, %sub3A_1128 : vector<16xi32>
    %jit3A_1130 = arith.constant 0 : i32
    %broadcast_in_dim3A_1131 = vector.broadcast %jit3A_1130 : i32 to vector<16xi32>
    %select_n3A_1132 = arith.select %and3A_1127, %sub3A_1129, %broadcast_in_dim3A_1131 : vector<16xi1>, vector<16xi32>
    tpu.vector_store_idx %arg4[%select_n3A_1132], %broadcast_in_dim3A_324 masked %and3A_1127 : memref<2560xf32, #tpu.memory_space<vmem>>[vector<16xi32>], vector<16xf32>, vector<16xi1>
    %add3A_1133 = arith.constant 512 : i32
    %add3A_1134 = vector.broadcast %add3A_1133 : i32 to vector<16xi32>
    %add3A_1135 = arith.addi %select_n3A_1132, %add3A_1134 : vector<16xi32>
    tpu.vector_store_idx %arg4[%add3A_1135], %gather3A_1096 masked %and3A_1127 : memref<2560xf32, #tpu.memory_space<vmem>>[vector<16xi32>], vector<16xf32>, vector<16xi1>
    %add3A_1136 = arith.constant 1024 : i32
    %add3A_1137 = vector.broadcast %add3A_1136 : i32 to vector<16xi32>
    %add3A_1138 = arith.addi %select_n3A_1132, %add3A_1137 : vector<16xi32>
    tpu.vector_store_idx %arg4[%add3A_1138], %gather3A_1100 masked %and3A_1127 : memref<2560xf32, #tpu.memory_space<vmem>>[vector<16xi32>], vector<16xf32>, vector<16xi1>
    %add3A_1139 = arith.constant 1536 : i32
    %add3A_1140 = vector.broadcast %add3A_1139 : i32 to vector<16xi32>
    %add3A_1141 = arith.addi %select_n3A_1132, %add3A_1140 : vector<16xi32>
    tpu.vector_store_idx %arg4[%add3A_1141], %gather3A_1104 masked %and3A_1127 : memref<2560xf32, #tpu.memory_space<vmem>>[vector<16xi32>], vector<16xf32>, vector<16xi1>
    %add3A_1142 = arith.constant 2048 : i32
    %add3A_1143 = vector.broadcast %add3A_1142 : i32 to vector<16xi32>
    %add3A_1144 = arith.addi %select_n3A_1132, %add3A_1143 : vector<16xi32>
    tpu.vector_store_idx %arg4[%add3A_1144], %gather3A_1108 masked %and3A_1127 : memref<2560xf32, #tpu.memory_space<vmem>>[vector<16xi32>], vector<16xf32>, vector<16xi1>
    %add3A_1145 = arith.constant 1440 : i32
    %add3A_1146 = vector.broadcast %add3A_1145 : i32 to vector<16xi32>
    %add3A_1147 = arith.addi %mul3A_327, %add3A_1146 : vector<16xi32>
    %add3A_1148 = arith.constant 2 : i32
    %add3A_1149 = vector.broadcast %add3A_1148 : i32 to vector<16xi32>
    %add3A_1150 = arith.addi %add3A_1147, %add3A_1149 : vector<16xi32>
    %gather3A_1151 = tpu.vector_load_idx %arg5[%add3A_1150] : memref<3072xf32, #tpu.memory_space<vmem>>[vector<16xi32>], vector<16xf32>,
    %add3A_1152 = arith.constant 3 : i32
    %add3A_1153 = vector.broadcast %add3A_1152 : i32 to vector<16xi32>
    %add3A_1154 = arith.addi %add3A_1147, %add3A_1153 : vector<16xi32>
    %gather3A_1155 = tpu.vector_load_idx %arg5[%add3A_1154] : memref<3072xf32, #tpu.memory_space<vmem>>[vector<16xi32>], vector<16xf32>,
    %add3A_1156 = arith.constant 4 : i32
    %add3A_1157 = vector.broadcast %add3A_1156 : i32 to vector<16xi32>
    %add3A_1158 = arith.addi %add3A_1147, %add3A_1157 : vector<16xi32>
    %gather3A_1159 = tpu.vector_load_idx %arg5[%add3A_1158] : memref<3072xf32, #tpu.memory_space<vmem>>[vector<16xi32>], vector<16xf32>,
    %add3A_1160 = arith.constant 5 : i32
    %add3A_1161 = vector.broadcast %add3A_1160 : i32 to vector<16xi32>
    %add3A_1162 = arith.addi %add3A_1147, %add3A_1161 : vector<16xi32>
    %gather3A_1163 = tpu.vector_load_idx %arg5[%add3A_1162] : memref<3072xf32, #tpu.memory_space<vmem>>[vector<16xi32>], vector<16xf32>,
    %mul3A_1164 = arith.constant 1.280000e+02 : f32
    %mul3A_1165 = vector.broadcast %mul3A_1164 : f32 to vector<16xf32>
    %mul3A_1166 = arith.mulf %gather3A_1155, %mul3A_1165 : vector<16xf32>
    %convert_element_type3A_1167 = arith.fptosi %mul3A_1166 : vector<16xf32> to vector<16xi32>
    %mul3A_1168 = arith.constant 128 : i32
    %mul3A_1169 = vector.broadcast %mul3A_1168 : i32 to vector<16xi32>
    %mul3A_1170 = arith.muli %convert_element_type3A_1167, %mul3A_1169 : vector<16xi32>
    %mul3A_1171 = arith.constant 1.280000e+02 : f32
    %mul3A_1172 = vector.broadcast %mul3A_1171 : f32 to vector<16xf32>
    %mul3A_1173 = arith.mulf %gather3A_1151, %mul3A_1172 : vector<16xf32>
    %convert_element_type3A_1174 = arith.fptosi %mul3A_1173 : vector<16xf32> to vector<16xi32>
    %add3A_1175 = arith.addi %mul3A_1170, %convert_element_type3A_1174 : vector<16xi32>
    %ge3A_1176 = vector.broadcast %mul3A_2 : i32 to vector<16xi32>
    %ge3A_1177 = arith.cmpi sge, %add3A_1175, %ge3A_1176 : vector<16xi32>
    %add3A_1178 = arith.constant 512 : i32
    %add3A_1179 = arith.addi %mul3A_2, %add3A_1178 : i32
    %lt3A_1180 = vector.broadcast %add3A_1179 : i32 to vector<16xi32>
    %lt3A_1181 = arith.cmpi slt, %add3A_1175, %lt3A_1180 : vector<16xi32>
    %and3A_1182 = arith.andi %ge3A_1177, %lt3A_1181 : vector<16xi1>
    %sub3A_1183 = vector.broadcast %mul3A_2 : i32 to vector<16xi32>
    %sub3A_1184 = arith.subi %add3A_1175, %sub3A_1183 : vector<16xi32>
    %jit3A_1185 = arith.constant 0 : i32
    %broadcast_in_dim3A_1186 = vector.broadcast %jit3A_1185 : i32 to vector<16xi32>
    %select_n3A_1187 = arith.select %and3A_1182, %sub3A_1184, %broadcast_in_dim3A_1186 : vector<16xi1>, vector<16xi32>
    tpu.vector_store_idx %arg4[%select_n3A_1187], %broadcast_in_dim3A_324 masked %and3A_1182 : memref<2560xf32, #tpu.memory_space<vmem>>[vector<16xi32>], vector<16xf32>, vector<16xi1>
    %add3A_1188 = arith.constant 512 : i32
    %add3A_1189 = vector.broadcast %add3A_1188 : i32 to vector<16xi32>
    %add3A_1190 = arith.addi %select_n3A_1187, %add3A_1189 : vector<16xi32>
    tpu.vector_store_idx %arg4[%add3A_1190], %gather3A_1151 masked %and3A_1182 : memref<2560xf32, #tpu.memory_space<vmem>>[vector<16xi32>], vector<16xf32>, vector<16xi1>
    %add3A_1191 = arith.constant 1024 : i32
    %add3A_1192 = vector.broadcast %add3A_1191 : i32 to vector<16xi32>
    %add3A_1193 = arith.addi %select_n3A_1187, %add3A_1192 : vector<16xi32>
    tpu.vector_store_idx %arg4[%add3A_1193], %gather3A_1155 masked %and3A_1182 : memref<2560xf32, #tpu.memory_space<vmem>>[vector<16xi32>], vector<16xf32>, vector<16xi1>
    %add3A_1194 = arith.constant 1536 : i32
    %add3A_1195 = vector.broadcast %add3A_1194 : i32 to vector<16xi32>
    %add3A_1196 = arith.addi %select_n3A_1187, %add3A_1195 : vector<16xi32>
    tpu.vector_store_idx %arg4[%add3A_1196], %gather3A_1159 masked %and3A_1182 : memref<2560xf32, #tpu.memory_space<vmem>>[vector<16xi32>], vector<16xf32>, vector<16xi1>
    %add3A_1197 = arith.constant 2048 : i32
    %add3A_1198 = vector.broadcast %add3A_1197 : i32 to vector<16xi32>
    %add3A_1199 = arith.addi %select_n3A_1187, %add3A_1198 : vector<16xi32>
    tpu.vector_store_idx %arg4[%add3A_1199], %gather3A_1163 masked %and3A_1182 : memref<2560xf32, #tpu.memory_space<vmem>>[vector<16xi32>], vector<16xf32>, vector<16xi1>
    %add3A_1200 = arith.constant 1536 : i32
    %add3A_1201 = vector.broadcast %add3A_1200 : i32 to vector<16xi32>
    %add3A_1202 = arith.addi %mul3A_327, %add3A_1201 : vector<16xi32>
    %add3A_1203 = arith.constant 2 : i32
    %add3A_1204 = vector.broadcast %add3A_1203 : i32 to vector<16xi32>
    %add3A_1205 = arith.addi %add3A_1202, %add3A_1204 : vector<16xi32>
    %gather3A_1206 = tpu.vector_load_idx %arg5[%add3A_1205] : memref<3072xf32, #tpu.memory_space<vmem>>[vector<16xi32>], vector<16xf32>,
    %add3A_1207 = arith.constant 3 : i32
    %add3A_1208 = vector.broadcast %add3A_1207 : i32 to vector<16xi32>
    %add3A_1209 = arith.addi %add3A_1202, %add3A_1208 : vector<16xi32>
    %gather3A_1210 = tpu.vector_load_idx %arg5[%add3A_1209] : memref<3072xf32, #tpu.memory_space<vmem>>[vector<16xi32>], vector<16xf32>,
    %add3A_1211 = arith.constant 4 : i32
    %add3A_1212 = vector.broadcast %add3A_1211 : i32 to vector<16xi32>
    %add3A_1213 = arith.addi %add3A_1202, %add3A_1212 : vector<16xi32>
    %gather3A_1214 = tpu.vector_load_idx %arg5[%add3A_1213] : memref<3072xf32, #tpu.memory_space<vmem>>[vector<16xi32>], vector<16xf32>,
    %add3A_1215 = arith.constant 5 : i32
    %add3A_1216 = vector.broadcast %add3A_1215 : i32 to vector<16xi32>
    %add3A_1217 = arith.addi %add3A_1202, %add3A_1216 : vector<16xi32>
    %gather3A_1218 = tpu.vector_load_idx %arg5[%add3A_1217] : memref<3072xf32, #tpu.memory_space<vmem>>[vector<16xi32>], vector<16xf32>,
    %mul3A_1219 = arith.constant 1.280000e+02 : f32
    %mul3A_1220 = vector.broadcast %mul3A_1219 : f32 to vector<16xf32>
    %mul3A_1221 = arith.mulf %gather3A_1210, %mul3A_1220 : vector<16xf32>
    %convert_element_type3A_1222 = arith.fptosi %mul3A_1221 : vector<16xf32> to vector<16xi32>
    %mul3A_1223 = arith.constant 128 : i32
    %mul3A_1224 = vector.broadcast %mul3A_1223 : i32 to vector<16xi32>
    %mul3A_1225 = arith.muli %convert_element_type3A_1222, %mul3A_1224 : vector<16xi32>
    %mul3A_1226 = arith.constant 1.280000e+02 : f32
    %mul3A_1227 = vector.broadcast %mul3A_1226 : f32 to vector<16xf32>
    %mul3A_1228 = arith.mulf %gather3A_1206, %mul3A_1227 : vector<16xf32>
    %convert_element_type3A_1229 = arith.fptosi %mul3A_1228 : vector<16xf32> to vector<16xi32>
    %add3A_1230 = arith.addi %mul3A_1225, %convert_element_type3A_1229 : vector<16xi32>
    %ge3A_1231 = vector.broadcast %mul3A_2 : i32 to vector<16xi32>
    %ge3A_1232 = arith.cmpi sge, %add3A_1230, %ge3A_1231 : vector<16xi32>
    %add3A_1233 = arith.constant 512 : i32
    %add3A_1234 = arith.addi %mul3A_2, %add3A_1233 : i32
    %lt3A_1235 = vector.broadcast %add3A_1234 : i32 to vector<16xi32>
    %lt3A_1236 = arith.cmpi slt, %add3A_1230, %lt3A_1235 : vector<16xi32>
    %and3A_1237 = arith.andi %ge3A_1232, %lt3A_1236 : vector<16xi1>
    %sub3A_1238 = vector.broadcast %mul3A_2 : i32 to vector<16xi32>
    %sub3A_1239 = arith.subi %add3A_1230, %sub3A_1238 : vector<16xi32>
    %jit3A_1240 = arith.constant 0 : i32
    %broadcast_in_dim3A_1241 = vector.broadcast %jit3A_1240 : i32 to vector<16xi32>
    %select_n3A_1242 = arith.select %and3A_1237, %sub3A_1239, %broadcast_in_dim3A_1241 : vector<16xi1>, vector<16xi32>
    tpu.vector_store_idx %arg4[%select_n3A_1242], %broadcast_in_dim3A_324 masked %and3A_1237 : memref<2560xf32, #tpu.memory_space<vmem>>[vector<16xi32>], vector<16xf32>, vector<16xi1>
    %add3A_1243 = arith.constant 512 : i32
    %add3A_1244 = vector.broadcast %add3A_1243 : i32 to vector<16xi32>
    %add3A_1245 = arith.addi %select_n3A_1242, %add3A_1244 : vector<16xi32>
    tpu.vector_store_idx %arg4[%add3A_1245], %gather3A_1206 masked %and3A_1237 : memref<2560xf32, #tpu.memory_space<vmem>>[vector<16xi32>], vector<16xf32>, vector<16xi1>
    %add3A_1246 = arith.constant 1024 : i32
    %add3A_1247 = vector.broadcast %add3A_1246 : i32 to vector<16xi32>
    %add3A_1248 = arith.addi %select_n3A_1242, %add3A_1247 : vector<16xi32>
    tpu.vector_store_idx %arg4[%add3A_1248], %gather3A_1210 masked %and3A_1237 : memref<2560xf32, #tpu.memory_space<vmem>>[vector<16xi32>], vector<16xf32>, vector<16xi1>
    %add3A_1249 = arith.constant 1536 : i32
    %add3A_1250 = vector.broadcast %add3A_1249 : i32 to vector<16xi32>
    %add3A_1251 = arith.addi %select_n3A_1242, %add3A_1250 : vector<16xi32>
    tpu.vector_store_idx %arg4[%add3A_1251], %gather3A_1214 masked %and3A_1237 : memref<2560xf32, #tpu.memory_space<vmem>>[vector<16xi32>], vector<16xf32>, vector<16xi1>
    %add3A_1252 = arith.constant 2048 : i32
    %add3A_1253 = vector.broadcast %add3A_1252 : i32 to vector<16xi32>
    %add3A_1254 = arith.addi %select_n3A_1242, %add3A_1253 : vector<16xi32>
    tpu.vector_store_idx %arg4[%add3A_1254], %gather3A_1218 masked %and3A_1237 : memref<2560xf32, #tpu.memory_space<vmem>>[vector<16xi32>], vector<16xf32>, vector<16xi1>
    %add3A_1255 = arith.constant 1632 : i32
    %add3A_1256 = vector.broadcast %add3A_1255 : i32 to vector<16xi32>
    %add3A_1257 = arith.addi %mul3A_327, %add3A_1256 : vector<16xi32>
    %add3A_1258 = arith.constant 2 : i32
    %add3A_1259 = vector.broadcast %add3A_1258 : i32 to vector<16xi32>
    %add3A_1260 = arith.addi %add3A_1257, %add3A_1259 : vector<16xi32>
    %gather3A_1261 = tpu.vector_load_idx %arg5[%add3A_1260] : memref<3072xf32, #tpu.memory_space<vmem>>[vector<16xi32>], vector<16xf32>,
    %add3A_1262 = arith.constant 3 : i32
    %add3A_1263 = vector.broadcast %add3A_1262 : i32 to vector<16xi32>
    %add3A_1264 = arith.addi %add3A_1257, %add3A_1263 : vector<16xi32>
    %gather3A_1265 = tpu.vector_load_idx %arg5[%add3A_1264] : memref<3072xf32, #tpu.memory_space<vmem>>[vector<16xi32>], vector<16xf32>,
    %add3A_1266 = arith.constant 4 : i32
    %add3A_1267 = vector.broadcast %add3A_1266 : i32 to vector<16xi32>
    %add3A_1268 = arith.addi %add3A_1257, %add3A_1267 : vector<16xi32>
    %gather3A_1269 = tpu.vector_load_idx %arg5[%add3A_1268] : memref<3072xf32, #tpu.memory_space<vmem>>[vector<16xi32>], vector<16xf32>,
    %add3A_1270 = arith.constant 5 : i32
    %add3A_1271 = vector.broadcast %add3A_1270 : i32 to vector<16xi32>
    %add3A_1272 = arith.addi %add3A_1257, %add3A_1271 : vector<16xi32>
    %gather3A_1273 = tpu.vector_load_idx %arg5[%add3A_1272] : memref<3072xf32, #tpu.memory_space<vmem>>[vector<16xi32>], vector<16xf32>,
    %mul3A_1274 = arith.constant 1.280000e+02 : f32
    %mul3A_1275 = vector.broadcast %mul3A_1274 : f32 to vector<16xf32>
    %mul3A_1276 = arith.mulf %gather3A_1265, %mul3A_1275 : vector<16xf32>
    %convert_element_type3A_1277 = arith.fptosi %mul3A_1276 : vector<16xf32> to vector<16xi32>
    %mul3A_1278 = arith.constant 128 : i32
    %mul3A_1279 = vector.broadcast %mul3A_1278 : i32 to vector<16xi32>
    %mul3A_1280 = arith.muli %convert_element_type3A_1277, %mul3A_1279 : vector<16xi32>
    %mul3A_1281 = arith.constant 1.280000e+02 : f32
    %mul3A_1282 = vector.broadcast %mul3A_1281 : f32 to vector<16xf32>
    %mul3A_1283 = arith.mulf %gather3A_1261, %mul3A_1282 : vector<16xf32>
    %convert_element_type3A_1284 = arith.fptosi %mul3A_1283 : vector<16xf32> to vector<16xi32>
    %add3A_1285 = arith.addi %mul3A_1280, %convert_element_type3A_1284 : vector<16xi32>
    %ge3A_1286 = vector.broadcast %mul3A_2 : i32 to vector<16xi32>
    %ge3A_1287 = arith.cmpi sge, %add3A_1285, %ge3A_1286 : vector<16xi32>
    %add3A_1288 = arith.constant 512 : i32
    %add3A_1289 = arith.addi %mul3A_2, %add3A_1288 : i32
    %lt3A_1290 = vector.broadcast %add3A_1289 : i32 to vector<16xi32>
    %lt3A_1291 = arith.cmpi slt, %add3A_1285, %lt3A_1290 : vector<16xi32>
    %and3A_1292 = arith.andi %ge3A_1287, %lt3A_1291 : vector<16xi1>
    %sub3A_1293 = vector.broadcast %mul3A_2 : i32 to vector<16xi32>
    %sub3A_1294 = arith.subi %add3A_1285, %sub3A_1293 : vector<16xi32>
    %jit3A_1295 = arith.constant 0 : i32
    %broadcast_in_dim3A_1296 = vector.broadcast %jit3A_1295 : i32 to vector<16xi32>
    %select_n3A_1297 = arith.select %and3A_1292, %sub3A_1294, %broadcast_in_dim3A_1296 : vector<16xi1>, vector<16xi32>
    tpu.vector_store_idx %arg4[%select_n3A_1297], %broadcast_in_dim3A_324 masked %and3A_1292 : memref<2560xf32, #tpu.memory_space<vmem>>[vector<16xi32>], vector<16xf32>, vector<16xi1>
    %add3A_1298 = arith.constant 512 : i32
    %add3A_1299 = vector.broadcast %add3A_1298 : i32 to vector<16xi32>
    %add3A_1300 = arith.addi %select_n3A_1297, %add3A_1299 : vector<16xi32>
    tpu.vector_store_idx %arg4[%add3A_1300], %gather3A_1261 masked %and3A_1292 : memref<2560xf32, #tpu.memory_space<vmem>>[vector<16xi32>], vector<16xf32>, vector<16xi1>
    %add3A_1301 = arith.constant 1024 : i32
    %add3A_1302 = vector.broadcast %add3A_1301 : i32 to vector<16xi32>
    %add3A_1303 = arith.addi %select_n3A_1297, %add3A_1302 : vector<16xi32>
    tpu.vector_store_idx %arg4[%add3A_1303], %gather3A_1265 masked %and3A_1292 : memref<2560xf32, #tpu.memory_space<vmem>>[vector<16xi32>], vector<16xf32>, vector<16xi1>
    %add3A_1304 = arith.constant 1536 : i32
    %add3A_1305 = vector.broadcast %add3A_1304 : i32 to vector<16xi32>
    %add3A_1306 = arith.addi %select_n3A_1297, %add3A_1305 : vector<16xi32>
    tpu.vector_store_idx %arg4[%add3A_1306], %gather3A_1269 masked %and3A_1292 : memref<2560xf32, #tpu.memory_space<vmem>>[vector<16xi32>], vector<16xf32>, vector<16xi1>
    %add3A_1307 = arith.constant 2048 : i32
    %add3A_1308 = vector.broadcast %add3A_1307 : i32 to vector<16xi32>
    %add3A_1309 = arith.addi %select_n3A_1297, %add3A_1308 : vector<16xi32>
    tpu.vector_store_idx %arg4[%add3A_1309], %gather3A_1273 masked %and3A_1292 : memref<2560xf32, #tpu.memory_space<vmem>>[vector<16xi32>], vector<16xf32>, vector<16xi1>
    %add3A_1310 = arith.constant 1728 : i32
    %add3A_1311 = vector.broadcast %add3A_1310 : i32 to vector<16xi32>
    %add3A_1312 = arith.addi %mul3A_327, %add3A_1311 : vector<16xi32>
    %add3A_1313 = arith.constant 2 : i32
    %add3A_1314 = vector.broadcast %add3A_1313 : i32 to vector<16xi32>
    %add3A_1315 = arith.addi %add3A_1312, %add3A_1314 : vector<16xi32>
    %gather3A_1316 = tpu.vector_load_idx %arg5[%add3A_1315] : memref<3072xf32, #tpu.memory_space<vmem>>[vector<16xi32>], vector<16xf32>,
    %add3A_1317 = arith.constant 3 : i32
    %add3A_1318 = vector.broadcast %add3A_1317 : i32 to vector<16xi32>
    %add3A_1319 = arith.addi %add3A_1312, %add3A_1318 : vector<16xi32>
    %gather3A_1320 = tpu.vector_load_idx %arg5[%add3A_1319] : memref<3072xf32, #tpu.memory_space<vmem>>[vector<16xi32>], vector<16xf32>,
    %add3A_1321 = arith.constant 4 : i32
    %add3A_1322 = vector.broadcast %add3A_1321 : i32 to vector<16xi32>
    %add3A_1323 = arith.addi %add3A_1312, %add3A_1322 : vector<16xi32>
    %gather3A_1324 = tpu.vector_load_idx %arg5[%add3A_1323] : memref<3072xf32, #tpu.memory_space<vmem>>[vector<16xi32>], vector<16xf32>,
    %add3A_1325 = arith.constant 5 : i32
    %add3A_1326 = vector.broadcast %add3A_1325 : i32 to vector<16xi32>
    %add3A_1327 = arith.addi %add3A_1312, %add3A_1326 : vector<16xi32>
    %gather3A_1328 = tpu.vector_load_idx %arg5[%add3A_1327] : memref<3072xf32, #tpu.memory_space<vmem>>[vector<16xi32>], vector<16xf32>,
    %mul3A_1329 = arith.constant 1.280000e+02 : f32
    %mul3A_1330 = vector.broadcast %mul3A_1329 : f32 to vector<16xf32>
    %mul3A_1331 = arith.mulf %gather3A_1320, %mul3A_1330 : vector<16xf32>
    %convert_element_type3A_1332 = arith.fptosi %mul3A_1331 : vector<16xf32> to vector<16xi32>
    %mul3A_1333 = arith.constant 128 : i32
    %mul3A_1334 = vector.broadcast %mul3A_1333 : i32 to vector<16xi32>
    %mul3A_1335 = arith.muli %convert_element_type3A_1332, %mul3A_1334 : vector<16xi32>
    %mul3A_1336 = arith.constant 1.280000e+02 : f32
    %mul3A_1337 = vector.broadcast %mul3A_1336 : f32 to vector<16xf32>
    %mul3A_1338 = arith.mulf %gather3A_1316, %mul3A_1337 : vector<16xf32>
    %convert_element_type3A_1339 = arith.fptosi %mul3A_1338 : vector<16xf32> to vector<16xi32>
    %add3A_1340 = arith.addi %mul3A_1335, %convert_element_type3A_1339 : vector<16xi32>
    %ge3A_1341 = vector.broadcast %mul3A_2 : i32 to vector<16xi32>
    %ge3A_1342 = arith.cmpi sge, %add3A_1340, %ge3A_1341 : vector<16xi32>
    %add3A_1343 = arith.constant 512 : i32
    %add3A_1344 = arith.addi %mul3A_2, %add3A_1343 : i32
    %lt3A_1345 = vector.broadcast %add3A_1344 : i32 to vector<16xi32>
    %lt3A_1346 = arith.cmpi slt, %add3A_1340, %lt3A_1345 : vector<16xi32>
    %and3A_1347 = arith.andi %ge3A_1342, %lt3A_1346 : vector<16xi1>
    %sub3A_1348 = vector.broadcast %mul3A_2 : i32 to vector<16xi32>
    %sub3A_1349 = arith.subi %add3A_1340, %sub3A_1348 : vector<16xi32>
    %jit3A_1350 = arith.constant 0 : i32
    %broadcast_in_dim3A_1351 = vector.broadcast %jit3A_1350 : i32 to vector<16xi32>
    %select_n3A_1352 = arith.select %and3A_1347, %sub3A_1349, %broadcast_in_dim3A_1351 : vector<16xi1>, vector<16xi32>
    tpu.vector_store_idx %arg4[%select_n3A_1352], %broadcast_in_dim3A_324 masked %and3A_1347 : memref<2560xf32, #tpu.memory_space<vmem>>[vector<16xi32>], vector<16xf32>, vector<16xi1>
    %add3A_1353 = arith.constant 512 : i32
    %add3A_1354 = vector.broadcast %add3A_1353 : i32 to vector<16xi32>
    %add3A_1355 = arith.addi %select_n3A_1352, %add3A_1354 : vector<16xi32>
    tpu.vector_store_idx %arg4[%add3A_1355], %gather3A_1316 masked %and3A_1347 : memref<2560xf32, #tpu.memory_space<vmem>>[vector<16xi32>], vector<16xf32>, vector<16xi1>
    %add3A_1356 = arith.constant 1024 : i32
    %add3A_1357 = vector.broadcast %add3A_1356 : i32 to vector<16xi32>
    %add3A_1358 = arith.addi %select_n3A_1352, %add3A_1357 : vector<16xi32>
    tpu.vector_store_idx %arg4[%add3A_1358], %gather3A_1320 masked %and3A_1347 : memref<2560xf32, #tpu.memory_space<vmem>>[vector<16xi32>], vector<16xf32>, vector<16xi1>
    %add3A_1359 = arith.constant 1536 : i32
    %add3A_1360 = vector.broadcast %add3A_1359 : i32 to vector<16xi32>
    %add3A_1361 = arith.addi %select_n3A_1352, %add3A_1360 : vector<16xi32>
    tpu.vector_store_idx %arg4[%add3A_1361], %gather3A_1324 masked %and3A_1347 : memref<2560xf32, #tpu.memory_space<vmem>>[vector<16xi32>], vector<16xf32>, vector<16xi1>
    %add3A_1362 = arith.constant 2048 : i32
    %add3A_1363 = vector.broadcast %add3A_1362 : i32 to vector<16xi32>
    %add3A_1364 = arith.addi %select_n3A_1352, %add3A_1363 : vector<16xi32>
    tpu.vector_store_idx %arg4[%add3A_1364], %gather3A_1328 masked %and3A_1347 : memref<2560xf32, #tpu.memory_space<vmem>>[vector<16xi32>], vector<16xf32>, vector<16xi1>
    %add3A_1365 = arith.constant 1824 : i32
    %add3A_1366 = vector.broadcast %add3A_1365 : i32 to vector<16xi32>
    %add3A_1367 = arith.addi %mul3A_327, %add3A_1366 : vector<16xi32>
    %add3A_1368 = arith.constant 2 : i32
    %add3A_1369 = vector.broadcast %add3A_1368 : i32 to vector<16xi32>
    %add3A_1370 = arith.addi %add3A_1367, %add3A_1369 : vector<16xi32>
    %gather3A_1371 = tpu.vector_load_idx %arg5[%add3A_1370] : memref<3072xf32, #tpu.memory_space<vmem>>[vector<16xi32>], vector<16xf32>,
    %add3A_1372 = arith.constant 3 : i32
    %add3A_1373 = vector.broadcast %add3A_1372 : i32 to vector<16xi32>
    %add3A_1374 = arith.addi %add3A_1367, %add3A_1373 : vector<16xi32>
    %gather3A_1375 = tpu.vector_load_idx %arg5[%add3A_1374] : memref<3072xf32, #tpu.memory_space<vmem>>[vector<16xi32>], vector<16xf32>,
    %add3A_1376 = arith.constant 4 : i32
    %add3A_1377 = vector.broadcast %add3A_1376 : i32 to vector<16xi32>
    %add3A_1378 = arith.addi %add3A_1367, %add3A_1377 : vector<16xi32>
    %gather3A_1379 = tpu.vector_load_idx %arg5[%add3A_1378] : memref<3072xf32, #tpu.memory_space<vmem>>[vector<16xi32>], vector<16xf32>,
    %add3A_1380 = arith.constant 5 : i32
    %add3A_1381 = vector.broadcast %add3A_1380 : i32 to vector<16xi32>
    %add3A_1382 = arith.addi %add3A_1367, %add3A_1381 : vector<16xi32>
    %gather3A_1383 = tpu.vector_load_idx %arg5[%add3A_1382] : memref<3072xf32, #tpu.memory_space<vmem>>[vector<16xi32>], vector<16xf32>,
    %mul3A_1384 = arith.constant 1.280000e+02 : f32
    %mul3A_1385 = vector.broadcast %mul3A_1384 : f32 to vector<16xf32>
    %mul3A_1386 = arith.mulf %gather3A_1375, %mul3A_1385 : vector<16xf32>
    %convert_element_type3A_1387 = arith.fptosi %mul3A_1386 : vector<16xf32> to vector<16xi32>
    %mul3A_1388 = arith.constant 128 : i32
    %mul3A_1389 = vector.broadcast %mul3A_1388 : i32 to vector<16xi32>
    %mul3A_1390 = arith.muli %convert_element_type3A_1387, %mul3A_1389 : vector<16xi32>
    %mul3A_1391 = arith.constant 1.280000e+02 : f32
    %mul3A_1392 = vector.broadcast %mul3A_1391 : f32 to vector<16xf32>
    %mul3A_1393 = arith.mulf %gather3A_1371, %mul3A_1392 : vector<16xf32>
    %convert_element_type3A_1394 = arith.fptosi %mul3A_1393 : vector<16xf32> to vector<16xi32>
    %add3A_1395 = arith.addi %mul3A_1390, %convert_element_type3A_1394 : vector<16xi32>
    %ge3A_1396 = vector.broadcast %mul3A_2 : i32 to vector<16xi32>
    %ge3A_1397 = arith.cmpi sge, %add3A_1395, %ge3A_1396 : vector<16xi32>
    %add3A_1398 = arith.constant 512 : i32
    %add3A_1399 = arith.addi %mul3A_2, %add3A_1398 : i32
    %lt3A_1400 = vector.broadcast %add3A_1399 : i32 to vector<16xi32>
    %lt3A_1401 = arith.cmpi slt, %add3A_1395, %lt3A_1400 : vector<16xi32>
    %and3A_1402 = arith.andi %ge3A_1397, %lt3A_1401 : vector<16xi1>
    %sub3A_1403 = vector.broadcast %mul3A_2 : i32 to vector<16xi32>
    %sub3A_1404 = arith.subi %add3A_1395, %sub3A_1403 : vector<16xi32>
    %jit3A_1405 = arith.constant 0 : i32
    %broadcast_in_dim3A_1406 = vector.broadcast %jit3A_1405 : i32 to vector<16xi32>
    %select_n3A_1407 = arith.select %and3A_1402, %sub3A_1404, %broadcast_in_dim3A_1406 : vector<16xi1>, vector<16xi32>
    tpu.vector_store_idx %arg4[%select_n3A_1407], %broadcast_in_dim3A_324 masked %and3A_1402 : memref<2560xf32, #tpu.memory_space<vmem>>[vector<16xi32>], vector<16xf32>, vector<16xi1>
    %add3A_1408 = arith.constant 512 : i32
    %add3A_1409 = vector.broadcast %add3A_1408 : i32 to vector<16xi32>
    %add3A_1410 = arith.addi %select_n3A_1407, %add3A_1409 : vector<16xi32>
    tpu.vector_store_idx %arg4[%add3A_1410], %gather3A_1371 masked %and3A_1402 : memref<2560xf32, #tpu.memory_space<vmem>>[vector<16xi32>], vector<16xf32>, vector<16xi1>
    %add3A_1411 = arith.constant 1024 : i32
    %add3A_1412 = vector.broadcast %add3A_1411 : i32 to vector<16xi32>
    %add3A_1413 = arith.addi %select_n3A_1407, %add3A_1412 : vector<16xi32>
    tpu.vector_store_idx %arg4[%add3A_1413], %gather3A_1375 masked %and3A_1402 : memref<2560xf32, #tpu.memory_space<vmem>>[vector<16xi32>], vector<16xf32>, vector<16xi1>
    %add3A_1414 = arith.constant 1536 : i32
    %add3A_1415 = vector.broadcast %add3A_1414 : i32 to vector<16xi32>
    %add3A_1416 = arith.addi %select_n3A_1407, %add3A_1415 : vector<16xi32>
    tpu.vector_store_idx %arg4[%add3A_1416], %gather3A_1379 masked %and3A_1402 : memref<2560xf32, #tpu.memory_space<vmem>>[vector<16xi32>], vector<16xf32>, vector<16xi1>
    %add3A_1417 = arith.constant 2048 : i32
    %add3A_1418 = vector.broadcast %add3A_1417 : i32 to vector<16xi32>
    %add3A_1419 = arith.addi %select_n3A_1407, %add3A_1418 : vector<16xi32>
    tpu.vector_store_idx %arg4[%add3A_1419], %gather3A_1383 masked %and3A_1402 : memref<2560xf32, #tpu.memory_space<vmem>>[vector<16xi32>], vector<16xf32>, vector<16xi1>
    %add3A_1420 = arith.constant 1920 : i32
    %add3A_1421 = vector.broadcast %add3A_1420 : i32 to vector<16xi32>
    %add3A_1422 = arith.addi %mul3A_327, %add3A_1421 : vector<16xi32>
    %add3A_1423 = arith.constant 2 : i32
    %add3A_1424 = vector.broadcast %add3A_1423 : i32 to vector<16xi32>
    %add3A_1425 = arith.addi %add3A_1422, %add3A_1424 : vector<16xi32>
    %gather3A_1426 = tpu.vector_load_idx %arg5[%add3A_1425] : memref<3072xf32, #tpu.memory_space<vmem>>[vector<16xi32>], vector<16xf32>,
    %add3A_1427 = arith.constant 3 : i32
    %add3A_1428 = vector.broadcast %add3A_1427 : i32 to vector<16xi32>
    %add3A_1429 = arith.addi %add3A_1422, %add3A_1428 : vector<16xi32>
    %gather3A_1430 = tpu.vector_load_idx %arg5[%add3A_1429] : memref<3072xf32, #tpu.memory_space<vmem>>[vector<16xi32>], vector<16xf32>,
    %add3A_1431 = arith.constant 4 : i32
    %add3A_1432 = vector.broadcast %add3A_1431 : i32 to vector<16xi32>
    %add3A_1433 = arith.addi %add3A_1422, %add3A_1432 : vector<16xi32>
    %gather3A_1434 = tpu.vector_load_idx %arg5[%add3A_1433] : memref<3072xf32, #tpu.memory_space<vmem>>[vector<16xi32>], vector<16xf32>,
    %add3A_1435 = arith.constant 5 : i32
    %add3A_1436 = vector.broadcast %add3A_1435 : i32 to vector<16xi32>
    %add3A_1437 = arith.addi %add3A_1422, %add3A_1436 : vector<16xi32>
    %gather3A_1438 = tpu.vector_load_idx %arg5[%add3A_1437] : memref<3072xf32, #tpu.memory_space<vmem>>[vector<16xi32>], vector<16xf32>,
    %mul3A_1439 = arith.constant 1.280000e+02 : f32
    %mul3A_1440 = vector.broadcast %mul3A_1439 : f32 to vector<16xf32>
    %mul3A_1441 = arith.mulf %gather3A_1430, %mul3A_1440 : vector<16xf32>
    %convert_element_type3A_1442 = arith.fptosi %mul3A_1441 : vector<16xf32> to vector<16xi32>
    %mul3A_1443 = arith.constant 128 : i32
    %mul3A_1444 = vector.broadcast %mul3A_1443 : i32 to vector<16xi32>
    %mul3A_1445 = arith.muli %convert_element_type3A_1442, %mul3A_1444 : vector<16xi32>
    %mul3A_1446 = arith.constant 1.280000e+02 : f32
    %mul3A_1447 = vector.broadcast %mul3A_1446 : f32 to vector<16xf32>
    %mul3A_1448 = arith.mulf %gather3A_1426, %mul3A_1447 : vector<16xf32>
    %convert_element_type3A_1449 = arith.fptosi %mul3A_1448 : vector<16xf32> to vector<16xi32>
    %add3A_1450 = arith.addi %mul3A_1445, %convert_element_type3A_1449 : vector<16xi32>
    %ge3A_1451 = vector.broadcast %mul3A_2 : i32 to vector<16xi32>
    %ge3A_1452 = arith.cmpi sge, %add3A_1450, %ge3A_1451 : vector<16xi32>
    %add3A_1453 = arith.constant 512 : i32
    %add3A_1454 = arith.addi %mul3A_2, %add3A_1453 : i32
    %lt3A_1455 = vector.broadcast %add3A_1454 : i32 to vector<16xi32>
    %lt3A_1456 = arith.cmpi slt, %add3A_1450, %lt3A_1455 : vector<16xi32>
    %and3A_1457 = arith.andi %ge3A_1452, %lt3A_1456 : vector<16xi1>
    %sub3A_1458 = vector.broadcast %mul3A_2 : i32 to vector<16xi32>
    %sub3A_1459 = arith.subi %add3A_1450, %sub3A_1458 : vector<16xi32>
    %jit3A_1460 = arith.constant 0 : i32
    %broadcast_in_dim3A_1461 = vector.broadcast %jit3A_1460 : i32 to vector<16xi32>
    %select_n3A_1462 = arith.select %and3A_1457, %sub3A_1459, %broadcast_in_dim3A_1461 : vector<16xi1>, vector<16xi32>
    tpu.vector_store_idx %arg4[%select_n3A_1462], %broadcast_in_dim3A_324 masked %and3A_1457 : memref<2560xf32, #tpu.memory_space<vmem>>[vector<16xi32>], vector<16xf32>, vector<16xi1>
    %add3A_1463 = arith.constant 512 : i32
    %add3A_1464 = vector.broadcast %add3A_1463 : i32 to vector<16xi32>
    %add3A_1465 = arith.addi %select_n3A_1462, %add3A_1464 : vector<16xi32>
    tpu.vector_store_idx %arg4[%add3A_1465], %gather3A_1426 masked %and3A_1457 : memref<2560xf32, #tpu.memory_space<vmem>>[vector<16xi32>], vector<16xf32>, vector<16xi1>
    %add3A_1466 = arith.constant 1024 : i32
    %add3A_1467 = vector.broadcast %add3A_1466 : i32 to vector<16xi32>
    %add3A_1468 = arith.addi %select_n3A_1462, %add3A_1467 : vector<16xi32>
    tpu.vector_store_idx %arg4[%add3A_1468], %gather3A_1430 masked %and3A_1457 : memref<2560xf32, #tpu.memory_space<vmem>>[vector<16xi32>], vector<16xf32>, vector<16xi1>
    %add3A_1469 = arith.constant 1536 : i32
    %add3A_1470 = vector.broadcast %add3A_1469 : i32 to vector<16xi32>
    %add3A_1471 = arith.addi %select_n3A_1462, %add3A_1470 : vector<16xi32>
    tpu.vector_store_idx %arg4[%add3A_1471], %gather3A_1434 masked %and3A_1457 : memref<2560xf32, #tpu.memory_space<vmem>>[vector<16xi32>], vector<16xf32>, vector<16xi1>
    %add3A_1472 = arith.constant 2048 : i32
    %add3A_1473 = vector.broadcast %add3A_1472 : i32 to vector<16xi32>
    %add3A_1474 = arith.addi %select_n3A_1462, %add3A_1473 : vector<16xi32>
    tpu.vector_store_idx %arg4[%add3A_1474], %gather3A_1438 masked %and3A_1457 : memref<2560xf32, #tpu.memory_space<vmem>>[vector<16xi32>], vector<16xf32>, vector<16xi1>
    %add3A_1475 = arith.constant 2016 : i32
    %add3A_1476 = vector.broadcast %add3A_1475 : i32 to vector<16xi32>
    %add3A_1477 = arith.addi %mul3A_327, %add3A_1476 : vector<16xi32>
    %add3A_1478 = arith.constant 2 : i32
    %add3A_1479 = vector.broadcast %add3A_1478 : i32 to vector<16xi32>
    %add3A_1480 = arith.addi %add3A_1477, %add3A_1479 : vector<16xi32>
    %gather3A_1481 = tpu.vector_load_idx %arg5[%add3A_1480] : memref<3072xf32, #tpu.memory_space<vmem>>[vector<16xi32>], vector<16xf32>,
    %add3A_1482 = arith.constant 3 : i32
    %add3A_1483 = vector.broadcast %add3A_1482 : i32 to vector<16xi32>
    %add3A_1484 = arith.addi %add3A_1477, %add3A_1483 : vector<16xi32>
    %gather3A_1485 = tpu.vector_load_idx %arg5[%add3A_1484] : memref<3072xf32, #tpu.memory_space<vmem>>[vector<16xi32>], vector<16xf32>,
    %add3A_1486 = arith.constant 4 : i32
    %add3A_1487 = vector.broadcast %add3A_1486 : i32 to vector<16xi32>
    %add3A_1488 = arith.addi %add3A_1477, %add3A_1487 : vector<16xi32>
    %gather3A_1489 = tpu.vector_load_idx %arg5[%add3A_1488] : memref<3072xf32, #tpu.memory_space<vmem>>[vector<16xi32>], vector<16xf32>,
    %add3A_1490 = arith.constant 5 : i32
    %add3A_1491 = vector.broadcast %add3A_1490 : i32 to vector<16xi32>
    %add3A_1492 = arith.addi %add3A_1477, %add3A_1491 : vector<16xi32>
    %gather3A_1493 = tpu.vector_load_idx %arg5[%add3A_1492] : memref<3072xf32, #tpu.memory_space<vmem>>[vector<16xi32>], vector<16xf32>,
    %mul3A_1494 = arith.constant 1.280000e+02 : f32
    %mul3A_1495 = vector.broadcast %mul3A_1494 : f32 to vector<16xf32>
    %mul3A_1496 = arith.mulf %gather3A_1485, %mul3A_1495 : vector<16xf32>
    %convert_element_type3A_1497 = arith.fptosi %mul3A_1496 : vector<16xf32> to vector<16xi32>
    %mul3A_1498 = arith.constant 128 : i32
    %mul3A_1499 = vector.broadcast %mul3A_1498 : i32 to vector<16xi32>
    %mul3A_1500 = arith.muli %convert_element_type3A_1497, %mul3A_1499 : vector<16xi32>
    %mul3A_1501 = arith.constant 1.280000e+02 : f32
    %mul3A_1502 = vector.broadcast %mul3A_1501 : f32 to vector<16xf32>
    %mul3A_1503 = arith.mulf %gather3A_1481, %mul3A_1502 : vector<16xf32>
    %convert_element_type3A_1504 = arith.fptosi %mul3A_1503 : vector<16xf32> to vector<16xi32>
    %add3A_1505 = arith.addi %mul3A_1500, %convert_element_type3A_1504 : vector<16xi32>
    %ge3A_1506 = vector.broadcast %mul3A_2 : i32 to vector<16xi32>
    %ge3A_1507 = arith.cmpi sge, %add3A_1505, %ge3A_1506 : vector<16xi32>
    %add3A_1508 = arith.constant 512 : i32
    %add3A_1509 = arith.addi %mul3A_2, %add3A_1508 : i32
    %lt3A_1510 = vector.broadcast %add3A_1509 : i32 to vector<16xi32>
    %lt3A_1511 = arith.cmpi slt, %add3A_1505, %lt3A_1510 : vector<16xi32>
    %and3A_1512 = arith.andi %ge3A_1507, %lt3A_1511 : vector<16xi1>
    %sub3A_1513 = vector.broadcast %mul3A_2 : i32 to vector<16xi32>
    %sub3A_1514 = arith.subi %add3A_1505, %sub3A_1513 : vector<16xi32>
    %jit3A_1515 = arith.constant 0 : i32
    %broadcast_in_dim3A_1516 = vector.broadcast %jit3A_1515 : i32 to vector<16xi32>
    %select_n3A_1517 = arith.select %and3A_1512, %sub3A_1514, %broadcast_in_dim3A_1516 : vector<16xi1>, vector<16xi32>
    tpu.vector_store_idx %arg4[%select_n3A_1517], %broadcast_in_dim3A_324 masked %and3A_1512 : memref<2560xf32, #tpu.memory_space<vmem>>[vector<16xi32>], vector<16xf32>, vector<16xi1>
    %add3A_1518 = arith.constant 512 : i32
    %add3A_1519 = vector.broadcast %add3A_1518 : i32 to vector<16xi32>
    %add3A_1520 = arith.addi %select_n3A_1517, %add3A_1519 : vector<16xi32>
    tpu.vector_store_idx %arg4[%add3A_1520], %gather3A_1481 masked %and3A_1512 : memref<2560xf32, #tpu.memory_space<vmem>>[vector<16xi32>], vector<16xf32>, vector<16xi1>
    %add3A_1521 = arith.constant 1024 : i32
    %add3A_1522 = vector.broadcast %add3A_1521 : i32 to vector<16xi32>
    %add3A_1523 = arith.addi %select_n3A_1517, %add3A_1522 : vector<16xi32>
    tpu.vector_store_idx %arg4[%add3A_1523], %gather3A_1485 masked %and3A_1512 : memref<2560xf32, #tpu.memory_space<vmem>>[vector<16xi32>], vector<16xf32>, vector<16xi1>
    %add3A_1524 = arith.constant 1536 : i32
    %add3A_1525 = vector.broadcast %add3A_1524 : i32 to vector<16xi32>
    %add3A_1526 = arith.addi %select_n3A_1517, %add3A_1525 : vector<16xi32>
    tpu.vector_store_idx %arg4[%add3A_1526], %gather3A_1489 masked %and3A_1512 : memref<2560xf32, #tpu.memory_space<vmem>>[vector<16xi32>], vector<16xf32>, vector<16xi1>
    %add3A_1527 = arith.constant 2048 : i32
    %add3A_1528 = vector.broadcast %add3A_1527 : i32 to vector<16xi32>
    %add3A_1529 = arith.addi %select_n3A_1517, %add3A_1528 : vector<16xi32>
    tpu.vector_store_idx %arg4[%add3A_1529], %gather3A_1493 masked %and3A_1512 : memref<2560xf32, #tpu.memory_space<vmem>>[vector<16xi32>], vector<16xf32>, vector<16xi1>
    %add3A_1530 = arith.constant 2112 : i32
    %add3A_1531 = vector.broadcast %add3A_1530 : i32 to vector<16xi32>
    %add3A_1532 = arith.addi %mul3A_327, %add3A_1531 : vector<16xi32>
    %add3A_1533 = arith.constant 2 : i32
    %add3A_1534 = vector.broadcast %add3A_1533 : i32 to vector<16xi32>
    %add3A_1535 = arith.addi %add3A_1532, %add3A_1534 : vector<16xi32>
    %gather3A_1536 = tpu.vector_load_idx %arg5[%add3A_1535] : memref<3072xf32, #tpu.memory_space<vmem>>[vector<16xi32>], vector<16xf32>,
    %add3A_1537 = arith.constant 3 : i32
    %add3A_1538 = vector.broadcast %add3A_1537 : i32 to vector<16xi32>
    %add3A_1539 = arith.addi %add3A_1532, %add3A_1538 : vector<16xi32>
    %gather3A_1540 = tpu.vector_load_idx %arg5[%add3A_1539] : memref<3072xf32, #tpu.memory_space<vmem>>[vector<16xi32>], vector<16xf32>,
    %add3A_1541 = arith.constant 4 : i32
    %add3A_1542 = vector.broadcast %add3A_1541 : i32 to vector<16xi32>
    %add3A_1543 = arith.addi %add3A_1532, %add3A_1542 : vector<16xi32>
    %gather3A_1544 = tpu.vector_load_idx %arg5[%add3A_1543] : memref<3072xf32, #tpu.memory_space<vmem>>[vector<16xi32>], vector<16xf32>,
    %add3A_1545 = arith.constant 5 : i32
    %add3A_1546 = vector.broadcast %add3A_1545 : i32 to vector<16xi32>
    %add3A_1547 = arith.addi %add3A_1532, %add3A_1546 : vector<16xi32>
    %gather3A_1548 = tpu.vector_load_idx %arg5[%add3A_1547] : memref<3072xf32, #tpu.memory_space<vmem>>[vector<16xi32>], vector<16xf32>,
    %mul3A_1549 = arith.constant 1.280000e+02 : f32
    %mul3A_1550 = vector.broadcast %mul3A_1549 : f32 to vector<16xf32>
    %mul3A_1551 = arith.mulf %gather3A_1540, %mul3A_1550 : vector<16xf32>
    %convert_element_type3A_1552 = arith.fptosi %mul3A_1551 : vector<16xf32> to vector<16xi32>
    %mul3A_1553 = arith.constant 128 : i32
    %mul3A_1554 = vector.broadcast %mul3A_1553 : i32 to vector<16xi32>
    %mul3A_1555 = arith.muli %convert_element_type3A_1552, %mul3A_1554 : vector<16xi32>
    %mul3A_1556 = arith.constant 1.280000e+02 : f32
    %mul3A_1557 = vector.broadcast %mul3A_1556 : f32 to vector<16xf32>
    %mul3A_1558 = arith.mulf %gather3A_1536, %mul3A_1557 : vector<16xf32>
    %convert_element_type3A_1559 = arith.fptosi %mul3A_1558 : vector<16xf32> to vector<16xi32>
    %add3A_1560 = arith.addi %mul3A_1555, %convert_element_type3A_1559 : vector<16xi32>
    %ge3A_1561 = vector.broadcast %mul3A_2 : i32 to vector<16xi32>
    %ge3A_1562 = arith.cmpi sge, %add3A_1560, %ge3A_1561 : vector<16xi32>
    %add3A_1563 = arith.constant 512 : i32
    %add3A_1564 = arith.addi %mul3A_2, %add3A_1563 : i32
    %lt3A_1565 = vector.broadcast %add3A_1564 : i32 to vector<16xi32>
    %lt3A_1566 = arith.cmpi slt, %add3A_1560, %lt3A_1565 : vector<16xi32>
    %and3A_1567 = arith.andi %ge3A_1562, %lt3A_1566 : vector<16xi1>
    %sub3A_1568 = vector.broadcast %mul3A_2 : i32 to vector<16xi32>
    %sub3A_1569 = arith.subi %add3A_1560, %sub3A_1568 : vector<16xi32>
    %jit3A_1570 = arith.constant 0 : i32
    %broadcast_in_dim3A_1571 = vector.broadcast %jit3A_1570 : i32 to vector<16xi32>
    %select_n3A_1572 = arith.select %and3A_1567, %sub3A_1569, %broadcast_in_dim3A_1571 : vector<16xi1>, vector<16xi32>
    tpu.vector_store_idx %arg4[%select_n3A_1572], %broadcast_in_dim3A_324 masked %and3A_1567 : memref<2560xf32, #tpu.memory_space<vmem>>[vector<16xi32>], vector<16xf32>, vector<16xi1>
    %add3A_1573 = arith.constant 512 : i32
    %add3A_1574 = vector.broadcast %add3A_1573 : i32 to vector<16xi32>
    %add3A_1575 = arith.addi %select_n3A_1572, %add3A_1574 : vector<16xi32>
    tpu.vector_store_idx %arg4[%add3A_1575], %gather3A_1536 masked %and3A_1567 : memref<2560xf32, #tpu.memory_space<vmem>>[vector<16xi32>], vector<16xf32>, vector<16xi1>
    %add3A_1576 = arith.constant 1024 : i32
    %add3A_1577 = vector.broadcast %add3A_1576 : i32 to vector<16xi32>
    %add3A_1578 = arith.addi %select_n3A_1572, %add3A_1577 : vector<16xi32>
    tpu.vector_store_idx %arg4[%add3A_1578], %gather3A_1540 masked %and3A_1567 : memref<2560xf32, #tpu.memory_space<vmem>>[vector<16xi32>], vector<16xf32>, vector<16xi1>
    %add3A_1579 = arith.constant 1536 : i32
    %add3A_1580 = vector.broadcast %add3A_1579 : i32 to vector<16xi32>
    %add3A_1581 = arith.addi %select_n3A_1572, %add3A_1580 : vector<16xi32>
    tpu.vector_store_idx %arg4[%add3A_1581], %gather3A_1544 masked %and3A_1567 : memref<2560xf32, #tpu.memory_space<vmem>>[vector<16xi32>], vector<16xf32>, vector<16xi1>
    %add3A_1582 = arith.constant 2048 : i32
    %add3A_1583 = vector.broadcast %add3A_1582 : i32 to vector<16xi32>
    %add3A_1584 = arith.addi %select_n3A_1572, %add3A_1583 : vector<16xi32>
    tpu.vector_store_idx %arg4[%add3A_1584], %gather3A_1548 masked %and3A_1567 : memref<2560xf32, #tpu.memory_space<vmem>>[vector<16xi32>], vector<16xf32>, vector<16xi1>
    %add3A_1585 = arith.constant 2208 : i32
    %add3A_1586 = vector.broadcast %add3A_1585 : i32 to vector<16xi32>
    %add3A_1587 = arith.addi %mul3A_327, %add3A_1586 : vector<16xi32>
    %add3A_1588 = arith.constant 2 : i32
    %add3A_1589 = vector.broadcast %add3A_1588 : i32 to vector<16xi32>
    %add3A_1590 = arith.addi %add3A_1587, %add3A_1589 : vector<16xi32>
    %gather3A_1591 = tpu.vector_load_idx %arg5[%add3A_1590] : memref<3072xf32, #tpu.memory_space<vmem>>[vector<16xi32>], vector<16xf32>,
    %add3A_1592 = arith.constant 3 : i32
    %add3A_1593 = vector.broadcast %add3A_1592 : i32 to vector<16xi32>
    %add3A_1594 = arith.addi %add3A_1587, %add3A_1593 : vector<16xi32>
    %gather3A_1595 = tpu.vector_load_idx %arg5[%add3A_1594] : memref<3072xf32, #tpu.memory_space<vmem>>[vector<16xi32>], vector<16xf32>,
    %add3A_1596 = arith.constant 4 : i32
    %add3A_1597 = vector.broadcast %add3A_1596 : i32 to vector<16xi32>
    %add3A_1598 = arith.addi %add3A_1587, %add3A_1597 : vector<16xi32>
    %gather3A_1599 = tpu.vector_load_idx %arg5[%add3A_1598] : memref<3072xf32, #tpu.memory_space<vmem>>[vector<16xi32>], vector<16xf32>,
    %add3A_1600 = arith.constant 5 : i32
    %add3A_1601 = vector.broadcast %add3A_1600 : i32 to vector<16xi32>
    %add3A_1602 = arith.addi %add3A_1587, %add3A_1601 : vector<16xi32>
    %gather3A_1603 = tpu.vector_load_idx %arg5[%add3A_1602] : memref<3072xf32, #tpu.memory_space<vmem>>[vector<16xi32>], vector<16xf32>,
    %mul3A_1604 = arith.constant 1.280000e+02 : f32
    %mul3A_1605 = vector.broadcast %mul3A_1604 : f32 to vector<16xf32>
    %mul3A_1606 = arith.mulf %gather3A_1595, %mul3A_1605 : vector<16xf32>
    %convert_element_type3A_1607 = arith.fptosi %mul3A_1606 : vector<16xf32> to vector<16xi32>
    %mul3A_1608 = arith.constant 128 : i32
    %mul3A_1609 = vector.broadcast %mul3A_1608 : i32 to vector<16xi32>
    %mul3A_1610 = arith.muli %convert_element_type3A_1607, %mul3A_1609 : vector<16xi32>
    %mul3A_1611 = arith.constant 1.280000e+02 : f32
    %mul3A_1612 = vector.broadcast %mul3A_1611 : f32 to vector<16xf32>
    %mul3A_1613 = arith.mulf %gather3A_1591, %mul3A_1612 : vector<16xf32>
    %convert_element_type3A_1614 = arith.fptosi %mul3A_1613 : vector<16xf32> to vector<16xi32>
    %add3A_1615 = arith.addi %mul3A_1610, %convert_element_type3A_1614 : vector<16xi32>
    %ge3A_1616 = vector.broadcast %mul3A_2 : i32 to vector<16xi32>
    %ge3A_1617 = arith.cmpi sge, %add3A_1615, %ge3A_1616 : vector<16xi32>
    %add3A_1618 = arith.constant 512 : i32
    %add3A_1619 = arith.addi %mul3A_2, %add3A_1618 : i32
    %lt3A_1620 = vector.broadcast %add3A_1619 : i32 to vector<16xi32>
    %lt3A_1621 = arith.cmpi slt, %add3A_1615, %lt3A_1620 : vector<16xi32>
    %and3A_1622 = arith.andi %ge3A_1617, %lt3A_1621 : vector<16xi1>
    %sub3A_1623 = vector.broadcast %mul3A_2 : i32 to vector<16xi32>
    %sub3A_1624 = arith.subi %add3A_1615, %sub3A_1623 : vector<16xi32>
    %jit3A_1625 = arith.constant 0 : i32
    %broadcast_in_dim3A_1626 = vector.broadcast %jit3A_1625 : i32 to vector<16xi32>
    %select_n3A_1627 = arith.select %and3A_1622, %sub3A_1624, %broadcast_in_dim3A_1626 : vector<16xi1>, vector<16xi32>
    tpu.vector_store_idx %arg4[%select_n3A_1627], %broadcast_in_dim3A_324 masked %and3A_1622 : memref<2560xf32, #tpu.memory_space<vmem>>[vector<16xi32>], vector<16xf32>, vector<16xi1>
    %add3A_1628 = arith.constant 512 : i32
    %add3A_1629 = vector.broadcast %add3A_1628 : i32 to vector<16xi32>
    %add3A_1630 = arith.addi %select_n3A_1627, %add3A_1629 : vector<16xi32>
    tpu.vector_store_idx %arg4[%add3A_1630], %gather3A_1591 masked %and3A_1622 : memref<2560xf32, #tpu.memory_space<vmem>>[vector<16xi32>], vector<16xf32>, vector<16xi1>
    %add3A_1631 = arith.constant 1024 : i32
    %add3A_1632 = vector.broadcast %add3A_1631 : i32 to vector<16xi32>
    %add3A_1633 = arith.addi %select_n3A_1627, %add3A_1632 : vector<16xi32>
    tpu.vector_store_idx %arg4[%add3A_1633], %gather3A_1595 masked %and3A_1622 : memref<2560xf32, #tpu.memory_space<vmem>>[vector<16xi32>], vector<16xf32>, vector<16xi1>
    %add3A_1634 = arith.constant 1536 : i32
    %add3A_1635 = vector.broadcast %add3A_1634 : i32 to vector<16xi32>
    %add3A_1636 = arith.addi %select_n3A_1627, %add3A_1635 : vector<16xi32>
    tpu.vector_store_idx %arg4[%add3A_1636], %gather3A_1599 masked %and3A_1622 : memref<2560xf32, #tpu.memory_space<vmem>>[vector<16xi32>], vector<16xf32>, vector<16xi1>
    %add3A_1637 = arith.constant 2048 : i32
    %add3A_1638 = vector.broadcast %add3A_1637 : i32 to vector<16xi32>
    %add3A_1639 = arith.addi %select_n3A_1627, %add3A_1638 : vector<16xi32>
    tpu.vector_store_idx %arg4[%add3A_1639], %gather3A_1603 masked %and3A_1622 : memref<2560xf32, #tpu.memory_space<vmem>>[vector<16xi32>], vector<16xf32>, vector<16xi1>
    %add3A_1640 = arith.constant 2304 : i32
    %add3A_1641 = vector.broadcast %add3A_1640 : i32 to vector<16xi32>
    %add3A_1642 = arith.addi %mul3A_327, %add3A_1641 : vector<16xi32>
    %add3A_1643 = arith.constant 2 : i32
    %add3A_1644 = vector.broadcast %add3A_1643 : i32 to vector<16xi32>
    %add3A_1645 = arith.addi %add3A_1642, %add3A_1644 : vector<16xi32>
    %gather3A_1646 = tpu.vector_load_idx %arg5[%add3A_1645] : memref<3072xf32, #tpu.memory_space<vmem>>[vector<16xi32>], vector<16xf32>,
    %add3A_1647 = arith.constant 3 : i32
    %add3A_1648 = vector.broadcast %add3A_1647 : i32 to vector<16xi32>
    %add3A_1649 = arith.addi %add3A_1642, %add3A_1648 : vector<16xi32>
    %gather3A_1650 = tpu.vector_load_idx %arg5[%add3A_1649] : memref<3072xf32, #tpu.memory_space<vmem>>[vector<16xi32>], vector<16xf32>,
    %add3A_1651 = arith.constant 4 : i32
    %add3A_1652 = vector.broadcast %add3A_1651 : i32 to vector<16xi32>
    %add3A_1653 = arith.addi %add3A_1642, %add3A_1652 : vector<16xi32>
    %gather3A_1654 = tpu.vector_load_idx %arg5[%add3A_1653] : memref<3072xf32, #tpu.memory_space<vmem>>[vector<16xi32>], vector<16xf32>,
    %add3A_1655 = arith.constant 5 : i32
    %add3A_1656 = vector.broadcast %add3A_1655 : i32 to vector<16xi32>
    %add3A_1657 = arith.addi %add3A_1642, %add3A_1656 : vector<16xi32>
    %gather3A_1658 = tpu.vector_load_idx %arg5[%add3A_1657] : memref<3072xf32, #tpu.memory_space<vmem>>[vector<16xi32>], vector<16xf32>,
    %mul3A_1659 = arith.constant 1.280000e+02 : f32
    %mul3A_1660 = vector.broadcast %mul3A_1659 : f32 to vector<16xf32>
    %mul3A_1661 = arith.mulf %gather3A_1650, %mul3A_1660 : vector<16xf32>
    %convert_element_type3A_1662 = arith.fptosi %mul3A_1661 : vector<16xf32> to vector<16xi32>
    %mul3A_1663 = arith.constant 128 : i32
    %mul3A_1664 = vector.broadcast %mul3A_1663 : i32 to vector<16xi32>
    %mul3A_1665 = arith.muli %convert_element_type3A_1662, %mul3A_1664 : vector<16xi32>
    %mul3A_1666 = arith.constant 1.280000e+02 : f32
    %mul3A_1667 = vector.broadcast %mul3A_1666 : f32 to vector<16xf32>
    %mul3A_1668 = arith.mulf %gather3A_1646, %mul3A_1667 : vector<16xf32>
    %convert_element_type3A_1669 = arith.fptosi %mul3A_1668 : vector<16xf32> to vector<16xi32>
    %add3A_1670 = arith.addi %mul3A_1665, %convert_element_type3A_1669 : vector<16xi32>
    %ge3A_1671 = vector.broadcast %mul3A_2 : i32 to vector<16xi32>
    %ge3A_1672 = arith.cmpi sge, %add3A_1670, %ge3A_1671 : vector<16xi32>
    %add3A_1673 = arith.constant 512 : i32
    %add3A_1674 = arith.addi %mul3A_2, %add3A_1673 : i32
    %lt3A_1675 = vector.broadcast %add3A_1674 : i32 to vector<16xi32>
    %lt3A_1676 = arith.cmpi slt, %add3A_1670, %lt3A_1675 : vector<16xi32>
    %and3A_1677 = arith.andi %ge3A_1672, %lt3A_1676 : vector<16xi1>
    %sub3A_1678 = vector.broadcast %mul3A_2 : i32 to vector<16xi32>
    %sub3A_1679 = arith.subi %add3A_1670, %sub3A_1678 : vector<16xi32>
    %jit3A_1680 = arith.constant 0 : i32
    %broadcast_in_dim3A_1681 = vector.broadcast %jit3A_1680 : i32 to vector<16xi32>
    %select_n3A_1682 = arith.select %and3A_1677, %sub3A_1679, %broadcast_in_dim3A_1681 : vector<16xi1>, vector<16xi32>
    tpu.vector_store_idx %arg4[%select_n3A_1682], %broadcast_in_dim3A_324 masked %and3A_1677 : memref<2560xf32, #tpu.memory_space<vmem>>[vector<16xi32>], vector<16xf32>, vector<16xi1>
    %add3A_1683 = arith.constant 512 : i32
    %add3A_1684 = vector.broadcast %add3A_1683 : i32 to vector<16xi32>
    %add3A_1685 = arith.addi %select_n3A_1682, %add3A_1684 : vector<16xi32>
    tpu.vector_store_idx %arg4[%add3A_1685], %gather3A_1646 masked %and3A_1677 : memref<2560xf32, #tpu.memory_space<vmem>>[vector<16xi32>], vector<16xf32>, vector<16xi1>
    %add3A_1686 = arith.constant 1024 : i32
    %add3A_1687 = vector.broadcast %add3A_1686 : i32 to vector<16xi32>
    %add3A_1688 = arith.addi %select_n3A_1682, %add3A_1687 : vector<16xi32>
    tpu.vector_store_idx %arg4[%add3A_1688], %gather3A_1650 masked %and3A_1677 : memref<2560xf32, #tpu.memory_space<vmem>>[vector<16xi32>], vector<16xf32>, vector<16xi1>
    %add3A_1689 = arith.constant 1536 : i32
    %add3A_1690 = vector.broadcast %add3A_1689 : i32 to vector<16xi32>
    %add3A_1691 = arith.addi %select_n3A_1682, %add3A_1690 : vector<16xi32>
    tpu.vector_store_idx %arg4[%add3A_1691], %gather3A_1654 masked %and3A_1677 : memref<2560xf32, #tpu.memory_space<vmem>>[vector<16xi32>], vector<16xf32>, vector<16xi1>
    %add3A_1692 = arith.constant 2048 : i32
    %add3A_1693 = vector.broadcast %add3A_1692 : i32 to vector<16xi32>
    %add3A_1694 = arith.addi %select_n3A_1682, %add3A_1693 : vector<16xi32>
    tpu.vector_store_idx %arg4[%add3A_1694], %gather3A_1658 masked %and3A_1677 : memref<2560xf32, #tpu.memory_space<vmem>>[vector<16xi32>], vector<16xf32>, vector<16xi1>
    %add3A_1695 = arith.constant 2400 : i32
    %add3A_1696 = vector.broadcast %add3A_1695 : i32 to vector<16xi32>
    %add3A_1697 = arith.addi %mul3A_327, %add3A_1696 : vector<16xi32>
    %add3A_1698 = arith.constant 2 : i32
    %add3A_1699 = vector.broadcast %add3A_1698 : i32 to vector<16xi32>
    %add3A_1700 = arith.addi %add3A_1697, %add3A_1699 : vector<16xi32>
    %gather3A_1701 = tpu.vector_load_idx %arg5[%add3A_1700] : memref<3072xf32, #tpu.memory_space<vmem>>[vector<16xi32>], vector<16xf32>,
    %add3A_1702 = arith.constant 3 : i32
    %add3A_1703 = vector.broadcast %add3A_1702 : i32 to vector<16xi32>
    %add3A_1704 = arith.addi %add3A_1697, %add3A_1703 : vector<16xi32>
    %gather3A_1705 = tpu.vector_load_idx %arg5[%add3A_1704] : memref<3072xf32, #tpu.memory_space<vmem>>[vector<16xi32>], vector<16xf32>,
    %add3A_1706 = arith.constant 4 : i32
    %add3A_1707 = vector.broadcast %add3A_1706 : i32 to vector<16xi32>
    %add3A_1708 = arith.addi %add3A_1697, %add3A_1707 : vector<16xi32>
    %gather3A_1709 = tpu.vector_load_idx %arg5[%add3A_1708] : memref<3072xf32, #tpu.memory_space<vmem>>[vector<16xi32>], vector<16xf32>,
    %add3A_1710 = arith.constant 5 : i32
    %add3A_1711 = vector.broadcast %add3A_1710 : i32 to vector<16xi32>
    %add3A_1712 = arith.addi %add3A_1697, %add3A_1711 : vector<16xi32>
    %gather3A_1713 = tpu.vector_load_idx %arg5[%add3A_1712] : memref<3072xf32, #tpu.memory_space<vmem>>[vector<16xi32>], vector<16xf32>,
    %mul3A_1714 = arith.constant 1.280000e+02 : f32
    %mul3A_1715 = vector.broadcast %mul3A_1714 : f32 to vector<16xf32>
    %mul3A_1716 = arith.mulf %gather3A_1705, %mul3A_1715 : vector<16xf32>
    %convert_element_type3A_1717 = arith.fptosi %mul3A_1716 : vector<16xf32> to vector<16xi32>
    %mul3A_1718 = arith.constant 128 : i32
    %mul3A_1719 = vector.broadcast %mul3A_1718 : i32 to vector<16xi32>
    %mul3A_1720 = arith.muli %convert_element_type3A_1717, %mul3A_1719 : vector<16xi32>
    %mul3A_1721 = arith.constant 1.280000e+02 : f32
    %mul3A_1722 = vector.broadcast %mul3A_1721 : f32 to vector<16xf32>
    %mul3A_1723 = arith.mulf %gather3A_1701, %mul3A_1722 : vector<16xf32>
    %convert_element_type3A_1724 = arith.fptosi %mul3A_1723 : vector<16xf32> to vector<16xi32>
    %add3A_1725 = arith.addi %mul3A_1720, %convert_element_type3A_1724 : vector<16xi32>
    %ge3A_1726 = vector.broadcast %mul3A_2 : i32 to vector<16xi32>
    %ge3A_1727 = arith.cmpi sge, %add3A_1725, %ge3A_1726 : vector<16xi32>
    %add3A_1728 = arith.constant 512 : i32
    %add3A_1729 = arith.addi %mul3A_2, %add3A_1728 : i32
    %lt3A_1730 = vector.broadcast %add3A_1729 : i32 to vector<16xi32>
    %lt3A_1731 = arith.cmpi slt, %add3A_1725, %lt3A_1730 : vector<16xi32>
    %and3A_1732 = arith.andi %ge3A_1727, %lt3A_1731 : vector<16xi1>
    %sub3A_1733 = vector.broadcast %mul3A_2 : i32 to vector<16xi32>
    %sub3A_1734 = arith.subi %add3A_1725, %sub3A_1733 : vector<16xi32>
    %jit3A_1735 = arith.constant 0 : i32
    %broadcast_in_dim3A_1736 = vector.broadcast %jit3A_1735 : i32 to vector<16xi32>
    %select_n3A_1737 = arith.select %and3A_1732, %sub3A_1734, %broadcast_in_dim3A_1736 : vector<16xi1>, vector<16xi32>
    tpu.vector_store_idx %arg4[%select_n3A_1737], %broadcast_in_dim3A_324 masked %and3A_1732 : memref<2560xf32, #tpu.memory_space<vmem>>[vector<16xi32>], vector<16xf32>, vector<16xi1>
    %add3A_1738 = arith.constant 512 : i32
    %add3A_1739 = vector.broadcast %add3A_1738 : i32 to vector<16xi32>
    %add3A_1740 = arith.addi %select_n3A_1737, %add3A_1739 : vector<16xi32>
    tpu.vector_store_idx %arg4[%add3A_1740], %gather3A_1701 masked %and3A_1732 : memref<2560xf32, #tpu.memory_space<vmem>>[vector<16xi32>], vector<16xf32>, vector<16xi1>
    %add3A_1741 = arith.constant 1024 : i32
    %add3A_1742 = vector.broadcast %add3A_1741 : i32 to vector<16xi32>
    %add3A_1743 = arith.addi %select_n3A_1737, %add3A_1742 : vector<16xi32>
    tpu.vector_store_idx %arg4[%add3A_1743], %gather3A_1705 masked %and3A_1732 : memref<2560xf32, #tpu.memory_space<vmem>>[vector<16xi32>], vector<16xf32>, vector<16xi1>
    %add3A_1744 = arith.constant 1536 : i32
    %add3A_1745 = vector.broadcast %add3A_1744 : i32 to vector<16xi32>
    %add3A_1746 = arith.addi %select_n3A_1737, %add3A_1745 : vector<16xi32>
    tpu.vector_store_idx %arg4[%add3A_1746], %gather3A_1709 masked %and3A_1732 : memref<2560xf32, #tpu.memory_space<vmem>>[vector<16xi32>], vector<16xf32>, vector<16xi1>
    %add3A_1747 = arith.constant 2048 : i32
    %add3A_1748 = vector.broadcast %add3A_1747 : i32 to vector<16xi32>
    %add3A_1749 = arith.addi %select_n3A_1737, %add3A_1748 : vector<16xi32>
    tpu.vector_store_idx %arg4[%add3A_1749], %gather3A_1713 masked %and3A_1732 : memref<2560xf32, #tpu.memory_space<vmem>>[vector<16xi32>], vector<16xf32>, vector<16xi1>
    %add3A_1750 = arith.constant 2496 : i32
    %add3A_1751 = vector.broadcast %add3A_1750 : i32 to vector<16xi32>
    %add3A_1752 = arith.addi %mul3A_327, %add3A_1751 : vector<16xi32>
    %add3A_1753 = arith.constant 2 : i32
    %add3A_1754 = vector.broadcast %add3A_1753 : i32 to vector<16xi32>
    %add3A_1755 = arith.addi %add3A_1752, %add3A_1754 : vector<16xi32>
    %gather3A_1756 = tpu.vector_load_idx %arg5[%add3A_1755] : memref<3072xf32, #tpu.memory_space<vmem>>[vector<16xi32>], vector<16xf32>,
    %add3A_1757 = arith.constant 3 : i32
    %add3A_1758 = vector.broadcast %add3A_1757 : i32 to vector<16xi32>
    %add3A_1759 = arith.addi %add3A_1752, %add3A_1758 : vector<16xi32>
    %gather3A_1760 = tpu.vector_load_idx %arg5[%add3A_1759] : memref<3072xf32, #tpu.memory_space<vmem>>[vector<16xi32>], vector<16xf32>,
    %add3A_1761 = arith.constant 4 : i32
    %add3A_1762 = vector.broadcast %add3A_1761 : i32 to vector<16xi32>
    %add3A_1763 = arith.addi %add3A_1752, %add3A_1762 : vector<16xi32>
    %gather3A_1764 = tpu.vector_load_idx %arg5[%add3A_1763] : memref<3072xf32, #tpu.memory_space<vmem>>[vector<16xi32>], vector<16xf32>,
    %add3A_1765 = arith.constant 5 : i32
    %add3A_1766 = vector.broadcast %add3A_1765 : i32 to vector<16xi32>
    %add3A_1767 = arith.addi %add3A_1752, %add3A_1766 : vector<16xi32>
    %gather3A_1768 = tpu.vector_load_idx %arg5[%add3A_1767] : memref<3072xf32, #tpu.memory_space<vmem>>[vector<16xi32>], vector<16xf32>,
    %mul3A_1769 = arith.constant 1.280000e+02 : f32
    %mul3A_1770 = vector.broadcast %mul3A_1769 : f32 to vector<16xf32>
    %mul3A_1771 = arith.mulf %gather3A_1760, %mul3A_1770 : vector<16xf32>
    %convert_element_type3A_1772 = arith.fptosi %mul3A_1771 : vector<16xf32> to vector<16xi32>
    %mul3A_1773 = arith.constant 128 : i32
    %mul3A_1774 = vector.broadcast %mul3A_1773 : i32 to vector<16xi32>
    %mul3A_1775 = arith.muli %convert_element_type3A_1772, %mul3A_1774 : vector<16xi32>
    %mul3A_1776 = arith.constant 1.280000e+02 : f32
    %mul3A_1777 = vector.broadcast %mul3A_1776 : f32 to vector<16xf32>
    %mul3A_1778 = arith.mulf %gather3A_1756, %mul3A_1777 : vector<16xf32>
    %convert_element_type3A_1779 = arith.fptosi %mul3A_1778 : vector<16xf32> to vector<16xi32>
    %add3A_1780 = arith.addi %mul3A_1775, %convert_element_type3A_1779 : vector<16xi32>
    %ge3A_1781 = vector.broadcast %mul3A_2 : i32 to vector<16xi32>
    %ge3A_1782 = arith.cmpi sge, %add3A_1780, %ge3A_1781 : vector<16xi32>
    %add3A_1783 = arith.constant 512 : i32
    %add3A_1784 = arith.addi %mul3A_2, %add3A_1783 : i32
    %lt3A_1785 = vector.broadcast %add3A_1784 : i32 to vector<16xi32>
    %lt3A_1786 = arith.cmpi slt, %add3A_1780, %lt3A_1785 : vector<16xi32>
    %and3A_1787 = arith.andi %ge3A_1782, %lt3A_1786 : vector<16xi1>
    %sub3A_1788 = vector.broadcast %mul3A_2 : i32 to vector<16xi32>
    %sub3A_1789 = arith.subi %add3A_1780, %sub3A_1788 : vector<16xi32>
    %jit3A_1790 = arith.constant 0 : i32
    %broadcast_in_dim3A_1791 = vector.broadcast %jit3A_1790 : i32 to vector<16xi32>
    %select_n3A_1792 = arith.select %and3A_1787, %sub3A_1789, %broadcast_in_dim3A_1791 : vector<16xi1>, vector<16xi32>
    tpu.vector_store_idx %arg4[%select_n3A_1792], %broadcast_in_dim3A_324 masked %and3A_1787 : memref<2560xf32, #tpu.memory_space<vmem>>[vector<16xi32>], vector<16xf32>, vector<16xi1>
    %add3A_1793 = arith.constant 512 : i32
    %add3A_1794 = vector.broadcast %add3A_1793 : i32 to vector<16xi32>
    %add3A_1795 = arith.addi %select_n3A_1792, %add3A_1794 : vector<16xi32>
    tpu.vector_store_idx %arg4[%add3A_1795], %gather3A_1756 masked %and3A_1787 : memref<2560xf32, #tpu.memory_space<vmem>>[vector<16xi32>], vector<16xf32>, vector<16xi1>
    %add3A_1796 = arith.constant 1024 : i32
    %add3A_1797 = vector.broadcast %add3A_1796 : i32 to vector<16xi32>
    %add3A_1798 = arith.addi %select_n3A_1792, %add3A_1797 : vector<16xi32>
    tpu.vector_store_idx %arg4[%add3A_1798], %gather3A_1760 masked %and3A_1787 : memref<2560xf32, #tpu.memory_space<vmem>>[vector<16xi32>], vector<16xf32>, vector<16xi1>
    %add3A_1799 = arith.constant 1536 : i32
    %add3A_1800 = vector.broadcast %add3A_1799 : i32 to vector<16xi32>
    %add3A_1801 = arith.addi %select_n3A_1792, %add3A_1800 : vector<16xi32>
    tpu.vector_store_idx %arg4[%add3A_1801], %gather3A_1764 masked %and3A_1787 : memref<2560xf32, #tpu.memory_space<vmem>>[vector<16xi32>], vector<16xf32>, vector<16xi1>
    %add3A_1802 = arith.constant 2048 : i32
    %add3A_1803 = vector.broadcast %add3A_1802 : i32 to vector<16xi32>
    %add3A_1804 = arith.addi %select_n3A_1792, %add3A_1803 : vector<16xi32>
    tpu.vector_store_idx %arg4[%add3A_1804], %gather3A_1768 masked %and3A_1787 : memref<2560xf32, #tpu.memory_space<vmem>>[vector<16xi32>], vector<16xf32>, vector<16xi1>
    %add3A_1805 = arith.constant 2592 : i32
    %add3A_1806 = vector.broadcast %add3A_1805 : i32 to vector<16xi32>
    %add3A_1807 = arith.addi %mul3A_327, %add3A_1806 : vector<16xi32>
    %add3A_1808 = arith.constant 2 : i32
    %add3A_1809 = vector.broadcast %add3A_1808 : i32 to vector<16xi32>
    %add3A_1810 = arith.addi %add3A_1807, %add3A_1809 : vector<16xi32>
    %gather3A_1811 = tpu.vector_load_idx %arg5[%add3A_1810] : memref<3072xf32, #tpu.memory_space<vmem>>[vector<16xi32>], vector<16xf32>,
    %add3A_1812 = arith.constant 3 : i32
    %add3A_1813 = vector.broadcast %add3A_1812 : i32 to vector<16xi32>
    %add3A_1814 = arith.addi %add3A_1807, %add3A_1813 : vector<16xi32>
    %gather3A_1815 = tpu.vector_load_idx %arg5[%add3A_1814] : memref<3072xf32, #tpu.memory_space<vmem>>[vector<16xi32>], vector<16xf32>,
    %add3A_1816 = arith.constant 4 : i32
    %add3A_1817 = vector.broadcast %add3A_1816 : i32 to vector<16xi32>
    %add3A_1818 = arith.addi %add3A_1807, %add3A_1817 : vector<16xi32>
    %gather3A_1819 = tpu.vector_load_idx %arg5[%add3A_1818] : memref<3072xf32, #tpu.memory_space<vmem>>[vector<16xi32>], vector<16xf32>,
    %add3A_1820 = arith.constant 5 : i32
    %add3A_1821 = vector.broadcast %add3A_1820 : i32 to vector<16xi32>
    %add3A_1822 = arith.addi %add3A_1807, %add3A_1821 : vector<16xi32>
    %gather3A_1823 = tpu.vector_load_idx %arg5[%add3A_1822] : memref<3072xf32, #tpu.memory_space<vmem>>[vector<16xi32>], vector<16xf32>,
    %mul3A_1824 = arith.constant 1.280000e+02 : f32
    %mul3A_1825 = vector.broadcast %mul3A_1824 : f32 to vector<16xf32>
    %mul3A_1826 = arith.mulf %gather3A_1815, %mul3A_1825 : vector<16xf32>
    %convert_element_type3A_1827 = arith.fptosi %mul3A_1826 : vector<16xf32> to vector<16xi32>
    %mul3A_1828 = arith.constant 128 : i32
    %mul3A_1829 = vector.broadcast %mul3A_1828 : i32 to vector<16xi32>
    %mul3A_1830 = arith.muli %convert_element_type3A_1827, %mul3A_1829 : vector<16xi32>
    %mul3A_1831 = arith.constant 1.280000e+02 : f32
    %mul3A_1832 = vector.broadcast %mul3A_1831 : f32 to vector<16xf32>
    %mul3A_1833 = arith.mulf %gather3A_1811, %mul3A_1832 : vector<16xf32>
    %convert_element_type3A_1834 = arith.fptosi %mul3A_1833 : vector<16xf32> to vector<16xi32>
    %add3A_1835 = arith.addi %mul3A_1830, %convert_element_type3A_1834 : vector<16xi32>
    %ge3A_1836 = vector.broadcast %mul3A_2 : i32 to vector<16xi32>
    %ge3A_1837 = arith.cmpi sge, %add3A_1835, %ge3A_1836 : vector<16xi32>
    %add3A_1838 = arith.constant 512 : i32
    %add3A_1839 = arith.addi %mul3A_2, %add3A_1838 : i32
    %lt3A_1840 = vector.broadcast %add3A_1839 : i32 to vector<16xi32>
    %lt3A_1841 = arith.cmpi slt, %add3A_1835, %lt3A_1840 : vector<16xi32>
    %and3A_1842 = arith.andi %ge3A_1837, %lt3A_1841 : vector<16xi1>
    %sub3A_1843 = vector.broadcast %mul3A_2 : i32 to vector<16xi32>
    %sub3A_1844 = arith.subi %add3A_1835, %sub3A_1843 : vector<16xi32>
    %jit3A_1845 = arith.constant 0 : i32
    %broadcast_in_dim3A_1846 = vector.broadcast %jit3A_1845 : i32 to vector<16xi32>
    %select_n3A_1847 = arith.select %and3A_1842, %sub3A_1844, %broadcast_in_dim3A_1846 : vector<16xi1>, vector<16xi32>
    tpu.vector_store_idx %arg4[%select_n3A_1847], %broadcast_in_dim3A_324 masked %and3A_1842 : memref<2560xf32, #tpu.memory_space<vmem>>[vector<16xi32>], vector<16xf32>, vector<16xi1>
    %add3A_1848 = arith.constant 512 : i32
    %add3A_1849 = vector.broadcast %add3A_1848 : i32 to vector<16xi32>
    %add3A_1850 = arith.addi %select_n3A_1847, %add3A_1849 : vector<16xi32>
    tpu.vector_store_idx %arg4[%add3A_1850], %gather3A_1811 masked %and3A_1842 : memref<2560xf32, #tpu.memory_space<vmem>>[vector<16xi32>], vector<16xf32>, vector<16xi1>
    %add3A_1851 = arith.constant 1024 : i32
    %add3A_1852 = vector.broadcast %add3A_1851 : i32 to vector<16xi32>
    %add3A_1853 = arith.addi %select_n3A_1847, %add3A_1852 : vector<16xi32>
    tpu.vector_store_idx %arg4[%add3A_1853], %gather3A_1815 masked %and3A_1842 : memref<2560xf32, #tpu.memory_space<vmem>>[vector<16xi32>], vector<16xf32>, vector<16xi1>
    %add3A_1854 = arith.constant 1536 : i32
    %add3A_1855 = vector.broadcast %add3A_1854 : i32 to vector<16xi32>
    %add3A_1856 = arith.addi %select_n3A_1847, %add3A_1855 : vector<16xi32>
    tpu.vector_store_idx %arg4[%add3A_1856], %gather3A_1819 masked %and3A_1842 : memref<2560xf32, #tpu.memory_space<vmem>>[vector<16xi32>], vector<16xf32>, vector<16xi1>
    %add3A_1857 = arith.constant 2048 : i32
    %add3A_1858 = vector.broadcast %add3A_1857 : i32 to vector<16xi32>
    %add3A_1859 = arith.addi %select_n3A_1847, %add3A_1858 : vector<16xi32>
    tpu.vector_store_idx %arg4[%add3A_1859], %gather3A_1823 masked %and3A_1842 : memref<2560xf32, #tpu.memory_space<vmem>>[vector<16xi32>], vector<16xf32>, vector<16xi1>
    %add3A_1860 = arith.constant 2688 : i32
    %add3A_1861 = vector.broadcast %add3A_1860 : i32 to vector<16xi32>
    %add3A_1862 = arith.addi %mul3A_327, %add3A_1861 : vector<16xi32>
    %add3A_1863 = arith.constant 2 : i32
    %add3A_1864 = vector.broadcast %add3A_1863 : i32 to vector<16xi32>
    %add3A_1865 = arith.addi %add3A_1862, %add3A_1864 : vector<16xi32>
    %gather3A_1866 = tpu.vector_load_idx %arg5[%add3A_1865] : memref<3072xf32, #tpu.memory_space<vmem>>[vector<16xi32>], vector<16xf32>,
    %add3A_1867 = arith.constant 3 : i32
    %add3A_1868 = vector.broadcast %add3A_1867 : i32 to vector<16xi32>
    %add3A_1869 = arith.addi %add3A_1862, %add3A_1868 : vector<16xi32>
    %gather3A_1870 = tpu.vector_load_idx %arg5[%add3A_1869] : memref<3072xf32, #tpu.memory_space<vmem>>[vector<16xi32>], vector<16xf32>,
    %add3A_1871 = arith.constant 4 : i32
    %add3A_1872 = vector.broadcast %add3A_1871 : i32 to vector<16xi32>
    %add3A_1873 = arith.addi %add3A_1862, %add3A_1872 : vector<16xi32>
    %gather3A_1874 = tpu.vector_load_idx %arg5[%add3A_1873] : memref<3072xf32, #tpu.memory_space<vmem>>[vector<16xi32>], vector<16xf32>,
    %add3A_1875 = arith.constant 5 : i32
    %add3A_1876 = vector.broadcast %add3A_1875 : i32 to vector<16xi32>
    %add3A_1877 = arith.addi %add3A_1862, %add3A_1876 : vector<16xi32>
    %gather3A_1878 = tpu.vector_load_idx %arg5[%add3A_1877] : memref<3072xf32, #tpu.memory_space<vmem>>[vector<16xi32>], vector<16xf32>,
    %mul3A_1879 = arith.constant 1.280000e+02 : f32
    %mul3A_1880 = vector.broadcast %mul3A_1879 : f32 to vector<16xf32>
    %mul3A_1881 = arith.mulf %gather3A_1870, %mul3A_1880 : vector<16xf32>
    %convert_element_type3A_1882 = arith.fptosi %mul3A_1881 : vector<16xf32> to vector<16xi32>
    %mul3A_1883 = arith.constant 128 : i32
    %mul3A_1884 = vector.broadcast %mul3A_1883 : i32 to vector<16xi32>
    %mul3A_1885 = arith.muli %convert_element_type3A_1882, %mul3A_1884 : vector<16xi32>
    %mul3A_1886 = arith.constant 1.280000e+02 : f32
    %mul3A_1887 = vector.broadcast %mul3A_1886 : f32 to vector<16xf32>
    %mul3A_1888 = arith.mulf %gather3A_1866, %mul3A_1887 : vector<16xf32>
    %convert_element_type3A_1889 = arith.fptosi %mul3A_1888 : vector<16xf32> to vector<16xi32>
    %add3A_1890 = arith.addi %mul3A_1885, %convert_element_type3A_1889 : vector<16xi32>
    %ge3A_1891 = vector.broadcast %mul3A_2 : i32 to vector<16xi32>
    %ge3A_1892 = arith.cmpi sge, %add3A_1890, %ge3A_1891 : vector<16xi32>
    %add3A_1893 = arith.constant 512 : i32
    %add3A_1894 = arith.addi %mul3A_2, %add3A_1893 : i32
    %lt3A_1895 = vector.broadcast %add3A_1894 : i32 to vector<16xi32>
    %lt3A_1896 = arith.cmpi slt, %add3A_1890, %lt3A_1895 : vector<16xi32>
    %and3A_1897 = arith.andi %ge3A_1892, %lt3A_1896 : vector<16xi1>
    %sub3A_1898 = vector.broadcast %mul3A_2 : i32 to vector<16xi32>
    %sub3A_1899 = arith.subi %add3A_1890, %sub3A_1898 : vector<16xi32>
    %jit3A_1900 = arith.constant 0 : i32
    %broadcast_in_dim3A_1901 = vector.broadcast %jit3A_1900 : i32 to vector<16xi32>
    %select_n3A_1902 = arith.select %and3A_1897, %sub3A_1899, %broadcast_in_dim3A_1901 : vector<16xi1>, vector<16xi32>
    tpu.vector_store_idx %arg4[%select_n3A_1902], %broadcast_in_dim3A_324 masked %and3A_1897 : memref<2560xf32, #tpu.memory_space<vmem>>[vector<16xi32>], vector<16xf32>, vector<16xi1>
    %add3A_1903 = arith.constant 512 : i32
    %add3A_1904 = vector.broadcast %add3A_1903 : i32 to vector<16xi32>
    %add3A_1905 = arith.addi %select_n3A_1902, %add3A_1904 : vector<16xi32>
    tpu.vector_store_idx %arg4[%add3A_1905], %gather3A_1866 masked %and3A_1897 : memref<2560xf32, #tpu.memory_space<vmem>>[vector<16xi32>], vector<16xf32>, vector<16xi1>
    %add3A_1906 = arith.constant 1024 : i32
    %add3A_1907 = vector.broadcast %add3A_1906 : i32 to vector<16xi32>
    %add3A_1908 = arith.addi %select_n3A_1902, %add3A_1907 : vector<16xi32>
    tpu.vector_store_idx %arg4[%add3A_1908], %gather3A_1870 masked %and3A_1897 : memref<2560xf32, #tpu.memory_space<vmem>>[vector<16xi32>], vector<16xf32>, vector<16xi1>
    %add3A_1909 = arith.constant 1536 : i32
    %add3A_1910 = vector.broadcast %add3A_1909 : i32 to vector<16xi32>
    %add3A_1911 = arith.addi %select_n3A_1902, %add3A_1910 : vector<16xi32>
    tpu.vector_store_idx %arg4[%add3A_1911], %gather3A_1874 masked %and3A_1897 : memref<2560xf32, #tpu.memory_space<vmem>>[vector<16xi32>], vector<16xf32>, vector<16xi1>
    %add3A_1912 = arith.constant 2048 : i32
    %add3A_1913 = vector.broadcast %add3A_1912 : i32 to vector<16xi32>
    %add3A_1914 = arith.addi %select_n3A_1902, %add3A_1913 : vector<16xi32>
    tpu.vector_store_idx %arg4[%add3A_1914], %gather3A_1878 masked %and3A_1897 : memref<2560xf32, #tpu.memory_space<vmem>>[vector<16xi32>], vector<16xf32>, vector<16xi1>
    %add3A_1915 = arith.constant 2784 : i32
    %add3A_1916 = vector.broadcast %add3A_1915 : i32 to vector<16xi32>
    %add3A_1917 = arith.addi %mul3A_327, %add3A_1916 : vector<16xi32>
    %add3A_1918 = arith.constant 2 : i32
    %add3A_1919 = vector.broadcast %add3A_1918 : i32 to vector<16xi32>
    %add3A_1920 = arith.addi %add3A_1917, %add3A_1919 : vector<16xi32>
    %gather3A_1921 = tpu.vector_load_idx %arg5[%add3A_1920] : memref<3072xf32, #tpu.memory_space<vmem>>[vector<16xi32>], vector<16xf32>,
    %add3A_1922 = arith.constant 3 : i32
    %add3A_1923 = vector.broadcast %add3A_1922 : i32 to vector<16xi32>
    %add3A_1924 = arith.addi %add3A_1917, %add3A_1923 : vector<16xi32>
    %gather3A_1925 = tpu.vector_load_idx %arg5[%add3A_1924] : memref<3072xf32, #tpu.memory_space<vmem>>[vector<16xi32>], vector<16xf32>,
    %add3A_1926 = arith.constant 4 : i32
    %add3A_1927 = vector.broadcast %add3A_1926 : i32 to vector<16xi32>
    %add3A_1928 = arith.addi %add3A_1917, %add3A_1927 : vector<16xi32>
    %gather3A_1929 = tpu.vector_load_idx %arg5[%add3A_1928] : memref<3072xf32, #tpu.memory_space<vmem>>[vector<16xi32>], vector<16xf32>,
    %add3A_1930 = arith.constant 5 : i32
    %add3A_1931 = vector.broadcast %add3A_1930 : i32 to vector<16xi32>
    %add3A_1932 = arith.addi %add3A_1917, %add3A_1931 : vector<16xi32>
    %gather3A_1933 = tpu.vector_load_idx %arg5[%add3A_1932] : memref<3072xf32, #tpu.memory_space<vmem>>[vector<16xi32>], vector<16xf32>,
    %mul3A_1934 = arith.constant 1.280000e+02 : f32
    %mul3A_1935 = vector.broadcast %mul3A_1934 : f32 to vector<16xf32>
    %mul3A_1936 = arith.mulf %gather3A_1925, %mul3A_1935 : vector<16xf32>
    %convert_element_type3A_1937 = arith.fptosi %mul3A_1936 : vector<16xf32> to vector<16xi32>
    %mul3A_1938 = arith.constant 128 : i32
    %mul3A_1939 = vector.broadcast %mul3A_1938 : i32 to vector<16xi32>
    %mul3A_1940 = arith.muli %convert_element_type3A_1937, %mul3A_1939 : vector<16xi32>
    %mul3A_1941 = arith.constant 1.280000e+02 : f32
    %mul3A_1942 = vector.broadcast %mul3A_1941 : f32 to vector<16xf32>
    %mul3A_1943 = arith.mulf %gather3A_1921, %mul3A_1942 : vector<16xf32>
    %convert_element_type3A_1944 = arith.fptosi %mul3A_1943 : vector<16xf32> to vector<16xi32>
    %add3A_1945 = arith.addi %mul3A_1940, %convert_element_type3A_1944 : vector<16xi32>
    %ge3A_1946 = vector.broadcast %mul3A_2 : i32 to vector<16xi32>
    %ge3A_1947 = arith.cmpi sge, %add3A_1945, %ge3A_1946 : vector<16xi32>
    %add3A_1948 = arith.constant 512 : i32
    %add3A_1949 = arith.addi %mul3A_2, %add3A_1948 : i32
    %lt3A_1950 = vector.broadcast %add3A_1949 : i32 to vector<16xi32>
    %lt3A_1951 = arith.cmpi slt, %add3A_1945, %lt3A_1950 : vector<16xi32>
    %and3A_1952 = arith.andi %ge3A_1947, %lt3A_1951 : vector<16xi1>
    %sub3A_1953 = vector.broadcast %mul3A_2 : i32 to vector<16xi32>
    %sub3A_1954 = arith.subi %add3A_1945, %sub3A_1953 : vector<16xi32>
    %jit3A_1955 = arith.constant 0 : i32
    %broadcast_in_dim3A_1956 = vector.broadcast %jit3A_1955 : i32 to vector<16xi32>
    %select_n3A_1957 = arith.select %and3A_1952, %sub3A_1954, %broadcast_in_dim3A_1956 : vector<16xi1>, vector<16xi32>
    tpu.vector_store_idx %arg4[%select_n3A_1957], %broadcast_in_dim3A_324 masked %and3A_1952 : memref<2560xf32, #tpu.memory_space<vmem>>[vector<16xi32>], vector<16xf32>, vector<16xi1>
    %add3A_1958 = arith.constant 512 : i32
    %add3A_1959 = vector.broadcast %add3A_1958 : i32 to vector<16xi32>
    %add3A_1960 = arith.addi %select_n3A_1957, %add3A_1959 : vector<16xi32>
    tpu.vector_store_idx %arg4[%add3A_1960], %gather3A_1921 masked %and3A_1952 : memref<2560xf32, #tpu.memory_space<vmem>>[vector<16xi32>], vector<16xf32>, vector<16xi1>
    %add3A_1961 = arith.constant 1024 : i32
    %add3A_1962 = vector.broadcast %add3A_1961 : i32 to vector<16xi32>
    %add3A_1963 = arith.addi %select_n3A_1957, %add3A_1962 : vector<16xi32>
    tpu.vector_store_idx %arg4[%add3A_1963], %gather3A_1925 masked %and3A_1952 : memref<2560xf32, #tpu.memory_space<vmem>>[vector<16xi32>], vector<16xf32>, vector<16xi1>
    %add3A_1964 = arith.constant 1536 : i32
    %add3A_1965 = vector.broadcast %add3A_1964 : i32 to vector<16xi32>
    %add3A_1966 = arith.addi %select_n3A_1957, %add3A_1965 : vector<16xi32>
    tpu.vector_store_idx %arg4[%add3A_1966], %gather3A_1929 masked %and3A_1952 : memref<2560xf32, #tpu.memory_space<vmem>>[vector<16xi32>], vector<16xf32>, vector<16xi1>
    %add3A_1967 = arith.constant 2048 : i32
    %add3A_1968 = vector.broadcast %add3A_1967 : i32 to vector<16xi32>
    %add3A_1969 = arith.addi %select_n3A_1957, %add3A_1968 : vector<16xi32>
    tpu.vector_store_idx %arg4[%add3A_1969], %gather3A_1933 masked %and3A_1952 : memref<2560xf32, #tpu.memory_space<vmem>>[vector<16xi32>], vector<16xf32>, vector<16xi1>
    %add3A_1970 = arith.constant 2880 : i32
    %add3A_1971 = vector.broadcast %add3A_1970 : i32 to vector<16xi32>
    %add3A_1972 = arith.addi %mul3A_327, %add3A_1971 : vector<16xi32>
    %add3A_1973 = arith.constant 2 : i32
    %add3A_1974 = vector.broadcast %add3A_1973 : i32 to vector<16xi32>
    %add3A_1975 = arith.addi %add3A_1972, %add3A_1974 : vector<16xi32>
    %gather3A_1976 = tpu.vector_load_idx %arg5[%add3A_1975] : memref<3072xf32, #tpu.memory_space<vmem>>[vector<16xi32>], vector<16xf32>,
    %add3A_1977 = arith.constant 3 : i32
    %add3A_1978 = vector.broadcast %add3A_1977 : i32 to vector<16xi32>
    %add3A_1979 = arith.addi %add3A_1972, %add3A_1978 : vector<16xi32>
    %gather3A_1980 = tpu.vector_load_idx %arg5[%add3A_1979] : memref<3072xf32, #tpu.memory_space<vmem>>[vector<16xi32>], vector<16xf32>,
    %add3A_1981 = arith.constant 4 : i32
    %add3A_1982 = vector.broadcast %add3A_1981 : i32 to vector<16xi32>
    %add3A_1983 = arith.addi %add3A_1972, %add3A_1982 : vector<16xi32>
    %gather3A_1984 = tpu.vector_load_idx %arg5[%add3A_1983] : memref<3072xf32, #tpu.memory_space<vmem>>[vector<16xi32>], vector<16xf32>,
    %add3A_1985 = arith.constant 5 : i32
    %add3A_1986 = vector.broadcast %add3A_1985 : i32 to vector<16xi32>
    %add3A_1987 = arith.addi %add3A_1972, %add3A_1986 : vector<16xi32>
    %gather3A_1988 = tpu.vector_load_idx %arg5[%add3A_1987] : memref<3072xf32, #tpu.memory_space<vmem>>[vector<16xi32>], vector<16xf32>,
    %mul3A_1989 = arith.constant 1.280000e+02 : f32
    %mul3A_1990 = vector.broadcast %mul3A_1989 : f32 to vector<16xf32>
    %mul3A_1991 = arith.mulf %gather3A_1980, %mul3A_1990 : vector<16xf32>
    %convert_element_type3A_1992 = arith.fptosi %mul3A_1991 : vector<16xf32> to vector<16xi32>
    %mul3A_1993 = arith.constant 128 : i32
    %mul3A_1994 = vector.broadcast %mul3A_1993 : i32 to vector<16xi32>
    %mul3A_1995 = arith.muli %convert_element_type3A_1992, %mul3A_1994 : vector<16xi32>
    %mul3A_1996 = arith.constant 1.280000e+02 : f32
    %mul3A_1997 = vector.broadcast %mul3A_1996 : f32 to vector<16xf32>
    %mul3A_1998 = arith.mulf %gather3A_1976, %mul3A_1997 : vector<16xf32>
    %convert_element_type3A_1999 = arith.fptosi %mul3A_1998 : vector<16xf32> to vector<16xi32>
    %add3A_2000 = arith.addi %mul3A_1995, %convert_element_type3A_1999 : vector<16xi32>
    %ge3A_2001 = vector.broadcast %mul3A_2 : i32 to vector<16xi32>
    %ge3A_2002 = arith.cmpi sge, %add3A_2000, %ge3A_2001 : vector<16xi32>
    %add3A_2003 = arith.constant 512 : i32
    %add3A_2004 = arith.addi %mul3A_2, %add3A_2003 : i32
    %lt3A_2005 = vector.broadcast %add3A_2004 : i32 to vector<16xi32>
    %lt3A_2006 = arith.cmpi slt, %add3A_2000, %lt3A_2005 : vector<16xi32>
    %and3A_2007 = arith.andi %ge3A_2002, %lt3A_2006 : vector<16xi1>
    %sub3A_2008 = vector.broadcast %mul3A_2 : i32 to vector<16xi32>
    %sub3A_2009 = arith.subi %add3A_2000, %sub3A_2008 : vector<16xi32>
    %jit3A_2010 = arith.constant 0 : i32
    %broadcast_in_dim3A_2011 = vector.broadcast %jit3A_2010 : i32 to vector<16xi32>
    %select_n3A_2012 = arith.select %and3A_2007, %sub3A_2009, %broadcast_in_dim3A_2011 : vector<16xi1>, vector<16xi32>
    tpu.vector_store_idx %arg4[%select_n3A_2012], %broadcast_in_dim3A_324 masked %and3A_2007 : memref<2560xf32, #tpu.memory_space<vmem>>[vector<16xi32>], vector<16xf32>, vector<16xi1>
    %add3A_2013 = arith.constant 512 : i32
    %add3A_2014 = vector.broadcast %add3A_2013 : i32 to vector<16xi32>
    %add3A_2015 = arith.addi %select_n3A_2012, %add3A_2014 : vector<16xi32>
    tpu.vector_store_idx %arg4[%add3A_2015], %gather3A_1976 masked %and3A_2007 : memref<2560xf32, #tpu.memory_space<vmem>>[vector<16xi32>], vector<16xf32>, vector<16xi1>
    %add3A_2016 = arith.constant 1024 : i32
    %add3A_2017 = vector.broadcast %add3A_2016 : i32 to vector<16xi32>
    %add3A_2018 = arith.addi %select_n3A_2012, %add3A_2017 : vector<16xi32>
    tpu.vector_store_idx %arg4[%add3A_2018], %gather3A_1980 masked %and3A_2007 : memref<2560xf32, #tpu.memory_space<vmem>>[vector<16xi32>], vector<16xf32>, vector<16xi1>
    %add3A_2019 = arith.constant 1536 : i32
    %add3A_2020 = vector.broadcast %add3A_2019 : i32 to vector<16xi32>
    %add3A_2021 = arith.addi %select_n3A_2012, %add3A_2020 : vector<16xi32>
    tpu.vector_store_idx %arg4[%add3A_2021], %gather3A_1984 masked %and3A_2007 : memref<2560xf32, #tpu.memory_space<vmem>>[vector<16xi32>], vector<16xf32>, vector<16xi1>
    %add3A_2022 = arith.constant 2048 : i32
    %add3A_2023 = vector.broadcast %add3A_2022 : i32 to vector<16xi32>
    %add3A_2024 = arith.addi %select_n3A_2012, %add3A_2023 : vector<16xi32>
    tpu.vector_store_idx %arg4[%add3A_2024], %gather3A_1988 masked %and3A_2007 : memref<2560xf32, #tpu.memory_space<vmem>>[vector<16xi32>], vector<16xf32>, vector<16xi1>
    %add3A_2025 = arith.constant 2976 : i32
    %add3A_2026 = vector.broadcast %add3A_2025 : i32 to vector<16xi32>
    %add3A_2027 = arith.addi %mul3A_327, %add3A_2026 : vector<16xi32>
    %add3A_2028 = arith.constant 2 : i32
    %add3A_2029 = vector.broadcast %add3A_2028 : i32 to vector<16xi32>
    %add3A_2030 = arith.addi %add3A_2027, %add3A_2029 : vector<16xi32>
    %gather3A_2031 = tpu.vector_load_idx %arg5[%add3A_2030] : memref<3072xf32, #tpu.memory_space<vmem>>[vector<16xi32>], vector<16xf32>,
    %add3A_2032 = arith.constant 3 : i32
    %add3A_2033 = vector.broadcast %add3A_2032 : i32 to vector<16xi32>
    %add3A_2034 = arith.addi %add3A_2027, %add3A_2033 : vector<16xi32>
    %gather3A_2035 = tpu.vector_load_idx %arg5[%add3A_2034] : memref<3072xf32, #tpu.memory_space<vmem>>[vector<16xi32>], vector<16xf32>,
    %add3A_2036 = arith.constant 4 : i32
    %add3A_2037 = vector.broadcast %add3A_2036 : i32 to vector<16xi32>
    %add3A_2038 = arith.addi %add3A_2027, %add3A_2037 : vector<16xi32>
    %gather3A_2039 = tpu.vector_load_idx %arg5[%add3A_2038] : memref<3072xf32, #tpu.memory_space<vmem>>[vector<16xi32>], vector<16xf32>,
    %add3A_2040 = arith.constant 5 : i32
    %add3A_2041 = vector.broadcast %add3A_2040 : i32 to vector<16xi32>
    %add3A_2042 = arith.addi %add3A_2027, %add3A_2041 : vector<16xi32>
    %gather3A_2043 = tpu.vector_load_idx %arg5[%add3A_2042] : memref<3072xf32, #tpu.memory_space<vmem>>[vector<16xi32>], vector<16xf32>,
    %mul3A_2044 = arith.constant 1.280000e+02 : f32
    %mul3A_2045 = vector.broadcast %mul3A_2044 : f32 to vector<16xf32>
    %mul3A_2046 = arith.mulf %gather3A_2035, %mul3A_2045 : vector<16xf32>
    %convert_element_type3A_2047 = arith.fptosi %mul3A_2046 : vector<16xf32> to vector<16xi32>
    %mul3A_2048 = arith.constant 128 : i32
    %mul3A_2049 = vector.broadcast %mul3A_2048 : i32 to vector<16xi32>
    %mul3A_2050 = arith.muli %convert_element_type3A_2047, %mul3A_2049 : vector<16xi32>
    %mul3A_2051 = arith.constant 1.280000e+02 : f32
    %mul3A_2052 = vector.broadcast %mul3A_2051 : f32 to vector<16xf32>
    %mul3A_2053 = arith.mulf %gather3A_2031, %mul3A_2052 : vector<16xf32>
    %convert_element_type3A_2054 = arith.fptosi %mul3A_2053 : vector<16xf32> to vector<16xi32>
    %add3A_2055 = arith.addi %mul3A_2050, %convert_element_type3A_2054 : vector<16xi32>
    %ge3A_2056 = vector.broadcast %mul3A_2 : i32 to vector<16xi32>
    %ge3A_2057 = arith.cmpi sge, %add3A_2055, %ge3A_2056 : vector<16xi32>
    %add3A_2058 = arith.constant 512 : i32
    %add3A_2059 = arith.addi %mul3A_2, %add3A_2058 : i32
    %lt3A_2060 = vector.broadcast %add3A_2059 : i32 to vector<16xi32>
    %lt3A_2061 = arith.cmpi slt, %add3A_2055, %lt3A_2060 : vector<16xi32>
    %and3A_2062 = arith.andi %ge3A_2057, %lt3A_2061 : vector<16xi1>
    %sub3A_2063 = vector.broadcast %mul3A_2 : i32 to vector<16xi32>
    %sub3A_2064 = arith.subi %add3A_2055, %sub3A_2063 : vector<16xi32>
    %jit3A_2065 = arith.constant 0 : i32
    %broadcast_in_dim3A_2066 = vector.broadcast %jit3A_2065 : i32 to vector<16xi32>
    %select_n3A_2067 = arith.select %and3A_2062, %sub3A_2064, %broadcast_in_dim3A_2066 : vector<16xi1>, vector<16xi32>
    tpu.vector_store_idx %arg4[%select_n3A_2067], %broadcast_in_dim3A_324 masked %and3A_2062 : memref<2560xf32, #tpu.memory_space<vmem>>[vector<16xi32>], vector<16xf32>, vector<16xi1>
    %add3A_2068 = arith.constant 512 : i32
    %add3A_2069 = vector.broadcast %add3A_2068 : i32 to vector<16xi32>
    %add3A_2070 = arith.addi %select_n3A_2067, %add3A_2069 : vector<16xi32>
    tpu.vector_store_idx %arg4[%add3A_2070], %gather3A_2031 masked %and3A_2062 : memref<2560xf32, #tpu.memory_space<vmem>>[vector<16xi32>], vector<16xf32>, vector<16xi1>
    %add3A_2071 = arith.constant 1024 : i32
    %add3A_2072 = vector.broadcast %add3A_2071 : i32 to vector<16xi32>
    %add3A_2073 = arith.addi %select_n3A_2067, %add3A_2072 : vector<16xi32>
    tpu.vector_store_idx %arg4[%add3A_2073], %gather3A_2035 masked %and3A_2062 : memref<2560xf32, #tpu.memory_space<vmem>>[vector<16xi32>], vector<16xf32>, vector<16xi1>
    %add3A_2074 = arith.constant 1536 : i32
    %add3A_2075 = vector.broadcast %add3A_2074 : i32 to vector<16xi32>
    %add3A_2076 = arith.addi %select_n3A_2067, %add3A_2075 : vector<16xi32>
    tpu.vector_store_idx %arg4[%add3A_2076], %gather3A_2039 masked %and3A_2062 : memref<2560xf32, #tpu.memory_space<vmem>>[vector<16xi32>], vector<16xf32>, vector<16xi1>
    %add3A_2077 = arith.constant 2048 : i32
    %add3A_2078 = vector.broadcast %add3A_2077 : i32 to vector<16xi32>
    %add3A_2079 = arith.addi %select_n3A_2067, %add3A_2078 : vector<16xi32>
    tpu.vector_store_idx %arg4[%add3A_2079], %gather3A_2043 masked %and3A_2062 : memref<2560xf32, #tpu.memory_space<vmem>>[vector<16xi32>], vector<16xf32>, vector<16xi1>
    %add3A_2080 = arith.constant 0 : i32
    %add3A_2081 = arith.addi %add3A_2080, %mul3A_2 : i32
    "tpu.region"() ({
      %run_scoped3A = tpu.sem_alloc : memref<!tpu.dma_semaphore, #tpu.memory_space<semaphore_mem>>
      %dma_start3A = arith.constant 0 : i32
      %dma_start3A_2090 = tpu.memref_slice %arg4[%dma_start3A] : memref<2560xf32, #tpu.memory_space<vmem>> -> memref<512xf32, #tpu.memory_space<vmem>>
      %dma_start3A_2091 = tpu.memref_slice %arg3[%add3A_2081] : memref<81920xf32, #tpu.memory_space<hbm>> -> memref<512xf32, #tpu.memory_space<hbm>>
      %dma_start3A_2092 = tpu.memref_slice %arg3[%add3A_2081] : memref<81920xf32, #tpu.memory_space<hbm>> -> memref<512xf32, #tpu.memory_space<hbm>>
      %dma_start3A_2093 = arith.constant 0 : i32
      %dma_start3A_2094 = tpu.memref_slice %arg4[%dma_start3A_2093] : memref<2560xf32, #tpu.memory_space<vmem>> -> memref<512xf32, #tpu.memory_space<vmem>>
      tpu.enqueue_dma source(%dma_start3A_2094 : memref<512xf32, #tpu.memory_space<vmem>>) target(%dma_start3A_2092 : memref<512xf32, #tpu.memory_space<hbm>>) target_semaphore(%run_scoped3A : memref<!tpu.dma_semaphore, #tpu.memory_space<semaphore_mem>>)
      %dma_wait3A = arith.constant 0 : i32
      %dma_wait3A_2095 = tpu.memref_slice %arg4[%dma_wait3A] : memref<2560xf32, #tpu.memory_space<vmem>> -> memref<512xf32, #tpu.memory_space<vmem>>
      %dma_wait3A_2096 = tpu.memref_slice %arg3[%add3A_2081] : memref<81920xf32, #tpu.memory_space<hbm>> -> memref<512xf32, #tpu.memory_space<hbm>>
      %dma_wait3A_2097 = tpu.memref_slice %arg3[%add3A_2081] : memref<81920xf32, #tpu.memory_space<hbm>> -> memref<512xf32, #tpu.memory_space<hbm>>
      %dma_wait3A_2098 = arith.constant 0 : i32
      %dma_wait3A_2099 = tpu.memref_slice %arg4[%dma_wait3A_2098] : memref<2560xf32, #tpu.memory_space<vmem>> -> memref<512xf32, #tpu.memory_space<vmem>>
      tpu.wait_dma2 semaphore(%run_scoped3A : memref<!tpu.dma_semaphore, #tpu.memory_space<semaphore_mem>>) src(%dma_wait3A_2099 : memref<512xf32, #tpu.memory_space<vmem>>) dst(%dma_wait3A_2097 : memref<512xf32, #tpu.memory_space<hbm>>)
      tpu.yield
    }) : () -> ()
    %add3A_2082 = arith.constant 16384 : i32
    %add3A_2083 = arith.addi %add3A_2082, %mul3A_2 : i32
    "tpu.region"() ({
      %run_scoped3A = tpu.sem_alloc : memref<!tpu.dma_semaphore, #tpu.memory_space<semaphore_mem>>
      %dma_start3A = arith.constant 512 : i32
      %dma_start3A_2090 = tpu.memref_slice %arg4[%dma_start3A] : memref<2560xf32, #tpu.memory_space<vmem>> -> memref<512xf32, #tpu.memory_space<vmem>>
      %dma_start3A_2091 = tpu.memref_slice %arg3[%add3A_2083] : memref<81920xf32, #tpu.memory_space<hbm>> -> memref<512xf32, #tpu.memory_space<hbm>>
      %dma_start3A_2092 = tpu.memref_slice %arg3[%add3A_2083] : memref<81920xf32, #tpu.memory_space<hbm>> -> memref<512xf32, #tpu.memory_space<hbm>>
      %dma_start3A_2093 = arith.constant 512 : i32
      %dma_start3A_2094 = tpu.memref_slice %arg4[%dma_start3A_2093] : memref<2560xf32, #tpu.memory_space<vmem>> -> memref<512xf32, #tpu.memory_space<vmem>>
      tpu.enqueue_dma source(%dma_start3A_2094 : memref<512xf32, #tpu.memory_space<vmem>>) target(%dma_start3A_2092 : memref<512xf32, #tpu.memory_space<hbm>>) target_semaphore(%run_scoped3A : memref<!tpu.dma_semaphore, #tpu.memory_space<semaphore_mem>>)
      %dma_wait3A = arith.constant 512 : i32
      %dma_wait3A_2095 = tpu.memref_slice %arg4[%dma_wait3A] : memref<2560xf32, #tpu.memory_space<vmem>> -> memref<512xf32, #tpu.memory_space<vmem>>
      %dma_wait3A_2096 = tpu.memref_slice %arg3[%add3A_2083] : memref<81920xf32, #tpu.memory_space<hbm>> -> memref<512xf32, #tpu.memory_space<hbm>>
      %dma_wait3A_2097 = tpu.memref_slice %arg3[%add3A_2083] : memref<81920xf32, #tpu.memory_space<hbm>> -> memref<512xf32, #tpu.memory_space<hbm>>
      %dma_wait3A_2098 = arith.constant 512 : i32
      %dma_wait3A_2099 = tpu.memref_slice %arg4[%dma_wait3A_2098] : memref<2560xf32, #tpu.memory_space<vmem>> -> memref<512xf32, #tpu.memory_space<vmem>>
      tpu.wait_dma2 semaphore(%run_scoped3A : memref<!tpu.dma_semaphore, #tpu.memory_space<semaphore_mem>>) src(%dma_wait3A_2099 : memref<512xf32, #tpu.memory_space<vmem>>) dst(%dma_wait3A_2097 : memref<512xf32, #tpu.memory_space<hbm>>)
      tpu.yield
    }) : () -> ()
    %add3A_2084 = arith.constant 32768 : i32
    %add3A_2085 = arith.addi %add3A_2084, %mul3A_2 : i32
    "tpu.region"() ({
      %run_scoped3A = tpu.sem_alloc : memref<!tpu.dma_semaphore, #tpu.memory_space<semaphore_mem>>
      %dma_start3A = arith.constant 1024 : i32
      %dma_start3A_2090 = tpu.memref_slice %arg4[%dma_start3A] : memref<2560xf32, #tpu.memory_space<vmem>> -> memref<512xf32, #tpu.memory_space<vmem>>
      %dma_start3A_2091 = tpu.memref_slice %arg3[%add3A_2085] : memref<81920xf32, #tpu.memory_space<hbm>> -> memref<512xf32, #tpu.memory_space<hbm>>
      %dma_start3A_2092 = tpu.memref_slice %arg3[%add3A_2085] : memref<81920xf32, #tpu.memory_space<hbm>> -> memref<512xf32, #tpu.memory_space<hbm>>
      %dma_start3A_2093 = arith.constant 1024 : i32
      %dma_start3A_2094 = tpu.memref_slice %arg4[%dma_start3A_2093] : memref<2560xf32, #tpu.memory_space<vmem>> -> memref<512xf32, #tpu.memory_space<vmem>>
      tpu.enqueue_dma source(%dma_start3A_2094 : memref<512xf32, #tpu.memory_space<vmem>>) target(%dma_start3A_2092 : memref<512xf32, #tpu.memory_space<hbm>>) target_semaphore(%run_scoped3A : memref<!tpu.dma_semaphore, #tpu.memory_space<semaphore_mem>>)
      %dma_wait3A = arith.constant 1024 : i32
      %dma_wait3A_2095 = tpu.memref_slice %arg4[%dma_wait3A] : memref<2560xf32, #tpu.memory_space<vmem>> -> memref<512xf32, #tpu.memory_space<vmem>>
      %dma_wait3A_2096 = tpu.memref_slice %arg3[%add3A_2085] : memref<81920xf32, #tpu.memory_space<hbm>> -> memref<512xf32, #tpu.memory_space<hbm>>
      %dma_wait3A_2097 = tpu.memref_slice %arg3[%add3A_2085] : memref<81920xf32, #tpu.memory_space<hbm>> -> memref<512xf32, #tpu.memory_space<hbm>>
      %dma_wait3A_2098 = arith.constant 1024 : i32
      %dma_wait3A_2099 = tpu.memref_slice %arg4[%dma_wait3A_2098] : memref<2560xf32, #tpu.memory_space<vmem>> -> memref<512xf32, #tpu.memory_space<vmem>>
      tpu.wait_dma2 semaphore(%run_scoped3A : memref<!tpu.dma_semaphore, #tpu.memory_space<semaphore_mem>>) src(%dma_wait3A_2099 : memref<512xf32, #tpu.memory_space<vmem>>) dst(%dma_wait3A_2097 : memref<512xf32, #tpu.memory_space<hbm>>)
      tpu.yield
    }) : () -> ()
    %add3A_2086 = arith.constant 49152 : i32
    %add3A_2087 = arith.addi %add3A_2086, %mul3A_2 : i32
    "tpu.region"() ({
      %run_scoped3A = tpu.sem_alloc : memref<!tpu.dma_semaphore, #tpu.memory_space<semaphore_mem>>
      %dma_start3A = arith.constant 1536 : i32
      %dma_start3A_2090 = tpu.memref_slice %arg4[%dma_start3A] : memref<2560xf32, #tpu.memory_space<vmem>> -> memref<512xf32, #tpu.memory_space<vmem>>
      %dma_start3A_2091 = tpu.memref_slice %arg3[%add3A_2087] : memref<81920xf32, #tpu.memory_space<hbm>> -> memref<512xf32, #tpu.memory_space<hbm>>
      %dma_start3A_2092 = tpu.memref_slice %arg3[%add3A_2087] : memref<81920xf32, #tpu.memory_space<hbm>> -> memref<512xf32, #tpu.memory_space<hbm>>
      %dma_start3A_2093 = arith.constant 1536 : i32
      %dma_start3A_2094 = tpu.memref_slice %arg4[%dma_start3A_2093] : memref<2560xf32, #tpu.memory_space<vmem>> -> memref<512xf32, #tpu.memory_space<vmem>>
      tpu.enqueue_dma source(%dma_start3A_2094 : memref<512xf32, #tpu.memory_space<vmem>>) target(%dma_start3A_2092 : memref<512xf32, #tpu.memory_space<hbm>>) target_semaphore(%run_scoped3A : memref<!tpu.dma_semaphore, #tpu.memory_space<semaphore_mem>>)
      %dma_wait3A = arith.constant 1536 : i32
      %dma_wait3A_2095 = tpu.memref_slice %arg4[%dma_wait3A] : memref<2560xf32, #tpu.memory_space<vmem>> -> memref<512xf32, #tpu.memory_space<vmem>>
      %dma_wait3A_2096 = tpu.memref_slice %arg3[%add3A_2087] : memref<81920xf32, #tpu.memory_space<hbm>> -> memref<512xf32, #tpu.memory_space<hbm>>
      %dma_wait3A_2097 = tpu.memref_slice %arg3[%add3A_2087] : memref<81920xf32, #tpu.memory_space<hbm>> -> memref<512xf32, #tpu.memory_space<hbm>>
      %dma_wait3A_2098 = arith.constant 1536 : i32
      %dma_wait3A_2099 = tpu.memref_slice %arg4[%dma_wait3A_2098] : memref<2560xf32, #tpu.memory_space<vmem>> -> memref<512xf32, #tpu.memory_space<vmem>>
      tpu.wait_dma2 semaphore(%run_scoped3A : memref<!tpu.dma_semaphore, #tpu.memory_space<semaphore_mem>>) src(%dma_wait3A_2099 : memref<512xf32, #tpu.memory_space<vmem>>) dst(%dma_wait3A_2097 : memref<512xf32, #tpu.memory_space<hbm>>)
      tpu.yield
    }) : () -> ()
    %add3A_2088 = arith.constant 65536 : i32
    %add3A_2089 = arith.addi %add3A_2088, %mul3A_2 : i32
    "tpu.region"() ({
      %run_scoped3A = tpu.sem_alloc : memref<!tpu.dma_semaphore, #tpu.memory_space<semaphore_mem>>
      %dma_start3A = arith.constant 2048 : i32
      %dma_start3A_2090 = tpu.memref_slice %arg4[%dma_start3A] : memref<2560xf32, #tpu.memory_space<vmem>> -> memref<512xf32, #tpu.memory_space<vmem>>
      %dma_start3A_2091 = tpu.memref_slice %arg3[%add3A_2089] : memref<81920xf32, #tpu.memory_space<hbm>> -> memref<512xf32, #tpu.memory_space<hbm>>
      %dma_start3A_2092 = tpu.memref_slice %arg3[%add3A_2089] : memref<81920xf32, #tpu.memory_space<hbm>> -> memref<512xf32, #tpu.memory_space<hbm>>
      %dma_start3A_2093 = arith.constant 2048 : i32
      %dma_start3A_2094 = tpu.memref_slice %arg4[%dma_start3A_2093] : memref<2560xf32, #tpu.memory_space<vmem>> -> memref<512xf32, #tpu.memory_space<vmem>>
      tpu.enqueue_dma source(%dma_start3A_2094 : memref<512xf32, #tpu.memory_space<vmem>>) target(%dma_start3A_2092 : memref<512xf32, #tpu.memory_space<hbm>>) target_semaphore(%run_scoped3A : memref<!tpu.dma_semaphore, #tpu.memory_space<semaphore_mem>>)
      %dma_wait3A = arith.constant 2048 : i32
      %dma_wait3A_2095 = tpu.memref_slice %arg4[%dma_wait3A] : memref<2560xf32, #tpu.memory_space<vmem>> -> memref<512xf32, #tpu.memory_space<vmem>>
      %dma_wait3A_2096 = tpu.memref_slice %arg3[%add3A_2089] : memref<81920xf32, #tpu.memory_space<hbm>> -> memref<512xf32, #tpu.memory_space<hbm>>
      %dma_wait3A_2097 = tpu.memref_slice %arg3[%add3A_2089] : memref<81920xf32, #tpu.memory_space<hbm>> -> memref<512xf32, #tpu.memory_space<hbm>>
      %dma_wait3A_2098 = arith.constant 2048 : i32
      %dma_wait3A_2099 = tpu.memref_slice %arg4[%dma_wait3A_2098] : memref<2560xf32, #tpu.memory_space<vmem>> -> memref<512xf32, #tpu.memory_space<vmem>>
      tpu.wait_dma2 semaphore(%run_scoped3A : memref<!tpu.dma_semaphore, #tpu.memory_space<semaphore_mem>>) src(%dma_wait3A_2099 : memref<512xf32, #tpu.memory_space<vmem>>) dst(%dma_wait3A_2097 : memref<512xf32, #tpu.memory_space<hbm>>)
      tpu.yield
    }) : () -> ()
    return
  }
}

module attributes {stable_mosaic.version = 14 : i64} {
  func.func @_conf_body(%arg0: i32, %arg1: memref<1x32x1x128x128xf32, #tpu.memory_space<vmem>>, %arg2: memref<1x32x1x128x128xf32, #tpu.memory_space<vmem>>, %arg3: memref<1x32x1x128x128xf32, #tpu.memory_space<vmem>>, %arg4: memref<1x1xf32, #tpu.memory_space<smem>>) attributes {dimension_semantics = [#tpu.dimension_semantics<arbitrary>], iteration_bounds = array<i64: 2>, scalar_prefetch = 0 : i64, scratch_operands = 0 : i64, tpu.core_type = #tpu.core_type<tc>, window_params = [{transform_indices = @transform_0, window_bounds = array<i64: 1, 32, 1, 128, 128>}, {transform_indices = @transform_1, window_bounds = array<i64: 1, 32, 1, 128, 128>}, {transform_indices = @transform_2, window_bounds = array<i64: 1, 32, 1, 128, 128>}, {transform_indices = @transform_3, window_bounds = array<i64: 1, 1>}]} {
    %eq3A = arith.constant 0 : i32
    %eq3A_0 = arith.cmpi eq, %arg0, %eq3A : i32
    %convert_element_type3A = arith.extui %eq3A_0 : i1 to i32
    %cond3A = arith.constant 0 : i32
    %cond3A_1 = arith.cmpi ne, %convert_element_type3A, %cond3A : i32
    scf.if %cond3A_1 {
      %swap3A_71 = arith.constant 0.000000e+00 : f32
      %swap3A_72 = arith.constant 0 : index
      %swap3A_73 = arith.constant 0 : index
      %swap3A_74 = memref.load %arg4[%swap3A_72, %swap3A_73] : memref<1x1xf32, #tpu.memory_space<smem>>
      memref.store %swap3A_71, %arg4[%swap3A_72, %swap3A_73] : memref<1x1xf32, #tpu.memory_space<smem>>
    } else {
    }
    %get3A = arith.constant 0 : index
    %get3A_2 = arith.constant 0 : index
    %get3A_3 = arith.constant 0 : index
    %get3A_4 = arith.constant 0 : index
    %get3A_5 = arith.constant 0 : index
    %get3A_6 = vector.load %arg1[%get3A, %get3A_2, %get3A_3, %get3A_4, %get3A_5] : memref<1x32x1x128x128xf32, #tpu.memory_space<vmem>>, vector<1x32x1x128x128xf32>
    %neg3A = arith.constant 0.000000e+00 : f32
    %neg3A_7 = vector.broadcast %neg3A : f32 to vector<1x32x1x128x128xf32>
    %neg3A_8 = arith.subf %neg3A_7, %get3A_6 : vector<1x32x1x128x128xf32>
    %exp3A = math.exp %neg3A_8 : vector<1x32x1x128x128xf32>
    %add3A = arith.constant 1.000000e+00 : f32
    %add3A_9 = vector.broadcast %add3A : f32 to vector<1x32x1x128x128xf32>
    %add3A_10 = arith.addf %add3A_9, %exp3A : vector<1x32x1x128x128xf32>
    %div3A = arith.constant 1.000000e+00 : f32
    %div3A_11 = vector.broadcast %div3A : f32 to vector<1x32x1x128x128xf32>
    %div3A_12 = arith.divf %div3A_11, %add3A_10 : vector<1x32x1x128x128xf32>
    %mul3A = arith.mulf %div3A_12, %div3A_12 : vector<1x32x1x128x128xf32>
    %reduce_sum3A = vector.shape_cast %mul3A : vector<1x32x1x128x128xf32> to vector<1x1x32x1x128x128xf32>
    %reduce_sum3A_13 = arith.constant dense<0.000000e+00> : vector<1xf32>
    %reduce_sum3A_14 = vector.multi_reduction <add>, %reduce_sum3A, %reduce_sum3A_13 [1, 2, 3, 4, 5] : vector<1x1x32x1x128x128xf32> to vector<1xf32>
    %reduce_sum3A_15 = vector.shape_cast %reduce_sum3A_14 : vector<1xf32> to vector<1x1x1x1x1x1xf32>
    %reduce_sum3A_16 = vector.extract %reduce_sum3A_15[0, 0, 0, 0, 0, 0] : f32 from vector<1x1x1x1x1x1xf32>
    %add3A_17 = arith.constant 0.000000e+00 : f32
    %add3A_18 = arith.addf %add3A_17, %reduce_sum3A_16 : f32
    %get3A_19 = arith.constant 0 : index
    %get3A_20 = arith.constant 0 : index
    %get3A_21 = arith.constant 0 : index
    %get3A_22 = arith.constant 0 : index
    %get3A_23 = arith.constant 0 : index
    %get3A_24 = vector.load %arg2[%get3A_19, %get3A_20, %get3A_21, %get3A_22, %get3A_23] : memref<1x32x1x128x128xf32, #tpu.memory_space<vmem>>, vector<1x32x1x128x128xf32>
    %neg3A_25 = arith.constant 0.000000e+00 : f32
    %neg3A_26 = vector.broadcast %neg3A_25 : f32 to vector<1x32x1x128x128xf32>
    %neg3A_27 = arith.subf %neg3A_26, %get3A_24 : vector<1x32x1x128x128xf32>
    %exp3A_28 = math.exp %neg3A_27 : vector<1x32x1x128x128xf32>
    %add3A_29 = arith.constant 1.000000e+00 : f32
    %add3A_30 = vector.broadcast %add3A_29 : f32 to vector<1x32x1x128x128xf32>
    %add3A_31 = arith.addf %add3A_30, %exp3A_28 : vector<1x32x1x128x128xf32>
    %div3A_32 = arith.constant 1.000000e+00 : f32
    %div3A_33 = vector.broadcast %div3A_32 : f32 to vector<1x32x1x128x128xf32>
    %div3A_34 = arith.divf %div3A_33, %add3A_31 : vector<1x32x1x128x128xf32>
    %mul3A_35 = arith.mulf %div3A_34, %div3A_34 : vector<1x32x1x128x128xf32>
    %reduce_sum3A_36 = vector.shape_cast %mul3A_35 : vector<1x32x1x128x128xf32> to vector<1x1x32x1x128x128xf32>
    %reduce_sum3A_37 = arith.constant dense<0.000000e+00> : vector<1xf32>
    %reduce_sum3A_38 = vector.multi_reduction <add>, %reduce_sum3A_36, %reduce_sum3A_37 [1, 2, 3, 4, 5] : vector<1x1x32x1x128x128xf32> to vector<1xf32>
    %reduce_sum3A_39 = vector.shape_cast %reduce_sum3A_38 : vector<1xf32> to vector<1x1x1x1x1x1xf32>
    %reduce_sum3A_40 = vector.extract %reduce_sum3A_39[0, 0, 0, 0, 0, 0] : f32 from vector<1x1x1x1x1x1xf32>
    %add3A_41 = arith.addf %add3A_18, %reduce_sum3A_40 : f32
    %get3A_42 = arith.constant 0 : index
    %get3A_43 = arith.constant 0 : index
    %get3A_44 = arith.constant 0 : index
    %get3A_45 = arith.constant 0 : index
    %get3A_46 = arith.constant 0 : index
    %get3A_47 = vector.load %arg3[%get3A_42, %get3A_43, %get3A_44, %get3A_45, %get3A_46] : memref<1x32x1x128x128xf32, #tpu.memory_space<vmem>>, vector<1x32x1x128x128xf32>
    %neg3A_48 = arith.constant 0.000000e+00 : f32
    %neg3A_49 = vector.broadcast %neg3A_48 : f32 to vector<1x32x1x128x128xf32>
    %neg3A_50 = arith.subf %neg3A_49, %get3A_47 : vector<1x32x1x128x128xf32>
    %exp3A_51 = math.exp %neg3A_50 : vector<1x32x1x128x128xf32>
    %add3A_52 = arith.constant 1.000000e+00 : f32
    %add3A_53 = vector.broadcast %add3A_52 : f32 to vector<1x32x1x128x128xf32>
    %add3A_54 = arith.addf %add3A_53, %exp3A_51 : vector<1x32x1x128x128xf32>
    %div3A_55 = arith.constant 1.000000e+00 : f32
    %div3A_56 = vector.broadcast %div3A_55 : f32 to vector<1x32x1x128x128xf32>
    %div3A_57 = arith.divf %div3A_56, %add3A_54 : vector<1x32x1x128x128xf32>
    %mul3A_58 = arith.mulf %div3A_57, %div3A_57 : vector<1x32x1x128x128xf32>
    %reduce_sum3A_59 = vector.shape_cast %mul3A_58 : vector<1x32x1x128x128xf32> to vector<1x1x32x1x128x128xf32>
    %reduce_sum3A_60 = arith.constant dense<0.000000e+00> : vector<1xf32>
    %reduce_sum3A_61 = vector.multi_reduction <add>, %reduce_sum3A_59, %reduce_sum3A_60 [1, 2, 3, 4, 5] : vector<1x1x32x1x128x128xf32> to vector<1xf32>
    %reduce_sum3A_62 = vector.shape_cast %reduce_sum3A_61 : vector<1xf32> to vector<1x1x1x1x1x1xf32>
    %reduce_sum3A_63 = vector.extract %reduce_sum3A_62[0, 0, 0, 0, 0, 0] : f32 from vector<1x1x1x1x1x1xf32>
    %add3A_64 = arith.addf %add3A_41, %reduce_sum3A_63 : f32
    %get3A_65 = arith.constant 0 : index
    %get3A_66 = arith.constant 0 : index
    %get3A_67 = memref.load %arg4[%get3A_65, %get3A_66] : memref<1x1xf32, #tpu.memory_space<smem>>
    %add3A_68 = arith.addf %get3A_67, %add3A_64 : f32
    %swap3A = arith.constant 0 : index
    %swap3A_69 = arith.constant 0 : index
    %swap3A_70 = memref.load %arg4[%swap3A, %swap3A_69] : memref<1x1xf32, #tpu.memory_space<smem>>
    memref.store %add3A_68, %arg4[%swap3A, %swap3A_69] : memref<1x1xf32, #tpu.memory_space<smem>>
    return
  }
  func.func @transform_0(%arg0: i32) -> (i32, i32, i32, i32, i32) {
    %c0_i32 = arith.constant 0 : i32
    %c4_i32 = arith.constant 4 : i32
    %c0_i32_0 = arith.constant 0 : i32
    %c0_i32_1 = arith.constant 0 : i32
    %c0_i32_2 = arith.constant 0 : i32
    return %c0_i32, %arg0, %c4_i32, %c0_i32_0, %c0_i32_1 : i32, i32, i32, i32, i32
  }
  func.func @transform_1(%arg0: i32) -> (i32, i32, i32, i32, i32) {
    %c0_i32 = arith.constant 0 : i32
    %c12_i32 = arith.constant 12 : i32
    %c0_i32_0 = arith.constant 0 : i32
    %c0_i32_1 = arith.constant 0 : i32
    %c0_i32_2 = arith.constant 0 : i32
    return %c0_i32, %arg0, %c12_i32, %c0_i32_0, %c0_i32_1 : i32, i32, i32, i32, i32
  }
  func.func @transform_2(%arg0: i32) -> (i32, i32, i32, i32, i32) {
    %c0_i32 = arith.constant 0 : i32
    %c20_i32 = arith.constant 20 : i32
    %c0_i32_0 = arith.constant 0 : i32
    %c0_i32_1 = arith.constant 0 : i32
    %c0_i32_2 = arith.constant 0 : i32
    return %c0_i32, %arg0, %c20_i32, %c0_i32_0, %c0_i32_1 : i32, i32, i32, i32, i32
  }
  func.func @transform_3(%arg0: i32) -> (i32, i32) {
    %c0_i32 = arith.constant 0 : i32
    %c0_i32_0 = arith.constant 0 : i32
    %c0_i32_1 = arith.constant 0 : i32
    return %c0_i32, %c0_i32_0 : i32, i32
  }
}

module attributes {stable_mosaic.version = 14 : i64} {
  func.func @_corr_body(%arg0: i32, %arg1: memref<1x1xf32, #tpu.memory_space<smem>>, %arg2: memref<1x1x24x128x128xf32, #tpu.memory_space<vmem>>, %arg3: memref<5x128x128xf32, #tpu.memory_space<vmem>>, %arg4: memref<1x1xf32, #tpu.memory_space<smem>>) attributes {dimension_semantics = [#tpu.dimension_semantics<arbitrary>], iteration_bounds = array<i64: 1>, scalar_prefetch = 0 : i64, scratch_operands = 0 : i64, tpu.core_type = #tpu.core_type<tc>, window_params = [{transform_indices = @transform_0, window_bounds = array<i64: 1, 1>}, {transform_indices = @transform_1, window_bounds = array<i64: 1, 1, 24, 128, 128>}, {pipeline_mode = #tpu.pipeline_mode<synchronous>, transform_indices = @transform_2, window_bounds = array<i64: 5, 128, 128>}, {transform_indices = @transform_3, window_bounds = array<i64: 1, 1>}]} {
    %get3A = arith.constant 0 : index
    %get3A_0 = arith.constant 0 : index
    %get3A_1 = arith.constant 0 : index
    %get3A_2 = vector.load %arg3[%get3A, %get3A_0, %get3A_1] : memref<5x128x128xf32, #tpu.memory_space<vmem>>, vector<1x128x128xf32>
    %get3A_3 = vector.shape_cast %get3A_2 : vector<1x128x128xf32> to vector<128x128xf32>
    %get3A_4 = arith.constant 1 : index
    %get3A_5 = arith.constant 0 : index
    %get3A_6 = arith.constant 0 : index
    %get3A_7 = vector.load %arg3[%get3A_4, %get3A_5, %get3A_6] : memref<5x128x128xf32, #tpu.memory_space<vmem>>, vector<1x128x128xf32>
    %get3A_8 = vector.shape_cast %get3A_7 : vector<1x128x128xf32> to vector<128x128xf32>
    %get3A_9 = arith.constant 2 : index
    %get3A_10 = arith.constant 0 : index
    %get3A_11 = arith.constant 0 : index
    %get3A_12 = vector.load %arg3[%get3A_9, %get3A_10, %get3A_11] : memref<5x128x128xf32, #tpu.memory_space<vmem>>, vector<1x128x128xf32>
    %get3A_13 = vector.shape_cast %get3A_12 : vector<1x128x128xf32> to vector<128x128xf32>
    %get3A_14 = arith.constant 3 : index
    %get3A_15 = arith.constant 0 : index
    %get3A_16 = arith.constant 0 : index
    %get3A_17 = vector.load %arg3[%get3A_14, %get3A_15, %get3A_16] : memref<5x128x128xf32, #tpu.memory_space<vmem>>, vector<1x128x128xf32>
    %get3A_18 = vector.shape_cast %get3A_17 : vector<1x128x128xf32> to vector<128x128xf32>
    %get3A_19 = arith.constant 4 : index
    %get3A_20 = arith.constant 0 : index
    %get3A_21 = arith.constant 0 : index
    %get3A_22 = vector.load %arg3[%get3A_19, %get3A_20, %get3A_21] : memref<5x128x128xf32, #tpu.memory_space<vmem>>, vector<1x128x128xf32>
    %get3A_23 = vector.shape_cast %get3A_22 : vector<1x128x128xf32> to vector<128x128xf32>
    %get3A_24 = arith.constant 0 : index
    %get3A_25 = arith.constant 0 : index
    %get3A_26 = arith.constant 0 : index
    %get3A_27 = arith.constant 0 : index
    %get3A_28 = arith.constant 0 : index
    %get3A_29 = vector.load %arg2[%get3A_24, %get3A_25, %get3A_26, %get3A_27, %get3A_28] : memref<1x1x24x128x128xf32, #tpu.memory_space<vmem>>, vector<1x1x1x128x128xf32>
    %get3A_30 = vector.shape_cast %get3A_29 : vector<1x1x1x128x128xf32> to vector<128x128xf32>
    %neg3A = arith.constant 0.000000e+00 : f32
    %neg3A_31 = vector.broadcast %neg3A : f32 to vector<128x128xf32>
    %neg3A_32 = arith.subf %neg3A_31, %get3A_30 : vector<128x128xf32>
    %exp3A = math.exp %neg3A_32 : vector<128x128xf32>
    %add3A = arith.constant 1.000000e+00 : f32
    %add3A_33 = vector.broadcast %add3A : f32 to vector<128x128xf32>
    %add3A_34 = arith.addf %add3A_33, %exp3A : vector<128x128xf32>
    %div3A = arith.constant 1.000000e+00 : f32
    %div3A_35 = vector.broadcast %div3A : f32 to vector<128x128xf32>
    %div3A_36 = arith.divf %div3A_35, %add3A_34 : vector<128x128xf32>
    %get3A_37 = arith.constant 0 : index
    %get3A_38 = arith.constant 0 : index
    %get3A_39 = arith.constant 1 : index
    %get3A_40 = arith.constant 0 : index
    %get3A_41 = arith.constant 0 : index
    %get3A_42 = vector.load %arg2[%get3A_37, %get3A_38, %get3A_39, %get3A_40, %get3A_41] : memref<1x1x24x128x128xf32, #tpu.memory_space<vmem>>, vector<1x1x1x128x128xf32>
    %get3A_43 = vector.shape_cast %get3A_42 : vector<1x1x1x128x128xf32> to vector<128x128xf32>
    %neg3A_44 = arith.constant 0.000000e+00 : f32
    %neg3A_45 = vector.broadcast %neg3A_44 : f32 to vector<128x128xf32>
    %neg3A_46 = arith.subf %neg3A_45, %get3A_43 : vector<128x128xf32>
    %exp3A_47 = math.exp %neg3A_46 : vector<128x128xf32>
    %add3A_48 = arith.constant 1.000000e+00 : f32
    %add3A_49 = vector.broadcast %add3A_48 : f32 to vector<128x128xf32>
    %add3A_50 = arith.addf %add3A_49, %exp3A_47 : vector<128x128xf32>
    %div3A_51 = arith.constant 1.000000e+00 : f32
    %div3A_52 = vector.broadcast %div3A_51 : f32 to vector<128x128xf32>
    %div3A_53 = arith.divf %div3A_52, %add3A_50 : vector<128x128xf32>
    %get3A_54 = arith.constant 0 : index
    %get3A_55 = arith.constant 0 : index
    %get3A_56 = arith.constant 2 : index
    %get3A_57 = arith.constant 0 : index
    %get3A_58 = arith.constant 0 : index
    %get3A_59 = vector.load %arg2[%get3A_54, %get3A_55, %get3A_56, %get3A_57, %get3A_58] : memref<1x1x24x128x128xf32, #tpu.memory_space<vmem>>, vector<1x1x1x128x128xf32>
    %get3A_60 = vector.shape_cast %get3A_59 : vector<1x1x1x128x128xf32> to vector<128x128xf32>
    %exp3A_61 = math.exp %get3A_60 : vector<128x128xf32>
    %get3A_62 = arith.constant 0 : index
    %get3A_63 = arith.constant 0 : index
    %get3A_64 = arith.constant 3 : index
    %get3A_65 = arith.constant 0 : index
    %get3A_66 = arith.constant 0 : index
    %get3A_67 = vector.load %arg2[%get3A_62, %get3A_63, %get3A_64, %get3A_65, %get3A_66] : memref<1x1x24x128x128xf32, #tpu.memory_space<vmem>>, vector<1x1x1x128x128xf32>
    %get3A_68 = vector.shape_cast %get3A_67 : vector<1x1x1x128x128xf32> to vector<128x128xf32>
    %exp3A_69 = math.exp %get3A_68 : vector<128x128xf32>
    %get3A_70 = arith.constant 0 : index
    %get3A_71 = arith.constant 0 : index
    %get3A_72 = arith.constant 4 : index
    %get3A_73 = arith.constant 0 : index
    %get3A_74 = arith.constant 0 : index
    %get3A_75 = vector.load %arg2[%get3A_70, %get3A_71, %get3A_72, %get3A_73, %get3A_74] : memref<1x1x24x128x128xf32, #tpu.memory_space<vmem>>, vector<1x1x1x128x128xf32>
    %get3A_76 = vector.shape_cast %get3A_75 : vector<1x1x1x128x128xf32> to vector<128x128xf32>
    %neg3A_77 = arith.constant 0.000000e+00 : f32
    %neg3A_78 = vector.broadcast %neg3A_77 : f32 to vector<128x128xf32>
    %neg3A_79 = arith.subf %neg3A_78, %get3A_76 : vector<128x128xf32>
    %exp3A_80 = math.exp %neg3A_79 : vector<128x128xf32>
    %add3A_81 = arith.constant 1.000000e+00 : f32
    %add3A_82 = vector.broadcast %add3A_81 : f32 to vector<128x128xf32>
    %add3A_83 = arith.addf %add3A_82, %exp3A_80 : vector<128x128xf32>
    %div3A_84 = arith.constant 1.000000e+00 : f32
    %div3A_85 = vector.broadcast %div3A_84 : f32 to vector<128x128xf32>
    %div3A_86 = arith.divf %div3A_85, %add3A_83 : vector<128x128xf32>
    %get3A_87 = arith.constant 0 : index
    %get3A_88 = arith.constant 0 : index
    %get3A_89 = arith.constant 5 : index
    %get3A_90 = arith.constant 0 : index
    %get3A_91 = arith.constant 0 : index
    %get3A_92 = vector.load %arg2[%get3A_87, %get3A_88, %get3A_89, %get3A_90, %get3A_91] : memref<1x1x24x128x128xf32, #tpu.memory_space<vmem>>, vector<1x1x1x128x128xf32>
    %get3A_93 = vector.shape_cast %get3A_92 : vector<1x1x1x128x128xf32> to vector<128x128xf32>
    %neg3A_94 = arith.constant 0.000000e+00 : f32
    %neg3A_95 = vector.broadcast %neg3A_94 : f32 to vector<128x128xf32>
    %neg3A_96 = arith.subf %neg3A_95, %get3A_93 : vector<128x128xf32>
    %exp3A_97 = math.exp %neg3A_96 : vector<128x128xf32>
    %add3A_98 = arith.constant 1.000000e+00 : f32
    %add3A_99 = vector.broadcast %add3A_98 : f32 to vector<128x128xf32>
    %add3A_100 = arith.addf %add3A_99, %exp3A_97 : vector<128x128xf32>
    %div3A_101 = arith.constant 1.000000e+00 : f32
    %div3A_102 = vector.broadcast %div3A_101 : f32 to vector<128x128xf32>
    %div3A_103 = arith.divf %div3A_102, %add3A_100 : vector<128x128xf32>
    %get3A_104 = arith.constant 0 : index
    %get3A_105 = arith.constant 0 : index
    %get3A_106 = arith.constant 6 : index
    %get3A_107 = arith.constant 0 : index
    %get3A_108 = arith.constant 0 : index
    %get3A_109 = vector.load %arg2[%get3A_104, %get3A_105, %get3A_106, %get3A_107, %get3A_108] : memref<1x1x24x128x128xf32, #tpu.memory_space<vmem>>, vector<1x1x1x128x128xf32>
    %get3A_110 = vector.shape_cast %get3A_109 : vector<1x1x1x128x128xf32> to vector<128x128xf32>
    %neg3A_111 = arith.constant 0.000000e+00 : f32
    %neg3A_112 = vector.broadcast %neg3A_111 : f32 to vector<128x128xf32>
    %neg3A_113 = arith.subf %neg3A_112, %get3A_110 : vector<128x128xf32>
    %exp3A_114 = math.exp %neg3A_113 : vector<128x128xf32>
    %add3A_115 = arith.constant 1.000000e+00 : f32
    %add3A_116 = vector.broadcast %add3A_115 : f32 to vector<128x128xf32>
    %add3A_117 = arith.addf %add3A_116, %exp3A_114 : vector<128x128xf32>
    %div3A_118 = arith.constant 1.000000e+00 : f32
    %div3A_119 = vector.broadcast %div3A_118 : f32 to vector<128x128xf32>
    %div3A_120 = arith.divf %div3A_119, %add3A_117 : vector<128x128xf32>
    %get3A_121 = arith.constant 0 : index
    %get3A_122 = arith.constant 0 : index
    %get3A_123 = arith.constant 7 : index
    %get3A_124 = arith.constant 0 : index
    %get3A_125 = arith.constant 0 : index
    %get3A_126 = vector.load %arg2[%get3A_121, %get3A_122, %get3A_123, %get3A_124, %get3A_125] : memref<1x1x24x128x128xf32, #tpu.memory_space<vmem>>, vector<1x1x1x128x128xf32>
    %get3A_127 = vector.shape_cast %get3A_126 : vector<1x1x1x128x128xf32> to vector<128x128xf32>
    %neg3A_128 = arith.constant 0.000000e+00 : f32
    %neg3A_129 = vector.broadcast %neg3A_128 : f32 to vector<128x128xf32>
    %neg3A_130 = arith.subf %neg3A_129, %get3A_127 : vector<128x128xf32>
    %exp3A_131 = math.exp %neg3A_130 : vector<128x128xf32>
    %add3A_132 = arith.constant 1.000000e+00 : f32
    %add3A_133 = vector.broadcast %add3A_132 : f32 to vector<128x128xf32>
    %add3A_134 = arith.addf %add3A_133, %exp3A_131 : vector<128x128xf32>
    %div3A_135 = arith.constant 1.000000e+00 : f32
    %div3A_136 = vector.broadcast %div3A_135 : f32 to vector<128x128xf32>
    %div3A_137 = arith.divf %div3A_136, %add3A_134 : vector<128x128xf32>
    %mul3A = arith.constant 2.000000e+00 : f32
    %mul3A_138 = vector.broadcast %mul3A : f32 to vector<128x128xf32>
    %mul3A_139 = arith.mulf %mul3A_138, %div3A_86 : vector<128x128xf32>
    %sub3A = arith.constant 1.000000e+00 : f32
    %sub3A_140 = vector.broadcast %sub3A : f32 to vector<128x128xf32>
    %sub3A_141 = arith.subf %sub3A_140, %mul3A_139 : vector<128x128xf32>
    %mul3A_142 = arith.mulf %get3A_3, %sub3A_141 : vector<128x128xf32>
    %reduce_sum3A = vector.shape_cast %mul3A_142 : vector<128x128xf32> to vector<1x128x128xf32>
    %reduce_sum3A_143 = arith.constant dense<0.000000e+00> : vector<1xf32>
    %reduce_sum3A_144 = vector.multi_reduction <add>, %reduce_sum3A, %reduce_sum3A_143 [1, 2] : vector<1x128x128xf32> to vector<1xf32>
    %reduce_sum3A_145 = vector.shape_cast %reduce_sum3A_144 : vector<1xf32> to vector<1x1x1xf32>
    %reduce_sum3A_146 = vector.extract %reduce_sum3A_145[0, 0, 0] : f32 from vector<1x1x1xf32>
    %add3A_147 = arith.constant 0.000000e+00 : f32
    %add3A_148 = arith.addf %add3A_147, %reduce_sum3A_146 : f32
    %sub3A_149 = arith.subf %div3A_36, %get3A_8 : vector<128x128xf32>
    %integer_pow3A = arith.mulf %sub3A_149, %sub3A_149 : vector<128x128xf32>
    %sub3A_150 = arith.subf %div3A_53, %get3A_13 : vector<128x128xf32>
    %integer_pow3A_151 = arith.mulf %sub3A_150, %sub3A_150 : vector<128x128xf32>
    %add3A_152 = arith.addf %integer_pow3A, %integer_pow3A_151 : vector<128x128xf32>
    %sub3A_153 = arith.subf %exp3A_61, %get3A_18 : vector<128x128xf32>
    %integer_pow3A_154 = arith.mulf %sub3A_153, %sub3A_153 : vector<128x128xf32>
    %add3A_155 = arith.addf %add3A_152, %integer_pow3A_154 : vector<128x128xf32>
    %sub3A_156 = arith.subf %exp3A_69, %get3A_23 : vector<128x128xf32>
    %integer_pow3A_157 = arith.mulf %sub3A_156, %sub3A_156 : vector<128x128xf32>
    %add3A_158 = arith.addf %add3A_155, %integer_pow3A_157 : vector<128x128xf32>
    %mul3A_159 = arith.mulf %get3A_3, %add3A_158 : vector<128x128xf32>
    %reduce_sum3A_160 = vector.shape_cast %mul3A_159 : vector<128x128xf32> to vector<1x128x128xf32>
    %reduce_sum3A_161 = arith.constant dense<0.000000e+00> : vector<1xf32>
    %reduce_sum3A_162 = vector.multi_reduction <add>, %reduce_sum3A_160, %reduce_sum3A_161 [1, 2] : vector<1x128x128xf32> to vector<1xf32>
    %reduce_sum3A_163 = vector.shape_cast %reduce_sum3A_162 : vector<1xf32> to vector<1x1x1xf32>
    %reduce_sum3A_164 = vector.extract %reduce_sum3A_163[0, 0, 0] : f32 from vector<1x1x1xf32>
    %add3A_165 = arith.constant 0.000000e+00 : f32
    %add3A_166 = arith.addf %add3A_165, %reduce_sum3A_164 : f32
    %sub3A_167 = arith.constant 1.000000e+00 : f32
    %sub3A_168 = vector.broadcast %sub3A_167 : f32 to vector<128x128xf32>
    %sub3A_169 = arith.subf %div3A_103, %sub3A_168 : vector<128x128xf32>
    %integer_pow3A_170 = arith.mulf %sub3A_169, %sub3A_169 : vector<128x128xf32>
    %mul3A_171 = arith.mulf %div3A_120, %div3A_120 : vector<128x128xf32>
    %add3A_172 = arith.addf %integer_pow3A_170, %mul3A_171 : vector<128x128xf32>
    %mul3A_173 = arith.mulf %div3A_137, %div3A_137 : vector<128x128xf32>
    %add3A_174 = arith.addf %add3A_172, %mul3A_173 : vector<128x128xf32>
    %mul3A_175 = arith.mulf %get3A_3, %add3A_174 : vector<128x128xf32>
    %reduce_sum3A_176 = vector.shape_cast %mul3A_175 : vector<128x128xf32> to vector<1x128x128xf32>
    %reduce_sum3A_177 = arith.constant dense<0.000000e+00> : vector<1xf32>
    %reduce_sum3A_178 = vector.multi_reduction <add>, %reduce_sum3A_176, %reduce_sum3A_177 [1, 2] : vector<1x128x128xf32> to vector<1xf32>
    %reduce_sum3A_179 = vector.shape_cast %reduce_sum3A_178 : vector<1xf32> to vector<1x1x1xf32>
    %reduce_sum3A_180 = vector.extract %reduce_sum3A_179[0, 0, 0] : f32 from vector<1x1x1xf32>
    %add3A_181 = arith.constant 0.000000e+00 : f32
    %add3A_182 = arith.addf %add3A_181, %reduce_sum3A_180 : f32
    %get3A_183 = arith.constant 0 : index
    %get3A_184 = arith.constant 0 : index
    %get3A_185 = arith.constant 8 : index
    %get3A_186 = arith.constant 0 : index
    %get3A_187 = arith.constant 0 : index
    %get3A_188 = vector.load %arg2[%get3A_183, %get3A_184, %get3A_185, %get3A_186, %get3A_187] : memref<1x1x24x128x128xf32, #tpu.memory_space<vmem>>, vector<1x1x1x128x128xf32>
    %get3A_189 = vector.shape_cast %get3A_188 : vector<1x1x1x128x128xf32> to vector<128x128xf32>
    %neg3A_190 = arith.constant 0.000000e+00 : f32
    %neg3A_191 = vector.broadcast %neg3A_190 : f32 to vector<128x128xf32>
    %neg3A_192 = arith.subf %neg3A_191, %get3A_189 : vector<128x128xf32>
    %exp3A_193 = math.exp %neg3A_192 : vector<128x128xf32>
    %add3A_194 = arith.constant 1.000000e+00 : f32
    %add3A_195 = vector.broadcast %add3A_194 : f32 to vector<128x128xf32>
    %add3A_196 = arith.addf %add3A_195, %exp3A_193 : vector<128x128xf32>
    %div3A_197 = arith.constant 1.000000e+00 : f32
    %div3A_198 = vector.broadcast %div3A_197 : f32 to vector<128x128xf32>
    %div3A_199 = arith.divf %div3A_198, %add3A_196 : vector<128x128xf32>
    %get3A_200 = arith.constant 0 : index
    %get3A_201 = arith.constant 0 : index
    %get3A_202 = arith.constant 9 : index
    %get3A_203 = arith.constant 0 : index
    %get3A_204 = arith.constant 0 : index
    %get3A_205 = vector.load %arg2[%get3A_200, %get3A_201, %get3A_202, %get3A_203, %get3A_204] : memref<1x1x24x128x128xf32, #tpu.memory_space<vmem>>, vector<1x1x1x128x128xf32>
    %get3A_206 = vector.shape_cast %get3A_205 : vector<1x1x1x128x128xf32> to vector<128x128xf32>
    %neg3A_207 = arith.constant 0.000000e+00 : f32
    %neg3A_208 = vector.broadcast %neg3A_207 : f32 to vector<128x128xf32>
    %neg3A_209 = arith.subf %neg3A_208, %get3A_206 : vector<128x128xf32>
    %exp3A_210 = math.exp %neg3A_209 : vector<128x128xf32>
    %add3A_211 = arith.constant 1.000000e+00 : f32
    %add3A_212 = vector.broadcast %add3A_211 : f32 to vector<128x128xf32>
    %add3A_213 = arith.addf %add3A_212, %exp3A_210 : vector<128x128xf32>
    %div3A_214 = arith.constant 1.000000e+00 : f32
    %div3A_215 = vector.broadcast %div3A_214 : f32 to vector<128x128xf32>
    %div3A_216 = arith.divf %div3A_215, %add3A_213 : vector<128x128xf32>
    %get3A_217 = arith.constant 0 : index
    %get3A_218 = arith.constant 0 : index
    %get3A_219 = arith.constant 10 : index
    %get3A_220 = arith.constant 0 : index
    %get3A_221 = arith.constant 0 : index
    %get3A_222 = vector.load %arg2[%get3A_217, %get3A_218, %get3A_219, %get3A_220, %get3A_221] : memref<1x1x24x128x128xf32, #tpu.memory_space<vmem>>, vector<1x1x1x128x128xf32>
    %get3A_223 = vector.shape_cast %get3A_222 : vector<1x1x1x128x128xf32> to vector<128x128xf32>
    %exp3A_224 = math.exp %get3A_223 : vector<128x128xf32>
    %get3A_225 = arith.constant 0 : index
    %get3A_226 = arith.constant 0 : index
    %get3A_227 = arith.constant 11 : index
    %get3A_228 = arith.constant 0 : index
    %get3A_229 = arith.constant 0 : index
    %get3A_230 = vector.load %arg2[%get3A_225, %get3A_226, %get3A_227, %get3A_228, %get3A_229] : memref<1x1x24x128x128xf32, #tpu.memory_space<vmem>>, vector<1x1x1x128x128xf32>
    %get3A_231 = vector.shape_cast %get3A_230 : vector<1x1x1x128x128xf32> to vector<128x128xf32>
    %exp3A_232 = math.exp %get3A_231 : vector<128x128xf32>
    %get3A_233 = arith.constant 0 : index
    %get3A_234 = arith.constant 0 : index
    %get3A_235 = arith.constant 12 : index
    %get3A_236 = arith.constant 0 : index
    %get3A_237 = arith.constant 0 : index
    %get3A_238 = vector.load %arg2[%get3A_233, %get3A_234, %get3A_235, %get3A_236, %get3A_237] : memref<1x1x24x128x128xf32, #tpu.memory_space<vmem>>, vector<1x1x1x128x128xf32>
    %get3A_239 = vector.shape_cast %get3A_238 : vector<1x1x1x128x128xf32> to vector<128x128xf32>
    %neg3A_240 = arith.constant 0.000000e+00 : f32
    %neg3A_241 = vector.broadcast %neg3A_240 : f32 to vector<128x128xf32>
    %neg3A_242 = arith.subf %neg3A_241, %get3A_239 : vector<128x128xf32>
    %exp3A_243 = math.exp %neg3A_242 : vector<128x128xf32>
    %add3A_244 = arith.constant 1.000000e+00 : f32
    %add3A_245 = vector.broadcast %add3A_244 : f32 to vector<128x128xf32>
    %add3A_246 = arith.addf %add3A_245, %exp3A_243 : vector<128x128xf32>
    %div3A_247 = arith.constant 1.000000e+00 : f32
    %div3A_248 = vector.broadcast %div3A_247 : f32 to vector<128x128xf32>
    %div3A_249 = arith.divf %div3A_248, %add3A_246 : vector<128x128xf32>
    %get3A_250 = arith.constant 0 : index
    %get3A_251 = arith.constant 0 : index
    %get3A_252 = arith.constant 13 : index
    %get3A_253 = arith.constant 0 : index
    %get3A_254 = arith.constant 0 : index
    %get3A_255 = vector.load %arg2[%get3A_250, %get3A_251, %get3A_252, %get3A_253, %get3A_254] : memref<1x1x24x128x128xf32, #tpu.memory_space<vmem>>, vector<1x1x1x128x128xf32>
    %get3A_256 = vector.shape_cast %get3A_255 : vector<1x1x1x128x128xf32> to vector<128x128xf32>
    %neg3A_257 = arith.constant 0.000000e+00 : f32
    %neg3A_258 = vector.broadcast %neg3A_257 : f32 to vector<128x128xf32>
    %neg3A_259 = arith.subf %neg3A_258, %get3A_256 : vector<128x128xf32>
    %exp3A_260 = math.exp %neg3A_259 : vector<128x128xf32>
    %add3A_261 = arith.constant 1.000000e+00 : f32
    %add3A_262 = vector.broadcast %add3A_261 : f32 to vector<128x128xf32>
    %add3A_263 = arith.addf %add3A_262, %exp3A_260 : vector<128x128xf32>
    %div3A_264 = arith.constant 1.000000e+00 : f32
    %div3A_265 = vector.broadcast %div3A_264 : f32 to vector<128x128xf32>
    %div3A_266 = arith.divf %div3A_265, %add3A_263 : vector<128x128xf32>
    %get3A_267 = arith.constant 0 : index
    %get3A_268 = arith.constant 0 : index
    %get3A_269 = arith.constant 14 : index
    %get3A_270 = arith.constant 0 : index
    %get3A_271 = arith.constant 0 : index
    %get3A_272 = vector.load %arg2[%get3A_267, %get3A_268, %get3A_269, %get3A_270, %get3A_271] : memref<1x1x24x128x128xf32, #tpu.memory_space<vmem>>, vector<1x1x1x128x128xf32>
    %get3A_273 = vector.shape_cast %get3A_272 : vector<1x1x1x128x128xf32> to vector<128x128xf32>
    %neg3A_274 = arith.constant 0.000000e+00 : f32
    %neg3A_275 = vector.broadcast %neg3A_274 : f32 to vector<128x128xf32>
    %neg3A_276 = arith.subf %neg3A_275, %get3A_273 : vector<128x128xf32>
    %exp3A_277 = math.exp %neg3A_276 : vector<128x128xf32>
    %add3A_278 = arith.constant 1.000000e+00 : f32
    %add3A_279 = vector.broadcast %add3A_278 : f32 to vector<128x128xf32>
    %add3A_280 = arith.addf %add3A_279, %exp3A_277 : vector<128x128xf32>
    %div3A_281 = arith.constant 1.000000e+00 : f32
    %div3A_282 = vector.broadcast %div3A_281 : f32 to vector<128x128xf32>
    %div3A_283 = arith.divf %div3A_282, %add3A_280 : vector<128x128xf32>
    %get3A_284 = arith.constant 0 : index
    %get3A_285 = arith.constant 0 : index
    %get3A_286 = arith.constant 15 : index
    %get3A_287 = arith.constant 0 : index
    %get3A_288 = arith.constant 0 : index
    %get3A_289 = vector.load %arg2[%get3A_284, %get3A_285, %get3A_286, %get3A_287, %get3A_288] : memref<1x1x24x128x128xf32, #tpu.memory_space<vmem>>, vector<1x1x1x128x128xf32>
    %get3A_290 = vector.shape_cast %get3A_289 : vector<1x1x1x128x128xf32> to vector<128x128xf32>
    %neg3A_291 = arith.constant 0.000000e+00 : f32
    %neg3A_292 = vector.broadcast %neg3A_291 : f32 to vector<128x128xf32>
    %neg3A_293 = arith.subf %neg3A_292, %get3A_290 : vector<128x128xf32>
    %exp3A_294 = math.exp %neg3A_293 : vector<128x128xf32>
    %add3A_295 = arith.constant 1.000000e+00 : f32
    %add3A_296 = vector.broadcast %add3A_295 : f32 to vector<128x128xf32>
    %add3A_297 = arith.addf %add3A_296, %exp3A_294 : vector<128x128xf32>
    %div3A_298 = arith.constant 1.000000e+00 : f32
    %div3A_299 = vector.broadcast %div3A_298 : f32 to vector<128x128xf32>
    %div3A_300 = arith.divf %div3A_299, %add3A_297 : vector<128x128xf32>
    %mul3A_301 = arith.constant 2.000000e+00 : f32
    %mul3A_302 = vector.broadcast %mul3A_301 : f32 to vector<128x128xf32>
    %mul3A_303 = arith.mulf %mul3A_302, %div3A_249 : vector<128x128xf32>
    %sub3A_304 = arith.constant 1.000000e+00 : f32
    %sub3A_305 = vector.broadcast %sub3A_304 : f32 to vector<128x128xf32>
    %sub3A_306 = arith.subf %sub3A_305, %mul3A_303 : vector<128x128xf32>
    %mul3A_307 = arith.mulf %get3A_3, %sub3A_306 : vector<128x128xf32>
    %reduce_sum3A_308 = vector.shape_cast %mul3A_307 : vector<128x128xf32> to vector<1x128x128xf32>
    %reduce_sum3A_309 = arith.constant dense<0.000000e+00> : vector<1xf32>
    %reduce_sum3A_310 = vector.multi_reduction <add>, %reduce_sum3A_308, %reduce_sum3A_309 [1, 2] : vector<1x128x128xf32> to vector<1xf32>
    %reduce_sum3A_311 = vector.shape_cast %reduce_sum3A_310 : vector<1xf32> to vector<1x1x1xf32>
    %reduce_sum3A_312 = vector.extract %reduce_sum3A_311[0, 0, 0] : f32 from vector<1x1x1xf32>
    %add3A_313 = arith.addf %add3A_148, %reduce_sum3A_312 : f32
    %sub3A_314 = arith.subf %div3A_199, %get3A_8 : vector<128x128xf32>
    %integer_pow3A_315 = arith.mulf %sub3A_314, %sub3A_314 : vector<128x128xf32>
    %sub3A_316 = arith.subf %div3A_216, %get3A_13 : vector<128x128xf32>
    %integer_pow3A_317 = arith.mulf %sub3A_316, %sub3A_316 : vector<128x128xf32>
    %add3A_318 = arith.addf %integer_pow3A_315, %integer_pow3A_317 : vector<128x128xf32>
    %sub3A_319 = arith.subf %exp3A_224, %get3A_18 : vector<128x128xf32>
    %integer_pow3A_320 = arith.mulf %sub3A_319, %sub3A_319 : vector<128x128xf32>
    %add3A_321 = arith.addf %add3A_318, %integer_pow3A_320 : vector<128x128xf32>
    %sub3A_322 = arith.subf %exp3A_232, %get3A_23 : vector<128x128xf32>
    %integer_pow3A_323 = arith.mulf %sub3A_322, %sub3A_322 : vector<128x128xf32>
    %add3A_324 = arith.addf %add3A_321, %integer_pow3A_323 : vector<128x128xf32>
    %mul3A_325 = arith.mulf %get3A_3, %add3A_324 : vector<128x128xf32>
    %reduce_sum3A_326 = vector.shape_cast %mul3A_325 : vector<128x128xf32> to vector<1x128x128xf32>
    %reduce_sum3A_327 = arith.constant dense<0.000000e+00> : vector<1xf32>
    %reduce_sum3A_328 = vector.multi_reduction <add>, %reduce_sum3A_326, %reduce_sum3A_327 [1, 2] : vector<1x128x128xf32> to vector<1xf32>
    %reduce_sum3A_329 = vector.shape_cast %reduce_sum3A_328 : vector<1xf32> to vector<1x1x1xf32>
    %reduce_sum3A_330 = vector.extract %reduce_sum3A_329[0, 0, 0] : f32 from vector<1x1x1xf32>
    %add3A_331 = arith.addf %add3A_166, %reduce_sum3A_330 : f32
    %sub3A_332 = arith.constant 1.000000e+00 : f32
    %sub3A_333 = vector.broadcast %sub3A_332 : f32 to vector<128x128xf32>
    %sub3A_334 = arith.subf %div3A_266, %sub3A_333 : vector<128x128xf32>
    %integer_pow3A_335 = arith.mulf %sub3A_334, %sub3A_334 : vector<128x128xf32>
    %mul3A_336 = arith.mulf %div3A_283, %div3A_283 : vector<128x128xf32>
    %add3A_337 = arith.addf %integer_pow3A_335, %mul3A_336 : vector<128x128xf32>
    %mul3A_338 = arith.mulf %div3A_300, %div3A_300 : vector<128x128xf32>
    %add3A_339 = arith.addf %add3A_337, %mul3A_338 : vector<128x128xf32>
    %mul3A_340 = arith.mulf %get3A_3, %add3A_339 : vector<128x128xf32>
    %reduce_sum3A_341 = vector.shape_cast %mul3A_340 : vector<128x128xf32> to vector<1x128x128xf32>
    %reduce_sum3A_342 = arith.constant dense<0.000000e+00> : vector<1xf32>
    %reduce_sum3A_343 = vector.multi_reduction <add>, %reduce_sum3A_341, %reduce_sum3A_342 [1, 2] : vector<1x128x128xf32> to vector<1xf32>
    %reduce_sum3A_344 = vector.shape_cast %reduce_sum3A_343 : vector<1xf32> to vector<1x1x1xf32>
    %reduce_sum3A_345 = vector.extract %reduce_sum3A_344[0, 0, 0] : f32 from vector<1x1x1xf32>
    %add3A_346 = arith.addf %add3A_182, %reduce_sum3A_345 : f32
    %get3A_347 = arith.constant 0 : index
    %get3A_348 = arith.constant 0 : index
    %get3A_349 = arith.constant 16 : index
    %get3A_350 = arith.constant 0 : index
    %get3A_351 = arith.constant 0 : index
    %get3A_352 = vector.load %arg2[%get3A_347, %get3A_348, %get3A_349, %get3A_350, %get3A_351] : memref<1x1x24x128x128xf32, #tpu.memory_space<vmem>>, vector<1x1x1x128x128xf32>
    %get3A_353 = vector.shape_cast %get3A_352 : vector<1x1x1x128x128xf32> to vector<128x128xf32>
    %neg3A_354 = arith.constant 0.000000e+00 : f32
    %neg3A_355 = vector.broadcast %neg3A_354 : f32 to vector<128x128xf32>
    %neg3A_356 = arith.subf %neg3A_355, %get3A_353 : vector<128x128xf32>
    %exp3A_357 = math.exp %neg3A_356 : vector<128x128xf32>
    %add3A_358 = arith.constant 1.000000e+00 : f32
    %add3A_359 = vector.broadcast %add3A_358 : f32 to vector<128x128xf32>
    %add3A_360 = arith.addf %add3A_359, %exp3A_357 : vector<128x128xf32>
    %div3A_361 = arith.constant 1.000000e+00 : f32
    %div3A_362 = vector.broadcast %div3A_361 : f32 to vector<128x128xf32>
    %div3A_363 = arith.divf %div3A_362, %add3A_360 : vector<128x128xf32>
    %get3A_364 = arith.constant 0 : index
    %get3A_365 = arith.constant 0 : index
    %get3A_366 = arith.constant 17 : index
    %get3A_367 = arith.constant 0 : index
    %get3A_368 = arith.constant 0 : index
    %get3A_369 = vector.load %arg2[%get3A_364, %get3A_365, %get3A_366, %get3A_367, %get3A_368] : memref<1x1x24x128x128xf32, #tpu.memory_space<vmem>>, vector<1x1x1x128x128xf32>
    %get3A_370 = vector.shape_cast %get3A_369 : vector<1x1x1x128x128xf32> to vector<128x128xf32>
    %neg3A_371 = arith.constant 0.000000e+00 : f32
    %neg3A_372 = vector.broadcast %neg3A_371 : f32 to vector<128x128xf32>
    %neg3A_373 = arith.subf %neg3A_372, %get3A_370 : vector<128x128xf32>
    %exp3A_374 = math.exp %neg3A_373 : vector<128x128xf32>
    %add3A_375 = arith.constant 1.000000e+00 : f32
    %add3A_376 = vector.broadcast %add3A_375 : f32 to vector<128x128xf32>
    %add3A_377 = arith.addf %add3A_376, %exp3A_374 : vector<128x128xf32>
    %div3A_378 = arith.constant 1.000000e+00 : f32
    %div3A_379 = vector.broadcast %div3A_378 : f32 to vector<128x128xf32>
    %div3A_380 = arith.divf %div3A_379, %add3A_377 : vector<128x128xf32>
    %get3A_381 = arith.constant 0 : index
    %get3A_382 = arith.constant 0 : index
    %get3A_383 = arith.constant 18 : index
    %get3A_384 = arith.constant 0 : index
    %get3A_385 = arith.constant 0 : index
    %get3A_386 = vector.load %arg2[%get3A_381, %get3A_382, %get3A_383, %get3A_384, %get3A_385] : memref<1x1x24x128x128xf32, #tpu.memory_space<vmem>>, vector<1x1x1x128x128xf32>
    %get3A_387 = vector.shape_cast %get3A_386 : vector<1x1x1x128x128xf32> to vector<128x128xf32>
    %exp3A_388 = math.exp %get3A_387 : vector<128x128xf32>
    %get3A_389 = arith.constant 0 : index
    %get3A_390 = arith.constant 0 : index
    %get3A_391 = arith.constant 19 : index
    %get3A_392 = arith.constant 0 : index
    %get3A_393 = arith.constant 0 : index
    %get3A_394 = vector.load %arg2[%get3A_389, %get3A_390, %get3A_391, %get3A_392, %get3A_393] : memref<1x1x24x128x128xf32, #tpu.memory_space<vmem>>, vector<1x1x1x128x128xf32>
    %get3A_395 = vector.shape_cast %get3A_394 : vector<1x1x1x128x128xf32> to vector<128x128xf32>
    %exp3A_396 = math.exp %get3A_395 : vector<128x128xf32>
    %get3A_397 = arith.constant 0 : index
    %get3A_398 = arith.constant 0 : index
    %get3A_399 = arith.constant 20 : index
    %get3A_400 = arith.constant 0 : index
    %get3A_401 = arith.constant 0 : index
    %get3A_402 = vector.load %arg2[%get3A_397, %get3A_398, %get3A_399, %get3A_400, %get3A_401] : memref<1x1x24x128x128xf32, #tpu.memory_space<vmem>>, vector<1x1x1x128x128xf32>
    %get3A_403 = vector.shape_cast %get3A_402 : vector<1x1x1x128x128xf32> to vector<128x128xf32>
    %neg3A_404 = arith.constant 0.000000e+00 : f32
    %neg3A_405 = vector.broadcast %neg3A_404 : f32 to vector<128x128xf32>
    %neg3A_406 = arith.subf %neg3A_405, %get3A_403 : vector<128x128xf32>
    %exp3A_407 = math.exp %neg3A_406 : vector<128x128xf32>
    %add3A_408 = arith.constant 1.000000e+00 : f32
    %add3A_409 = vector.broadcast %add3A_408 : f32 to vector<128x128xf32>
    %add3A_410 = arith.addf %add3A_409, %exp3A_407 : vector<128x128xf32>
    %div3A_411 = arith.constant 1.000000e+00 : f32
    %div3A_412 = vector.broadcast %div3A_411 : f32 to vector<128x128xf32>
    %div3A_413 = arith.divf %div3A_412, %add3A_410 : vector<128x128xf32>
    %get3A_414 = arith.constant 0 : index
    %get3A_415 = arith.constant 0 : index
    %get3A_416 = arith.constant 21 : index
    %get3A_417 = arith.constant 0 : index
    %get3A_418 = arith.constant 0 : index
    %get3A_419 = vector.load %arg2[%get3A_414, %get3A_415, %get3A_416, %get3A_417, %get3A_418] : memref<1x1x24x128x128xf32, #tpu.memory_space<vmem>>, vector<1x1x1x128x128xf32>
    %get3A_420 = vector.shape_cast %get3A_419 : vector<1x1x1x128x128xf32> to vector<128x128xf32>
    %neg3A_421 = arith.constant 0.000000e+00 : f32
    %neg3A_422 = vector.broadcast %neg3A_421 : f32 to vector<128x128xf32>
    %neg3A_423 = arith.subf %neg3A_422, %get3A_420 : vector<128x128xf32>
    %exp3A_424 = math.exp %neg3A_423 : vector<128x128xf32>
    %add3A_425 = arith.constant 1.000000e+00 : f32
    %add3A_426 = vector.broadcast %add3A_425 : f32 to vector<128x128xf32>
    %add3A_427 = arith.addf %add3A_426, %exp3A_424 : vector<128x128xf32>
    %div3A_428 = arith.constant 1.000000e+00 : f32
    %div3A_429 = vector.broadcast %div3A_428 : f32 to vector<128x128xf32>
    %div3A_430 = arith.divf %div3A_429, %add3A_427 : vector<128x128xf32>
    %get3A_431 = arith.constant 0 : index
    %get3A_432 = arith.constant 0 : index
    %get3A_433 = arith.constant 22 : index
    %get3A_434 = arith.constant 0 : index
    %get3A_435 = arith.constant 0 : index
    %get3A_436 = vector.load %arg2[%get3A_431, %get3A_432, %get3A_433, %get3A_434, %get3A_435] : memref<1x1x24x128x128xf32, #tpu.memory_space<vmem>>, vector<1x1x1x128x128xf32>
    %get3A_437 = vector.shape_cast %get3A_436 : vector<1x1x1x128x128xf32> to vector<128x128xf32>
    %neg3A_438 = arith.constant 0.000000e+00 : f32
    %neg3A_439 = vector.broadcast %neg3A_438 : f32 to vector<128x128xf32>
    %neg3A_440 = arith.subf %neg3A_439, %get3A_437 : vector<128x128xf32>
    %exp3A_441 = math.exp %neg3A_440 : vector<128x128xf32>
    %add3A_442 = arith.constant 1.000000e+00 : f32
    %add3A_443 = vector.broadcast %add3A_442 : f32 to vector<128x128xf32>
    %add3A_444 = arith.addf %add3A_443, %exp3A_441 : vector<128x128xf32>
    %div3A_445 = arith.constant 1.000000e+00 : f32
    %div3A_446 = vector.broadcast %div3A_445 : f32 to vector<128x128xf32>
    %div3A_447 = arith.divf %div3A_446, %add3A_444 : vector<128x128xf32>
    %get3A_448 = arith.constant 0 : index
    %get3A_449 = arith.constant 0 : index
    %get3A_450 = arith.constant 23 : index
    %get3A_451 = arith.constant 0 : index
    %get3A_452 = arith.constant 0 : index
    %get3A_453 = vector.load %arg2[%get3A_448, %get3A_449, %get3A_450, %get3A_451, %get3A_452] : memref<1x1x24x128x128xf32, #tpu.memory_space<vmem>>, vector<1x1x1x128x128xf32>
    %get3A_454 = vector.shape_cast %get3A_453 : vector<1x1x1x128x128xf32> to vector<128x128xf32>
    %neg3A_455 = arith.constant 0.000000e+00 : f32
    %neg3A_456 = vector.broadcast %neg3A_455 : f32 to vector<128x128xf32>
    %neg3A_457 = arith.subf %neg3A_456, %get3A_454 : vector<128x128xf32>
    %exp3A_458 = math.exp %neg3A_457 : vector<128x128xf32>
    %add3A_459 = arith.constant 1.000000e+00 : f32
    %add3A_460 = vector.broadcast %add3A_459 : f32 to vector<128x128xf32>
    %add3A_461 = arith.addf %add3A_460, %exp3A_458 : vector<128x128xf32>
    %div3A_462 = arith.constant 1.000000e+00 : f32
    %div3A_463 = vector.broadcast %div3A_462 : f32 to vector<128x128xf32>
    %div3A_464 = arith.divf %div3A_463, %add3A_461 : vector<128x128xf32>
    %mul3A_465 = arith.constant 2.000000e+00 : f32
    %mul3A_466 = vector.broadcast %mul3A_465 : f32 to vector<128x128xf32>
    %mul3A_467 = arith.mulf %mul3A_466, %div3A_413 : vector<128x128xf32>
    %sub3A_468 = arith.constant 1.000000e+00 : f32
    %sub3A_469 = vector.broadcast %sub3A_468 : f32 to vector<128x128xf32>
    %sub3A_470 = arith.subf %sub3A_469, %mul3A_467 : vector<128x128xf32>
    %mul3A_471 = arith.mulf %get3A_3, %sub3A_470 : vector<128x128xf32>
    %reduce_sum3A_472 = vector.shape_cast %mul3A_471 : vector<128x128xf32> to vector<1x128x128xf32>
    %reduce_sum3A_473 = arith.constant dense<0.000000e+00> : vector<1xf32>
    %reduce_sum3A_474 = vector.multi_reduction <add>, %reduce_sum3A_472, %reduce_sum3A_473 [1, 2] : vector<1x128x128xf32> to vector<1xf32>
    %reduce_sum3A_475 = vector.shape_cast %reduce_sum3A_474 : vector<1xf32> to vector<1x1x1xf32>
    %reduce_sum3A_476 = vector.extract %reduce_sum3A_475[0, 0, 0] : f32 from vector<1x1x1xf32>
    %add3A_477 = arith.addf %add3A_313, %reduce_sum3A_476 : f32
    %sub3A_478 = arith.subf %div3A_363, %get3A_8 : vector<128x128xf32>
    %integer_pow3A_479 = arith.mulf %sub3A_478, %sub3A_478 : vector<128x128xf32>
    %sub3A_480 = arith.subf %div3A_380, %get3A_13 : vector<128x128xf32>
    %integer_pow3A_481 = arith.mulf %sub3A_480, %sub3A_480 : vector<128x128xf32>
    %add3A_482 = arith.addf %integer_pow3A_479, %integer_pow3A_481 : vector<128x128xf32>
    %sub3A_483 = arith.subf %exp3A_388, %get3A_18 : vector<128x128xf32>
    %integer_pow3A_484 = arith.mulf %sub3A_483, %sub3A_483 : vector<128x128xf32>
    %add3A_485 = arith.addf %add3A_482, %integer_pow3A_484 : vector<128x128xf32>
    %sub3A_486 = arith.subf %exp3A_396, %get3A_23 : vector<128x128xf32>
    %integer_pow3A_487 = arith.mulf %sub3A_486, %sub3A_486 : vector<128x128xf32>
    %add3A_488 = arith.addf %add3A_485, %integer_pow3A_487 : vector<128x128xf32>
    %mul3A_489 = arith.mulf %get3A_3, %add3A_488 : vector<128x128xf32>
    %reduce_sum3A_490 = vector.shape_cast %mul3A_489 : vector<128x128xf32> to vector<1x128x128xf32>
    %reduce_sum3A_491 = arith.constant dense<0.000000e+00> : vector<1xf32>
    %reduce_sum3A_492 = vector.multi_reduction <add>, %reduce_sum3A_490, %reduce_sum3A_491 [1, 2] : vector<1x128x128xf32> to vector<1xf32>
    %reduce_sum3A_493 = vector.shape_cast %reduce_sum3A_492 : vector<1xf32> to vector<1x1x1xf32>
    %reduce_sum3A_494 = vector.extract %reduce_sum3A_493[0, 0, 0] : f32 from vector<1x1x1xf32>
    %add3A_495 = arith.addf %add3A_331, %reduce_sum3A_494 : f32
    %sub3A_496 = arith.constant 1.000000e+00 : f32
    %sub3A_497 = vector.broadcast %sub3A_496 : f32 to vector<128x128xf32>
    %sub3A_498 = arith.subf %div3A_430, %sub3A_497 : vector<128x128xf32>
    %integer_pow3A_499 = arith.mulf %sub3A_498, %sub3A_498 : vector<128x128xf32>
    %mul3A_500 = arith.mulf %div3A_447, %div3A_447 : vector<128x128xf32>
    %add3A_501 = arith.addf %integer_pow3A_499, %mul3A_500 : vector<128x128xf32>
    %mul3A_502 = arith.mulf %div3A_464, %div3A_464 : vector<128x128xf32>
    %add3A_503 = arith.addf %add3A_501, %mul3A_502 : vector<128x128xf32>
    %mul3A_504 = arith.mulf %get3A_3, %add3A_503 : vector<128x128xf32>
    %reduce_sum3A_505 = vector.shape_cast %mul3A_504 : vector<128x128xf32> to vector<1x128x128xf32>
    %reduce_sum3A_506 = arith.constant dense<0.000000e+00> : vector<1xf32>
    %reduce_sum3A_507 = vector.multi_reduction <add>, %reduce_sum3A_505, %reduce_sum3A_506 [1, 2] : vector<1x128x128xf32> to vector<1xf32>
    %reduce_sum3A_508 = vector.shape_cast %reduce_sum3A_507 : vector<1xf32> to vector<1x1x1xf32>
    %reduce_sum3A_509 = vector.extract %reduce_sum3A_508[0, 0, 0] : f32 from vector<1x1x1xf32>
    %add3A_510 = arith.addf %add3A_346, %reduce_sum3A_509 : f32
    %reduce_sum3A_511 = vector.shape_cast %get3A_3 : vector<128x128xf32> to vector<1x128x128xf32>
    %reduce_sum3A_512 = arith.constant dense<0.000000e+00> : vector<1xf32>
    %reduce_sum3A_513 = vector.multi_reduction <add>, %reduce_sum3A_511, %reduce_sum3A_512 [1, 2] : vector<1x128x128xf32> to vector<1xf32>
    %reduce_sum3A_514 = vector.shape_cast %reduce_sum3A_513 : vector<1xf32> to vector<1x1x1xf32>
    %reduce_sum3A_515 = vector.extract %reduce_sum3A_514[0, 0, 0] : f32 from vector<1x1x1xf32>
    %mul3A_516 = arith.constant 3.000000e+00 : f32
    %mul3A_517 = arith.mulf %mul3A_516, %reduce_sum3A_515 : f32
    %get3A_518 = arith.constant 0 : index
    %get3A_519 = arith.constant 0 : index
    %get3A_520 = memref.load %arg1[%get3A_518, %get3A_519] : memref<1x1xf32, #tpu.memory_space<smem>>
    %add3A_521 = arith.addf %get3A_520, %add3A_477 : f32
    %div3A_522 = arith.constant 0x4A400000 : f32
    %div3A_523 = arith.divf %add3A_521, %div3A_522 : f32
    %mul3A_524 = arith.constant 4.000000e+00 : f32
    %mul3A_525 = arith.mulf %mul3A_517, %mul3A_524 : f32
    %div3A_526 = arith.divf %add3A_495, %mul3A_525 : f32
    %mul3A_527 = arith.constant 3.000000e+00 : f32
    %mul3A_528 = arith.mulf %mul3A_517, %mul3A_527 : f32
    %div3A_529 = arith.divf %add3A_510, %mul3A_528 : f32
    %mul3A_530 = arith.constant 5.000000e+00 : f32
    %mul3A_531 = arith.mulf %mul3A_530, %div3A_526 : f32
    %add3A_532 = arith.addf %mul3A_531, %div3A_523 : f32
    %add3A_533 = arith.addf %add3A_532, %div3A_529 : f32
    %swap3A = arith.constant 0 : index
    %swap3A_534 = arith.constant 0 : index
    %swap3A_535 = memref.load %arg4[%swap3A, %swap3A_534] : memref<1x1xf32, #tpu.memory_space<smem>>
    memref.store %add3A_533, %arg4[%swap3A, %swap3A_534] : memref<1x1xf32, #tpu.memory_space<smem>>
    return
  }
  func.func @transform_0(%arg0: i32) -> (i32, i32) {
    %c0_i32 = arith.constant 0 : i32
    %c0_i32_0 = arith.constant 0 : i32
    %c0_i32_1 = arith.constant 0 : i32
    return %c0_i32, %c0_i32_0 : i32, i32
  }
  func.func @transform_1(%arg0: i32) -> (i32, i32, i32, i32, i32) {
    %c0_i32 = arith.constant 0 : i32
    %c0_i32_0 = arith.constant 0 : i32
    %c0_i32_1 = arith.constant 0 : i32
    %c0_i32_2 = arith.constant 0 : i32
    %c0_i32_3 = arith.constant 0 : i32
    %c0_i32_4 = arith.constant 0 : i32
    return %c0_i32, %c0_i32_0, %c0_i32_1, %c0_i32_2, %c0_i32_3 : i32, i32, i32, i32, i32
  }
  func.func @transform_2(%arg0: i32) -> (i32, i32, i32) {
    %c0_i32 = arith.constant 0 : i32
    %c0_i32_0 = arith.constant 0 : i32
    %c0_i32_1 = arith.constant 0 : i32
    %c0_i32_2 = arith.constant 0 : i32
    return %c0_i32, %c0_i32_0, %c0_i32_1 : i32, i32, i32
  }
  func.func @transform_3(%arg0: i32) -> (i32, i32) {
    %c0_i32 = arith.constant 0 : i32
    %c0_i32_0 = arith.constant 0 : i32
    %c0_i32_1 = arith.constant 0 : i32
    return %c0_i32, %c0_i32_0 : i32, i32
  }
}

</mosaic_0001>

<sc_bundles>
// kernel: kernel.5.cloned.1.call-start
scs
__scs_entry_jumppad:
0x0: {  	(pc) =	sbr.rel $0x88, $3  }
0x1: {  	(tag) =	ssettag $0x0;
	lr =	simm.s32 $0x1  }
0x2: {  	[smem:$0x3F9F] =	sst lr;
	_ =	strace $0xD0000000  }
0x3: {  	_ = 	snop  }
0x4: {  	_ = 	snop  }
0x5: {  	_ = 	snop  }
0x6: {  	_ = 	snop  }
0x7: {  	_ = 	snop  }
__scs_overlays_trampoline_lowered:
0x8: {  	[smem:$0x3FAE] =	sst s0  }
0x9: {  	[smem:$0x3FAF] =	sst s1  }
0xa: {  	[smem:$0x3FB0] =	sst s2  }
0xb: {  	[smem:$0x3FB1] =	sst s3  }
0xc: {  	[smem:$0x3FB2] =	sst s4  }
0xd: {  	[smem:$0x3FB3] =	sst s5  }
0xe: {  	[smem:$0x3FB4] =	sst s6  }
0xf: {  	[smem:$0x3FB5] =	sst s7  }
0x10: {  	[smem:$0x3FB6] =	sst s8  }
0x11: {  	[smem:$0x3FB7] =	sst s9;
	s0 =	simm.s32 @!p0 $0x0  }
0x12: {  	s1 =	sld [smem:$0x3F9D];
	s0 =	simm.s32 @p0 $0x1  }
0x13: {  	[smem:$0x3FB8] =	sst s0;
	s0 =	simm.s32 @!p1 $0x0  }
0x14: {  	s2 =	sld [smem:$0x3F9C];
	s0 =	simm.s32 @p1 $0x1  }
0x15: {  	[smem:$0x3FB9] =	sst s0;
	s0 =	simm.s32 @!p2 $0x0  }
0x16: {  	s3 =	sld [smem:$0x3FDB];
	s0 =	simm.s32 @p2 $0x1  }
0x17: {  	s4 =	simm.s32 $0x1BF5;
	[smem:$0x3FBB] =	sst s0  }
0x18: {  	s0 =	sld [smem:$0x3F9E];
	_ =	swait.ge [sflag:s4], $0x0  }
0x19: {  	s7 =	sld [smem:$0x3F9F]  }
0x1a: {  	s8 =	sadd.s32 $0xFFFFE003, lr  }
0x1b: {  	s9 =	sadd.s32 $0xFFFFFEF7, lr;
	s5 =	simm.s32 $0xFFFFFFFF;
	p2 =	slt.u32 s8, $0xFFFFF086  }
0x1c: {  	p1 =	slt.u32 s9, $0xF7A;
	s5 =	simm.s32 @!p2 $0x0  }
0x1d: {  	s5 =	simm.s32 @p1 $0x1;
	p0 =	seq.s32 s7, s2  }
0x1e: {  	s7 =	smul.u32 @!p0 $0xF7A, s2;
	p2 =	seq.s32 @!p0 s5, $0x0  }
0x1f: {  	s9 =	smul.u32 $0xF7A, s1;
	s8 =	simm.s32 @!p0 $0x1BF5;
	p2 =	por !p2, p0  }
0x20: {  	[sflag:s8] =	ssyncset.s32 @!p0 $0xFFFFF086;
	s6 =	sadd.s32 @!p0 s3, s7;
	s7 =	simm.s32 @!p0 $0x108  }
0x21: {  	s3 =	sadd.s32 s3, s9;
	s6 =	sadd.s32 @!p0 $0x88, s6;
	s7 =	simm.s32 @p2 $0x1082  }
0x22: {  	[simem:s7], [sflag:s8] =	dma.local @!p0 [hbm:s6], $0xF7A  }
0x23: {  	s9 =	sor.u32 $0xD0000000, s2;
	s6 =	simm.s32 $0x108;
	_ =	swait.ge @!p0 [sflag:s8], $0x0  }
0x24: {  	s3 =	sadd.s32 $0x88, s3;
	s6 =	simm.s32 @!p1 $0x1082;
	[sflag:s4] =	ssyncset.s32 $0xFFFFF086  }
0x25: {  	[simem:s6], [sflag:s4] =	dma.local [hbm:s3], $0xF7A  }
0x26: {  	[smem:$0x3F9F] =	sst s1;
	(tag) =	ssettag s2;
	_ =	strace s9  }
0x27: {  	s1 =	sld [smem:$0x3FAF]  }
0x28: {  	s2 =	sld [smem:$0x3FB0]  }
0x29: {  	s4 =	sld [smem:$0x3FB2]  }
0x2a: {  	p0 =	seq.s32 s5, $0x0;
	s5 =	sld [smem:$0x3FB3]  }
0x2b: {  	s6 =	sld [smem:$0x3FB4]  }
0x2c: {  	s7 =	sld [smem:$0x3FB5]  }
0x2d: {  	s3 =	simm.s32 $0x108;
	s8 =	sld [smem:$0x3FB6]  }
0x2e: {  	s3 =	simm.s32 @!p0 $0x1082;
	s9 =	sld [smem:$0x3FB7]  }
0x2f: {  	lr =	sadd.s32 s0, s3;
	s0 =	sld [smem:$0x3FAE]  }
0x30: {  	s3 =	sld [smem:$0x3FB1]  }
0x31: {  	[smem:$0x3FBA] =	sst s10  }
0x32: {  	s10 =	sld [smem:$0x3FB8];
	_ =	sdelay $0x3  }
0x33: {  	p0 =	seq.s32 s10, $0x1;
	s10 =	sld [smem:$0x3FBA];
	_ =	sdelay $0x3  }
0x34: {  	[smem:$0x3FBA] =	sst s10  }
0x35: {  	s10 =	sld [smem:$0x3FB9];
	_ =	sdelay $0x3  }
0x36: {  	p1 =	seq.s32 s10, $0x1;
	s10 =	sld [smem:$0x3FBA];
	_ =	sdelay $0x3  }
0x37: {  	[smem:$0x3FBA] =	sst s10  }
0x38: {  	s10 =	sld [smem:$0x3FBB]  }
0x39: {  	_ = 	snop;
	(pc) =	sbr.ind lr, $3  }
0x3a: {  	_ = 	snop  }
0x3b: {  	_ = 	snop  }
0x3c: {  	p2 =	seq.s32 s10, $0x1;
	s10 =	sld [smem:$0x3FBA]  }
0x3d: {  	_ =	shalt  }
0x3e: {  	_ =	shalt  }
0x3f: {  	_ =	shalt  }
0x40: {  	_ =	shalt  }
0x41: {  	_ =	shalt  }
0x42: {  	_ =	shalt  }
0x43: {  	_ =	shalt  }
0x44: {  	_ =	shalt  }
0x45: {  	_ =	shalt  }
0x46: {  	_ =	shalt  }
0x47: {  	_ =	shalt  }
0x48: {  	_ =	shalt  }
0x49: {  	_ =	shalt  }
0x4a: {  	_ =	shalt  }
0x4b: {  	_ =	shalt  }
0x4c: {  	_ =	shalt  }
0x4d: {  	_ =	shalt  }
0x4e: {  	_ =	shalt  }
0x4f: {  	_ =	shalt  }
0x50: {  	_ =	shalt  }
0x51: {  	_ =	shalt  }
0x52: {  	_ =	shalt  }
0x53: {  	_ =	shalt  }
0x54: {  	_ =	shalt  }
0x55: {  	_ =	shalt  }
0x56: {  	_ =	shalt  }
0x57: {  	_ =	shalt  }
0x58: {  	_ =	shalt  }
0x59: {  	_ =	shalt  }
0x5a: {  	_ =	shalt  }
0x5b: {  	_ =	shalt  }
0x5c: {  	_ =	shalt  }
0x5d: {  	_ =	shalt  }
0x5e: {  	_ =	shalt  }
0x5f: {  	_ =	shalt  }
0x60: {  	_ =	shalt  }
0x61: {  	_ =	shalt  }
0x62: {  	_ =	shalt  }
0x63: {  	_ =	shalt  }
0x64: {  	_ =	shalt  }
0x65: {  	_ =	shalt  }
0x66: {  	_ =	shalt  }
0x67: {  	_ =	shalt  }
0x68: {  	_ =	shalt  }
0x69: {  	_ =	shalt  }
0x6a: {  	_ =	shalt  }
0x6b: {  	_ =	shalt  }
0x6c: {  	_ =	shalt  }
0x6d: {  	_ =	shalt  }
0x6e: {  	_ =	shalt  }
0x6f: {  	_ =	shalt  }
0x70: {  	_ =	shalt  }
0x71: {  	_ =	shalt  }
0x72: {  	_ =	shalt  }
0x73: {  	_ =	shalt  }
0x74: {  	_ =	shalt  }
0x75: {  	_ =	shalt  }
0x76: {  	_ =	shalt  }
0x77: {  	_ =	shalt  }
0x78: {  	_ =	shalt  }
0x79: {  	_ =	shalt  }
0x7a: {  	_ =	shalt  }
0x7b: {  	_ =	shalt  }
0x7c: {  	_ =	shalt  }
0x7d: {  	_ =	shalt  }
0x7e: {  	_ =	shalt  }
0x7f: {  	_ =	shalt  }
0x80: {  	_ =	shalt  }
0x81: {  	_ =	shalt  }
0x82: {  	_ =	shalt  }
0x83: {  	_ =	shalt  }
0x84: {  	_ =	shalt  }
0x85: {  	_ =	shalt  }
0x86: {  	_ =	shalt  }
0x87: {  	_ =	shalt  }
.Lfunc_end0:
.L_simem_size_0:
called_computation_lowered:
.L_overlay_start_0:
0x88: {  	s2 =	sld [smem:$0x3FD9]  }
0x89: {  	s3 =	sld [smem:$0x3FFE];
	_ =	sdelay $0x1  }
0x8a: {  	s1 =	srdreg.scid  }
0x8b: {  	s0 =	sand.u32 $0x1, s1  }
0x8c: {  	s16 =	sshll.u32 s0, $0xA;
	s2 =	sadd.s32 s3, s2  }
0x8d: {  	s2 =	sadd.s32 s2, s16  }
0x8e: {  	[smem:$0x3FC6] =	sst s2  }
0x8f: {  	_ = 	snop  }
0x90: {  	(tm) =	ssettm $0x1  }
0x91: {  	s17 =	sld [smem:$0x3FFB];
	_ =	sdelay $0x3  }
0x92: {  	_ =	strace s17  }
0x93: {  	s2 =	sld [smem:$0x3FFC];
	_ =	sdelay $0x3  }
0x94: {  	_ =	strace s2  }
0x95: {  	s2 =	sld [smem:$0x3FFD];
	_ =	sdelay $0x3  }
0x96: {  	_ =	strace s2  }
0x97: {  	_ =	strace $0x8FFFFFFF  }
0x98: {  	s18 =	sld [smem:$0x3FDB];
	_ =	sdelay $0x1  }
0x99: {  	s19 =	simm.s32 $_scs_section_size  }
0x9a: {  	s4 =	simm.s32 $_size__tile_overlayer_lowered;
	s5 =	simm.s32 $_tile_overlayer_lowered  }
0x9b: {  	s22 =	simm.s32 $0x1BFF;
	s21 =	sshll.u32 s5, $0x1;
	s2 =	sadd.s32 s19, s18  }
0x9c: {  	s6 =	simm.s32 $0x0;
	s20 =	sshll.u32 s4, $0x1;
	s4 =	sadd.s32 s21, s2  }
0x9d: {  	[timem:s6], [sflag:s22] =	dma.local [hbm:s4], s20  }
0x9e: {  	_ =	swait.ge [sflag:s22], s20  }
0x9f: {  	s3 =	ssub.s32 $0x0, s20;
	[sflag:s22] =	ssyncset.done $0x0  }
0xa0: {  	[sflag:s22] =	ssyncadd.s32 s3;
	_ =	sdelay $0x1  }
0xa1: {  	s23 =	simm.s32 $0x1B8B  }
0xa2: {  	_ =	swait.ge [sflag:s23], $0x1  }
0xa3: {  	[sflag:s23] =	ssyncset.done $0x0  }
0xa4: {  	s25 =	simm.s32 $0x1B8E;
	s24 =	sld [smem:$0x3FFE];
	[sflag:s23] =	ssyncadd.s32 $0xFFFFFFFF  }
0xa5: {  	s26 =	simm.s32 $execute0_lowered;
	[smem:$0x3FD2] =	sst s25  }
0xa6: {  	s4 =	sshll.u32 s26, $0x1;
	_ =	strace $0x80000046;
	[dreg:$0x1] =	wrdreg $0xFFFFFFFF  }
0xa7: {  	s28 =	simm.s32 $_size_execute0_lowered;
	s2 =	sadd.s32 s2, s4;
	[dreg:$0x0] =	wrdreg $0x0  }
0xa8: {  	s4 =	sshll.u32 s28, $0x1;
	[dreg:$0x2] =	wrdreg s2  }
0xa9: {  	[dreg:$0x3] =	wrdreg s4  }
0xaa: {  	[dreg:$0x4] =	wrdreg $0xC0  }
0xab: {  	_ =	task [dreg:s6], $0x5FFFF  }
0xac: {  	[dreg:$0x1] =	wrdreg $0xFFFFFFFF  }
0xad: {  	[dreg:$0x0] =	wrdreg $0x60  }
0xae: {  	[dreg:$0x2] =	wrdreg s24  }
0xaf: {  	[dreg:$0x3] =	wrdreg $0x9  }
0xb0: {  	_ =	task.clear_ibuf [dreg:s6], $0x4FFFF;
	_ =	strace $0x90000046  }
0xb1: {  	s29 =	simm.s32 $0x9;
	_ =	strace $0x80000048  }
0xb2: {  	_ =	swait.ge [sflag:s29], $0x1  }
0xb3: {  	[sflag:s29] =	ssyncadd.s32 $0xFFFFFFFF  }
0xb4: {  	_ =	strace $0x90000048  }
0xb5: {  	_ =	sfence  }
0xb6: {  	s30 =	sld [smem:$0x0];
	_ =	sdelay $0x2  }
0xb7: {  	s31 =	sshll.u32 s1, $0xD;
	s1 =	sshrl.u32 s1, $0x2  }
0xb8: {  	s3 =	sand.u32 $0x4000, s31;
	s1 =	sadd.s32 s1, s30  }
0xb9: {  	s0 =	sor.u32 s3, s0;
	s1 =	sshll.u32 s1, $0x11  }
0xba: {  	s0 =	sor.u32 s1, s0  }
0xbb: {  	s0 =	sadd.s32 $0x8F2B, s0  }
0xbc: {  	[sflag:s0] =	ssyncadd.remote.s32 $0x1  }
0xbd: {  	_ =	sfence.sel $0xFFFF  }
0xbe: {  	[dreg:$0x0] =	wrdreg $0xFFFFFFFF;
	(pc) =	sbr.abs _section_cstart, $3  }
0xbf: {  	[dreg:$0x1] =	wrdreg $0xFFFFFFFF  }
0xc0: {  	_ =	task.clear_ibuf [dreg:s6], $0x2FFFF;
	_ =	strace $0x9FFFFFFF  }
0xc1: {  	(tm) =	ssettm $0x7FFFFFFF  }
tec
execute0_lowered:
.L_overlay_start_1:
0x0: {  	(tag) =	ssettag $0x1  }
0x1: {  	v0 =	vlaneseq.u32  }
0x2: {  	v0 =	vmul.u32 $0x6, v0;
	_ =	sdelay $0x1  }
0x3: {  	v4 =	vadd.s32 $0x2, v0;
	v14 =	vadd.s32 $0xC3, v0;
	v15 =	vadd.s32 $0xC4, v0  }
0x4: {  	v16 =	vadd.s32 $0xC5, v0;
	v17 =	vadd.s32 $0x122, v0;
	v18 =	vadd.s32 $0x123, v0  }
0x5: {  	v19 =	vadd.s32 $0x124, v0;
	v20 =	vadd.s32 $0x125, v0;
	v21 =	vadd.s32 $0x182, v0  }
0x6: {  	v22 =	vadd.s32 $0x183, v0;
	v23 =	vadd.s32 $0x184, v0;
	v24 =	vadd.s32 $0x185, v0  }
0x7: {  	v25 =	vadd.s32 $0x1E2, v0;
	v26 =	vadd.s32 $0x1E3, v0;
	v27 =	vadd.s32 $0x1E4, v0  }
0x8: {  	v28 =	vadd.s32 $0x1E5, v0;
	v29 =	vadd.s32 $0x242, v0;
	v30 =	vadd.s32 $0x243, v0  }
0x9: {  	v31 =	vadd.s32 $0x244, v0;
	v32 =	vadd.s32 $0x245, v0;
	v33 =	vadd.s32 $0x2A2, v0  }
0xa: {  	v34 =	vadd.s32 $0x2A3, v0;
	v35 =	vadd.s32 $0x2A4, v0;
	v36 =	vadd.s32 $0x2A5, v0  }
0xb: {  	v37 =	vadd.s32 $0x302, v0;
	v38 =	vadd.s32 $0x303, v0;
	v39 =	vadd.s32 $0x304, v0  }
0xc: {  	v40 =	vadd.s32 $0x305, v0;
	v41 =	vadd.s32 $0x362, v0;
	v42 =	vadd.s32 $0x363, v0  }
0xd: {  	s1 =	srdreg.scid;
	v43 =	vadd.s32 $0x364, v0;
	v44 =	vadd.s32 $0x365, v0;
	v45 =	vadd.s32 $0x3C2, v0  }
0xe: {  	s0 =	stileid.u32;
	s5 =	rddreg [dreg:$0x0];
	v46 =	vadd.s32 $0x3C3, v0;
	v47 =	vadd.s32 $0x3C4, v0;
	[tilespmem:$0x1FF70] =	vst v4;
	v4 =	vadd.s32 $0x3, v0  }
0xf: {  	s10 =	simm.s32 $0xA00;
	s12 =	simm.s32 $0x200;
	s13 =	simm.s32 $0x400;
	v48 =	vadd.s32 $0x3C5, v0;
	v49 =	vadd.s32 $0x422, v0;
	[tilespmem:$0x1FF80] =	vst v4;
	v4 =	vadd.s32 $0x4, v0  }
0x10: {  	s14 =	simm.s32 $0x600;
	s15 =	simm.s32 $0x800;
	s3 =	sand.u32 $0x1, s1;
	v50 =	vadd.s32 $0x423, v0;
	v51 =	vadd.s32 $0x424, v0;
	[tilespmem:$0x1FF90] =	vst v4;
	v4 =	vadd.s32 $0x5, v0  }
0x11: {  	s11 =	simm.s32 $0x1;
	s31 =	sshll.u32 s0, $0xA;
	s2 =	sshll.u32 s3, $0x9;
	v52 =	vadd.s32 $0x425, v0;
	v53 =	vadd.s32 $0x482, v0;
	[tilespmem:$0x1FFA0] =	vst v4;
	v4 =	vadd.s32 $0x62, v0  }
0x12: {  	s6 =	ssub.s32 $0x2, s3;
	s3 =	sadd.s32 $0x600, s5;
	s4 =	sor.u32 s2, s31;
	v54 =	vadd.s32 $0x483, v0;
	v55 =	vadd.s32 $0x484, v0;
	[tilespmem:$0x1FFB0] =	vst v4;
	v4 =	vadd.s32 $0x63, v0  }
0x13: {  	s2 =	simm.s32 $0x0;
	s7 =	sshrl.u32 s6, $0x1;
	v56 =	vadd.s32 $0x485, v0;
	v57 =	vadd.s32 $0x4E2, v0;
	s1 =	sadd.s32 $0x200, s4;
	[tilespmem:$0x1FFC0] =	vst v4;
	v4 =	vadd.s32 $0x64, v0  }
0x14: {  	v58 =	vadd.s32 $0x4E3, v0;
	v1 =	vmov s4;
	[smem:$0x7FF] =	sst s2;
	s4 =	sshrl.u32 s4, $0x3;
	s9 =	ssub.s32 s6, s7;
	[tilespmem:$0x1FFD0] =	vst v4;
	v4 =	vadd.s32 $0x65, v0  }
0x15: {  	v59 =	vadd.s32 $0x4E4, v0;
	v2 =	vmov s1;
	s1 =	rddreg [dreg:$0x1];
	s8 =	sadd.s32 s4, s5;
	s9 =	smax.u32 s9, $0x1;
	[tilespmem:$0x1FFE0] =	vst v4;
	v4 =	vadd.s32 $0xC2, v0  }
0x16: {  	v3 =	vimm.f32 $0.0e+00;
	v60 =	vadd.s32 $0x4E5, v0;
	v61 =	vadd.s32 $0x542, v0;
	s4 =	sadd.s32 $0x800, s8;
	s5 =	sadd.s32 $0x1000, s8;
	s6 =	sadd.s32 $0x1800, s8;
	[tilespmem:$0x1FFF0] =	vst v4  }
0x17: {  	v8 =	vimm.f32 $1.000000000e+00;
	v62 =	vadd.s32 $0x543, v0;
	v63 =	vadd.s32 $0x544, v0;
	s7 =	sadd.s32 $0x2000, s8;
	s8 =	sadd.s32 $0x2800, s8;
	_ =	strace $0x80000047  }
.LBB2_1:
0x18: {  	[tilespmem:s10], [sflag:$0x1] =	stream.linear.gather [hbm4b:s3+s2], $0xC00, $0x38;
	[tilespmem:$0x1600] =	vst v63  }
0x19: {  	_ =	swait.ge [sflag:s11], $0xC00  }
0x1a: {  	[sflag:s11] =	ssyncset.done $0x0  }
0x1b: {  	[sflag:s11] =	ssyncadd.s32 $0xFFFFF400  }
0x1c: {  	[tilespmem:$0x0] =	vst v3  }
0x1d: {  	[tilespmem:$0x10] =	vst v3  }
0x1e: {  	[tilespmem:$0x20] =	vst v3  }
0x1f: {  	[tilespmem:$0x30] =	vst v3  }
0x20: {  	[tilespmem:$0x40] =	vst v3  }
0x21: {  	[tilespmem:$0x50] =	vst v3  }
0x22: {  	[tilespmem:$0x60] =	vst v3  }
0x23: {  	[tilespmem:$0x70] =	vst v3  }
0x24: {  	[tilespmem:$0x80] =	vst v3  }
0x25: {  	[tilespmem:$0x90] =	vst v3  }
0x26: {  	[tilespmem:$0xA0] =	vst v3  }
0x27: {  	[tilespmem:$0xB0] =	vst v3  }
0x28: {  	[tilespmem:$0xC0] =	vst v3  }
0x29: {  	[tilespmem:$0xD0] =	vst v3  }
0x2a: {  	[tilespmem:$0xE0] =	vst v3  }
0x2b: {  	[tilespmem:$0xF0] =	vst v3  }
0x2c: {  	[tilespmem:$0x100] =	vst v3  }
0x2d: {  	[tilespmem:$0x110] =	vst v3  }
0x2e: {  	[tilespmem:$0x120] =	vst v3  }
0x2f: {  	[tilespmem:$0x130] =	vst v3  }
0x30: {  	[tilespmem:$0x140] =	vst v3  }
0x31: {  	[tilespmem:$0x150] =	vst v3  }
0x32: {  	[tilespmem:$0x160] =	vst v3  }
0x33: {  	[tilespmem:$0x170] =	vst v3  }
0x34: {  	[tilespmem:$0x180] =	vst v3  }
0x35: {  	[tilespmem:$0x190] =	vst v3  }
0x36: {  	[tilespmem:$0x1A0] =	vst v3  }
0x37: {  	[tilespmem:$0x1B0] =	vst v3  }
0x38: {  	[tilespmem:$0x1C0] =	vst v3  }
0x39: {  	[tilespmem:$0x1D0] =	vst v3  }
0x3a: {  	[tilespmem:$0x1E0] =	vst v3  }
0x3b: {  	[tilespmem:$0x1F0] =	vst v3  }
0x3c: {  	[tilespmem:$0x200] =	vst v3  }
0x3d: {  	[tilespmem:$0x210] =	vst v3  }
0x3e: {  	[tilespmem:$0x220] =	vst v3  }
0x3f: {  	[tilespmem:$0x230] =	vst v3  }
0x40: {  	[tilespmem:$0x240] =	vst v3  }
0x41: {  	[tilespmem:$0x250] =	vst v3  }
0x42: {  	[tilespmem:$0x260] =	vst v3  }
0x43: {  	[tilespmem:$0x270] =	vst v3  }
0x44: {  	[tilespmem:$0x280] =	vst v3  }
0x45: {  	[tilespmem:$0x290] =	vst v3  }
0x46: {  	[tilespmem:$0x2A0] =	vst v3  }
0x47: {  	[tilespmem:$0x2B0] =	vst v3  }
0x48: {  	[tilespmem:$0x2C0] =	vst v3  }
0x49: {  	[tilespmem:$0x2D0] =	vst v3  }
0x4a: {  	[tilespmem:$0x2E0] =	vst v3  }
0x4b: {  	[tilespmem:$0x2F0] =	vst v3  }
0x4c: {  	[tilespmem:$0x300] =	vst v3  }
0x4d: {  	[tilespmem:$0x310] =	vst v3  }
0x4e: {  	[tilespmem:$0x320] =	vst v3  }
0x4f: {  	[tilespmem:$0x330] =	vst v3  }
0x50: {  	[tilespmem:$0x340] =	vst v3  }
0x51: {  	[tilespmem:$0x350] =	vst v3  }
0x52: {  	[tilespmem:$0x360] =	vst v3  }
0x53: {  	[tilespmem:$0x370] =	vst v3  }
0x54: {  	[tilespmem:$0x380] =	vst v3  }
0x55: {  	[tilespmem:$0x390] =	vst v3  }
0x56: {  	[tilespmem:$0x3A0] =	vst v3  }
0x57: {  	[tilespmem:$0x3B0] =	vst v3  }
0x58: {  	[tilespmem:$0x3C0] =	vst v3  }
0x59: {  	[tilespmem:$0x3D0] =	vst v3  }
0x5a: {  	[tilespmem:$0x3E0] =	vst v3  }
0x5b: {  	[tilespmem:$0x3F0] =	vst v3  }
0x5c: {  	[tilespmem:$0x400] =	vst v3  }
0x5d: {  	[tilespmem:$0x410] =	vst v3  }
0x5e: {  	[tilespmem:$0x420] =	vst v3  }
0x5f: {  	[tilespmem:$0x430] =	vst v3  }
0x60: {  	[tilespmem:$0x440] =	vst v3  }
0x61: {  	[tilespmem:$0x450] =	vst v3  }
0x62: {  	[tilespmem:$0x460] =	vst v3  }
0x63: {  	[tilespmem:$0x470] =	vst v3  }
0x64: {  	[tilespmem:$0x480] =	vst v3  }
0x65: {  	[tilespmem:$0x490] =	vst v3  }
0x66: {  	[tilespmem:$0x4A0] =	vst v3  }
0x67: {  	[tilespmem:$0x4B0] =	vst v3  }
0x68: {  	[tilespmem:$0x4C0] =	vst v3  }
0x69: {  	[tilespmem:$0x4D0] =	vst v3  }
0x6a: {  	[tilespmem:$0x4E0] =	vst v3  }
0x6b: {  	[tilespmem:$0x4F0] =	vst v3  }
0x6c: {  	[tilespmem:$0x500] =	vst v3  }
0x6d: {  	[tilespmem:$0x510] =	vst v3  }
0x6e: {  	[tilespmem:$0x520] =	vst v3  }
0x6f: {  	[tilespmem:$0x530] =	vst v3  }
0x70: {  	[tilespmem:$0x540] =	vst v3  }
0x71: {  	[tilespmem:$0x550] =	vst v3  }
0x72: {  	[tilespmem:$0x560] =	vst v3  }
0x73: {  	[tilespmem:$0x570] =	vst v3  }
0x74: {  	[tilespmem:$0x580] =	vst v3  }
0x75: {  	[tilespmem:$0x590] =	vst v3  }
0x76: {  	[tilespmem:$0x5A0] =	vst v3  }
0x77: {  	[tilespmem:$0x5B0] =	vst v3  }
0x78: {  	[tilespmem:$0x5C0] =	vst v3  }
0x79: {  	[tilespmem:$0x5D0] =	vst v3  }
0x7a: {  	[tilespmem:$0x5E0] =	vst v3  }
0x7b: {  	[tilespmem:$0x5F0] =	vst v3  }
0x7c: {  	[tilespmem:$0x600] =	vst v3  }
0x7d: {  	[tilespmem:$0x610] =	vst v3  }
0x7e: {  	[tilespmem:$0x620] =	vst v3  }
0x7f: {  	[tilespmem:$0x630] =	vst v3  }
0x80: {  	[tilespmem:$0x640] =	vst v3  }
0x81: {  	[tilespmem:$0x650] =	vst v3  }
0x82: {  	[tilespmem:$0x660] =	vst v3  }
0x83: {  	[tilespmem:$0x670] =	vst v3  }
0x84: {  	[tilespmem:$0x680] =	vst v3  }
0x85: {  	[tilespmem:$0x690] =	vst v3  }
0x86: {  	[tilespmem:$0x6A0] =	vst v3  }
0x87: {  	[tilespmem:$0x6B0] =	vst v3  }
0x88: {  	[tilespmem:$0x6C0] =	vst v3  }
0x89: {  	[tilespmem:$0x6D0] =	vst v3  }
0x8a: {  	[tilespmem:$0x6E0] =	vst v3  }
0x8b: {  	[tilespmem:$0x6F0] =	vst v3  }
0x8c: {  	[tilespmem:$0x700] =	vst v3  }
0x8d: {  	[tilespmem:$0x710] =	vst v3  }
0x8e: {  	[tilespmem:$0x720] =	vst v3  }
0x8f: {  	[tilespmem:$0x730] =	vst v3  }
0x90: {  	[tilespmem:$0x740] =	vst v3  }
0x91: {  	[tilespmem:$0x750] =	vst v3  }
0x92: {  	[tilespmem:$0x760] =	vst v3  }
0x93: {  	[tilespmem:$0x770] =	vst v3  }
0x94: {  	[tilespmem:$0x780] =	vst v3  }
0x95: {  	[tilespmem:$0x790] =	vst v3  }
0x96: {  	[tilespmem:$0x7A0] =	vst v3  }
0x97: {  	[tilespmem:$0x7B0] =	vst v3  }
0x98: {  	[tilespmem:$0x7C0] =	vst v3  }
0x99: {  	[tilespmem:$0x7D0] =	vst v3  }
0x9a: {  	[tilespmem:$0x7E0] =	vst v3  }
0x9b: {  	[tilespmem:$0x7F0] =	vst v3  }
0x9c: {  	[tilespmem:$0x800] =	vst v3  }
0x9d: {  	[tilespmem:$0x810] =	vst v3  }
0x9e: {  	[tilespmem:$0x820] =	vst v3  }
0x9f: {  	[tilespmem:$0x830] =	vst v3  }
0xa0: {  	[tilespmem:$0x840] =	vst v3  }
0xa1: {  	[tilespmem:$0x850] =	vst v3  }
0xa2: {  	[tilespmem:$0x860] =	vst v3  }
0xa3: {  	[tilespmem:$0x870] =	vst v3  }
0xa4: {  	[tilespmem:$0x880] =	vst v3  }
0xa5: {  	[tilespmem:$0x890] =	vst v3  }
0xa6: {  	[tilespmem:$0x8A0] =	vst v3  }
0xa7: {  	[tilespmem:$0x8B0] =	vst v3  }
0xa8: {  	[tilespmem:$0x8C0] =	vst v3  }
0xa9: {  	[tilespmem:$0x8D0] =	vst v3  }
0xaa: {  	[tilespmem:$0x8E0] =	vst v3  }
0xab: {  	[tilespmem:$0x8F0] =	vst v3  }
0xac: {  	[tilespmem:$0x900] =	vst v3  }
0xad: {  	[tilespmem:$0x910] =	vst v3  }
0xae: {  	[tilespmem:$0x920] =	vst v3  }
0xaf: {  	[tilespmem:$0x930] =	vst v3  }
0xb0: {  	[tilespmem:$0x940] =	vst v3  }
0xb1: {  	[tilespmem:$0x950] =	vst v3  }
0xb2: {  	[tilespmem:$0x960] =	vst v3  }
0xb3: {  	[tilespmem:$0x970] =	vst v3  }
0xb4: {  	v4 =	vld [tilespmem:$0x1FF80];
	[tilespmem:$0x980] =	vst v3  }
0xb5: {  	v5 =	vld [tilespmem:$0x1FF70];
	[tilespmem:$0x990] =	vst v3  }
0xb6: {  	[tilespmem:$0x9A0] =	vst v3  }
0xb7: {  	[tilespmem:$0x9B0] =	vst v3  }
0xb8: {  	[tilespmem:$0x9C0] =	vst v3  }
0xb9: {  	[tilespmem:$0x9D0] =	vst v3  }
0xba: {  	[tilespmem:$0x9E0] =	vst v3  }
0xbb: {  	[tilespmem:$0x9F0] =	vst v3  }
0xbc: {  	v4 =	vld.idx.msk [tilespmem:v4+s10+$0x0], $0xffff  }
0xbd: {  	v5 =	vld.idx.msk [tilespmem:v5+s10+$0x0], $0xffff;
	_ =	sdelay $0x3  }
0xbe: {  	v6 =	vmul.f32 $1.280000000e+02, v4  }
0xbf: {  	v7 =	vmul.f32 $1.280000000e+02, v5  }
0xc0: {  	v6 =	vtrunc.f32 v6  }
0xc1: {  	v7 =	vtrunc.f32 v7;
	v6 =	vcvt.f32.s32 v6  }
0xc2: {  	v7 =	vcvt.f32.s32 v7  }
0xc3: {  	v10 =	vld [tilespmem:$0x1FF90];
	v6 =	vshll.u32 v6, $0x7  }
0xc4: {  	v12 =	vld [tilespmem:$0x1FFA0];
	v6 =	vadd.s32 v7, v6  }
0xc5: {  	vm0 =	vge.s32 v6, v1;
	vm1 =	vlt.s32 v6, v2  }
0xc6: {  	v6 =	vsub.s32 v6, v1;
	vm0 =	vmand vm0, vm1  }
0xc7: {  	v6 =	vnsel vm0, $0x0, v6  }
0xc8: {  	v7 =	vadd.s32 $0x200, v6  }
0xc9: {  	v9 =	vadd.s32 $0x400, v6;
	_ =	sdelay $0x1  }
0xca: {  	v10 =	vld.idx.msk [tilespmem:v10+s10+$0x0], $0xffff  }
0xcb: {  	v12 =	vld.idx.msk [tilespmem:v12+s10+$0x0], $0xffff;
	[tilespmem:v6+s2+$0x0] =	vst.idx.msk vm0, v8  }
0xcc: {  	[tilespmem:v7+s2+$0x0] =	vst.idx.msk vm0, v5  }
0xcd: {  	[tilespmem:v9+s2+$0x0] =	vst.idx.msk vm0, v4;
	v4 =	vld [tilespmem:$0x1FFC0]  }
0xce: {  	v11 =	vadd.s32 $0x600, v6;
	v5 =	vld [tilespmem:$0x1FFB0]  }
0xcf: {  	v13 =	vadd.s32 $0x800, v6;
	_ =	sdelay $0x3  }
0xd0: {  	[tilespmem:v11+s2+$0x0] =	vst.idx.msk vm0, v10  }
0xd1: {  	[tilespmem:v13+s2+$0x0] =	vst.idx.msk vm0, v12  }
0xd2: {  	v4 =	vld.idx.msk [tilespmem:v4+s10+$0x0], $0xffff  }
0xd3: {  	v5 =	vld.idx.msk [tilespmem:v5+s10+$0x0], $0xffff;
	_ =	sdelay $0x3  }
0xd4: {  	v6 =	vmul.f32 $1.280000000e+02, v4  }
0xd5: {  	v7 =	vmul.f32 $1.280000000e+02, v5  }
0xd6: {  	v6 =	vtrunc.f32 v6  }
0xd7: {  	v7 =	vtrunc.f32 v7;
	v6 =	vcvt.f32.s32 v6  }
0xd8: {  	v7 =	vcvt.f32.s32 v7  }
0xd9: {  	v10 =	vld [tilespmem:$0x1FFD0];
	v6 =	vshll.u32 v6, $0x7  }
0xda: {  	v12 =	vld [tilespmem:$0x1FFE0];
	v6 =	vadd.s32 v7, v6  }
0xdb: {  	vm14 =	vge.s32 v6, v1;
	vm15 =	vlt.s32 v6, v2  }
0xdc: {  	v6 =	vsub.s32 v6, v1;
	vm0 =	vmand vm14, vm15  }
0xdd: {  	v6 =	vnsel vm0, $0x0, v6  }
0xde: {  	v7 =	vadd.s32 $0x200, v6;
	_ =	sdelay $0x2  }
0xdf: {  	v10 =	vld.idx.msk [tilespmem:v10+s10+$0x0], $0xffff  }
0xe0: {  	v12 =	vld.idx.msk [tilespmem:v12+s10+$0x0], $0xffff;
	v9 =	vadd.s32 $0x400, v6;
	[tilespmem:v6+s2+$0x0] =	vst.idx.msk vm0, v8  }
0xe1: {  	v11 =	vadd.s32 $0x600, v6;
	[tilespmem:v7+s2+$0x0] =	vst.idx.msk vm0, v5;
	v5 =	vld [tilespmem:$0x1FFF0]  }
0xe2: {  	v13 =	vadd.s32 $0x800, v6;
	_ =	sdelay $0x2  }
0xe3: {  	[tilespmem:v9+s2+$0x0] =	vst.idx.msk vm0, v4  }
0xe4: {  	[tilespmem:v11+s2+$0x0] =	vst.idx.msk vm0, v10  }
0xe5: {  	[tilespmem:v13+s2+$0x0] =	vst.idx.msk vm0, v12  }
0xe6: {  	v4 =	vld.idx.msk [tilespmem:v14+s10+$0x0], $0xffff  }
0xe7: {  	v5 =	vld.idx.msk [tilespmem:v5+s10+$0x0], $0xffff;
	_ =	sdelay $0x3  }
0xe8: {  	v6 =	vmul.f32 $1.280000000e+02, v4  }
0xe9: {  	v7 =	vmul.f32 $1.280000000e+02, v5  }
0xea: {  	v6 =	vtrunc.f32 v6  }
0xeb: {  	v6 =	vcvt.f32.s32 v6;
	v7 =	vtrunc.f32 v7  }
0xec: {  	v7 =	vcvt.f32.s32 v7  }
0xed: {  	v6 =	vshll.u32 v6, $0x7  }
0xee: {  	v6 =	vadd.s32 v7, v6  }
0xef: {  	vm4 =	vge.s32 v6, v1;
	vm5 =	vlt.s32 v6, v2  }
0xf0: {  	v6 =	vsub.s32 v6, v1;
	vm0 =	vmand vm4, vm5  }
0xf1: {  	v6 =	vnsel vm0, $0x0, v6  }
0xf2: {  	v7 =	vadd.s32 $0x200, v6  }
0xf3: {  	v9 =	vadd.s32 $0x400, v6  }
0xf4: {  	v10 =	vld.idx.msk [tilespmem:v15+s10+$0x0], $0xffff;
	v11 =	vadd.s32 $0x600, v6  }
0xf5: {  	v12 =	vld.idx.msk [tilespmem:v16+s10+$0x0], $0xffff;
	v13 =	vadd.s32 $0x800, v6  }
0xf6: {  	[tilespmem:v6+s2+$0x0] =	vst.idx.msk vm0, v8  }
0xf7: {  	[tilespmem:v7+s2+$0x0] =	vst.idx.msk vm0, v5  }
0xf8: {  	[tilespmem:v9+s2+$0x0] =	vst.idx.msk vm0, v4  }
0xf9: {  	[tilespmem:v11+s2+$0x0] =	vst.idx.msk vm0, v10  }
0xfa: {  	[tilespmem:v13+s2+$0x0] =	vst.idx.msk vm0, v12  }
0xfb: {  	v4 =	vld.idx.msk [tilespmem:v18+s10+$0x0], $0xffff  }
0xfc: {  	v5 =	vld.idx.msk [tilespmem:v17+s10+$0x0], $0xffff;
	_ =	sdelay $0x3  }
0xfd: {  	v6 =	vmul.f32 $1.280000000e+02, v4  }
0xfe: {  	v7 =	vmul.f32 $1.280000000e+02, v5  }
0xff: {  	v6 =	vtrunc.f32 v6  }
0x100: {  	v7 =	vtrunc.f32 v7;
	v6 =	vcvt.f32.s32 v6  }
0x101: {  	v7 =	vcvt.f32.s32 v7  }
0x102: {  	v6 =	vshll.u32 v6, $0x7  }
0x103: {  	v6 =	vadd.s32 v7, v6  }
0x104: {  	vm6 =	vge.s32 v6, v1;
	vm7 =	vlt.s32 v6, v2  }
0x105: {  	v6 =	vsub.s32 v6, v1;
	vm0 =	vmand vm6, vm7  }
0x106: {  	v6 =	vnsel vm0, $0x0, v6  }
0x107: {  	v7 =	vadd.s32 $0x200, v6  }
0x108: {  	v9 =	vadd.s32 $0x400, v6  }
0x109: {  	v10 =	vld.idx.msk [tilespmem:v19+s10+$0x0], $0xffff;
	v11 =	vadd.s32 $0x600, v6  }
0x10a: {  	v12 =	vld.idx.msk [tilespmem:v20+s10+$0x0], $0xffff;
	v13 =	vadd.s32 $0x800, v6  }
0x10b: {  	[tilespmem:v6+s2+$0x0] =	vst.idx.msk vm0, v8  }
0x10c: {  	[tilespmem:v7+s2+$0x0] =	vst.idx.msk vm0, v5  }
0x10d: {  	[tilespmem:v9+s2+$0x0] =	vst.idx.msk vm0, v4  }
0x10e: {  	[tilespmem:v11+s2+$0x0] =	vst.idx.msk vm0, v10  }
0x10f: {  	[tilespmem:v13+s2+$0x0] =	vst.idx.msk vm0, v12  }
0x110: {  	v4 =	vld.idx.msk [tilespmem:v22+s10+$0x0], $0xffff  }
0x111: {  	v5 =	vld.idx.msk [tilespmem:v21+s10+$0x0], $0xffff;
	_ =	sdelay $0x3  }
0x112: {  	v6 =	vmul.f32 $1.280000000e+02, v4  }
0x113: {  	v7 =	vmul.f32 $1.280000000e+02, v5  }
0x114: {  	v6 =	vtrunc.f32 v6  }
0x115: {  	v7 =	vtrunc.f32 v7;
	v6 =	vcvt.f32.s32 v6  }
0x116: {  	v7 =	vcvt.f32.s32 v7  }
0x117: {  	v6 =	vshll.u32 v6, $0x7  }
0x118: {  	v6 =	vadd.s32 v7, v6  }
0x119: {  	vm8 =	vge.s32 v6, v1;
	vm9 =	vlt.s32 v6, v2  }
0x11a: {  	v6 =	vsub.s32 v6, v1;
	vm0 =	vmand vm8, vm9  }
0x11b: {  	v6 =	vnsel vm0, $0x0, v6  }
0x11c: {  	v7 =	vadd.s32 $0x200, v6  }
0x11d: {  	v9 =	vadd.s32 $0x400, v6  }
0x11e: {  	v10 =	vld.idx.msk [tilespmem:v23+s10+$0x0], $0xffff;
	v11 =	vadd.s32 $0x600, v6  }
0x11f: {  	v12 =	vld.idx.msk [tilespmem:v24+s10+$0x0], $0xffff;
	v13 =	vadd.s32 $0x800, v6  }
0x120: {  	[tilespmem:v6+s2+$0x0] =	vst.idx.msk vm0, v8  }
0x121: {  	[tilespmem:v7+s2+$0x0] =	vst.idx.msk vm0, v5  }
0x122: {  	[tilespmem:v9+s2+$0x0] =	vst.idx.msk vm0, v4  }
0x123: {  	[tilespmem:v11+s2+$0x0] =	vst.idx.msk vm0, v10  }
0x124: {  	[tilespmem:v13+s2+$0x0] =	vst.idx.msk vm0, v12  }
0x125: {  	v4 =	vld.idx.msk [tilespmem:v26+s10+$0x0], $0xffff  }
0x126: {  	v5 =	vld.idx.msk [tilespmem:v25+s10+$0x0], $0xffff;
	_ =	sdelay $0x3  }
0x127: {  	v6 =	vmul.f32 $1.280000000e+02, v4  }
0x128: {  	v7 =	vmul.f32 $1.280000000e+02, v5  }
0x129: {  	v6 =	vtrunc.f32 v6  }
0x12a: {  	v7 =	vtrunc.f32 v7;
	v6 =	vcvt.f32.s32 v6  }
0x12b: {  	v7 =	vcvt.f32.s32 v7  }
0x12c: {  	v6 =	vshll.u32 v6, $0x7  }
0x12d: {  	v6 =	vadd.s32 v7, v6  }
0x12e: {  	vm10 =	vge.s32 v6, v1;
	vm11 =	vlt.s32 v6, v2  }
0x12f: {  	v6 =	vsub.s32 v6, v1;
	vm0 =	vmand vm10, vm11  }
0x130: {  	v6 =	vnsel vm0, $0x0, v6  }
0x131: {  	v7 =	vadd.s32 $0x200, v6  }
0x132: {  	v9 =	vadd.s32 $0x400, v6  }
0x133: {  	v10 =	vld.idx.msk [tilespmem:v27+s10+$0x0], $0xffff;
	v11 =	vadd.s32 $0x600, v6  }
0x134: {  	v12 =	vld.idx.msk [tilespmem:v28+s10+$0x0], $0xffff;
	v13 =	vadd.s32 $0x800, v6  }
0x135: {  	[tilespmem:v6+s2+$0x0] =	vst.idx.msk vm0, v8  }
0x136: {  	[tilespmem:v7+s2+$0x0] =	vst.idx.msk vm0, v5  }
0x137: {  	[tilespmem:v9+s2+$0x0] =	vst.idx.msk vm0, v4  }
0x138: {  	[tilespmem:v11+s2+$0x0] =	vst.idx.msk vm0, v10  }
0x139: {  	[tilespmem:v13+s2+$0x0] =	vst.idx.msk vm0, v12  }
0x13a: {  	v4 =	vld.idx.msk [tilespmem:v30+s10+$0x0], $0xffff  }
0x13b: {  	v5 =	vld.idx.msk [tilespmem:v29+s10+$0x0], $0xffff;
	_ =	sdelay $0x3  }
0x13c: {  	v6 =	vmul.f32 $1.280000000e+02, v4  }
0x13d: {  	v7 =	vmul.f32 $1.280000000e+02, v5  }
0x13e: {  	v6 =	vtrunc.f32 v6  }
0x13f: {  	v7 =	vtrunc.f32 v7;
	v6 =	vcvt.f32.s32 v6  }
0x140: {  	v7 =	vcvt.f32.s32 v7  }
0x141: {  	v6 =	vshll.u32 v6, $0x7  }
0x142: {  	v6 =	vadd.s32 v7, v6  }
0x143: {  	vm12 =	vge.s32 v6, v1;
	vm13 =	vlt.s32 v6, v2  }
0x144: {  	v6 =	vsub.s32 v6, v1;
	vm0 =	vmand vm12, vm13  }
0x145: {  	v6 =	vnsel vm0, $0x0, v6  }
0x146: {  	v7 =	vadd.s32 $0x200, v6  }
0x147: {  	v9 =	vadd.s32 $0x400, v6  }
0x148: {  	v10 =	vld.idx.msk [tilespmem:v31+s10+$0x0], $0xffff;
	v11 =	vadd.s32 $0x600, v6  }
0x149: {  	v12 =	vld.idx.msk [tilespmem:v32+s10+$0x0], $0xffff;
	v13 =	vadd.s32 $0x800, v6  }
0x14a: {  	[tilespmem:v6+s2+$0x0] =	vst.idx.msk vm0, v8  }
0x14b: {  	[tilespmem:v7+s2+$0x0] =	vst.idx.msk vm0, v5  }
0x14c: {  	[tilespmem:v9+s2+$0x0] =	vst.idx.msk vm0, v4  }
0x14d: {  	[tilespmem:v11+s2+$0x0] =	vst.idx.msk vm0, v10  }
0x14e: {  	[tilespmem:v13+s2+$0x0] =	vst.idx.msk vm0, v12  }
0x14f: {  	v4 =	vld.idx.msk [tilespmem:v34+s10+$0x0], $0xffff  }
0x150: {  	v5 =	vld.idx.msk [tilespmem:v33+s10+$0x0], $0xffff;
	_ =	sdelay $0x3  }
0x151: {  	v6 =	vmul.f32 $1.280000000e+02, v4  }
0x152: {  	v7 =	vmul.f32 $1.280000000e+02, v5  }
0x153: {  	v6 =	vtrunc.f32 v6  }
0x154: {  	v7 =	vtrunc.f32 v7;
	v6 =	vcvt.f32.s32 v6  }
0x155: {  	v7 =	vcvt.f32.s32 v7  }
0x156: {  	v6 =	vshll.u32 v6, $0x7  }
0x157: {  	v6 =	vadd.s32 v7, v6  }
0x158: {  	vm14 =	vge.s32 v6, v1;
	vm15 =	vlt.s32 v6, v2  }
0x159: {  	v6 =	vsub.s32 v6, v1;
	vm0 =	vmand vm14, vm15  }
0x15a: {  	v6 =	vnsel vm0, $0x0, v6  }
0x15b: {  	v7 =	vadd.s32 $0x200, v6  }
0x15c: {  	v9 =	vadd.s32 $0x400, v6  }
0x15d: {  	v10 =	vld.idx.msk [tilespmem:v35+s10+$0x0], $0xffff;
	v11 =	vadd.s32 $0x600, v6  }
0x15e: {  	v12 =	vld.idx.msk [tilespmem:v36+s10+$0x0], $0xffff;
	v13 =	vadd.s32 $0x800, v6  }
0x15f: {  	[tilespmem:v6+s2+$0x0] =	vst.idx.msk vm0, v8  }
0x160: {  	[tilespmem:v7+s2+$0x0] =	vst.idx.msk vm0, v5  }
0x161: {  	[tilespmem:v9+s2+$0x0] =	vst.idx.msk vm0, v4  }
0x162: {  	[tilespmem:v11+s2+$0x0] =	vst.idx.msk vm0, v10  }
0x163: {  	[tilespmem:v13+s2+$0x0] =	vst.idx.msk vm0, v12  }
0x164: {  	v4 =	vld.idx.msk [tilespmem:v38+s10+$0x0], $0xffff  }
0x165: {  	v5 =	vld.idx.msk [tilespmem:v37+s10+$0x0], $0xffff;
	_ =	sdelay $0x3  }
0x166: {  	v6 =	vmul.f32 $1.280000000e+02, v4  }
0x167: {  	v7 =	vmul.f32 $1.280000000e+02, v5  }
0x168: {  	v6 =	vtrunc.f32 v6  }
0x169: {  	v7 =	vtrunc.f32 v7;
	v6 =	vcvt.f32.s32 v6  }
0x16a: {  	v7 =	vcvt.f32.s32 v7  }
0x16b: {  	v6 =	vshll.u32 v6, $0x7  }
0x16c: {  	v6 =	vadd.s32 v7, v6  }
0x16d: {  	vm4 =	vge.s32 v6, v1;
	vm5 =	vlt.s32 v6, v2  }
0x16e: {  	v6 =	vsub.s32 v6, v1;
	vm0 =	vmand vm4, vm5  }
0x16f: {  	v6 =	vnsel vm0, $0x0, v6  }
0x170: {  	v7 =	vadd.s32 $0x200, v6  }
0x171: {  	v9 =	vadd.s32 $0x400, v6  }
0x172: {  	v10 =	vld.idx.msk [tilespmem:v39+s10+$0x0], $0xffff;
	v11 =	vadd.s32 $0x600, v6  }
0x173: {  	v12 =	vld.idx.msk [tilespmem:v40+s10+$0x0], $0xffff;
	v13 =	vadd.s32 $0x800, v6  }
0x174: {  	[tilespmem:v6+s2+$0x0] =	vst.idx.msk vm0, v8  }
0x175: {  	[tilespmem:v7+s2+$0x0] =	vst.idx.msk vm0, v5  }
0x176: {  	[tilespmem:v9+s2+$0x0] =	vst.idx.msk vm0, v4  }
0x177: {  	[tilespmem:v11+s2+$0x0] =	vst.idx.msk vm0, v10  }
0x178: {  	[tilespmem:v13+s2+$0x0] =	vst.idx.msk vm0, v12  }
0x179: {  	v4 =	vld.idx.msk [tilespmem:v42+s10+$0x0], $0xffff  }
0x17a: {  	v5 =	vld.idx.msk [tilespmem:v41+s10+$0x0], $0xffff;
	_ =	sdelay $0x3  }
0x17b: {  	v6 =	vmul.f32 $1.280000000e+02, v4  }
0x17c: {  	v7 =	vmul.f32 $1.280000000e+02, v5  }
0x17d: {  	v6 =	vtrunc.f32 v6  }
0x17e: {  	v7 =	vtrunc.f32 v7;
	v6 =	vcvt.f32.s32 v6  }
0x17f: {  	v7 =	vcvt.f32.s32 v7  }
0x180: {  	v6 =	vshll.u32 v6, $0x7  }
0x181: {  	v6 =	vadd.s32 v7, v6  }
0x182: {  	vm6 =	vge.s32 v6, v1;
	vm7 =	vlt.s32 v6, v2  }
0x183: {  	v6 =	vsub.s32 v6, v1;
	vm0 =	vmand vm6, vm7  }
0x184: {  	v6 =	vnsel vm0, $0x0, v6  }
0x185: {  	v7 =	vadd.s32 $0x200, v6  }
0x186: {  	v9 =	vadd.s32 $0x400, v6  }
0x187: {  	v10 =	vld.idx.msk [tilespmem:v43+s10+$0x0], $0xffff;
	v11 =	vadd.s32 $0x600, v6  }
0x188: {  	v12 =	vld.idx.msk [tilespmem:v44+s10+$0x0], $0xffff;
	v13 =	vadd.s32 $0x800, v6  }
0x189: {  	[tilespmem:v6+s2+$0x0] =	vst.idx.msk vm0, v8  }
0x18a: {  	[tilespmem:v7+s2+$0x0] =	vst.idx.msk vm0, v5  }
0x18b: {  	[tilespmem:v9+s2+$0x0] =	vst.idx.msk vm0, v4  }
0x18c: {  	[tilespmem:v11+s2+$0x0] =	vst.idx.msk vm0, v10  }
0x18d: {  	[tilespmem:v13+s2+$0x0] =	vst.idx.msk vm0, v12  }
0x18e: {  	v4 =	vld.idx.msk [tilespmem:v46+s10+$0x0], $0xffff  }
0x18f: {  	v5 =	vld.idx.msk [tilespmem:v45+s10+$0x0], $0xffff;
	_ =	sdelay $0x3  }
0x190: {  	v6 =	vmul.f32 $1.280000000e+02, v4  }
0x191: {  	v7 =	vmul.f32 $1.280000000e+02, v5  }
0x192: {  	v6 =	vtrunc.f32 v6  }
0x193: {  	v7 =	vtrunc.f32 v7;
	v6 =	vcvt.f32.s32 v6  }
0x194: {  	v7 =	vcvt.f32.s32 v7  }
0x195: {  	v6 =	vshll.u32 v6, $0x7  }
0x196: {  	v6 =	vadd.s32 v7, v6  }
0x197: {  	vm8 =	vge.s32 v6, v1;
	vm9 =	vlt.s32 v6, v2  }
0x198: {  	v6 =	vsub.s32 v6, v1;
	vm0 =	vmand vm8, vm9  }
0x199: {  	v6 =	vnsel vm0, $0x0, v6  }
0x19a: {  	v7 =	vadd.s32 $0x200, v6  }
0x19b: {  	v9 =	vadd.s32 $0x400, v6  }
0x19c: {  	v10 =	vld.idx.msk [tilespmem:v47+s10+$0x0], $0xffff;
	v11 =	vadd.s32 $0x600, v6  }
0x19d: {  	v12 =	vld.idx.msk [tilespmem:v48+s10+$0x0], $0xffff;
	v13 =	vadd.s32 $0x800, v6  }
0x19e: {  	[tilespmem:v6+s2+$0x0] =	vst.idx.msk vm0, v8  }
0x19f: {  	[tilespmem:v7+s2+$0x0] =	vst.idx.msk vm0, v5  }
0x1a0: {  	[tilespmem:v9+s2+$0x0] =	vst.idx.msk vm0, v4  }
0x1a1: {  	[tilespmem:v11+s2+$0x0] =	vst.idx.msk vm0, v10  }
0x1a2: {  	[tilespmem:v13+s2+$0x0] =	vst.idx.msk vm0, v12  }
0x1a3: {  	v4 =	vld.idx.msk [tilespmem:v50+s10+$0x0], $0xffff  }
0x1a4: {  	v5 =	vld.idx.msk [tilespmem:v49+s10+$0x0], $0xffff;
	_ =	sdelay $0x3  }
0x1a5: {  	v6 =	vmul.f32 $1.280000000e+02, v4  }
0x1a6: {  	v7 =	vmul.f32 $1.280000000e+02, v5  }
0x1a7: {  	v6 =	vtrunc.f32 v6  }
0x1a8: {  	v7 =	vtrunc.f32 v7;
	v6 =	vcvt.f32.s32 v6  }
0x1a9: {  	v7 =	vcvt.f32.s32 v7  }
0x1aa: {  	v6 =	vshll.u32 v6, $0x7  }
0x1ab: {  	v6 =	vadd.s32 v7, v6  }
0x1ac: {  	vm10 =	vge.s32 v6, v1;
	vm11 =	vlt.s32 v6, v2  }
0x1ad: {  	v6 =	vsub.s32 v6, v1;
	vm0 =	vmand vm10, vm11  }
0x1ae: {  	v6 =	vnsel vm0, $0x0, v6  }
0x1af: {  	v7 =	vadd.s32 $0x200, v6  }
0x1b0: {  	v9 =	vadd.s32 $0x400, v6  }
0x1b1: {  	v10 =	vld.idx.msk [tilespmem:v51+s10+$0x0], $0xffff;
	v11 =	vadd.s32 $0x600, v6  }
0x1b2: {  	v12 =	vld.idx.msk [tilespmem:v52+s10+$0x0], $0xffff;
	v13 =	vadd.s32 $0x800, v6  }
0x1b3: {  	[tilespmem:v6+s2+$0x0] =	vst.idx.msk vm0, v8  }
0x1b4: {  	[tilespmem:v7+s2+$0x0] =	vst.idx.msk vm0, v5  }
0x1b5: {  	[tilespmem:v9+s2+$0x0] =	vst.idx.msk vm0, v4  }
0x1b6: {  	[tilespmem:v11+s2+$0x0] =	vst.idx.msk vm0, v10  }
0x1b7: {  	[tilespmem:v13+s2+$0x0] =	vst.idx.msk vm0, v12  }
0x1b8: {  	v4 =	vld.idx.msk [tilespmem:v54+s10+$0x0], $0xffff  }
0x1b9: {  	v5 =	vld.idx.msk [tilespmem:v53+s10+$0x0], $0xffff;
	_ =	sdelay $0x3  }
0x1ba: {  	v6 =	vmul.f32 $1.280000000e+02, v4  }
0x1bb: {  	v7 =	vmul.f32 $1.280000000e+02, v5  }
0x1bc: {  	v6 =	vtrunc.f32 v6  }
0x1bd: {  	v7 =	vtrunc.f32 v7;
	v6 =	vcvt.f32.s32 v6  }
0x1be: {  	v7 =	vcvt.f32.s32 v7  }
0x1bf: {  	v6 =	vshll.u32 v6, $0x7  }
0x1c0: {  	v6 =	vadd.s32 v7, v6  }
0x1c1: {  	vm12 =	vge.s32 v6, v1;
	vm13 =	vlt.s32 v6, v2  }
0x1c2: {  	v6 =	vsub.s32 v6, v1;
	vm0 =	vmand vm12, vm13  }
0x1c3: {  	v6 =	vnsel vm0, $0x0, v6  }
0x1c4: {  	v7 =	vadd.s32 $0x200, v6  }
0x1c5: {  	v9 =	vadd.s32 $0x400, v6  }
0x1c6: {  	v10 =	vld.idx.msk [tilespmem:v55+s10+$0x0], $0xffff;
	v11 =	vadd.s32 $0x600, v6  }
0x1c7: {  	v12 =	vld.idx.msk [tilespmem:v56+s10+$0x0], $0xffff;
	v13 =	vadd.s32 $0x800, v6  }
0x1c8: {  	[tilespmem:v6+s2+$0x0] =	vst.idx.msk vm0, v8  }
0x1c9: {  	[tilespmem:v7+s2+$0x0] =	vst.idx.msk vm0, v5  }
0x1ca: {  	[tilespmem:v9+s2+$0x0] =	vst.idx.msk vm0, v4  }
0x1cb: {  	[tilespmem:v11+s2+$0x0] =	vst.idx.msk vm0, v10  }
0x1cc: {  	[tilespmem:v13+s2+$0x0] =	vst.idx.msk vm0, v12  }
0x1cd: {  	v4 =	vld.idx.msk [tilespmem:v58+s10+$0x0], $0xffff  }
0x1ce: {  	v5 =	vld.idx.msk [tilespmem:v57+s10+$0x0], $0xffff;
	_ =	sdelay $0x3  }
0x1cf: {  	v6 =	vmul.f32 $1.280000000e+02, v4  }
0x1d0: {  	v7 =	vmul.f32 $1.280000000e+02, v5  }
0x1d1: {  	v6 =	vtrunc.f32 v6  }
0x1d2: {  	v7 =	vtrunc.f32 v7;
	v6 =	vcvt.f32.s32 v6  }
0x1d3: {  	v7 =	vcvt.f32.s32 v7  }
0x1d4: {  	v6 =	vshll.u32 v6, $0x7  }
0x1d5: {  	v6 =	vadd.s32 v7, v6  }
0x1d6: {  	vm14 =	vge.s32 v6, v1;
	vm15 =	vlt.s32 v6, v2  }
0x1d7: {  	v6 =	vsub.s32 v6, v1;
	vm0 =	vmand vm14, vm15  }
0x1d8: {  	v6 =	vnsel vm0, $0x0, v6  }
0x1d9: {  	v7 =	vadd.s32 $0x200, v6  }
0x1da: {  	v9 =	vadd.s32 $0x400, v6  }
0x1db: {  	v10 =	vld.idx.msk [tilespmem:v59+s10+$0x0], $0xffff;
	v11 =	vadd.s32 $0x600, v6  }
0x1dc: {  	v12 =	vld.idx.msk [tilespmem:v60+s10+$0x0], $0xffff;
	v13 =	vadd.s32 $0x800, v6  }
0x1dd: {  	[tilespmem:v6+s2+$0x0] =	vst.idx.msk vm0, v8  }
0x1de: {  	[tilespmem:v7+s2+$0x0] =	vst.idx.msk vm0, v5  }
0x1df: {  	[tilespmem:v9+s2+$0x0] =	vst.idx.msk vm0, v4  }
0x1e0: {  	[tilespmem:v11+s2+$0x0] =	vst.idx.msk vm0, v10  }
0x1e1: {  	[tilespmem:v13+s2+$0x0] =	vst.idx.msk vm0, v12  }
0x1e2: {  	v4 =	vld.idx.msk [tilespmem:v62+s10+$0x0], $0xffff  }
0x1e3: {  	v5 =	vld.idx.msk [tilespmem:v61+s10+$0x0], $0xffff;
	_ =	sdelay $0x3  }
0x1e4: {  	v6 =	vmul.f32 $1.280000000e+02, v4  }
0x1e5: {  	v7 =	vmul.f32 $1.280000000e+02, v5  }
0x1e6: {  	v6 =	vtrunc.f32 v6  }
0x1e7: {  	v7 =	vtrunc.f32 v7;
	v6 =	vcvt.f32.s32 v6  }
0x1e8: {  	v7 =	vcvt.f32.s32 v7  }
0x1e9: {  	v6 =	vshll.u32 v6, $0x7  }
0x1ea: {  	v6 =	vadd.s32 v7, v6  }
0x1eb: {  	vm4 =	vge.s32 v6, v1;
	vm5 =	vlt.s32 v6, v2  }
0x1ec: {  	v7 =	vadd.s32 $0x545, v0;
	v6 =	vsub.s32 v6, v1;
	vm0 =	vmand vm4, vm5  }
0x1ed: {  	v6 =	vnsel vm0, $0x0, v6  }
0x1ee: {  	v9 =	vadd.s32 $0x200, v6  }
0x1ef: {  	v10 =	vadd.s32 $0x400, v6  }
0x1f0: {  	v11 =	vld.idx.msk [tilespmem:v63+s10+$0x0], $0xffff;
	v12 =	vadd.s32 $0x600, v6  }
0x1f1: {  	v13 =	vadd.s32 $0x800, v6;
	v7 =	vld.idx.msk [tilespmem:v7+s10+$0x0], $0xffff  }
0x1f2: {  	[tilespmem:v6+s2+$0x0] =	vst.idx.msk vm0, v8;
	v6 =	vadd.s32 $0x5A3, v0  }
0x1f3: {  	[tilespmem:v9+s2+$0x0] =	vst.idx.msk vm0, v5;
	v5 =	vadd.s32 $0x5A2, v0  }
0x1f4: {  	[tilespmem:v10+s2+$0x0] =	vst.idx.msk vm0, v4  }
0x1f5: {  	[tilespmem:v12+s2+$0x0] =	vst.idx.msk vm0, v11  }
0x1f6: {  	[tilespmem:v13+s2+$0x0] =	vst.idx.msk vm0, v7  }
0x1f7: {  	v4 =	vld.idx.msk [tilespmem:v6+s10+$0x0], $0xffff  }
0x1f8: {  	v5 =	vld.idx.msk [tilespmem:v5+s10+$0x0], $0xffff;
	_ =	sdelay $0x3  }
0x1f9: {  	v6 =	vmul.f32 $1.280000000e+02, v4  }
0x1fa: {  	v7 =	vmul.f32 $1.280000000e+02, v5  }
0x1fb: {  	v6 =	vtrunc.f32 v6  }
0x1fc: {  	v6 =	vcvt.f32.s32 v6;
	v7 =	vtrunc.f32 v7  }
0x1fd: {  	v7 =	vcvt.f32.s32 v7  }
0x1fe: {  	v6 =	vshll.u32 v6, $0x7  }
0x1ff: {  	v6 =	vadd.s32 v7, v6  }
0x200: {  	v7 =	vadd.s32 $0x5A4, v0;
	vm6 =	vge.s32 v6, v1;
	vm7 =	vlt.s32 v6, v2  }
0x201: {  	v9 =	vadd.s32 $0x5A5, v0;
	v6 =	vsub.s32 v6, v1;
	vm0 =	vmand vm6, vm7  }
0x202: {  	v6 =	vnsel vm0, $0x0, v6  }
0x203: {  	v10 =	vadd.s32 $0x200, v6  }
0x204: {  	v11 =	vadd.s32 $0x400, v6  }
0x205: {  	v12 =	vadd.s32 $0x600, v6;
	v7 =	vld.idx.msk [tilespmem:v7+s10+$0x0], $0xffff  }
0x206: {  	v9 =	vld.idx.msk [tilespmem:v9+s10+$0x0], $0xffff;
	v13 =	vadd.s32 $0x800, v6  }
0x207: {  	[tilespmem:v6+s2+$0x0] =	vst.idx.msk vm0, v8;
	v6 =	vadd.s32 $0x603, v0  }
0x208: {  	[tilespmem:v10+s2+$0x0] =	vst.idx.msk vm0, v5;
	v5 =	vadd.s32 $0x602, v0  }
0x209: {  	[tilespmem:v11+s2+$0x0] =	vst.idx.msk vm0, v4  }
0x20a: {  	[tilespmem:v12+s2+$0x0] =	vst.idx.msk vm0, v7  }
0x20b: {  	[tilespmem:v13+s2+$0x0] =	vst.idx.msk vm0, v9  }
0x20c: {  	v4 =	vld.idx.msk [tilespmem:v6+s10+$0x0], $0xffff  }
0x20d: {  	v5 =	vld.idx.msk [tilespmem:v5+s10+$0x0], $0xffff;
	_ =	sdelay $0x3  }
0x20e: {  	v6 =	vmul.f32 $1.280000000e+02, v4  }
0x20f: {  	v7 =	vmul.f32 $1.280000000e+02, v5  }
0x210: {  	v6 =	vtrunc.f32 v6  }
0x211: {  	v6 =	vcvt.f32.s32 v6;
	v7 =	vtrunc.f32 v7  }
0x212: {  	v7 =	vcvt.f32.s32 v7  }
0x213: {  	v6 =	vshll.u32 v6, $0x7  }
0x214: {  	v6 =	vadd.s32 v7, v6  }
0x215: {  	v7 =	vadd.s32 $0x604, v0;
	vm8 =	vge.s32 v6, v1;
	vm9 =	vlt.s32 v6, v2  }
0x216: {  	v9 =	vadd.s32 $0x605, v0;
	v6 =	vsub.s32 v6, v1;
	vm0 =	vmand vm8, vm9  }
0x217: {  	v6 =	vnsel vm0, $0x0, v6  }
0x218: {  	v10 =	vadd.s32 $0x200, v6  }
0x219: {  	v11 =	vadd.s32 $0x400, v6  }
0x21a: {  	v12 =	vadd.s32 $0x600, v6;
	v7 =	vld.idx.msk [tilespmem:v7+s10+$0x0], $0xffff  }
0x21b: {  	v9 =	vld.idx.msk [tilespmem:v9+s10+$0x0], $0xffff;
	v13 =	vadd.s32 $0x800, v6  }
0x21c: {  	[tilespmem:v6+s2+$0x0] =	vst.idx.msk vm0, v8;
	v6 =	vadd.s32 $0x663, v0  }
0x21d: {  	[tilespmem:v10+s2+$0x0] =	vst.idx.msk vm0, v5;
	v5 =	vadd.s32 $0x662, v0  }
0x21e: {  	[tilespmem:v11+s2+$0x0] =	vst.idx.msk vm0, v4  }
0x21f: {  	[tilespmem:v12+s2+$0x0] =	vst.idx.msk vm0, v7  }
0x220: {  	[tilespmem:v13+s2+$0x0] =	vst.idx.msk vm0, v9  }
0x221: {  	v4 =	vld.idx.msk [tilespmem:v6+s10+$0x0], $0xffff  }
0x222: {  	v5 =	vld.idx.msk [tilespmem:v5+s10+$0x0], $0xffff;
	_ =	sdelay $0x3  }
0x223: {  	v6 =	vmul.f32 $1.280000000e+02, v4  }
0x224: {  	v7 =	vmul.f32 $1.280000000e+02, v5  }
0x225: {  	v6 =	vtrunc.f32 v6  }
0x226: {  	v6 =	vcvt.f32.s32 v6;
	v7 =	vtrunc.f32 v7  }
0x227: {  	v7 =	vcvt.f32.s32 v7  }
0x228: {  	v6 =	vshll.u32 v6, $0x7  }
0x229: {  	v6 =	vadd.s32 v7, v6  }
0x22a: {  	v7 =	vadd.s32 $0x664, v0;
	vm10 =	vge.s32 v6, v1;
	vm11 =	vlt.s32 v6, v2  }
0x22b: {  	v9 =	vadd.s32 $0x665, v0;
	v6 =	vsub.s32 v6, v1;
	vm0 =	vmand vm10, vm11  }
0x22c: {  	v6 =	vnsel vm0, $0x0, v6  }
0x22d: {  	v10 =	vadd.s32 $0x200, v6  }
0x22e: {  	v11 =	vadd.s32 $0x400, v6  }
0x22f: {  	v12 =	vadd.s32 $0x600, v6;
	v7 =	vld.idx.msk [tilespmem:v7+s10+$0x0], $0xffff  }
0x230: {  	v9 =	vld.idx.msk [tilespmem:v9+s10+$0x0], $0xffff;
	v13 =	vadd.s32 $0x800, v6  }
0x231: {  	[tilespmem:v6+s2+$0x0] =	vst.idx.msk vm0, v8;
	v6 =	vadd.s32 $0x6C3, v0  }
0x232: {  	[tilespmem:v10+s2+$0x0] =	vst.idx.msk vm0, v5;
	v5 =	vadd.s32 $0x6C2, v0  }
0x233: {  	[tilespmem:v11+s2+$0x0] =	vst.idx.msk vm0, v4  }
0x234: {  	[tilespmem:v12+s2+$0x0] =	vst.idx.msk vm0, v7  }
0x235: {  	[tilespmem:v13+s2+$0x0] =	vst.idx.msk vm0, v9  }
0x236: {  	v4 =	vld.idx.msk [tilespmem:v6+s10+$0x0], $0xffff  }
0x237: {  	v5 =	vld.idx.msk [tilespmem:v5+s10+$0x0], $0xffff;
	_ =	sdelay $0x3  }
0x238: {  	v6 =	vmul.f32 $1.280000000e+02, v4  }
0x239: {  	v7 =	vmul.f32 $1.280000000e+02, v5  }
0x23a: {  	v6 =	vtrunc.f32 v6  }
0x23b: {  	v6 =	vcvt.f32.s32 v6;
	v7 =	vtrunc.f32 v7  }
0x23c: {  	v7 =	vcvt.f32.s32 v7  }
0x23d: {  	v6 =	vshll.u32 v6, $0x7  }
0x23e: {  	v6 =	vadd.s32 v7, v6  }
0x23f: {  	v7 =	vadd.s32 $0x6C4, v0;
	vm12 =	vge.s32 v6, v1;
	vm13 =	vlt.s32 v6, v2  }
0x240: {  	v9 =	vadd.s32 $0x6C5, v0;
	v6 =	vsub.s32 v6, v1;
	vm0 =	vmand vm12, vm13  }
0x241: {  	v6 =	vnsel vm0, $0x0, v6  }
0x242: {  	v10 =	vadd.s32 $0x200, v6  }
0x243: {  	v11 =	vadd.s32 $0x400, v6  }
0x244: {  	v12 =	vadd.s32 $0x600, v6;
	v7 =	vld.idx.msk [tilespmem:v7+s10+$0x0], $0xffff  }
0x245: {  	v9 =	vld.idx.msk [tilespmem:v9+s10+$0x0], $0xffff;
	v13 =	vadd.s32 $0x800, v6  }
0x246: {  	[tilespmem:v6+s2+$0x0] =	vst.idx.msk vm0, v8;
	v6 =	vadd.s32 $0x723, v0  }
0x247: {  	[tilespmem:v10+s2+$0x0] =	vst.idx.msk vm0, v5;
	v5 =	vadd.s32 $0x722, v0  }
0x248: {  	[tilespmem:v11+s2+$0x0] =	vst.idx.msk vm0, v4  }
0x249: {  	[tilespmem:v12+s2+$0x0] =	vst.idx.msk vm0, v7  }
0x24a: {  	[tilespmem:v13+s2+$0x0] =	vst.idx.msk vm0, v9  }
0x24b: {  	v4 =	vld.idx.msk [tilespmem:v6+s10+$0x0], $0xffff  }
0x24c: {  	v5 =	vld.idx.msk [tilespmem:v5+s10+$0x0], $0xffff;
	_ =	sdelay $0x3  }
0x24d: {  	v6 =	vmul.f32 $1.280000000e+02, v4  }
0x24e: {  	v7 =	vmul.f32 $1.280000000e+02, v5  }
0x24f: {  	v6 =	vtrunc.f32 v6  }
0x250: {  	v6 =	vcvt.f32.s32 v6;
	v7 =	vtrunc.f32 v7  }
0x251: {  	v7 =	vcvt.f32.s32 v7  }
0x252: {  	v6 =	vshll.u32 v6, $0x7  }
0x253: {  	v6 =	vadd.s32 v7, v6  }
0x254: {  	v7 =	vadd.s32 $0x724, v0;
	vm14 =	vge.s32 v6, v1;
	vm15 =	vlt.s32 v6, v2  }
0x255: {  	v9 =	vadd.s32 $0x725, v0;
	v6 =	vsub.s32 v6, v1;
	vm0 =	vmand vm14, vm15  }
0x256: {  	v6 =	vnsel vm0, $0x0, v6  }
0x257: {  	v10 =	vadd.s32 $0x200, v6  }
0x258: {  	v11 =	vadd.s32 $0x400, v6  }
0x259: {  	v12 =	vadd.s32 $0x600, v6;
	v7 =	vld.idx.msk [tilespmem:v7+s10+$0x0], $0xffff  }
0x25a: {  	v9 =	vld.idx.msk [tilespmem:v9+s10+$0x0], $0xffff;
	v13 =	vadd.s32 $0x800, v6  }
0x25b: {  	[tilespmem:v6+s2+$0x0] =	vst.idx.msk vm0, v8;
	v6 =	vadd.s32 $0x783, v0  }
0x25c: {  	[tilespmem:v10+s2+$0x0] =	vst.idx.msk vm0, v5;
	v5 =	vadd.s32 $0x782, v0  }
0x25d: {  	[tilespmem:v11+s2+$0x0] =	vst.idx.msk vm0, v4  }
0x25e: {  	[tilespmem:v12+s2+$0x0] =	vst.idx.msk vm0, v7  }
0x25f: {  	[tilespmem:v13+s2+$0x0] =	vst.idx.msk vm0, v9  }
0x260: {  	v4 =	vld.idx.msk [tilespmem:v6+s10+$0x0], $0xffff  }
0x261: {  	v5 =	vld.idx.msk [tilespmem:v5+s10+$0x0], $0xffff;
	_ =	sdelay $0x3  }
0x262: {  	v6 =	vmul.f32 $1.280000000e+02, v4  }
0x263: {  	v7 =	vmul.f32 $1.280000000e+02, v5  }
0x264: {  	v6 =	vtrunc.f32 v6  }
0x265: {  	v6 =	vcvt.f32.s32 v6;
	v7 =	vtrunc.f32 v7  }
0x266: {  	v7 =	vcvt.f32.s32 v7  }
0x267: {  	v6 =	vshll.u32 v6, $0x7  }
0x268: {  	v6 =	vadd.s32 v7, v6  }
0x269: {  	v7 =	vadd.s32 $0x784, v0;
	vm4 =	vge.s32 v6, v1;
	vm5 =	vlt.s32 v6, v2  }
0x26a: {  	v9 =	vadd.s32 $0x785, v0;
	v6 =	vsub.s32 v6, v1;
	vm0 =	vmand vm4, vm5  }
0x26b: {  	v6 =	vnsel vm0, $0x0, v6  }
0x26c: {  	v10 =	vadd.s32 $0x200, v6  }
0x26d: {  	v11 =	vadd.s32 $0x400, v6  }
0x26e: {  	v12 =	vadd.s32 $0x600, v6;
	v7 =	vld.idx.msk [tilespmem:v7+s10+$0x0], $0xffff  }
0x26f: {  	v9 =	vld.idx.msk [tilespmem:v9+s10+$0x0], $0xffff;
	v13 =	vadd.s32 $0x800, v6  }
0x270: {  	[tilespmem:v6+s2+$0x0] =	vst.idx.msk vm0, v8;
	v6 =	vadd.s32 $0x7E3, v0  }
0x271: {  	[tilespmem:v10+s2+$0x0] =	vst.idx.msk vm0, v5;
	v5 =	vadd.s32 $0x7E2, v0  }
0x272: {  	[tilespmem:v11+s2+$0x0] =	vst.idx.msk vm0, v4  }
0x273: {  	[tilespmem:v12+s2+$0x0] =	vst.idx.msk vm0, v7  }
0x274: {  	[tilespmem:v13+s2+$0x0] =	vst.idx.msk vm0, v9  }
0x275: {  	v4 =	vld.idx.msk [tilespmem:v6+s10+$0x0], $0xffff  }
0x276: {  	v5 =	vld.idx.msk [tilespmem:v5+s10+$0x0], $0xffff;
	_ =	sdelay $0x3  }
0x277: {  	v6 =	vmul.f32 $1.280000000e+02, v4  }
0x278: {  	v7 =	vmul.f32 $1.280000000e+02, v5  }
0x279: {  	v6 =	vtrunc.f32 v6  }
0x27a: {  	v6 =	vcvt.f32.s32 v6;
	v7 =	vtrunc.f32 v7  }
0x27b: {  	v7 =	vcvt.f32.s32 v7  }
0x27c: {  	v6 =	vshll.u32 v6, $0x7  }
0x27d: {  	v6 =	vadd.s32 v7, v6  }
0x27e: {  	v7 =	vadd.s32 $0x7E4, v0;
	vm6 =	vge.s32 v6, v1;
	vm7 =	vlt.s32 v6, v2  }
0x27f: {  	v9 =	vadd.s32 $0x7E5, v0;
	v6 =	vsub.s32 v6, v1;
	vm0 =	vmand vm6, vm7  }
0x280: {  	v6 =	vnsel vm0, $0x0, v6  }
0x281: {  	v10 =	vadd.s32 $0x200, v6  }
0x282: {  	v11 =	vadd.s32 $0x400, v6  }
0x283: {  	v12 =	vadd.s32 $0x600, v6;
	v7 =	vld.idx.msk [tilespmem:v7+s10+$0x0], $0xffff  }
0x284: {  	v9 =	vld.idx.msk [tilespmem:v9+s10+$0x0], $0xffff;
	v13 =	vadd.s32 $0x800, v6  }
0x285: {  	[tilespmem:v6+s2+$0x0] =	vst.idx.msk vm0, v8;
	v6 =	vadd.s32 $0x843, v0  }
0x286: {  	[tilespmem:v10+s2+$0x0] =	vst.idx.msk vm0, v5;
	v5 =	vadd.s32 $0x842, v0  }
0x287: {  	[tilespmem:v11+s2+$0x0] =	vst.idx.msk vm0, v4  }
0x288: {  	[tilespmem:v12+s2+$0x0] =	vst.idx.msk vm0, v7  }
0x289: {  	[tilespmem:v13+s2+$0x0] =	vst.idx.msk vm0, v9  }
0x28a: {  	v4 =	vld.idx.msk [tilespmem:v6+s10+$0x0], $0xffff  }
0x28b: {  	v5 =	vld.idx.msk [tilespmem:v5+s10+$0x0], $0xffff;
	_ =	sdelay $0x3  }
0x28c: {  	v6 =	vmul.f32 $1.280000000e+02, v4  }
0x28d: {  	v7 =	vmul.f32 $1.280000000e+02, v5  }
0x28e: {  	v6 =	vtrunc.f32 v6  }
0x28f: {  	v6 =	vcvt.f32.s32 v6;
	v7 =	vtrunc.f32 v7  }
0x290: {  	v7 =	vcvt.f32.s32 v7  }
0x291: {  	v6 =	vshll.u32 v6, $0x7  }
0x292: {  	v6 =	vadd.s32 v7, v6  }
0x293: {  	v7 =	vadd.s32 $0x844, v0;
	vm8 =	vge.s32 v6, v1;
	vm9 =	vlt.s32 v6, v2  }
0x294: {  	v9 =	vadd.s32 $0x845, v0;
	v6 =	vsub.s32 v6, v1;
	vm0 =	vmand vm8, vm9  }
0x295: {  	v6 =	vnsel vm0, $0x0, v6  }
0x296: {  	v10 =	vadd.s32 $0x200, v6  }
0x297: {  	v11 =	vadd.s32 $0x400, v6  }
0x298: {  	v12 =	vadd.s32 $0x600, v6;
	v7 =	vld.idx.msk [tilespmem:v7+s10+$0x0], $0xffff  }
0x299: {  	v9 =	vld.idx.msk [tilespmem:v9+s10+$0x0], $0xffff;
	v13 =	vadd.s32 $0x800, v6  }
0x29a: {  	[tilespmem:v6+s2+$0x0] =	vst.idx.msk vm0, v8;
	v6 =	vadd.s32 $0x8A3, v0  }
0x29b: {  	[tilespmem:v10+s2+$0x0] =	vst.idx.msk vm0, v5;
	v5 =	vadd.s32 $0x8A2, v0  }
0x29c: {  	[tilespmem:v11+s2+$0x0] =	vst.idx.msk vm0, v4  }
0x29d: {  	[tilespmem:v12+s2+$0x0] =	vst.idx.msk vm0, v7  }
0x29e: {  	[tilespmem:v13+s2+$0x0] =	vst.idx.msk vm0, v9  }
0x29f: {  	v4 =	vld.idx.msk [tilespmem:v6+s10+$0x0], $0xffff  }
0x2a0: {  	v5 =	vld.idx.msk [tilespmem:v5+s10+$0x0], $0xffff;
	_ =	sdelay $0x3  }
0x2a1: {  	v6 =	vmul.f32 $1.280000000e+02, v4  }
0x2a2: {  	v7 =	vmul.f32 $1.280000000e+02, v5  }
0x2a3: {  	v6 =	vtrunc.f32 v6  }
0x2a4: {  	v6 =	vcvt.f32.s32 v6;
	v7 =	vtrunc.f32 v7  }
0x2a5: {  	v7 =	vcvt.f32.s32 v7  }
0x2a6: {  	v6 =	vshll.u32 v6, $0x7  }
0x2a7: {  	v6 =	vadd.s32 v7, v6  }
0x2a8: {  	v7 =	vadd.s32 $0x8A4, v0;
	vm10 =	vge.s32 v6, v1;
	vm11 =	vlt.s32 v6, v2  }
0x2a9: {  	v9 =	vadd.s32 $0x8A5, v0;
	v6 =	vsub.s32 v6, v1;
	vm0 =	vmand vm10, vm11  }
0x2aa: {  	v6 =	vnsel vm0, $0x0, v6  }
0x2ab: {  	v10 =	vadd.s32 $0x200, v6  }
0x2ac: {  	v11 =	vadd.s32 $0x400, v6  }
0x2ad: {  	v12 =	vadd.s32 $0x600, v6;
	v7 =	vld.idx.msk [tilespmem:v7+s10+$0x0], $0xffff  }
0x2ae: {  	v9 =	vld.idx.msk [tilespmem:v9+s10+$0x0], $0xffff;
	v13 =	vadd.s32 $0x800, v6  }
0x2af: {  	[tilespmem:v6+s2+$0x0] =	vst.idx.msk vm0, v8;
	v6 =	vadd.s32 $0x903, v0  }
0x2b0: {  	[tilespmem:v10+s2+$0x0] =	vst.idx.msk vm0, v5;
	v5 =	vadd.s32 $0x902, v0  }
0x2b1: {  	[tilespmem:v11+s2+$0x0] =	vst.idx.msk vm0, v4  }
0x2b2: {  	[tilespmem:v12+s2+$0x0] =	vst.idx.msk vm0, v7  }
0x2b3: {  	[tilespmem:v13+s2+$0x0] =	vst.idx.msk vm0, v9  }
0x2b4: {  	v4 =	vld.idx.msk [tilespmem:v6+s10+$0x0], $0xffff  }
0x2b5: {  	v5 =	vld.idx.msk [tilespmem:v5+s10+$0x0], $0xffff;
	_ =	sdelay $0x3  }
0x2b6: {  	v6 =	vmul.f32 $1.280000000e+02, v4  }
0x2b7: {  	v7 =	vmul.f32 $1.280000000e+02, v5  }
0x2b8: {  	v6 =	vtrunc.f32 v6  }
0x2b9: {  	v6 =	vcvt.f32.s32 v6;
	v7 =	vtrunc.f32 v7  }
0x2ba: {  	v7 =	vcvt.f32.s32 v7  }
0x2bb: {  	v6 =	vshll.u32 v6, $0x7  }
0x2bc: {  	v6 =	vadd.s32 v7, v6  }
0x2bd: {  	v7 =	vadd.s32 $0x904, v0;
	vm12 =	vge.s32 v6, v1;
	vm13 =	vlt.s32 v6, v2  }
0x2be: {  	v9 =	vadd.s32 $0x905, v0;
	v6 =	vsub.s32 v6, v1;
	vm0 =	vmand vm12, vm13  }
0x2bf: {  	v6 =	vnsel vm0, $0x0, v6  }
0x2c0: {  	v10 =	vadd.s32 $0x200, v6  }
0x2c1: {  	v11 =	vadd.s32 $0x400, v6  }
0x2c2: {  	v12 =	vadd.s32 $0x600, v6;
	v7 =	vld.idx.msk [tilespmem:v7+s10+$0x0], $0xffff  }
0x2c3: {  	v9 =	vld.idx.msk [tilespmem:v9+s10+$0x0], $0xffff;
	v13 =	vadd.s32 $0x800, v6  }
0x2c4: {  	[tilespmem:v6+s2+$0x0] =	vst.idx.msk vm0, v8;
	v6 =	vadd.s32 $0x963, v0  }
0x2c5: {  	[tilespmem:v10+s2+$0x0] =	vst.idx.msk vm0, v5;
	v5 =	vadd.s32 $0x962, v0  }
0x2c6: {  	[tilespmem:v11+s2+$0x0] =	vst.idx.msk vm0, v4  }
0x2c7: {  	[tilespmem:v12+s2+$0x0] =	vst.idx.msk vm0, v7  }
0x2c8: {  	[tilespmem:v13+s2+$0x0] =	vst.idx.msk vm0, v9  }
0x2c9: {  	v4 =	vld.idx.msk [tilespmem:v6+s10+$0x0], $0xffff  }
0x2ca: {  	v5 =	vld.idx.msk [tilespmem:v5+s10+$0x0], $0xffff;
	_ =	sdelay $0x3  }
0x2cb: {  	v6 =	vmul.f32 $1.280000000e+02, v4  }
0x2cc: {  	v7 =	vmul.f32 $1.280000000e+02, v5  }
0x2cd: {  	v6 =	vtrunc.f32 v6  }
0x2ce: {  	v6 =	vcvt.f32.s32 v6;
	v7 =	vtrunc.f32 v7  }
0x2cf: {  	v7 =	vcvt.f32.s32 v7  }
0x2d0: {  	v6 =	vshll.u32 v6, $0x7  }
0x2d1: {  	v6 =	vadd.s32 v7, v6  }
0x2d2: {  	v7 =	vadd.s32 $0x964, v0;
	vm14 =	vge.s32 v6, v1;
	vm15 =	vlt.s32 v6, v2  }
0x2d3: {  	v9 =	vadd.s32 $0x965, v0;
	v6 =	vsub.s32 v6, v1;
	vm0 =	vmand vm14, vm15  }
0x2d4: {  	v6 =	vnsel vm0, $0x0, v6  }
0x2d5: {  	v10 =	vadd.s32 $0x200, v6  }
0x2d6: {  	v11 =	vadd.s32 $0x400, v6  }
0x2d7: {  	v12 =	vadd.s32 $0x600, v6;
	v7 =	vld.idx.msk [tilespmem:v7+s10+$0x0], $0xffff  }
0x2d8: {  	v9 =	vld.idx.msk [tilespmem:v9+s10+$0x0], $0xffff;
	v13 =	vadd.s32 $0x800, v6  }
0x2d9: {  	[tilespmem:v6+s2+$0x0] =	vst.idx.msk vm0, v8;
	v6 =	vadd.s32 $0x9C3, v0  }
0x2da: {  	[tilespmem:v10+s2+$0x0] =	vst.idx.msk vm0, v5;
	v5 =	vadd.s32 $0x9C2, v0  }
0x2db: {  	[tilespmem:v11+s2+$0x0] =	vst.idx.msk vm0, v4  }
0x2dc: {  	[tilespmem:v12+s2+$0x0] =	vst.idx.msk vm0, v7  }
0x2dd: {  	[tilespmem:v13+s2+$0x0] =	vst.idx.msk vm0, v9  }
0x2de: {  	v4 =	vld.idx.msk [tilespmem:v6+s10+$0x0], $0xffff  }
0x2df: {  	v5 =	vld.idx.msk [tilespmem:v5+s10+$0x0], $0xffff;
	_ =	sdelay $0x3  }
0x2e0: {  	v6 =	vmul.f32 $1.280000000e+02, v4  }
0x2e1: {  	v7 =	vmul.f32 $1.280000000e+02, v5  }
0x2e2: {  	v6 =	vtrunc.f32 v6  }
0x2e3: {  	v6 =	vcvt.f32.s32 v6;
	v7 =	vtrunc.f32 v7  }
0x2e4: {  	v7 =	vcvt.f32.s32 v7  }
0x2e5: {  	v6 =	vshll.u32 v6, $0x7  }
0x2e6: {  	v6 =	vadd.s32 v7, v6  }
0x2e7: {  	v7 =	vadd.s32 $0x9C4, v0;
	vm4 =	vge.s32 v6, v1;
	vm5 =	vlt.s32 v6, v2  }
0x2e8: {  	v9 =	vadd.s32 $0x9C5, v0;
	v6 =	vsub.s32 v6, v1;
	vm0 =	vmand vm4, vm5  }
0x2e9: {  	v6 =	vnsel vm0, $0x0, v6  }
0x2ea: {  	v10 =	vadd.s32 $0x200, v6  }
0x2eb: {  	v11 =	vadd.s32 $0x400, v6  }
0x2ec: {  	v12 =	vadd.s32 $0x600, v6;
	v7 =	vld.idx.msk [tilespmem:v7+s10+$0x0], $0xffff  }
0x2ed: {  	v9 =	vld.idx.msk [tilespmem:v9+s10+$0x0], $0xffff;
	v13 =	vadd.s32 $0x800, v6  }
0x2ee: {  	[tilespmem:v6+s2+$0x0] =	vst.idx.msk vm0, v8;
	v6 =	vadd.s32 $0xA23, v0  }
0x2ef: {  	[tilespmem:v10+s2+$0x0] =	vst.idx.msk vm0, v5;
	v5 =	vadd.s32 $0xA22, v0  }
0x2f0: {  	[tilespmem:v11+s2+$0x0] =	vst.idx.msk vm0, v4  }
0x2f1: {  	[tilespmem:v12+s2+$0x0] =	vst.idx.msk vm0, v7  }
0x2f2: {  	[tilespmem:v13+s2+$0x0] =	vst.idx.msk vm0, v9  }
0x2f3: {  	v4 =	vld.idx.msk [tilespmem:v6+s10+$0x0], $0xffff  }
0x2f4: {  	v5 =	vld.idx.msk [tilespmem:v5+s10+$0x0], $0xffff;
	_ =	sdelay $0x3  }
0x2f5: {  	v6 =	vmul.f32 $1.280000000e+02, v4  }
0x2f6: {  	v7 =	vmul.f32 $1.280000000e+02, v5  }
0x2f7: {  	v6 =	vtrunc.f32 v6  }
0x2f8: {  	v6 =	vcvt.f32.s32 v6;
	v7 =	vtrunc.f32 v7  }
0x2f9: {  	v7 =	vcvt.f32.s32 v7  }
0x2fa: {  	v6 =	vshll.u32 v6, $0x7  }
0x2fb: {  	v6 =	vadd.s32 v7, v6  }
0x2fc: {  	v7 =	vadd.s32 $0xA24, v0;
	vm6 =	vge.s32 v6, v1;
	vm7 =	vlt.s32 v6, v2  }
0x2fd: {  	v9 =	vadd.s32 $0xA25, v0;
	v6 =	vsub.s32 v6, v1;
	vm0 =	vmand vm6, vm7  }
0x2fe: {  	v6 =	vnsel vm0, $0x0, v6  }
0x2ff: {  	v10 =	vadd.s32 $0x200, v6  }
0x300: {  	v11 =	vadd.s32 $0x400, v6  }
0x301: {  	v12 =	vadd.s32 $0x600, v6;
	v7 =	vld.idx.msk [tilespmem:v7+s10+$0x0], $0xffff  }
0x302: {  	v9 =	vld.idx.msk [tilespmem:v9+s10+$0x0], $0xffff;
	v13 =	vadd.s32 $0x800, v6  }
0x303: {  	[tilespmem:v6+s2+$0x0] =	vst.idx.msk vm0, v8;
	v6 =	vadd.s32 $0xA83, v0  }
0x304: {  	[tilespmem:v10+s2+$0x0] =	vst.idx.msk vm0, v5;
	v5 =	vadd.s32 $0xA82, v0  }
0x305: {  	[tilespmem:v11+s2+$0x0] =	vst.idx.msk vm0, v4  }
0x306: {  	[tilespmem:v12+s2+$0x0] =	vst.idx.msk vm0, v7  }
0x307: {  	[tilespmem:v13+s2+$0x0] =	vst.idx.msk vm0, v9  }
0x308: {  	v4 =	vld.idx.msk [tilespmem:v6+s10+$0x0], $0xffff  }
0x309: {  	v5 =	vld.idx.msk [tilespmem:v5+s10+$0x0], $0xffff;
	_ =	sdelay $0x3  }
0x30a: {  	v6 =	vmul.f32 $1.280000000e+02, v4  }
0x30b: {  	v7 =	vmul.f32 $1.280000000e+02, v5  }
0x30c: {  	v6 =	vtrunc.f32 v6  }
0x30d: {  	v6 =	vcvt.f32.s32 v6;
	v7 =	vtrunc.f32 v7  }
0x30e: {  	v7 =	vcvt.f32.s32 v7  }
0x30f: {  	v6 =	vshll.u32 v6, $0x7  }
0x310: {  	v6 =	vadd.s32 v7, v6  }
0x311: {  	v7 =	vadd.s32 $0xA84, v0;
	vm8 =	vge.s32 v6, v1;
	vm9 =	vlt.s32 v6, v2  }
0x312: {  	v9 =	vadd.s32 $0xA85, v0;
	v6 =	vsub.s32 v6, v1;
	vm0 =	vmand vm8, vm9  }
0x313: {  	v6 =	vnsel vm0, $0x0, v6  }
0x314: {  	v10 =	vadd.s32 $0x200, v6  }
0x315: {  	v11 =	vadd.s32 $0x400, v6  }
0x316: {  	v12 =	vadd.s32 $0x600, v6;
	v7 =	vld.idx.msk [tilespmem:v7+s10+$0x0], $0xffff  }
0x317: {  	v9 =	vld.idx.msk [tilespmem:v9+s10+$0x0], $0xffff;
	v13 =	vadd.s32 $0x800, v6  }
0x318: {  	[tilespmem:v6+s2+$0x0] =	vst.idx.msk vm0, v8;
	v6 =	vadd.s32 $0xAE3, v0  }
0x319: {  	[tilespmem:v10+s2+$0x0] =	vst.idx.msk vm0, v5;
	v5 =	vadd.s32 $0xAE2, v0  }
0x31a: {  	[tilespmem:v11+s2+$0x0] =	vst.idx.msk vm0, v4  }
0x31b: {  	[tilespmem:v12+s2+$0x0] =	vst.idx.msk vm0, v7  }
0x31c: {  	[tilespmem:v13+s2+$0x0] =	vst.idx.msk vm0, v9  }
0x31d: {  	v4 =	vld.idx.msk [tilespmem:v6+s10+$0x0], $0xffff  }
0x31e: {  	v5 =	vld.idx.msk [tilespmem:v5+s10+$0x0], $0xffff;
	_ =	sdelay $0x3  }
0x31f: {  	v6 =	vmul.f32 $1.280000000e+02, v4  }
0x320: {  	v7 =	vmul.f32 $1.280000000e+02, v5  }
0x321: {  	v6 =	vtrunc.f32 v6  }
0x322: {  	v6 =	vcvt.f32.s32 v6;
	v7 =	vtrunc.f32 v7  }
0x323: {  	v7 =	vcvt.f32.s32 v7  }
0x324: {  	v6 =	vshll.u32 v6, $0x7  }
0x325: {  	v6 =	vadd.s32 v7, v6  }
0x326: {  	v7 =	vadd.s32 $0xAE4, v0;
	vm10 =	vge.s32 v6, v1;
	vm11 =	vlt.s32 v6, v2  }
0x327: {  	v9 =	vadd.s32 $0xAE5, v0;
	v6 =	vsub.s32 v6, v1;
	vm0 =	vmand vm10, vm11  }
0x328: {  	v6 =	vnsel vm0, $0x0, v6  }
0x329: {  	v10 =	vadd.s32 $0x200, v6  }
0x32a: {  	v11 =	vadd.s32 $0x400, v6  }
0x32b: {  	v12 =	vadd.s32 $0x600, v6;
	v7 =	vld.idx.msk [tilespmem:v7+s10+$0x0], $0xffff  }
0x32c: {  	v9 =	vld.idx.msk [tilespmem:v9+s10+$0x0], $0xffff;
	v13 =	vadd.s32 $0x800, v6  }
0x32d: {  	[tilespmem:v6+s2+$0x0] =	vst.idx.msk vm0, v8;
	v6 =	vadd.s32 $0xB43, v0  }
0x32e: {  	[tilespmem:v10+s2+$0x0] =	vst.idx.msk vm0, v5;
	v5 =	vadd.s32 $0xB42, v0  }
0x32f: {  	[tilespmem:v11+s2+$0x0] =	vst.idx.msk vm0, v4  }
0x330: {  	[tilespmem:v12+s2+$0x0] =	vst.idx.msk vm0, v7  }
0x331: {  	[tilespmem:v13+s2+$0x0] =	vst.idx.msk vm0, v9  }
0x332: {  	v4 =	vld.idx.msk [tilespmem:v6+s10+$0x0], $0xffff  }
0x333: {  	v5 =	vld.idx.msk [tilespmem:v5+s10+$0x0], $0xffff;
	_ =	sdelay $0x3  }
0x334: {  	v6 =	vmul.f32 $1.280000000e+02, v4  }
0x335: {  	v7 =	vmul.f32 $1.280000000e+02, v5  }
0x336: {  	v6 =	vtrunc.f32 v6  }
0x337: {  	v6 =	vcvt.f32.s32 v6;
	v7 =	vtrunc.f32 v7  }
0x338: {  	v7 =	vcvt.f32.s32 v7  }
0x339: {  	v6 =	vshll.u32 v6, $0x7  }
0x33a: {  	v6 =	vadd.s32 v7, v6  }
0x33b: {  	v7 =	vadd.s32 $0xB44, v0;
	vm12 =	vge.s32 v6, v1;
	vm13 =	vlt.s32 v6, v2  }
0x33c: {  	v9 =	vadd.s32 $0xB45, v0;
	v6 =	vsub.s32 v6, v1;
	vm0 =	vmand vm12, vm13  }
0x33d: {  	v6 =	vnsel vm0, $0x0, v6  }
0x33e: {  	v10 =	vadd.s32 $0x200, v6  }
0x33f: {  	v11 =	vadd.s32 $0x400, v6  }
0x340: {  	v12 =	vadd.s32 $0x600, v6;
	v7 =	vld.idx.msk [tilespmem:v7+s10+$0x0], $0xffff  }
0x341: {  	v9 =	vld.idx.msk [tilespmem:v9+s10+$0x0], $0xffff;
	v13 =	vadd.s32 $0x800, v6  }
0x342: {  	[tilespmem:v6+s2+$0x0] =	vst.idx.msk vm0, v8;
	v6 =	vadd.s32 $0xBA3, v0  }
0x343: {  	[tilespmem:v10+s2+$0x0] =	vst.idx.msk vm0, v5;
	v5 =	vadd.s32 $0xBA2, v0  }
0x344: {  	[tilespmem:v11+s2+$0x0] =	vst.idx.msk vm0, v4  }
0x345: {  	[tilespmem:v12+s2+$0x0] =	vst.idx.msk vm0, v7  }
0x346: {  	[tilespmem:v13+s2+$0x0] =	vst.idx.msk vm0, v9  }
0x347: {  	v4 =	vld.idx.msk [tilespmem:v6+s10+$0x0], $0xffff  }
0x348: {  	v5 =	vld.idx.msk [tilespmem:v5+s10+$0x0], $0xffff;
	_ =	sdelay $0x3  }
0x349: {  	v6 =	vmul.f32 $1.280000000e+02, v4  }
0x34a: {  	v7 =	vmul.f32 $1.280000000e+02, v5  }
0x34b: {  	v6 =	vtrunc.f32 v6  }
0x34c: {  	v6 =	vcvt.f32.s32 v6;
	v7 =	vtrunc.f32 v7  }
0x34d: {  	v7 =	vcvt.f32.s32 v7  }
0x34e: {  	v6 =	vshll.u32 v6, $0x7  }
0x34f: {  	v6 =	vadd.s32 v7, v6  }
0x350: {  	v7 =	vadd.s32 $0xBA4, v0;
	vm14 =	vge.s32 v6, v1;
	vm15 =	vlt.s32 v6, v2  }
0x351: {  	v9 =	vadd.s32 $0xBA5, v0;
	v6 =	vsub.s32 v6, v1;
	vm0 =	vmand vm14, vm15  }
0x352: {  	v6 =	vnsel vm0, $0x0, v6  }
0x353: {  	v10 =	vadd.s32 $0x200, v6  }
0x354: {  	v11 =	vadd.s32 $0x400, v6  }
0x355: {  	v12 =	vadd.s32 $0x600, v6;
	v7 =	vld.idx.msk [tilespmem:v7+s10+$0x0], $0xffff  }
0x356: {  	v9 =	vld.idx.msk [tilespmem:v9+s10+$0x0], $0xffff;
	v13 =	vadd.s32 $0x800, v6  }
0x357: {  	[tilespmem:v6+s2+$0x0] =	vst.idx.msk vm0, v8  }
0x358: {  	[tilespmem:v10+s2+$0x0] =	vst.idx.msk vm0, v5  }
0x359: {  	[tilespmem:v11+s2+$0x0] =	vst.idx.msk vm0, v4  }
0x35a: {  	[tilespmem:v12+s2+$0x0] =	vst.idx.msk vm0, v7  }
0x35b: {  	[tilespmem:v13+s2+$0x0] =	vst.idx.msk vm0, v9  }
0x35c: {  	[hbm4b:s4+s2] =	stream.linear.scatter [tilespmem:s2], [sflag:$0x1], $0x200, $0x38;
	[tilespmem:$0x1600] =	vst v63  }
0x35d: {  	_ =	swait.ge [sflag:s11], $0x200  }
0x35e: {  	[sflag:s11] =	ssyncset.done $0x0  }
0x35f: {  	[sflag:s11] =	ssyncadd.s32 $0xFFFFFE00  }
0x360: {  	[hbm4b:s5+s2] =	stream.linear.scatter [tilespmem:s12], [sflag:$0x1], $0x200, $0x38;
	[tilespmem:$0x1600] =	vst v63  }
0x361: {  	_ =	swait.ge [sflag:s11], $0x200  }
0x362: {  	[sflag:s11] =	ssyncset.done $0x0  }
0x363: {  	[sflag:s11] =	ssyncadd.s32 $0xFFFFFE00  }
0x364: {  	[hbm4b:s6+s2] =	stream.linear.scatter [tilespmem:s13], [sflag:$0x1], $0x200, $0x38;
	[tilespmem:$0x1600] =	vst v63  }
0x365: {  	_ =	swait.ge [sflag:s11], $0x200  }
0x366: {  	[sflag:s11] =	ssyncset.done $0x0  }
0x367: {  	[sflag:s11] =	ssyncadd.s32 $0xFFFFFE00  }
0x368: {  	[hbm4b:s7+s2] =	stream.linear.scatter [tilespmem:s14], [sflag:$0x1], $0x200, $0x38;
	[tilespmem:$0x1600] =	vst v63  }
0x369: {  	_ =	swait.ge [sflag:s11], $0x200  }
0x36a: {  	p0 =	sne.s32 s9, $0x1;
	[sflag:s11] =	ssyncset.done $0x0  }
.Ltmp0:
0x36b: {  	[sflag:s11] =	ssyncadd.s32 $0xFFFFFE00;
	(pc) =	sbr.rel @p0 .LBB2_1-.Ltmp0, $4  }
0x36c: {  	[hbm4b:s8+s2] =	stream.linear.scatter [tilespmem:s15], [sflag:$0x1], $0x200, $0x38;
	[tilespmem:$0x1600] =	vst v63  }
0x36d: {  	_ =	swait.ge [sflag:s11], $0x200  }
0x36e: {  	[sflag:s11] =	ssyncset.done $0x0  }
0x36f: {  	s9 =	sadd.s32 $0xFFFFFFFF, s9;
	[sflag:s11] =	ssyncadd.s32 $0xFFFFFE00  }
0x370: {  	_ =	sfence.sel $0x180000  }
0x371: {  	[bflag:$0x0] =	sbarrier.arrive $0xFFFF  }
0x372: {  	p0 =	sne.s32 s0, $0x0;
	_ =	strace $0x90000047  }
0x373: {  	s0 =	sadd.s32 @!p0 $0x100000, s1;
	[bflag:$0x2] =	sbarrier.arrive $0xFFFF  }
0x374: {  	[sflag:s0] =	ssyncadd.tile.s32 @!p0 $0x1;
	_ =	shalt  }
.Lfunc_end2:
_tile_overlayer_lowered:
.L_overlay_start_2:
0x375: {  	(tag) =	ssettag $0x2  }
0x376: {  	s0 =	rddreg [dreg:$0x0];
	s2 =	stileid.u32  }
0x377: {  	s1 =	rddreg [dreg:$0x1];
	p0 =	sne.s32 s2, $0x0  }
0x378: {  	s3 =	rddreg [dreg:$0x2];
	[bflag:$0x3] =	sbarrier.arrive $0xFFFF;
	s2 =	simm.s32 @!p0 $0x1C01  }
0x379: {  	[timem:s3], [sflag:s2] =	dma.local @!p0 [hbm:s0], s1  }
0x37a: {  	s0 =	simm.s32 @!p0 $0x1  }
0x37b: {  	_ =	swait.ge @!p0 [sflag:s0], s1  }
0x37c: {  	s1 =	ssub.s32 @!p0 $0x0, s1;
	[sflag:s0] =	ssyncset.done @!p0 $0x0  }
0x37d: {  	[sflag:s0] =	ssyncadd.s32 @!p0 s1  }
0x37e: {  	[bflag:$0x3] =	sbarrier.arrive $0xFFFF  }
0x37f: {  	_ =	shalt  }

</sc_bundles>
